<compile_context>
chip_gen: v7x
topology: tpu7x:2x2x1
jax: 0.10.2.dev20260603
libtpu: 0.0.44.dev20260713+nightly
codegen_flags: <defaults>
</compile_context>

<pallas_src>
import functools

import jax
import jax.numpy as jnp
from jax import lax
from jax.experimental import pallas as pl
from jax.experimental.pallas import tpu as pltpu
from jax.experimental.pallas import tpu_sc as plsc

_T = 0.1
_T_INV = 10.0
_EPS = 1e-8
_H = 64
_W = 64
_P = _H * _W
_C = 256
_OFFS = [(dh, dw) for dh in range(-2, 3) for dw in range(-2, 3)]

_NC = 2
_NS = 16
_NW = _NC * _NS
_KROWS = 8
_SW = 5 * _W
_FB = 8
_FTLEN = _FB + _C * _SW + 8
_NCH = (_SW + 16) // 16

_LN_COEF = (-2.099074917831667, 4.204532967260098, -3.6488345595695315,
            2.2311505360242627, -0.8555376323113955, 0.18497517510136072,
            -0.01720806112107329)
_LN2 = 0.6931471805599453



def _sc_sqrt(x):
    i = lax.bitcast_convert_type(x, jnp.int32)
    y = lax.bitcast_convert_type(
        jnp.int32(0x5F3759DF) - jnp.right_shift(i, 1), jnp.float32)
    for _ in range(3):
        y = y * (1.5 - 0.5 * x * y * y)
    return x * y


def _sc_ln(x):
    bits = lax.bitcast_convert_type(x, jnp.int32)
    e = jnp.right_shift(bits, 23) - 127
    m = lax.bitcast_convert_type(
        jnp.bitwise_or(jnp.bitwise_and(bits, jnp.int32(0x007FFFFF)),
                       jnp.int32(0x3F800000)), jnp.float32)
    p = jnp.float32(_LN_COEF[6])
    for c in _LN_COEF[5::-1]:
        p = p * m + jnp.float32(c)
    return p + _LN2 * e.astype(jnp.float32)


def _sc_loss_body(fs_hbm, labs_hbm, lgs_hbm, gts_hbm, out_hbm,
                  ftf, lab6, lg6, gt6, c0a, c1a, l0a, l1a, narr,
                  wmt, pacc, dka, nls, outv):
    wid = lax.axis_index("s") * _NC + lax.axis_index("c")
    z16 = jnp.zeros((16,), jnp.float32)
    one16 = jnp.ones((16,), jnp.float32)

    pltpu.sync_copy(fs_hbm.at[pl.ds(wid * _FTLEN, _FTLEN)], ftf)
    pltpu.sync_copy(labs_hbm.at[pl.ds(wid * 336, 336)], lab6)
    pltpu.sync_copy(lgs_hbm.at[pl.ds(wid * 672, 672)], lg6)
    pltpu.sync_copy(gts_hbm.at[pl.ds(wid * 16, 16)], gt6)

    for j in range(_NCH):
        labv = lab6[pl.ds(j * 16, 16)]
        g0 = lg6[pl.ds(j * 16, 16)]
        g1 = lg6[pl.ds(336 + j * 16, 16)]
        predf = jnp.where(g1 > g0, one16, z16)
        l0f = jnp.where(labv == 0, one16, z16)
        l1f = jnp.where(labv == 1, one16, z16)
        l0a[pl.ds(j * 16, 16)] = l0f
        l1a[pl.ds(j * 16, 16)] = l1f
        c0a[pl.ds(j * 16, 16)] = l0f * (one16 - predf)
        c1a[pl.ds(j * 16, 16)] = l1f * predf

    for j in range(_NCH):
        def nb_(c, acc):
            v = ftf[pl.ds(c * _SW + j * 16, 16)]
            return acc + v * v
        nsq = lax.fori_loop(0, _C, nb_, z16)
        narr[pl.ds(j * 16, 16)] = _sc_sqrt(nsq)

    lane = lax.iota(jnp.int32, 16)
    for gm in range(4):
        colv = lane + 16 * gm
        for dwp in range(5):
            cd = colv + (dwp - 2)
            wmt[pl.ds((gm * 5 + dwp) * 16, 16)] = (
                jnp.where(cd >= 0, one16, z16) * jnp.where(cd < _W, one16, z16))

    q0 = 2 * _W + 16 * jnp.remainder(wid, 4)
    wmbase = jnp.remainder(wid, 4) * 80

    own_c0 = c0a[pl.ds(q0 + 8, 16)]
    own_c1 = c1a[pl.ds(q0 + 8, 16)]
    own_l0 = l0a[pl.ds(q0 + 8, 16)]
    own_l1 = l1a[pl.ds(q0 + 8, 16)]

    def zp(c, _):
        pacc[pl.ds(c * 16, 16)] = z16
        pacc[pl.ds(4096 + c * 16, 16)] = z16
        return 0
    lax.fori_loop(0, _C, zp, 0)

    def kbody(k, _):
        dh = k // 5 - 2
        dwp = k % 5
        qn = q0 + dh * _W + dwp - 2
        wmv = wmt[pl.ds(wmbase + dwp * 16, 16)]
        m0 = c0a[pl.ds(qn + 8, 16)] * wmv
        m1 = c1a[pl.ds(qn + 8, 16)] * wmv

        def cbody(c, dacc):
            own = ftf[pl.ds(_FB + c * _SW + q0, 16)]
            nb = ftf[pl.ds(_FB + c * _SW + qn, 16)]
            plsc.addupdate(pacc.at[pl.ds(c * 16, 16)], nb * m0)
            plsc.addupdate(pacc.at[pl.ds(4096 + c * 16, 16)], nb * m1)
            return dacc + own * nb
        dacc = lax.fori_loop(0, _C, cbody, z16)
        dka[pl.ds(k * 16, 16)] = dacc
        return 0
    lax.fori_loop(0, 25, kbody, 0)

    def c2body(c, carry):
        fd0, pn0, fd1, pn1 = carry
        own = ftf[pl.ds(_FB + c * _SW + q0, 16)]
        p0v = (pacc[pl.ds(c * 16, 16)] - own * own_c0) * (1.0 / 25.0)
        p1v = (pacc[pl.ds(4096 + c * 16, 16)] - own * own_c1) * (1.0 / 25.0)
        return (fd0 + own * p0v, pn0 + p0v * p0v,
                fd1 + own * p1v, pn1 + p1v * p1v)
    fd0, pn0sq, fd1, pn1sq = lax.fori_loop(
        0, _C, c2body, (z16, z16, z16, z16))

    nown = narr[pl.ds(q0 + 8, 16)]
    pn0 = _sc_sqrt(pn0sq)
    pn1 = _sc_sqrt(pn1sq)
    aden0 = own_c0 * nown + _EPS
    aden1 = own_c1 * nown + _EPS
    lpos0 = own_c0 * fd0 / (aden0 * (pn0 + _EPS)) * _T_INV
    lpos1 = own_c1 * fd1 / (aden1 * (pn1 + _EPS)) * _T_INV

    def k2body(k, carry):
        mx0, mx1, cnt0, cnt1 = carry
        dh = k // 5 - 2
        dwp = k % 5
        qn = q0 + dh * _W + dwp - 2
        wmv = wmt[pl.ds(wmbase + dwp * 16, 16)]
        dk = dka[pl.ds(k * 16, 16)]
        cp0 = c0a[pl.ds(qn + 8, 16)] * wmv
        cp1 = c1a[pl.ds(qn + 8, 16)] * wmv
        nk = narr[pl.ds(qn + 8, 16)]
        nl0 = own_c0 * 2.0 * dk * cp1 / (aden0 * (2.0 * nk * cp1 + _EPS)) * _T_INV
        nl1 = own_c1 * 2.0 * dk * cp0 / (aden1 * (2.0 * nk * cp0 + _EPS)) * _T_INV
        nls[pl.ds(k * 16, 16)] = nl0
        nls[pl.ds(400 + k * 16, 16)] = nl1
        cnt0 = cnt0 + l0a[pl.ds(qn + 8, 16)] * wmv
        cnt1 = cnt1 + l1a[pl.ds(qn + 8, 16)] * wmv
        return (jnp.maximum(mx0, nl0), jnp.maximum(mx1, nl1), cnt0, cnt1)
    mx0, mx1, cnt0, cnt1 = lax.fori_loop(
        0, 25, k2body, (lpos0, lpos1, z16, z16))

    def k3body(k, carry):
        s0, s1 = carry
        s0 = s0 + jnp.exp(nls[pl.ds(k * 16, 16)] - mx0)
        s1 = s1 + jnp.exp(nls[pl.ds(400 + k * 16, 16)] - mx1)
        return (s0, s1)
    ssum0, ssum1 = lax.fori_loop(
        0, 25, k3body, (jnp.exp(lpos0 - mx0), jnp.exp(lpos1 - mx1)))

    loss0 = mx0 + _sc_ln(ssum0) - lpos0
    loss1 = mx1 + _sc_ln(ssum1) - lpos1

    gtv = gt6[...]
    edgef = (jnp.where(gtv != 0, one16, z16)
             * jnp.where(gtv != 255, one16, z16))
    cnt0 = cnt0 - own_l0
    cnt1 = cnt1 - own_l1
    pm0 = jnp.where(cnt0 >= 1.0, edgef * own_l0, z16)
    pm1 = jnp.where(cnt1 >= 1.0, edgef * own_l1, z16)

    outv[pl.ds(0, 16)] = loss0 * pm0
    outv[pl.ds(16, 16)] = pm0
    outv[pl.ds(32, 16)] = loss1 * pm1
    outv[pl.ds(48, 16)] = pm1
    pltpu.sync_copy(outv, out_hbm.at[wid])


_sc_loss = functools.partial(
    pl.kernel,
    out_type=jax.ShapeDtypeStruct((_NW, 64), jnp.float32),
    mesh=plsc.VectorSubcoreMesh(core_axis_name="c", subcore_axis_name="s",
                                num_cores=_NC, num_subcores=_NS),
    scratch_types=[
        pltpu.VMEM((_FTLEN,), jnp.float32),
        pltpu.VMEM((336,), jnp.int32),
        pltpu.VMEM((672,), jnp.float32),
        pltpu.VMEM((16,), jnp.int32),
        pltpu.VMEM((336,), jnp.float32),
        pltpu.VMEM((336,), jnp.float32),
        pltpu.VMEM((336,), jnp.float32),
        pltpu.VMEM((336,), jnp.float32),
        pltpu.VMEM((336,), jnp.float32),
        pltpu.VMEM((20 * 16,), jnp.float32),
        pltpu.VMEM((2 * _C * 16,), jnp.float32),
        pltpu.VMEM((25 * 16,), jnp.float32),
        pltpu.VMEM((800,), jnp.float32),
        pltpu.VMEM((64,), jnp.float32),
    ],
)(_sc_loss_body)



def _shift_flat(x, s):
    if s == 0:
        return x
    z = jnp.zeros(x.shape[:-1] + (abs(s),), x.dtype)
    if s > 0:
        return jnp.concatenate([x[..., s:], z], axis=-1)
    return jnp.concatenate([z, x[..., :s]], axis=-1)


def _tc_loss_kernel(f_ref, lab_ref, logit_ref, gt_ref, out_ref):
    F = f_ref[...]
    lab = lab_ref[...]
    lg0 = logit_ref[0:1, :]
    lg1 = logit_ref[1:2, :]
    gt = gt_ref[...]

    pidx = jax.lax.broadcasted_iota(jnp.int32, (1, _P), 1)
    col = pidx % _W
    rowm = (pidx // _W >= _KROWS).astype(jnp.float32)
    wmask = {
        dw: jnp.logical_and(col + dw >= 0, col + dw < _W).astype(jnp.float32)
        for dw in range(-2, 3)
    }

    def box25(x):
        sh = x
        for dh in (-2, -1, 1, 2):
            sh = sh + _shift_flat(x, dh * _W)
        out = sh
        for dw in (-2, -1, 1, 2):
            out = out + _shift_flat(sh, dw) * wmask[dw]
        return out

    pred1 = lg1 > lg0
    edge = jnp.logical_and(gt != 0, gt != 255).astype(jnp.float32)
    c_cls = []
    for i in (0, 1):
        li = lab == i
        pi = pred1 if i == 1 else jnp.logical_not(pred1)
        c_cls.append(jnp.logical_and(li, pi).astype(jnp.float32))

    nsq = jnp.sum(F * F, axis=0, keepdims=True)
    N = jnp.sqrt(nsq)

    Dk = [None] * 25
    Dk[12] = nsq
    for k in range(13, 25):
        dh, dw = _OFFS[k]
        Fs = _shift_flat(F, dh * _W + dw) * wmask[dw]
        Dk[k] = jnp.sum(F * Fs, axis=0, keepdims=True)
    for k in range(12):
        dh, dw = _OFFS[k]
        Dk[k] = _shift_flat(Dk[24 - k], dh * _W + dw) * wmask[dw]

    rn = 1.0 / (2.0 * N + _EPS)
    e_cls = [c_cls[0] * rn, c_cls[1] * rn]
    ek = [[None] * 25, [None] * 25]
    for k, (dh, dw) in enumerate(_OFFS):
        for i in (0, 1):
            ek[i][k] = _shift_flat(e_cls[i], dh * _W + dw) * wmask[dw]

    sums = []
    for i in (0, 1):
        ci = c_cls[i]
        M = F * ci
        pvec = (box25(M) - M) * (1.0 / 25.0)
        fdotp = jnp.sum(F * pvec, axis=0, keepdims=True)
        pn = jnp.sqrt(jnp.sum(pvec * pvec, axis=0, keepdims=True))
        aden = ci * N + _EPS
        lpos = (ci * fdotp) / (aden * (pn + _EPS)) * (1.0 / _T)
        amul = ci * (2.0 / _T) / aden
        mx = lpos
        negs = []
        for k in range(25):
            nl = (amul * Dk[k]) * ek[1 - i][k]
            negs.append(nl)
            mx = jnp.maximum(mx, nl)
        ssum = jnp.exp(lpos - mx)
        for nl in negs:
            ssum = ssum + jnp.exp(nl - mx)
        loss = mx + jnp.log(ssum) - lpos

        lmask = (lab == i).astype(jnp.float32)
        cnt = box25(lmask) - lmask
        pm = (cnt >= 1.0).astype(jnp.float32) * edge * lmask * rowm
        sums.append(jnp.sum(loss * pm))
        sums.append(jnp.sum(pm))

    out = jnp.concatenate(
        [jnp.broadcast_to(s, (1, 1)) for s in sums]
        + [jnp.zeros((1, 4), jnp.float32)], axis=1)
    out_ref[...] = out


def _combine_kernel(sc_ref, tc_ref, o_ref):
    x = sc_ref[...]
    t = tc_ref[...]
    num0 = jnp.sum(x[:, 0:16]) + t[0, 0]
    den0 = jnp.sum(x[:, 16:32]) + t[0, 1]
    num1 = jnp.sum(x[:, 32:48]) + t[0, 2]
    den1 = jnp.sum(x[:, 48:64]) + t[0, 3]
    total = num0 / jnp.maximum(den0, 1.0) + num1 / jnp.maximum(den1, 1.0)
    o_ref[...] = jnp.broadcast_to(total, (1, 1))


def kernel(er_input, seg_label, seg_logit, gt_boundary_seg):
    f = er_input.reshape(_C, _P)
    lab = seg_label.reshape(_P).astype(jnp.int32)
    lg = seg_logit.reshape(2, _P)
    gt = gt_boundary_seg.reshape(_P).astype(jnp.int32)

    rowbase = (jnp.arange(_NW) // 4) * _W
    cols = rowbase[:, None] + jnp.arange(_SW)[None, :]
    fp = jnp.pad(f, ((0, 0), (2 * _W, 2 * _W)))
    fs = jnp.transpose(fp[:, cols], (1, 0, 2)).reshape(_NW, _C * _SW)
    fs = jnp.pad(fs, ((0, 0), (_FB, 8))).reshape(-1)
    labs = jnp.pad(jnp.pad(lab, (2 * _W, 2 * _W), constant_values=99)[cols],
                   ((0, 0), (8, 8)), constant_values=99).reshape(-1)
    lgp = jnp.pad(lg, ((0, 0), (2 * _W, 2 * _W)))
    zs = jnp.zeros((_NW, 8), jnp.float32)
    lgs = jnp.concatenate(
        [zs, lgp[0][cols], jnp.zeros((_NW, 16), jnp.float32), lgp[1][cols],
         zs], axis=1).reshape(-1)

    sc_part = _sc_loss(fs, labs, lgs, gt)

    tc_part = pl.pallas_call(
        _tc_loss_kernel,
        out_shape=jax.ShapeDtypeStruct((1, 8), jnp.float32),
    )(f, lab.reshape(1, _P), lg, gt.reshape(1, _P))

    out = pl.pallas_call(
        _combine_kernel,
        out_shape=jax.ShapeDtypeStruct((1, 1), jnp.float32),
    )(sc_part, tc_part)
    return out.reshape(())

# --- scband reference (transcript-rebuilt; emitter-appended) ---
"""Pipeline reference for scband-fast-contrast-pixel-correct-cbl-21500606284461 (READ-ONLY COPY).

The authoritative reference and input builder live on the scoring server;
editing this copy changes nothing except your own understanding.
"""

import jax, jax.numpy as jnp
import numpy as np

NUM_CLASSES = 2
KERNEL = 5
PAD = 2
CENTER = (KERNEL * KERNEL) // 2  # index 12 of 25
TEMPERATURE = 0.1
EPS = 1e-8


def get_neigh(x, kernel_size=KERNEL, pad=PAD):
    # x: [B, C, H, W] -> [B, C, k*k, H, W] (5x5 neighborhood unfold, zero pad)
    B, C, H, W = x.shape
    xp = jnp.pad(x, ((0, 0), (0, 0), (pad, pad), (pad, pad)))
    patches = []
    for di in range(kernel_size):
        for dj in range(kernel_size):
            patches.append(xp[:, :, di:di + H, dj:dj + W])
    return jnp.stack(patches, axis=2)


def pixel_info_nce_loss(anchor, positive, negative, mask):
    # anchor, positive: [B, C, H, W]; negative: [B, C, 25, H, W]; mask: [B, H, W] bool
    a = jnp.transpose(anchor, (0, 2, 3, 1))            # [B,H,W,C]
    p = jnp.transpose(positive, (0, 2, 3, 1))          # [B,H,W,C]
    n = jnp.transpose(negative, (0, 3, 4, 2, 1))       # [B,H,W,25,C]
    an = jnp.linalg.norm(a, axis=-1) + EPS
    pn = jnp.linalg.norm(p, axis=-1) + EPS
    nn_ = jnp.linalg.norm(n, axis=-1) + EPS
    pos_sim = jnp.sum(a * p, axis=-1) / (an * pn)                       # [B,H,W]
    neg_sim = jnp.sum(a[..., None, :] * n, axis=-1) / (an[..., None] * nn_)  # [B,H,W,25]
    logits = jnp.concatenate([pos_sim[..., None], neg_sim], axis=-1) / TEMPERATURE
    loss = -jax.nn.log_softmax(logits, axis=-1)[..., 0]                 # [B,H,W]
    m = mask.astype(loss.dtype)
    return jnp.sum(loss * m) / jnp.maximum(jnp.sum(m), 1.0)


def contrast_loss(er_input, seg_logit, seg_label, gt_boundary_seg):
    B, C, H, W = er_input.shape
    pred_label = jnp.argmax(seg_logit, axis=1)                          # [B,H,W]
    # gt_b[gt_b == 255] = 0; edge_mask = gt_b
    gt_b = jnp.where(gt_boundary_seg == 255, 0, gt_boundary_seg)
    edge_mask = gt_b != 0                                               # [B,H,W]
    label_oh = jax.nn.one_hot(seg_label, NUM_CLASSES)                   # [B,H,W,nc]

    neigh_feat = get_neigh(er_input)                                    # [B,C,25,H,W]
    neigh_label = get_neigh(seg_label[:, None].astype(jnp.float32)).astype(jnp.int32)[:, 0]  # [B,25,H,W]
    neigh_pred = get_neigh(pred_label[:, None].astype(jnp.float32)).astype(jnp.int32)[:, 0]  # [B,25,H,W]
    oh_neigh_label = jax.nn.one_hot(neigh_label, 3)                     # [B,25,H,W,3]
    oh_neigh_pred = jax.nn.one_hot(neigh_pred, 3)
    correct = oh_neigh_label * oh_neigh_pred                            # [B,25,H,W,3]

    total = jnp.asarray(0.0, dtype=er_input.dtype)
    for i in range(NUM_CLASSES):
        now_class_mask = label_oh[..., i]                               # [B,H,W]
        nm = get_neigh(now_class_mask[:, None])                         # [B,1,25,H,W]
        # 5x5 ones kernel with zero center
        now_class_num_in_neigh = nm.sum(axis=2)[:, 0] - nm[:, 0, CENTER]
        pixel_cal_mask = (now_class_num_in_neigh >= 1.0) & edge_mask & (now_class_mask > 0)

        cm_now = correct[..., i]                                        # [B,25,H,W]
        now_class = neigh_feat * cm_now[:, None]                        # [B,C,25,H,W]
        anchor = now_class[:, :, CENTER]                                # [B,C,H,W]
        now_class = now_class.at[:, :, CENTER].set(0.0)
        contrast_positive = now_class.mean(axis=2)                      # [B,C,H,W]

        cm_pre = correct[..., (i - 1) % NUM_CLASSES]
        cm_post = correct[..., (i + 1) % NUM_CLASSES]
        contrast_negative = neigh_feat * cm_pre[:, None] + neigh_feat * cm_post[:, None]

        total = total + pixel_info_nce_loss(anchor, contrast_positive, contrast_negative, pixel_cal_mask)
    return total


def setup_inputs(seed: int = 0) -> dict:
    key = jax.random.key(seed)
    k1, k2, k3, k4 = jax.random.split(key, 4)
    er_input = jax.random.normal(k1, (1, 256, 64, 64), dtype=jnp.float32)
    seg_label = jax.random.randint(k2, (1, 64, 64), 0, 2).astype(jnp.int64)
    seg_logit = jax.random.normal(k3, (1, 2, 64, 64), dtype=jnp.float32)
    gt_boundary_seg = jax.random.randint(k4, (1, 64, 64), 0, 2).astype(jnp.int64)
    return {
        "er_input": er_input,
        "seg_label": seg_label,
        "seg_logit": seg_logit,
        "gt_boundary_seg": gt_boundary_seg,
    }


def reference(er_input, seg_label, seg_logit, gt_boundary_seg):
    return contrast_loss(er_input, seg_logit, seg_label, gt_boundary_seg)

if __name__ == "__main__":
    import jax
    _d = setup_inputs()
    print(jax.jit(kernel)(*tuple(_d.values())))

</pallas_src>

<mosaic_0001>
#map = affine_map<(d0, d1) -> (0)>
#map1 = affine_map<(d0, d1) -> (0, 0)>
module attributes {stable_mosaic.version = 14 : i64} {
  func.func @_sc_loss_body(%arg0: i32, %arg1: i32, %arg2: memref<2621952xf32, #tpu.memory_space<hbm>>, %arg3: memref<10752xi32, #tpu.memory_space<hbm>>, %arg4: memref<21504xf32, #tpu.memory_space<hbm>>, %arg5: memref<4096xi32, #tpu.memory_space<hbm>>, %arg6: memref<32x64xf32, #tpu.memory_space<hbm>>, %arg7: memref<81936xf32, #tpu.memory_space<vmem>>, %arg8: memref<336xi32, #tpu.memory_space<vmem>>, %arg9: memref<672xf32, #tpu.memory_space<vmem>>, %arg10: memref<16xi32, #tpu.memory_space<vmem>>, %arg11: memref<336xf32, #tpu.memory_space<vmem>>, %arg12: memref<336xf32, #tpu.memory_space<vmem>>, %arg13: memref<336xf32, #tpu.memory_space<vmem>>, %arg14: memref<336xf32, #tpu.memory_space<vmem>>, %arg15: memref<336xf32, #tpu.memory_space<vmem>>, %arg16: memref<320xf32, #tpu.memory_space<vmem>>, %arg17: memref<8192xf32, #tpu.memory_space<vmem>>, %arg18: memref<400xf32, #tpu.memory_space<vmem>>, %arg19: memref<800xf32, #tpu.memory_space<vmem>>, %arg20: memref<64xf32, #tpu.memory_space<vmem>>) attributes {dimension_semantics = [#tpu.dimension_semantics<core_parallel>, #tpu.dimension_semantics<subcore_parallel>], iteration_bounds = array<i64: 2, 16>, scalar_prefetch = 0 : i64, scratch_operands = 14 : i64, tpu.core_type = #tpu.core_type<sc_vector_subcore>, window_params = [{transform_indices = #map}, {transform_indices = #map}, {transform_indices = #map}, {transform_indices = #map}, {transform_indices = #map1}]} {
    %mul3A = arith.constant 2 : i32
    %mul3A_0 = arith.muli %arg1, %mul3A : i32
    %add3A = arith.addi %mul3A_0, %arg0 : i32
    %broadcast_in_dim3A = arith.constant 0.000000e+00 : f32
    %broadcast_in_dim3A_1 = vector.broadcast %broadcast_in_dim3A : f32 to vector<16xf32>
    %broadcast_in_dim3A_2 = arith.constant 1.000000e+00 : f32
    %broadcast_in_dim3A_3 = vector.broadcast %broadcast_in_dim3A_2 : f32 to vector<16xf32>
    %mul3A_4 = arith.constant 81936 : i32
    %mul3A_5 = arith.muli %add3A, %mul3A_4 : i32
    "tpu.region"() ({
      %run_scoped3A = tpu.sem_alloc : memref<!tpu.dma_semaphore, #tpu.memory_space<semaphore_mem>>
      %dma_start3A = tpu.memref_slice %arg2[%mul3A_5] : memref<2621952xf32, #tpu.memory_space<hbm>> -> memref<81936xf32, #tpu.memory_space<hbm>>
      %dma_start3A_2422 = tpu.memref_slice %arg2[%mul3A_5] : memref<2621952xf32, #tpu.memory_space<hbm>> -> memref<81936xf32, #tpu.memory_space<hbm>>
      tpu.enqueue_dma source(%dma_start3A_2422 : memref<81936xf32, #tpu.memory_space<hbm>>) target(%arg7 : memref<81936xf32, #tpu.memory_space<vmem>>) target_semaphore(%run_scoped3A : memref<!tpu.dma_semaphore, #tpu.memory_space<semaphore_mem>>)
      %dma_wait3A = tpu.memref_slice %arg2[%mul3A_5] : memref<2621952xf32, #tpu.memory_space<hbm>> -> memref<81936xf32, #tpu.memory_space<hbm>>
      %dma_wait3A_2423 = tpu.memref_slice %arg2[%mul3A_5] : memref<2621952xf32, #tpu.memory_space<hbm>> -> memref<81936xf32, #tpu.memory_space<hbm>>
      tpu.wait_dma2 semaphore(%run_scoped3A : memref<!tpu.dma_semaphore, #tpu.memory_space<semaphore_mem>>) src(%dma_wait3A_2423 : memref<81936xf32, #tpu.memory_space<hbm>>) dst(%arg7 : memref<81936xf32, #tpu.memory_space<vmem>>)
      tpu.yield
    }) : () -> ()
    %mul3A_6 = arith.constant 336 : i32
    %mul3A_7 = arith.muli %add3A, %mul3A_6 : i32
    "tpu.region"() ({
      %run_scoped3A = tpu.sem_alloc : memref<!tpu.dma_semaphore, #tpu.memory_space<semaphore_mem>>
      %dma_start3A = tpu.memref_slice %arg3[%mul3A_7] : memref<10752xi32, #tpu.memory_space<hbm>> -> memref<336xi32, #tpu.memory_space<hbm>>
      %dma_start3A_2422 = tpu.memref_slice %arg3[%mul3A_7] : memref<10752xi32, #tpu.memory_space<hbm>> -> memref<336xi32, #tpu.memory_space<hbm>>
      tpu.enqueue_dma source(%dma_start3A_2422 : memref<336xi32, #tpu.memory_space<hbm>>) target(%arg8 : memref<336xi32, #tpu.memory_space<vmem>>) target_semaphore(%run_scoped3A : memref<!tpu.dma_semaphore, #tpu.memory_space<semaphore_mem>>)
      %dma_wait3A = tpu.memref_slice %arg3[%mul3A_7] : memref<10752xi32, #tpu.memory_space<hbm>> -> memref<336xi32, #tpu.memory_space<hbm>>
      %dma_wait3A_2423 = tpu.memref_slice %arg3[%mul3A_7] : memref<10752xi32, #tpu.memory_space<hbm>> -> memref<336xi32, #tpu.memory_space<hbm>>
      tpu.wait_dma2 semaphore(%run_scoped3A : memref<!tpu.dma_semaphore, #tpu.memory_space<semaphore_mem>>) src(%dma_wait3A_2423 : memref<336xi32, #tpu.memory_space<hbm>>) dst(%arg8 : memref<336xi32, #tpu.memory_space<vmem>>)
      tpu.yield
    }) : () -> ()
    %mul3A_8 = arith.constant 672 : i32
    %mul3A_9 = arith.muli %add3A, %mul3A_8 : i32
    "tpu.region"() ({
      %run_scoped3A = tpu.sem_alloc : memref<!tpu.dma_semaphore, #tpu.memory_space<semaphore_mem>>
      %dma_start3A = tpu.memref_slice %arg4[%mul3A_9] : memref<21504xf32, #tpu.memory_space<hbm>> -> memref<672xf32, #tpu.memory_space<hbm>>
      %dma_start3A_2422 = tpu.memref_slice %arg4[%mul3A_9] : memref<21504xf32, #tpu.memory_space<hbm>> -> memref<672xf32, #tpu.memory_space<hbm>>
      tpu.enqueue_dma source(%dma_start3A_2422 : memref<672xf32, #tpu.memory_space<hbm>>) target(%arg9 : memref<672xf32, #tpu.memory_space<vmem>>) target_semaphore(%run_scoped3A : memref<!tpu.dma_semaphore, #tpu.memory_space<semaphore_mem>>)
      %dma_wait3A = tpu.memref_slice %arg4[%mul3A_9] : memref<21504xf32, #tpu.memory_space<hbm>> -> memref<672xf32, #tpu.memory_space<hbm>>
      %dma_wait3A_2423 = tpu.memref_slice %arg4[%mul3A_9] : memref<21504xf32, #tpu.memory_space<hbm>> -> memref<672xf32, #tpu.memory_space<hbm>>
      tpu.wait_dma2 semaphore(%run_scoped3A : memref<!tpu.dma_semaphore, #tpu.memory_space<semaphore_mem>>) src(%dma_wait3A_2423 : memref<672xf32, #tpu.memory_space<hbm>>) dst(%arg9 : memref<672xf32, #tpu.memory_space<vmem>>)
      tpu.yield
    }) : () -> ()
    %mul3A_10 = arith.constant 16 : i32
    %mul3A_11 = arith.muli %add3A, %mul3A_10 : i32
    "tpu.region"() ({
      %run_scoped3A = tpu.sem_alloc : memref<!tpu.dma_semaphore, #tpu.memory_space<semaphore_mem>>
      %dma_start3A = tpu.memref_slice %arg5[%mul3A_11] : memref<4096xi32, #tpu.memory_space<hbm>> -> memref<16xi32, #tpu.memory_space<hbm>>
      %dma_start3A_2422 = tpu.memref_slice %arg5[%mul3A_11] : memref<4096xi32, #tpu.memory_space<hbm>> -> memref<16xi32, #tpu.memory_space<hbm>>
      tpu.enqueue_dma source(%dma_start3A_2422 : memref<16xi32, #tpu.memory_space<hbm>>) target(%arg10 : memref<16xi32, #tpu.memory_space<vmem>>) target_semaphore(%run_scoped3A : memref<!tpu.dma_semaphore, #tpu.memory_space<semaphore_mem>>)
      %dma_wait3A = tpu.memref_slice %arg5[%mul3A_11] : memref<4096xi32, #tpu.memory_space<hbm>> -> memref<16xi32, #tpu.memory_space<hbm>>
      %dma_wait3A_2423 = tpu.memref_slice %arg5[%mul3A_11] : memref<4096xi32, #tpu.memory_space<hbm>> -> memref<16xi32, #tpu.memory_space<hbm>>
      tpu.wait_dma2 semaphore(%run_scoped3A : memref<!tpu.dma_semaphore, #tpu.memory_space<semaphore_mem>>) src(%dma_wait3A_2423 : memref<16xi32, #tpu.memory_space<hbm>>) dst(%arg10 : memref<16xi32, #tpu.memory_space<vmem>>)
      tpu.yield
    }) : () -> ()
    %get3A = arith.constant 0 : index
    %get3A_12 = tpu.vector_load %arg8[%get3A] {strides = array<i32>} : memref<336xi32, #tpu.memory_space<vmem>>, vector<16xi32>,
    %get3A_13 = vector.shape_cast %get3A_12 : vector<16xi32> to vector<16xi32>
    %get3A_14 = arith.constant 0 : index
    %get3A_15 = tpu.vector_load %arg9[%get3A_14] {strides = array<i32>} : memref<672xf32, #tpu.memory_space<vmem>>, vector<16xf32>,
    %get3A_16 = vector.shape_cast %get3A_15 : vector<16xf32> to vector<16xf32>
    %get3A_17 = arith.constant 336 : index
    %get3A_18 = tpu.vector_load %arg9[%get3A_17] {strides = array<i32>} : memref<672xf32, #tpu.memory_space<vmem>>, vector<16xf32>,
    %get3A_19 = vector.shape_cast %get3A_18 : vector<16xf32> to vector<16xf32>
    %gt3A = arith.cmpf ogt, %get3A_19, %get3A_16 : vector<16xf32>
    %select_n3A = arith.select %gt3A, %broadcast_in_dim3A_3, %broadcast_in_dim3A_1 : vector<16xi1>, vector<16xf32>
    %eq3A = arith.constant 0 : i32
    %eq3A_20 = vector.broadcast %eq3A : i32 to vector<16xi32>
    %eq3A_21 = arith.cmpi eq, %get3A_13, %eq3A_20 : vector<16xi32>
    %select_n3A_22 = arith.select %eq3A_21, %broadcast_in_dim3A_3, %broadcast_in_dim3A_1 : vector<16xi1>, vector<16xf32>
    %eq3A_23 = arith.constant 1 : i32
    %eq3A_24 = vector.broadcast %eq3A_23 : i32 to vector<16xi32>
    %eq3A_25 = arith.cmpi eq, %get3A_13, %eq3A_24 : vector<16xi32>
    %select_n3A_26 = arith.select %eq3A_25, %broadcast_in_dim3A_3, %broadcast_in_dim3A_1 : vector<16xi1>, vector<16xf32>
    %swap3A = arith.constant 0 : index
    %swap3A_27 = tpu.vector_load %arg13[%swap3A] {strides = array<i32>} : memref<336xf32, #tpu.memory_space<vmem>>, vector<16xf32>,
    %swap3A_28 = vector.shape_cast %swap3A_27 : vector<16xf32> to vector<16xf32>
    %swap3A_29 = vector.shape_cast %select_n3A_22 : vector<16xf32> to vector<16xf32>
    tpu.vector_store %arg13[%swap3A], %swap3A_29 {strides = array<i32>} : memref<336xf32, #tpu.memory_space<vmem>>, vector<16xf32>,
    %swap3A_30 = arith.constant 0 : index
    %swap3A_31 = tpu.vector_load %arg14[%swap3A_30] {strides = array<i32>} : memref<336xf32, #tpu.memory_space<vmem>>, vector<16xf32>,
    %swap3A_32 = vector.shape_cast %swap3A_31 : vector<16xf32> to vector<16xf32>
    %swap3A_33 = vector.shape_cast %select_n3A_26 : vector<16xf32> to vector<16xf32>
    tpu.vector_store %arg14[%swap3A_30], %swap3A_33 {strides = array<i32>} : memref<336xf32, #tpu.memory_space<vmem>>, vector<16xf32>,
    %sub3A = arith.subf %broadcast_in_dim3A_3, %select_n3A : vector<16xf32>
    %mul3A_34 = arith.mulf %select_n3A_22, %sub3A : vector<16xf32>
    %swap3A_35 = arith.constant 0 : index
    %swap3A_36 = tpu.vector_load %arg11[%swap3A_35] {strides = array<i32>} : memref<336xf32, #tpu.memory_space<vmem>>, vector<16xf32>,
    %swap3A_37 = vector.shape_cast %swap3A_36 : vector<16xf32> to vector<16xf32>
    %swap3A_38 = vector.shape_cast %mul3A_34 : vector<16xf32> to vector<16xf32>
    tpu.vector_store %arg11[%swap3A_35], %swap3A_38 {strides = array<i32>} : memref<336xf32, #tpu.memory_space<vmem>>, vector<16xf32>,
    %mul3A_39 = arith.mulf %select_n3A_26, %select_n3A : vector<16xf32>
    %swap3A_40 = arith.constant 0 : index
    %swap3A_41 = tpu.vector_load %arg12[%swap3A_40] {strides = array<i32>} : memref<336xf32, #tpu.memory_space<vmem>>, vector<16xf32>,
    %swap3A_42 = vector.shape_cast %swap3A_41 : vector<16xf32> to vector<16xf32>
    %swap3A_43 = vector.shape_cast %mul3A_39 : vector<16xf32> to vector<16xf32>
    tpu.vector_store %arg12[%swap3A_40], %swap3A_43 {strides = array<i32>} : memref<336xf32, #tpu.memory_space<vmem>>, vector<16xf32>,
    %get3A_44 = arith.constant 16 : index
    %get3A_45 = tpu.vector_load %arg8[%get3A_44] {strides = array<i32>} : memref<336xi32, #tpu.memory_space<vmem>>, vector<16xi32>,
    %get3A_46 = vector.shape_cast %get3A_45 : vector<16xi32> to vector<16xi32>
    %get3A_47 = arith.constant 16 : index
    %get3A_48 = tpu.vector_load %arg9[%get3A_47] {strides = array<i32>} : memref<672xf32, #tpu.memory_space<vmem>>, vector<16xf32>,
    %get3A_49 = vector.shape_cast %get3A_48 : vector<16xf32> to vector<16xf32>
    %get3A_50 = arith.constant 352 : index
    %get3A_51 = tpu.vector_load %arg9[%get3A_50] {strides = array<i32>} : memref<672xf32, #tpu.memory_space<vmem>>, vector<16xf32>,
    %get3A_52 = vector.shape_cast %get3A_51 : vector<16xf32> to vector<16xf32>
    %gt3A_53 = arith.cmpf ogt, %get3A_52, %get3A_49 : vector<16xf32>
    %select_n3A_54 = arith.select %gt3A_53, %broadcast_in_dim3A_3, %broadcast_in_dim3A_1 : vector<16xi1>, vector<16xf32>
    %eq3A_55 = arith.constant 0 : i32
    %eq3A_56 = vector.broadcast %eq3A_55 : i32 to vector<16xi32>
    %eq3A_57 = arith.cmpi eq, %get3A_46, %eq3A_56 : vector<16xi32>
    %select_n3A_58 = arith.select %eq3A_57, %broadcast_in_dim3A_3, %broadcast_in_dim3A_1 : vector<16xi1>, vector<16xf32>
    %eq3A_59 = arith.constant 1 : i32
    %eq3A_60 = vector.broadcast %eq3A_59 : i32 to vector<16xi32>
    %eq3A_61 = arith.cmpi eq, %get3A_46, %eq3A_60 : vector<16xi32>
    %select_n3A_62 = arith.select %eq3A_61, %broadcast_in_dim3A_3, %broadcast_in_dim3A_1 : vector<16xi1>, vector<16xf32>
    %swap3A_63 = arith.constant 16 : index
    %swap3A_64 = tpu.vector_load %arg13[%swap3A_63] {strides = array<i32>} : memref<336xf32, #tpu.memory_space<vmem>>, vector<16xf32>,
    %swap3A_65 = vector.shape_cast %swap3A_64 : vector<16xf32> to vector<16xf32>
    %swap3A_66 = vector.shape_cast %select_n3A_58 : vector<16xf32> to vector<16xf32>
    tpu.vector_store %arg13[%swap3A_63], %swap3A_66 {strides = array<i32>} : memref<336xf32, #tpu.memory_space<vmem>>, vector<16xf32>,
    %swap3A_67 = arith.constant 16 : index
    %swap3A_68 = tpu.vector_load %arg14[%swap3A_67] {strides = array<i32>} : memref<336xf32, #tpu.memory_space<vmem>>, vector<16xf32>,
    %swap3A_69 = vector.shape_cast %swap3A_68 : vector<16xf32> to vector<16xf32>
    %swap3A_70 = vector.shape_cast %select_n3A_62 : vector<16xf32> to vector<16xf32>
    tpu.vector_store %arg14[%swap3A_67], %swap3A_70 {strides = array<i32>} : memref<336xf32, #tpu.memory_space<vmem>>, vector<16xf32>,
    %sub3A_71 = arith.subf %broadcast_in_dim3A_3, %select_n3A_54 : vector<16xf32>
    %mul3A_72 = arith.mulf %select_n3A_58, %sub3A_71 : vector<16xf32>
    %swap3A_73 = arith.constant 16 : index
    %swap3A_74 = tpu.vector_load %arg11[%swap3A_73] {strides = array<i32>} : memref<336xf32, #tpu.memory_space<vmem>>, vector<16xf32>,
    %swap3A_75 = vector.shape_cast %swap3A_74 : vector<16xf32> to vector<16xf32>
    %swap3A_76 = vector.shape_cast %mul3A_72 : vector<16xf32> to vector<16xf32>
    tpu.vector_store %arg11[%swap3A_73], %swap3A_76 {strides = array<i32>} : memref<336xf32, #tpu.memory_space<vmem>>, vector<16xf32>,
    %mul3A_77 = arith.mulf %select_n3A_62, %select_n3A_54 : vector<16xf32>
    %swap3A_78 = arith.constant 16 : index
    %swap3A_79 = tpu.vector_load %arg12[%swap3A_78] {strides = array<i32>} : memref<336xf32, #tpu.memory_space<vmem>>, vector<16xf32>,
    %swap3A_80 = vector.shape_cast %swap3A_79 : vector<16xf32> to vector<16xf32>
    %swap3A_81 = vector.shape_cast %mul3A_77 : vector<16xf32> to vector<16xf32>
    tpu.vector_store %arg12[%swap3A_78], %swap3A_81 {strides = array<i32>} : memref<336xf32, #tpu.memory_space<vmem>>, vector<16xf32>,
    %get3A_82 = arith.constant 32 : index
    %get3A_83 = tpu.vector_load %arg8[%get3A_82] {strides = array<i32>} : memref<336xi32, #tpu.memory_space<vmem>>, vector<16xi32>,
    %get3A_84 = vector.shape_cast %get3A_83 : vector<16xi32> to vector<16xi32>
    %get3A_85 = arith.constant 32 : index
    %get3A_86 = tpu.vector_load %arg9[%get3A_85] {strides = array<i32>} : memref<672xf32, #tpu.memory_space<vmem>>, vector<16xf32>,
    %get3A_87 = vector.shape_cast %get3A_86 : vector<16xf32> to vector<16xf32>
    %get3A_88 = arith.constant 368 : index
    %get3A_89 = tpu.vector_load %arg9[%get3A_88] {strides = array<i32>} : memref<672xf32, #tpu.memory_space<vmem>>, vector<16xf32>,
    %get3A_90 = vector.shape_cast %get3A_89 : vector<16xf32> to vector<16xf32>
    %gt3A_91 = arith.cmpf ogt, %get3A_90, %get3A_87 : vector<16xf32>
    %select_n3A_92 = arith.select %gt3A_91, %broadcast_in_dim3A_3, %broadcast_in_dim3A_1 : vector<16xi1>, vector<16xf32>
    %eq3A_93 = arith.constant 0 : i32
    %eq3A_94 = vector.broadcast %eq3A_93 : i32 to vector<16xi32>
    %eq3A_95 = arith.cmpi eq, %get3A_84, %eq3A_94 : vector<16xi32>
    %select_n3A_96 = arith.select %eq3A_95, %broadcast_in_dim3A_3, %broadcast_in_dim3A_1 : vector<16xi1>, vector<16xf32>
    %eq3A_97 = arith.constant 1 : i32
    %eq3A_98 = vector.broadcast %eq3A_97 : i32 to vector<16xi32>
    %eq3A_99 = arith.cmpi eq, %get3A_84, %eq3A_98 : vector<16xi32>
    %select_n3A_100 = arith.select %eq3A_99, %broadcast_in_dim3A_3, %broadcast_in_dim3A_1 : vector<16xi1>, vector<16xf32>
    %swap3A_101 = arith.constant 32 : index
    %swap3A_102 = tpu.vector_load %arg13[%swap3A_101] {strides = array<i32>} : memref<336xf32, #tpu.memory_space<vmem>>, vector<16xf32>,
    %swap3A_103 = vector.shape_cast %swap3A_102 : vector<16xf32> to vector<16xf32>
    %swap3A_104 = vector.shape_cast %select_n3A_96 : vector<16xf32> to vector<16xf32>
    tpu.vector_store %arg13[%swap3A_101], %swap3A_104 {strides = array<i32>} : memref<336xf32, #tpu.memory_space<vmem>>, vector<16xf32>,
    %swap3A_105 = arith.constant 32 : index
    %swap3A_106 = tpu.vector_load %arg14[%swap3A_105] {strides = array<i32>} : memref<336xf32, #tpu.memory_space<vmem>>, vector<16xf32>,
    %swap3A_107 = vector.shape_cast %swap3A_106 : vector<16xf32> to vector<16xf32>
    %swap3A_108 = vector.shape_cast %select_n3A_100 : vector<16xf32> to vector<16xf32>
    tpu.vector_store %arg14[%swap3A_105], %swap3A_108 {strides = array<i32>} : memref<336xf32, #tpu.memory_space<vmem>>, vector<16xf32>,
    %sub3A_109 = arith.subf %broadcast_in_dim3A_3, %select_n3A_92 : vector<16xf32>
    %mul3A_110 = arith.mulf %select_n3A_96, %sub3A_109 : vector<16xf32>
    %swap3A_111 = arith.constant 32 : index
    %swap3A_112 = tpu.vector_load %arg11[%swap3A_111] {strides = array<i32>} : memref<336xf32, #tpu.memory_space<vmem>>, vector<16xf32>,
    %swap3A_113 = vector.shape_cast %swap3A_112 : vector<16xf32> to vector<16xf32>
    %swap3A_114 = vector.shape_cast %mul3A_110 : vector<16xf32> to vector<16xf32>
    tpu.vector_store %arg11[%swap3A_111], %swap3A_114 {strides = array<i32>} : memref<336xf32, #tpu.memory_space<vmem>>, vector<16xf32>,
    %mul3A_115 = arith.mulf %select_n3A_100, %select_n3A_92 : vector<16xf32>
    %swap3A_116 = arith.constant 32 : index
    %swap3A_117 = tpu.vector_load %arg12[%swap3A_116] {strides = array<i32>} : memref<336xf32, #tpu.memory_space<vmem>>, vector<16xf32>,
    %swap3A_118 = vector.shape_cast %swap3A_117 : vector<16xf32> to vector<16xf32>
    %swap3A_119 = vector.shape_cast %mul3A_115 : vector<16xf32> to vector<16xf32>
    tpu.vector_store %arg12[%swap3A_116], %swap3A_119 {strides = array<i32>} : memref<336xf32, #tpu.memory_space<vmem>>, vector<16xf32>,
    %get3A_120 = arith.constant 48 : index
    %get3A_121 = tpu.vector_load %arg8[%get3A_120] {strides = array<i32>} : memref<336xi32, #tpu.memory_space<vmem>>, vector<16xi32>,
    %get3A_122 = vector.shape_cast %get3A_121 : vector<16xi32> to vector<16xi32>
    %get3A_123 = arith.constant 48 : index
    %get3A_124 = tpu.vector_load %arg9[%get3A_123] {strides = array<i32>} : memref<672xf32, #tpu.memory_space<vmem>>, vector<16xf32>,
    %get3A_125 = vector.shape_cast %get3A_124 : vector<16xf32> to vector<16xf32>
    %get3A_126 = arith.constant 384 : index
    %get3A_127 = tpu.vector_load %arg9[%get3A_126] {strides = array<i32>} : memref<672xf32, #tpu.memory_space<vmem>>, vector<16xf32>,
    %get3A_128 = vector.shape_cast %get3A_127 : vector<16xf32> to vector<16xf32>
    %gt3A_129 = arith.cmpf ogt, %get3A_128, %get3A_125 : vector<16xf32>
    %select_n3A_130 = arith.select %gt3A_129, %broadcast_in_dim3A_3, %broadcast_in_dim3A_1 : vector<16xi1>, vector<16xf32>
    %eq3A_131 = arith.constant 0 : i32
    %eq3A_132 = vector.broadcast %eq3A_131 : i32 to vector<16xi32>
    %eq3A_133 = arith.cmpi eq, %get3A_122, %eq3A_132 : vector<16xi32>
    %select_n3A_134 = arith.select %eq3A_133, %broadcast_in_dim3A_3, %broadcast_in_dim3A_1 : vector<16xi1>, vector<16xf32>
    %eq3A_135 = arith.constant 1 : i32
    %eq3A_136 = vector.broadcast %eq3A_135 : i32 to vector<16xi32>
    %eq3A_137 = arith.cmpi eq, %get3A_122, %eq3A_136 : vector<16xi32>
    %select_n3A_138 = arith.select %eq3A_137, %broadcast_in_dim3A_3, %broadcast_in_dim3A_1 : vector<16xi1>, vector<16xf32>
    %swap3A_139 = arith.constant 48 : index
    %swap3A_140 = tpu.vector_load %arg13[%swap3A_139] {strides = array<i32>} : memref<336xf32, #tpu.memory_space<vmem>>, vector<16xf32>,
    %swap3A_141 = vector.shape_cast %swap3A_140 : vector<16xf32> to vector<16xf32>
    %swap3A_142 = vector.shape_cast %select_n3A_134 : vector<16xf32> to vector<16xf32>
    tpu.vector_store %arg13[%swap3A_139], %swap3A_142 {strides = array<i32>} : memref<336xf32, #tpu.memory_space<vmem>>, vector<16xf32>,
    %swap3A_143 = arith.constant 48 : index
    %swap3A_144 = tpu.vector_load %arg14[%swap3A_143] {strides = array<i32>} : memref<336xf32, #tpu.memory_space<vmem>>, vector<16xf32>,
    %swap3A_145 = vector.shape_cast %swap3A_144 : vector<16xf32> to vector<16xf32>
    %swap3A_146 = vector.shape_cast %select_n3A_138 : vector<16xf32> to vector<16xf32>
    tpu.vector_store %arg14[%swap3A_143], %swap3A_146 {strides = array<i32>} : memref<336xf32, #tpu.memory_space<vmem>>, vector<16xf32>,
    %sub3A_147 = arith.subf %broadcast_in_dim3A_3, %select_n3A_130 : vector<16xf32>
    %mul3A_148 = arith.mulf %select_n3A_134, %sub3A_147 : vector<16xf32>
    %swap3A_149 = arith.constant 48 : index
    %swap3A_150 = tpu.vector_load %arg11[%swap3A_149] {strides = array<i32>} : memref<336xf32, #tpu.memory_space<vmem>>, vector<16xf32>,
    %swap3A_151 = vector.shape_cast %swap3A_150 : vector<16xf32> to vector<16xf32>
    %swap3A_152 = vector.shape_cast %mul3A_148 : vector<16xf32> to vector<16xf32>
    tpu.vector_store %arg11[%swap3A_149], %swap3A_152 {strides = array<i32>} : memref<336xf32, #tpu.memory_space<vmem>>, vector<16xf32>,
    %mul3A_153 = arith.mulf %select_n3A_138, %select_n3A_130 : vector<16xf32>
    %swap3A_154 = arith.constant 48 : index
    %swap3A_155 = tpu.vector_load %arg12[%swap3A_154] {strides = array<i32>} : memref<336xf32, #tpu.memory_space<vmem>>, vector<16xf32>,
    %swap3A_156 = vector.shape_cast %swap3A_155 : vector<16xf32> to vector<16xf32>
    %swap3A_157 = vector.shape_cast %mul3A_153 : vector<16xf32> to vector<16xf32>
    tpu.vector_store %arg12[%swap3A_154], %swap3A_157 {strides = array<i32>} : memref<336xf32, #tpu.memory_space<vmem>>, vector<16xf32>,
    %get3A_158 = arith.constant 64 : index
    %get3A_159 = tpu.vector_load %arg8[%get3A_158] {strides = array<i32>} : memref<336xi32, #tpu.memory_space<vmem>>, vector<16xi32>,
    %get3A_160 = vector.shape_cast %get3A_159 : vector<16xi32> to vector<16xi32>
    %get3A_161 = arith.constant 64 : index
    %get3A_162 = tpu.vector_load %arg9[%get3A_161] {strides = array<i32>} : memref<672xf32, #tpu.memory_space<vmem>>, vector<16xf32>,
    %get3A_163 = vector.shape_cast %get3A_162 : vector<16xf32> to vector<16xf32>
    %get3A_164 = arith.constant 400 : index
    %get3A_165 = tpu.vector_load %arg9[%get3A_164] {strides = array<i32>} : memref<672xf32, #tpu.memory_space<vmem>>, vector<16xf32>,
    %get3A_166 = vector.shape_cast %get3A_165 : vector<16xf32> to vector<16xf32>
    %gt3A_167 = arith.cmpf ogt, %get3A_166, %get3A_163 : vector<16xf32>
    %select_n3A_168 = arith.select %gt3A_167, %broadcast_in_dim3A_3, %broadcast_in_dim3A_1 : vector<16xi1>, vector<16xf32>
    %eq3A_169 = arith.constant 0 : i32
    %eq3A_170 = vector.broadcast %eq3A_169 : i32 to vector<16xi32>
    %eq3A_171 = arith.cmpi eq, %get3A_160, %eq3A_170 : vector<16xi32>
    %select_n3A_172 = arith.select %eq3A_171, %broadcast_in_dim3A_3, %broadcast_in_dim3A_1 : vector<16xi1>, vector<16xf32>
    %eq3A_173 = arith.constant 1 : i32
    %eq3A_174 = vector.broadcast %eq3A_173 : i32 to vector<16xi32>
    %eq3A_175 = arith.cmpi eq, %get3A_160, %eq3A_174 : vector<16xi32>
    %select_n3A_176 = arith.select %eq3A_175, %broadcast_in_dim3A_3, %broadcast_in_dim3A_1 : vector<16xi1>, vector<16xf32>
    %swap3A_177 = arith.constant 64 : index
    %swap3A_178 = tpu.vector_load %arg13[%swap3A_177] {strides = array<i32>} : memref<336xf32, #tpu.memory_space<vmem>>, vector<16xf32>,
    %swap3A_179 = vector.shape_cast %swap3A_178 : vector<16xf32> to vector<16xf32>
    %swap3A_180 = vector.shape_cast %select_n3A_172 : vector<16xf32> to vector<16xf32>
    tpu.vector_store %arg13[%swap3A_177], %swap3A_180 {strides = array<i32>} : memref<336xf32, #tpu.memory_space<vmem>>, vector<16xf32>,
    %swap3A_181 = arith.constant 64 : index
    %swap3A_182 = tpu.vector_load %arg14[%swap3A_181] {strides = array<i32>} : memref<336xf32, #tpu.memory_space<vmem>>, vector<16xf32>,
    %swap3A_183 = vector.shape_cast %swap3A_182 : vector<16xf32> to vector<16xf32>
    %swap3A_184 = vector.shape_cast %select_n3A_176 : vector<16xf32> to vector<16xf32>
    tpu.vector_store %arg14[%swap3A_181], %swap3A_184 {strides = array<i32>} : memref<336xf32, #tpu.memory_space<vmem>>, vector<16xf32>,
    %sub3A_185 = arith.subf %broadcast_in_dim3A_3, %select_n3A_168 : vector<16xf32>
    %mul3A_186 = arith.mulf %select_n3A_172, %sub3A_185 : vector<16xf32>
    %swap3A_187 = arith.constant 64 : index
    %swap3A_188 = tpu.vector_load %arg11[%swap3A_187] {strides = array<i32>} : memref<336xf32, #tpu.memory_space<vmem>>, vector<16xf32>,
    %swap3A_189 = vector.shape_cast %swap3A_188 : vector<16xf32> to vector<16xf32>
    %swap3A_190 = vector.shape_cast %mul3A_186 : vector<16xf32> to vector<16xf32>
    tpu.vector_store %arg11[%swap3A_187], %swap3A_190 {strides = array<i32>} : memref<336xf32, #tpu.memory_space<vmem>>, vector<16xf32>,
    %mul3A_191 = arith.mulf %select_n3A_176, %select_n3A_168 : vector<16xf32>
    %swap3A_192 = arith.constant 64 : index
    %swap3A_193 = tpu.vector_load %arg12[%swap3A_192] {strides = array<i32>} : memref<336xf32, #tpu.memory_space<vmem>>, vector<16xf32>,
    %swap3A_194 = vector.shape_cast %swap3A_193 : vector<16xf32> to vector<16xf32>
    %swap3A_195 = vector.shape_cast %mul3A_191 : vector<16xf32> to vector<16xf32>
    tpu.vector_store %arg12[%swap3A_192], %swap3A_195 {strides = array<i32>} : memref<336xf32, #tpu.memory_space<vmem>>, vector<16xf32>,
    %get3A_196 = arith.constant 80 : index
    %get3A_197 = tpu.vector_load %arg8[%get3A_196] {strides = array<i32>} : memref<336xi32, #tpu.memory_space<vmem>>, vector<16xi32>,
    %get3A_198 = vector.shape_cast %get3A_197 : vector<16xi32> to vector<16xi32>
    %get3A_199 = arith.constant 80 : index
    %get3A_200 = tpu.vector_load %arg9[%get3A_199] {strides = array<i32>} : memref<672xf32, #tpu.memory_space<vmem>>, vector<16xf32>,
    %get3A_201 = vector.shape_cast %get3A_200 : vector<16xf32> to vector<16xf32>
    %get3A_202 = arith.constant 416 : index
    %get3A_203 = tpu.vector_load %arg9[%get3A_202] {strides = array<i32>} : memref<672xf32, #tpu.memory_space<vmem>>, vector<16xf32>,
    %get3A_204 = vector.shape_cast %get3A_203 : vector<16xf32> to vector<16xf32>
    %gt3A_205 = arith.cmpf ogt, %get3A_204, %get3A_201 : vector<16xf32>
    %select_n3A_206 = arith.select %gt3A_205, %broadcast_in_dim3A_3, %broadcast_in_dim3A_1 : vector<16xi1>, vector<16xf32>
    %eq3A_207 = arith.constant 0 : i32
    %eq3A_208 = vector.broadcast %eq3A_207 : i32 to vector<16xi32>
    %eq3A_209 = arith.cmpi eq, %get3A_198, %eq3A_208 : vector<16xi32>
    %select_n3A_210 = arith.select %eq3A_209, %broadcast_in_dim3A_3, %broadcast_in_dim3A_1 : vector<16xi1>, vector<16xf32>
    %eq3A_211 = arith.constant 1 : i32
    %eq3A_212 = vector.broadcast %eq3A_211 : i32 to vector<16xi32>
    %eq3A_213 = arith.cmpi eq, %get3A_198, %eq3A_212 : vector<16xi32>
    %select_n3A_214 = arith.select %eq3A_213, %broadcast_in_dim3A_3, %broadcast_in_dim3A_1 : vector<16xi1>, vector<16xf32>
    %swap3A_215 = arith.constant 80 : index
    %swap3A_216 = tpu.vector_load %arg13[%swap3A_215] {strides = array<i32>} : memref<336xf32, #tpu.memory_space<vmem>>, vector<16xf32>,
    %swap3A_217 = vector.shape_cast %swap3A_216 : vector<16xf32> to vector<16xf32>
    %swap3A_218 = vector.shape_cast %select_n3A_210 : vector<16xf32> to vector<16xf32>
    tpu.vector_store %arg13[%swap3A_215], %swap3A_218 {strides = array<i32>} : memref<336xf32, #tpu.memory_space<vmem>>, vector<16xf32>,
    %swap3A_219 = arith.constant 80 : index
    %swap3A_220 = tpu.vector_load %arg14[%swap3A_219] {strides = array<i32>} : memref<336xf32, #tpu.memory_space<vmem>>, vector<16xf32>,
    %swap3A_221 = vector.shape_cast %swap3A_220 : vector<16xf32> to vector<16xf32>
    %swap3A_222 = vector.shape_cast %select_n3A_214 : vector<16xf32> to vector<16xf32>
    tpu.vector_store %arg14[%swap3A_219], %swap3A_222 {strides = array<i32>} : memref<336xf32, #tpu.memory_space<vmem>>, vector<16xf32>,
    %sub3A_223 = arith.subf %broadcast_in_dim3A_3, %select_n3A_206 : vector<16xf32>
    %mul3A_224 = arith.mulf %select_n3A_210, %sub3A_223 : vector<16xf32>
    %swap3A_225 = arith.constant 80 : index
    %swap3A_226 = tpu.vector_load %arg11[%swap3A_225] {strides = array<i32>} : memref<336xf32, #tpu.memory_space<vmem>>, vector<16xf32>,
    %swap3A_227 = vector.shape_cast %swap3A_226 : vector<16xf32> to vector<16xf32>
    %swap3A_228 = vector.shape_cast %mul3A_224 : vector<16xf32> to vector<16xf32>
    tpu.vector_store %arg11[%swap3A_225], %swap3A_228 {strides = array<i32>} : memref<336xf32, #tpu.memory_space<vmem>>, vector<16xf32>,
    %mul3A_229 = arith.mulf %select_n3A_214, %select_n3A_206 : vector<16xf32>
    %swap3A_230 = arith.constant 80 : index
    %swap3A_231 = tpu.vector_load %arg12[%swap3A_230] {strides = array<i32>} : memref<336xf32, #tpu.memory_space<vmem>>, vector<16xf32>,
    %swap3A_232 = vector.shape_cast %swap3A_231 : vector<16xf32> to vector<16xf32>
    %swap3A_233 = vector.shape_cast %mul3A_229 : vector<16xf32> to vector<16xf32>
    tpu.vector_store %arg12[%swap3A_230], %swap3A_233 {strides = array<i32>} : memref<336xf32, #tpu.memory_space<vmem>>, vector<16xf32>,
    %get3A_234 = arith.constant 96 : index
    %get3A_235 = tpu.vector_load %arg8[%get3A_234] {strides = array<i32>} : memref<336xi32, #tpu.memory_space<vmem>>, vector<16xi32>,
    %get3A_236 = vector.shape_cast %get3A_235 : vector<16xi32> to vector<16xi32>
    %get3A_237 = arith.constant 96 : index
    %get3A_238 = tpu.vector_load %arg9[%get3A_237] {strides = array<i32>} : memref<672xf32, #tpu.memory_space<vmem>>, vector<16xf32>,
    %get3A_239 = vector.shape_cast %get3A_238 : vector<16xf32> to vector<16xf32>
    %get3A_240 = arith.constant 432 : index
    %get3A_241 = tpu.vector_load %arg9[%get3A_240] {strides = array<i32>} : memref<672xf32, #tpu.memory_space<vmem>>, vector<16xf32>,
    %get3A_242 = vector.shape_cast %get3A_241 : vector<16xf32> to vector<16xf32>
    %gt3A_243 = arith.cmpf ogt, %get3A_242, %get3A_239 : vector<16xf32>
    %select_n3A_244 = arith.select %gt3A_243, %broadcast_in_dim3A_3, %broadcast_in_dim3A_1 : vector<16xi1>, vector<16xf32>
    %eq3A_245 = arith.constant 0 : i32
    %eq3A_246 = vector.broadcast %eq3A_245 : i32 to vector<16xi32>
    %eq3A_247 = arith.cmpi eq, %get3A_236, %eq3A_246 : vector<16xi32>
    %select_n3A_248 = arith.select %eq3A_247, %broadcast_in_dim3A_3, %broadcast_in_dim3A_1 : vector<16xi1>, vector<16xf32>
    %eq3A_249 = arith.constant 1 : i32
    %eq3A_250 = vector.broadcast %eq3A_249 : i32 to vector<16xi32>
    %eq3A_251 = arith.cmpi eq, %get3A_236, %eq3A_250 : vector<16xi32>
    %select_n3A_252 = arith.select %eq3A_251, %broadcast_in_dim3A_3, %broadcast_in_dim3A_1 : vector<16xi1>, vector<16xf32>
    %swap3A_253 = arith.constant 96 : index
    %swap3A_254 = tpu.vector_load %arg13[%swap3A_253] {strides = array<i32>} : memref<336xf32, #tpu.memory_space<vmem>>, vector<16xf32>,
    %swap3A_255 = vector.shape_cast %swap3A_254 : vector<16xf32> to vector<16xf32>
    %swap3A_256 = vector.shape_cast %select_n3A_248 : vector<16xf32> to vector<16xf32>
    tpu.vector_store %arg13[%swap3A_253], %swap3A_256 {strides = array<i32>} : memref<336xf32, #tpu.memory_space<vmem>>, vector<16xf32>,
    %swap3A_257 = arith.constant 96 : index
    %swap3A_258 = tpu.vector_load %arg14[%swap3A_257] {strides = array<i32>} : memref<336xf32, #tpu.memory_space<vmem>>, vector<16xf32>,
    %swap3A_259 = vector.shape_cast %swap3A_258 : vector<16xf32> to vector<16xf32>
    %swap3A_260 = vector.shape_cast %select_n3A_252 : vector<16xf32> to vector<16xf32>
    tpu.vector_store %arg14[%swap3A_257], %swap3A_260 {strides = array<i32>} : memref<336xf32, #tpu.memory_space<vmem>>, vector<16xf32>,
    %sub3A_261 = arith.subf %broadcast_in_dim3A_3, %select_n3A_244 : vector<16xf32>
    %mul3A_262 = arith.mulf %select_n3A_248, %sub3A_261 : vector<16xf32>
    %swap3A_263 = arith.constant 96 : index
    %swap3A_264 = tpu.vector_load %arg11[%swap3A_263] {strides = array<i32>} : memref<336xf32, #tpu.memory_space<vmem>>, vector<16xf32>,
    %swap3A_265 = vector.shape_cast %swap3A_264 : vector<16xf32> to vector<16xf32>
    %swap3A_266 = vector.shape_cast %mul3A_262 : vector<16xf32> to vector<16xf32>
    tpu.vector_store %arg11[%swap3A_263], %swap3A_266 {strides = array<i32>} : memref<336xf32, #tpu.memory_space<vmem>>, vector<16xf32>,
    %mul3A_267 = arith.mulf %select_n3A_252, %select_n3A_244 : vector<16xf32>
    %swap3A_268 = arith.constant 96 : index
    %swap3A_269 = tpu.vector_load %arg12[%swap3A_268] {strides = array<i32>} : memref<336xf32, #tpu.memory_space<vmem>>, vector<16xf32>,
    %swap3A_270 = vector.shape_cast %swap3A_269 : vector<16xf32> to vector<16xf32>
    %swap3A_271 = vector.shape_cast %mul3A_267 : vector<16xf32> to vector<16xf32>
    tpu.vector_store %arg12[%swap3A_268], %swap3A_271 {strides = array<i32>} : memref<336xf32, #tpu.memory_space<vmem>>, vector<16xf32>,
    %get3A_272 = arith.constant 112 : index
    %get3A_273 = tpu.vector_load %arg8[%get3A_272] {strides = array<i32>} : memref<336xi32, #tpu.memory_space<vmem>>, vector<16xi32>,
    %get3A_274 = vector.shape_cast %get3A_273 : vector<16xi32> to vector<16xi32>
    %get3A_275 = arith.constant 112 : index
    %get3A_276 = tpu.vector_load %arg9[%get3A_275] {strides = array<i32>} : memref<672xf32, #tpu.memory_space<vmem>>, vector<16xf32>,
    %get3A_277 = vector.shape_cast %get3A_276 : vector<16xf32> to vector<16xf32>
    %get3A_278 = arith.constant 448 : index
    %get3A_279 = tpu.vector_load %arg9[%get3A_278] {strides = array<i32>} : memref<672xf32, #tpu.memory_space<vmem>>, vector<16xf32>,
    %get3A_280 = vector.shape_cast %get3A_279 : vector<16xf32> to vector<16xf32>
    %gt3A_281 = arith.cmpf ogt, %get3A_280, %get3A_277 : vector<16xf32>
    %select_n3A_282 = arith.select %gt3A_281, %broadcast_in_dim3A_3, %broadcast_in_dim3A_1 : vector<16xi1>, vector<16xf32>
    %eq3A_283 = arith.constant 0 : i32
    %eq3A_284 = vector.broadcast %eq3A_283 : i32 to vector<16xi32>
    %eq3A_285 = arith.cmpi eq, %get3A_274, %eq3A_284 : vector<16xi32>
    %select_n3A_286 = arith.select %eq3A_285, %broadcast_in_dim3A_3, %broadcast_in_dim3A_1 : vector<16xi1>, vector<16xf32>
    %eq3A_287 = arith.constant 1 : i32
    %eq3A_288 = vector.broadcast %eq3A_287 : i32 to vector<16xi32>
    %eq3A_289 = arith.cmpi eq, %get3A_274, %eq3A_288 : vector<16xi32>
    %select_n3A_290 = arith.select %eq3A_289, %broadcast_in_dim3A_3, %broadcast_in_dim3A_1 : vector<16xi1>, vector<16xf32>
    %swap3A_291 = arith.constant 112 : index
    %swap3A_292 = tpu.vector_load %arg13[%swap3A_291] {strides = array<i32>} : memref<336xf32, #tpu.memory_space<vmem>>, vector<16xf32>,
    %swap3A_293 = vector.shape_cast %swap3A_292 : vector<16xf32> to vector<16xf32>
    %swap3A_294 = vector.shape_cast %select_n3A_286 : vector<16xf32> to vector<16xf32>
    tpu.vector_store %arg13[%swap3A_291], %swap3A_294 {strides = array<i32>} : memref<336xf32, #tpu.memory_space<vmem>>, vector<16xf32>,
    %swap3A_295 = arith.constant 112 : index
    %swap3A_296 = tpu.vector_load %arg14[%swap3A_295] {strides = array<i32>} : memref<336xf32, #tpu.memory_space<vmem>>, vector<16xf32>,
    %swap3A_297 = vector.shape_cast %swap3A_296 : vector<16xf32> to vector<16xf32>
    %swap3A_298 = vector.shape_cast %select_n3A_290 : vector<16xf32> to vector<16xf32>
    tpu.vector_store %arg14[%swap3A_295], %swap3A_298 {strides = array<i32>} : memref<336xf32, #tpu.memory_space<vmem>>, vector<16xf32>,
    %sub3A_299 = arith.subf %broadcast_in_dim3A_3, %select_n3A_282 : vector<16xf32>
    %mul3A_300 = arith.mulf %select_n3A_286, %sub3A_299 : vector<16xf32>
    %swap3A_301 = arith.constant 112 : index
    %swap3A_302 = tpu.vector_load %arg11[%swap3A_301] {strides = array<i32>} : memref<336xf32, #tpu.memory_space<vmem>>, vector<16xf32>,
    %swap3A_303 = vector.shape_cast %swap3A_302 : vector<16xf32> to vector<16xf32>
    %swap3A_304 = vector.shape_cast %mul3A_300 : vector<16xf32> to vector<16xf32>
    tpu.vector_store %arg11[%swap3A_301], %swap3A_304 {strides = array<i32>} : memref<336xf32, #tpu.memory_space<vmem>>, vector<16xf32>,
    %mul3A_305 = arith.mulf %select_n3A_290, %select_n3A_282 : vector<16xf32>
    %swap3A_306 = arith.constant 112 : index
    %swap3A_307 = tpu.vector_load %arg12[%swap3A_306] {strides = array<i32>} : memref<336xf32, #tpu.memory_space<vmem>>, vector<16xf32>,
    %swap3A_308 = vector.shape_cast %swap3A_307 : vector<16xf32> to vector<16xf32>
    %swap3A_309 = vector.shape_cast %mul3A_305 : vector<16xf32> to vector<16xf32>
    tpu.vector_store %arg12[%swap3A_306], %swap3A_309 {strides = array<i32>} : memref<336xf32, #tpu.memory_space<vmem>>, vector<16xf32>,
    %get3A_310 = arith.constant 128 : index
    %get3A_311 = tpu.vector_load %arg8[%get3A_310] {strides = array<i32>} : memref<336xi32, #tpu.memory_space<vmem>>, vector<16xi32>,
    %get3A_312 = vector.shape_cast %get3A_311 : vector<16xi32> to vector<16xi32>
    %get3A_313 = arith.constant 128 : index
    %get3A_314 = tpu.vector_load %arg9[%get3A_313] {strides = array<i32>} : memref<672xf32, #tpu.memory_space<vmem>>, vector<16xf32>,
    %get3A_315 = vector.shape_cast %get3A_314 : vector<16xf32> to vector<16xf32>
    %get3A_316 = arith.constant 464 : index
    %get3A_317 = tpu.vector_load %arg9[%get3A_316] {strides = array<i32>} : memref<672xf32, #tpu.memory_space<vmem>>, vector<16xf32>,
    %get3A_318 = vector.shape_cast %get3A_317 : vector<16xf32> to vector<16xf32>
    %gt3A_319 = arith.cmpf ogt, %get3A_318, %get3A_315 : vector<16xf32>
    %select_n3A_320 = arith.select %gt3A_319, %broadcast_in_dim3A_3, %broadcast_in_dim3A_1 : vector<16xi1>, vector<16xf32>
    %eq3A_321 = arith.constant 0 : i32
    %eq3A_322 = vector.broadcast %eq3A_321 : i32 to vector<16xi32>
    %eq3A_323 = arith.cmpi eq, %get3A_312, %eq3A_322 : vector<16xi32>
    %select_n3A_324 = arith.select %eq3A_323, %broadcast_in_dim3A_3, %broadcast_in_dim3A_1 : vector<16xi1>, vector<16xf32>
    %eq3A_325 = arith.constant 1 : i32
    %eq3A_326 = vector.broadcast %eq3A_325 : i32 to vector<16xi32>
    %eq3A_327 = arith.cmpi eq, %get3A_312, %eq3A_326 : vector<16xi32>
    %select_n3A_328 = arith.select %eq3A_327, %broadcast_in_dim3A_3, %broadcast_in_dim3A_1 : vector<16xi1>, vector<16xf32>
    %swap3A_329 = arith.constant 128 : index
    %swap3A_330 = tpu.vector_load %arg13[%swap3A_329] {strides = array<i32>} : memref<336xf32, #tpu.memory_space<vmem>>, vector<16xf32>,
    %swap3A_331 = vector.shape_cast %swap3A_330 : vector<16xf32> to vector<16xf32>
    %swap3A_332 = vector.shape_cast %select_n3A_324 : vector<16xf32> to vector<16xf32>
    tpu.vector_store %arg13[%swap3A_329], %swap3A_332 {strides = array<i32>} : memref<336xf32, #tpu.memory_space<vmem>>, vector<16xf32>,
    %swap3A_333 = arith.constant 128 : index
    %swap3A_334 = tpu.vector_load %arg14[%swap3A_333] {strides = array<i32>} : memref<336xf32, #tpu.memory_space<vmem>>, vector<16xf32>,
    %swap3A_335 = vector.shape_cast %swap3A_334 : vector<16xf32> to vector<16xf32>
    %swap3A_336 = vector.shape_cast %select_n3A_328 : vector<16xf32> to vector<16xf32>
    tpu.vector_store %arg14[%swap3A_333], %swap3A_336 {strides = array<i32>} : memref<336xf32, #tpu.memory_space<vmem>>, vector<16xf32>,
    %sub3A_337 = arith.subf %broadcast_in_dim3A_3, %select_n3A_320 : vector<16xf32>
    %mul3A_338 = arith.mulf %select_n3A_324, %sub3A_337 : vector<16xf32>
    %swap3A_339 = arith.constant 128 : index
    %swap3A_340 = tpu.vector_load %arg11[%swap3A_339] {strides = array<i32>} : memref<336xf32, #tpu.memory_space<vmem>>, vector<16xf32>,
    %swap3A_341 = vector.shape_cast %swap3A_340 : vector<16xf32> to vector<16xf32>
    %swap3A_342 = vector.shape_cast %mul3A_338 : vector<16xf32> to vector<16xf32>
    tpu.vector_store %arg11[%swap3A_339], %swap3A_342 {strides = array<i32>} : memref<336xf32, #tpu.memory_space<vmem>>, vector<16xf32>,
    %mul3A_343 = arith.mulf %select_n3A_328, %select_n3A_320 : vector<16xf32>
    %swap3A_344 = arith.constant 128 : index
    %swap3A_345 = tpu.vector_load %arg12[%swap3A_344] {strides = array<i32>} : memref<336xf32, #tpu.memory_space<vmem>>, vector<16xf32>,
    %swap3A_346 = vector.shape_cast %swap3A_345 : vector<16xf32> to vector<16xf32>
    %swap3A_347 = vector.shape_cast %mul3A_343 : vector<16xf32> to vector<16xf32>
    tpu.vector_store %arg12[%swap3A_344], %swap3A_347 {strides = array<i32>} : memref<336xf32, #tpu.memory_space<vmem>>, vector<16xf32>,
    %get3A_348 = arith.constant 144 : index
    %get3A_349 = tpu.vector_load %arg8[%get3A_348] {strides = array<i32>} : memref<336xi32, #tpu.memory_space<vmem>>, vector<16xi32>,
    %get3A_350 = vector.shape_cast %get3A_349 : vector<16xi32> to vector<16xi32>
    %get3A_351 = arith.constant 144 : index
    %get3A_352 = tpu.vector_load %arg9[%get3A_351] {strides = array<i32>} : memref<672xf32, #tpu.memory_space<vmem>>, vector<16xf32>,
    %get3A_353 = vector.shape_cast %get3A_352 : vector<16xf32> to vector<16xf32>
    %get3A_354 = arith.constant 480 : index
    %get3A_355 = tpu.vector_load %arg9[%get3A_354] {strides = array<i32>} : memref<672xf32, #tpu.memory_space<vmem>>, vector<16xf32>,
    %get3A_356 = vector.shape_cast %get3A_355 : vector<16xf32> to vector<16xf32>
    %gt3A_357 = arith.cmpf ogt, %get3A_356, %get3A_353 : vector<16xf32>
    %select_n3A_358 = arith.select %gt3A_357, %broadcast_in_dim3A_3, %broadcast_in_dim3A_1 : vector<16xi1>, vector<16xf32>
    %eq3A_359 = arith.constant 0 : i32
    %eq3A_360 = vector.broadcast %eq3A_359 : i32 to vector<16xi32>
    %eq3A_361 = arith.cmpi eq, %get3A_350, %eq3A_360 : vector<16xi32>
    %select_n3A_362 = arith.select %eq3A_361, %broadcast_in_dim3A_3, %broadcast_in_dim3A_1 : vector<16xi1>, vector<16xf32>
    %eq3A_363 = arith.constant 1 : i32
    %eq3A_364 = vector.broadcast %eq3A_363 : i32 to vector<16xi32>
    %eq3A_365 = arith.cmpi eq, %get3A_350, %eq3A_364 : vector<16xi32>
    %select_n3A_366 = arith.select %eq3A_365, %broadcast_in_dim3A_3, %broadcast_in_dim3A_1 : vector<16xi1>, vector<16xf32>
    %swap3A_367 = arith.constant 144 : index
    %swap3A_368 = tpu.vector_load %arg13[%swap3A_367] {strides = array<i32>} : memref<336xf32, #tpu.memory_space<vmem>>, vector<16xf32>,
    %swap3A_369 = vector.shape_cast %swap3A_368 : vector<16xf32> to vector<16xf32>
    %swap3A_370 = vector.shape_cast %select_n3A_362 : vector<16xf32> to vector<16xf32>
    tpu.vector_store %arg13[%swap3A_367], %swap3A_370 {strides = array<i32>} : memref<336xf32, #tpu.memory_space<vmem>>, vector<16xf32>,
    %swap3A_371 = arith.constant 144 : index
    %swap3A_372 = tpu.vector_load %arg14[%swap3A_371] {strides = array<i32>} : memref<336xf32, #tpu.memory_space<vmem>>, vector<16xf32>,
    %swap3A_373 = vector.shape_cast %swap3A_372 : vector<16xf32> to vector<16xf32>
    %swap3A_374 = vector.shape_cast %select_n3A_366 : vector<16xf32> to vector<16xf32>
    tpu.vector_store %arg14[%swap3A_371], %swap3A_374 {strides = array<i32>} : memref<336xf32, #tpu.memory_space<vmem>>, vector<16xf32>,
    %sub3A_375 = arith.subf %broadcast_in_dim3A_3, %select_n3A_358 : vector<16xf32>
    %mul3A_376 = arith.mulf %select_n3A_362, %sub3A_375 : vector<16xf32>
    %swap3A_377 = arith.constant 144 : index
    %swap3A_378 = tpu.vector_load %arg11[%swap3A_377] {strides = array<i32>} : memref<336xf32, #tpu.memory_space<vmem>>, vector<16xf32>,
    %swap3A_379 = vector.shape_cast %swap3A_378 : vector<16xf32> to vector<16xf32>
    %swap3A_380 = vector.shape_cast %mul3A_376 : vector<16xf32> to vector<16xf32>
    tpu.vector_store %arg11[%swap3A_377], %swap3A_380 {strides = array<i32>} : memref<336xf32, #tpu.memory_space<vmem>>, vector<16xf32>,
    %mul3A_381 = arith.mulf %select_n3A_366, %select_n3A_358 : vector<16xf32>
    %swap3A_382 = arith.constant 144 : index
    %swap3A_383 = tpu.vector_load %arg12[%swap3A_382] {strides = array<i32>} : memref<336xf32, #tpu.memory_space<vmem>>, vector<16xf32>,
    %swap3A_384 = vector.shape_cast %swap3A_383 : vector<16xf32> to vector<16xf32>
    %swap3A_385 = vector.shape_cast %mul3A_381 : vector<16xf32> to vector<16xf32>
    tpu.vector_store %arg12[%swap3A_382], %swap3A_385 {strides = array<i32>} : memref<336xf32, #tpu.memory_space<vmem>>, vector<16xf32>,
    %get3A_386 = arith.constant 160 : index
    %get3A_387 = tpu.vector_load %arg8[%get3A_386] {strides = array<i32>} : memref<336xi32, #tpu.memory_space<vmem>>, vector<16xi32>,
    %get3A_388 = vector.shape_cast %get3A_387 : vector<16xi32> to vector<16xi32>
    %get3A_389 = arith.constant 160 : index
    %get3A_390 = tpu.vector_load %arg9[%get3A_389] {strides = array<i32>} : memref<672xf32, #tpu.memory_space<vmem>>, vector<16xf32>,
    %get3A_391 = vector.shape_cast %get3A_390 : vector<16xf32> to vector<16xf32>
    %get3A_392 = arith.constant 496 : index
    %get3A_393 = tpu.vector_load %arg9[%get3A_392] {strides = array<i32>} : memref<672xf32, #tpu.memory_space<vmem>>, vector<16xf32>,
    %get3A_394 = vector.shape_cast %get3A_393 : vector<16xf32> to vector<16xf32>
    %gt3A_395 = arith.cmpf ogt, %get3A_394, %get3A_391 : vector<16xf32>
    %select_n3A_396 = arith.select %gt3A_395, %broadcast_in_dim3A_3, %broadcast_in_dim3A_1 : vector<16xi1>, vector<16xf32>
    %eq3A_397 = arith.constant 0 : i32
    %eq3A_398 = vector.broadcast %eq3A_397 : i32 to vector<16xi32>
    %eq3A_399 = arith.cmpi eq, %get3A_388, %eq3A_398 : vector<16xi32>
    %select_n3A_400 = arith.select %eq3A_399, %broadcast_in_dim3A_3, %broadcast_in_dim3A_1 : vector<16xi1>, vector<16xf32>
    %eq3A_401 = arith.constant 1 : i32
    %eq3A_402 = vector.broadcast %eq3A_401 : i32 to vector<16xi32>
    %eq3A_403 = arith.cmpi eq, %get3A_388, %eq3A_402 : vector<16xi32>
    %select_n3A_404 = arith.select %eq3A_403, %broadcast_in_dim3A_3, %broadcast_in_dim3A_1 : vector<16xi1>, vector<16xf32>
    %swap3A_405 = arith.constant 160 : index
    %swap3A_406 = tpu.vector_load %arg13[%swap3A_405] {strides = array<i32>} : memref<336xf32, #tpu.memory_space<vmem>>, vector<16xf32>,
    %swap3A_407 = vector.shape_cast %swap3A_406 : vector<16xf32> to vector<16xf32>
    %swap3A_408 = vector.shape_cast %select_n3A_400 : vector<16xf32> to vector<16xf32>
    tpu.vector_store %arg13[%swap3A_405], %swap3A_408 {strides = array<i32>} : memref<336xf32, #tpu.memory_space<vmem>>, vector<16xf32>,
    %swap3A_409 = arith.constant 160 : index
    %swap3A_410 = tpu.vector_load %arg14[%swap3A_409] {strides = array<i32>} : memref<336xf32, #tpu.memory_space<vmem>>, vector<16xf32>,
    %swap3A_411 = vector.shape_cast %swap3A_410 : vector<16xf32> to vector<16xf32>
    %swap3A_412 = vector.shape_cast %select_n3A_404 : vector<16xf32> to vector<16xf32>
    tpu.vector_store %arg14[%swap3A_409], %swap3A_412 {strides = array<i32>} : memref<336xf32, #tpu.memory_space<vmem>>, vector<16xf32>,
    %sub3A_413 = arith.subf %broadcast_in_dim3A_3, %select_n3A_396 : vector<16xf32>
    %mul3A_414 = arith.mulf %select_n3A_400, %sub3A_413 : vector<16xf32>
    %swap3A_415 = arith.constant 160 : index
    %swap3A_416 = tpu.vector_load %arg11[%swap3A_415] {strides = array<i32>} : memref<336xf32, #tpu.memory_space<vmem>>, vector<16xf32>,
    %swap3A_417 = vector.shape_cast %swap3A_416 : vector<16xf32> to vector<16xf32>
    %swap3A_418 = vector.shape_cast %mul3A_414 : vector<16xf32> to vector<16xf32>
    tpu.vector_store %arg11[%swap3A_415], %swap3A_418 {strides = array<i32>} : memref<336xf32, #tpu.memory_space<vmem>>, vector<16xf32>,
    %mul3A_419 = arith.mulf %select_n3A_404, %select_n3A_396 : vector<16xf32>
    %swap3A_420 = arith.constant 160 : index
    %swap3A_421 = tpu.vector_load %arg12[%swap3A_420] {strides = array<i32>} : memref<336xf32, #tpu.memory_space<vmem>>, vector<16xf32>,
    %swap3A_422 = vector.shape_cast %swap3A_421 : vector<16xf32> to vector<16xf32>
    %swap3A_423 = vector.shape_cast %mul3A_419 : vector<16xf32> to vector<16xf32>
    tpu.vector_store %arg12[%swap3A_420], %swap3A_423 {strides = array<i32>} : memref<336xf32, #tpu.memory_space<vmem>>, vector<16xf32>,
    %get3A_424 = arith.constant 176 : index
    %get3A_425 = tpu.vector_load %arg8[%get3A_424] {strides = array<i32>} : memref<336xi32, #tpu.memory_space<vmem>>, vector<16xi32>,
    %get3A_426 = vector.shape_cast %get3A_425 : vector<16xi32> to vector<16xi32>
    %get3A_427 = arith.constant 176 : index
    %get3A_428 = tpu.vector_load %arg9[%get3A_427] {strides = array<i32>} : memref<672xf32, #tpu.memory_space<vmem>>, vector<16xf32>,
    %get3A_429 = vector.shape_cast %get3A_428 : vector<16xf32> to vector<16xf32>
    %get3A_430 = arith.constant 512 : index
    %get3A_431 = tpu.vector_load %arg9[%get3A_430] {strides = array<i32>} : memref<672xf32, #tpu.memory_space<vmem>>, vector<16xf32>,
    %get3A_432 = vector.shape_cast %get3A_431 : vector<16xf32> to vector<16xf32>
    %gt3A_433 = arith.cmpf ogt, %get3A_432, %get3A_429 : vector<16xf32>
    %select_n3A_434 = arith.select %gt3A_433, %broadcast_in_dim3A_3, %broadcast_in_dim3A_1 : vector<16xi1>, vector<16xf32>
    %eq3A_435 = arith.constant 0 : i32
    %eq3A_436 = vector.broadcast %eq3A_435 : i32 to vector<16xi32>
    %eq3A_437 = arith.cmpi eq, %get3A_426, %eq3A_436 : vector<16xi32>
    %select_n3A_438 = arith.select %eq3A_437, %broadcast_in_dim3A_3, %broadcast_in_dim3A_1 : vector<16xi1>, vector<16xf32>
    %eq3A_439 = arith.constant 1 : i32
    %eq3A_440 = vector.broadcast %eq3A_439 : i32 to vector<16xi32>
    %eq3A_441 = arith.cmpi eq, %get3A_426, %eq3A_440 : vector<16xi32>
    %select_n3A_442 = arith.select %eq3A_441, %broadcast_in_dim3A_3, %broadcast_in_dim3A_1 : vector<16xi1>, vector<16xf32>
    %swap3A_443 = arith.constant 176 : index
    %swap3A_444 = tpu.vector_load %arg13[%swap3A_443] {strides = array<i32>} : memref<336xf32, #tpu.memory_space<vmem>>, vector<16xf32>,
    %swap3A_445 = vector.shape_cast %swap3A_444 : vector<16xf32> to vector<16xf32>
    %swap3A_446 = vector.shape_cast %select_n3A_438 : vector<16xf32> to vector<16xf32>
    tpu.vector_store %arg13[%swap3A_443], %swap3A_446 {strides = array<i32>} : memref<336xf32, #tpu.memory_space<vmem>>, vector<16xf32>,
    %swap3A_447 = arith.constant 176 : index
    %swap3A_448 = tpu.vector_load %arg14[%swap3A_447] {strides = array<i32>} : memref<336xf32, #tpu.memory_space<vmem>>, vector<16xf32>,
    %swap3A_449 = vector.shape_cast %swap3A_448 : vector<16xf32> to vector<16xf32>
    %swap3A_450 = vector.shape_cast %select_n3A_442 : vector<16xf32> to vector<16xf32>
    tpu.vector_store %arg14[%swap3A_447], %swap3A_450 {strides = array<i32>} : memref<336xf32, #tpu.memory_space<vmem>>, vector<16xf32>,
    %sub3A_451 = arith.subf %broadcast_in_dim3A_3, %select_n3A_434 : vector<16xf32>
    %mul3A_452 = arith.mulf %select_n3A_438, %sub3A_451 : vector<16xf32>
    %swap3A_453 = arith.constant 176 : index
    %swap3A_454 = tpu.vector_load %arg11[%swap3A_453] {strides = array<i32>} : memref<336xf32, #tpu.memory_space<vmem>>, vector<16xf32>,
    %swap3A_455 = vector.shape_cast %swap3A_454 : vector<16xf32> to vector<16xf32>
    %swap3A_456 = vector.shape_cast %mul3A_452 : vector<16xf32> to vector<16xf32>
    tpu.vector_store %arg11[%swap3A_453], %swap3A_456 {strides = array<i32>} : memref<336xf32, #tpu.memory_space<vmem>>, vector<16xf32>,
    %mul3A_457 = arith.mulf %select_n3A_442, %select_n3A_434 : vector<16xf32>
    %swap3A_458 = arith.constant 176 : index
    %swap3A_459 = tpu.vector_load %arg12[%swap3A_458] {strides = array<i32>} : memref<336xf32, #tpu.memory_space<vmem>>, vector<16xf32>,
    %swap3A_460 = vector.shape_cast %swap3A_459 : vector<16xf32> to vector<16xf32>
    %swap3A_461 = vector.shape_cast %mul3A_457 : vector<16xf32> to vector<16xf32>
    tpu.vector_store %arg12[%swap3A_458], %swap3A_461 {strides = array<i32>} : memref<336xf32, #tpu.memory_space<vmem>>, vector<16xf32>,
    %get3A_462 = arith.constant 192 : index
    %get3A_463 = tpu.vector_load %arg8[%get3A_462] {strides = array<i32>} : memref<336xi32, #tpu.memory_space<vmem>>, vector<16xi32>,
    %get3A_464 = vector.shape_cast %get3A_463 : vector<16xi32> to vector<16xi32>
    %get3A_465 = arith.constant 192 : index
    %get3A_466 = tpu.vector_load %arg9[%get3A_465] {strides = array<i32>} : memref<672xf32, #tpu.memory_space<vmem>>, vector<16xf32>,
    %get3A_467 = vector.shape_cast %get3A_466 : vector<16xf32> to vector<16xf32>
    %get3A_468 = arith.constant 528 : index
    %get3A_469 = tpu.vector_load %arg9[%get3A_468] {strides = array<i32>} : memref<672xf32, #tpu.memory_space<vmem>>, vector<16xf32>,
    %get3A_470 = vector.shape_cast %get3A_469 : vector<16xf32> to vector<16xf32>
    %gt3A_471 = arith.cmpf ogt, %get3A_470, %get3A_467 : vector<16xf32>
    %select_n3A_472 = arith.select %gt3A_471, %broadcast_in_dim3A_3, %broadcast_in_dim3A_1 : vector<16xi1>, vector<16xf32>
    %eq3A_473 = arith.constant 0 : i32
    %eq3A_474 = vector.broadcast %eq3A_473 : i32 to vector<16xi32>
    %eq3A_475 = arith.cmpi eq, %get3A_464, %eq3A_474 : vector<16xi32>
    %select_n3A_476 = arith.select %eq3A_475, %broadcast_in_dim3A_3, %broadcast_in_dim3A_1 : vector<16xi1>, vector<16xf32>
    %eq3A_477 = arith.constant 1 : i32
    %eq3A_478 = vector.broadcast %eq3A_477 : i32 to vector<16xi32>
    %eq3A_479 = arith.cmpi eq, %get3A_464, %eq3A_478 : vector<16xi32>
    %select_n3A_480 = arith.select %eq3A_479, %broadcast_in_dim3A_3, %broadcast_in_dim3A_1 : vector<16xi1>, vector<16xf32>
    %swap3A_481 = arith.constant 192 : index
    %swap3A_482 = tpu.vector_load %arg13[%swap3A_481] {strides = array<i32>} : memref<336xf32, #tpu.memory_space<vmem>>, vector<16xf32>,
    %swap3A_483 = vector.shape_cast %swap3A_482 : vector<16xf32> to vector<16xf32>
    %swap3A_484 = vector.shape_cast %select_n3A_476 : vector<16xf32> to vector<16xf32>
    tpu.vector_store %arg13[%swap3A_481], %swap3A_484 {strides = array<i32>} : memref<336xf32, #tpu.memory_space<vmem>>, vector<16xf32>,
    %swap3A_485 = arith.constant 192 : index
    %swap3A_486 = tpu.vector_load %arg14[%swap3A_485] {strides = array<i32>} : memref<336xf32, #tpu.memory_space<vmem>>, vector<16xf32>,
    %swap3A_487 = vector.shape_cast %swap3A_486 : vector<16xf32> to vector<16xf32>
    %swap3A_488 = vector.shape_cast %select_n3A_480 : vector<16xf32> to vector<16xf32>
    tpu.vector_store %arg14[%swap3A_485], %swap3A_488 {strides = array<i32>} : memref<336xf32, #tpu.memory_space<vmem>>, vector<16xf32>,
    %sub3A_489 = arith.subf %broadcast_in_dim3A_3, %select_n3A_472 : vector<16xf32>
    %mul3A_490 = arith.mulf %select_n3A_476, %sub3A_489 : vector<16xf32>
    %swap3A_491 = arith.constant 192 : index
    %swap3A_492 = tpu.vector_load %arg11[%swap3A_491] {strides = array<i32>} : memref<336xf32, #tpu.memory_space<vmem>>, vector<16xf32>,
    %swap3A_493 = vector.shape_cast %swap3A_492 : vector<16xf32> to vector<16xf32>
    %swap3A_494 = vector.shape_cast %mul3A_490 : vector<16xf32> to vector<16xf32>
    tpu.vector_store %arg11[%swap3A_491], %swap3A_494 {strides = array<i32>} : memref<336xf32, #tpu.memory_space<vmem>>, vector<16xf32>,
    %mul3A_495 = arith.mulf %select_n3A_480, %select_n3A_472 : vector<16xf32>
    %swap3A_496 = arith.constant 192 : index
    %swap3A_497 = tpu.vector_load %arg12[%swap3A_496] {strides = array<i32>} : memref<336xf32, #tpu.memory_space<vmem>>, vector<16xf32>,
    %swap3A_498 = vector.shape_cast %swap3A_497 : vector<16xf32> to vector<16xf32>
    %swap3A_499 = vector.shape_cast %mul3A_495 : vector<16xf32> to vector<16xf32>
    tpu.vector_store %arg12[%swap3A_496], %swap3A_499 {strides = array<i32>} : memref<336xf32, #tpu.memory_space<vmem>>, vector<16xf32>,
    %get3A_500 = arith.constant 208 : index
    %get3A_501 = tpu.vector_load %arg8[%get3A_500] {strides = array<i32>} : memref<336xi32, #tpu.memory_space<vmem>>, vector<16xi32>,
    %get3A_502 = vector.shape_cast %get3A_501 : vector<16xi32> to vector<16xi32>
    %get3A_503 = arith.constant 208 : index
    %get3A_504 = tpu.vector_load %arg9[%get3A_503] {strides = array<i32>} : memref<672xf32, #tpu.memory_space<vmem>>, vector<16xf32>,
    %get3A_505 = vector.shape_cast %get3A_504 : vector<16xf32> to vector<16xf32>
    %get3A_506 = arith.constant 544 : index
    %get3A_507 = tpu.vector_load %arg9[%get3A_506] {strides = array<i32>} : memref<672xf32, #tpu.memory_space<vmem>>, vector<16xf32>,
    %get3A_508 = vector.shape_cast %get3A_507 : vector<16xf32> to vector<16xf32>
    %gt3A_509 = arith.cmpf ogt, %get3A_508, %get3A_505 : vector<16xf32>
    %select_n3A_510 = arith.select %gt3A_509, %broadcast_in_dim3A_3, %broadcast_in_dim3A_1 : vector<16xi1>, vector<16xf32>
    %eq3A_511 = arith.constant 0 : i32
    %eq3A_512 = vector.broadcast %eq3A_511 : i32 to vector<16xi32>
    %eq3A_513 = arith.cmpi eq, %get3A_502, %eq3A_512 : vector<16xi32>
    %select_n3A_514 = arith.select %eq3A_513, %broadcast_in_dim3A_3, %broadcast_in_dim3A_1 : vector<16xi1>, vector<16xf32>
    %eq3A_515 = arith.constant 1 : i32
    %eq3A_516 = vector.broadcast %eq3A_515 : i32 to vector<16xi32>
    %eq3A_517 = arith.cmpi eq, %get3A_502, %eq3A_516 : vector<16xi32>
    %select_n3A_518 = arith.select %eq3A_517, %broadcast_in_dim3A_3, %broadcast_in_dim3A_1 : vector<16xi1>, vector<16xf32>
    %swap3A_519 = arith.constant 208 : index
    %swap3A_520 = tpu.vector_load %arg13[%swap3A_519] {strides = array<i32>} : memref<336xf32, #tpu.memory_space<vmem>>, vector<16xf32>,
    %swap3A_521 = vector.shape_cast %swap3A_520 : vector<16xf32> to vector<16xf32>
    %swap3A_522 = vector.shape_cast %select_n3A_514 : vector<16xf32> to vector<16xf32>
    tpu.vector_store %arg13[%swap3A_519], %swap3A_522 {strides = array<i32>} : memref<336xf32, #tpu.memory_space<vmem>>, vector<16xf32>,
    %swap3A_523 = arith.constant 208 : index
    %swap3A_524 = tpu.vector_load %arg14[%swap3A_523] {strides = array<i32>} : memref<336xf32, #tpu.memory_space<vmem>>, vector<16xf32>,
    %swap3A_525 = vector.shape_cast %swap3A_524 : vector<16xf32> to vector<16xf32>
    %swap3A_526 = vector.shape_cast %select_n3A_518 : vector<16xf32> to vector<16xf32>
    tpu.vector_store %arg14[%swap3A_523], %swap3A_526 {strides = array<i32>} : memref<336xf32, #tpu.memory_space<vmem>>, vector<16xf32>,
    %sub3A_527 = arith.subf %broadcast_in_dim3A_3, %select_n3A_510 : vector<16xf32>
    %mul3A_528 = arith.mulf %select_n3A_514, %sub3A_527 : vector<16xf32>
    %swap3A_529 = arith.constant 208 : index
    %swap3A_530 = tpu.vector_load %arg11[%swap3A_529] {strides = array<i32>} : memref<336xf32, #tpu.memory_space<vmem>>, vector<16xf32>,
    %swap3A_531 = vector.shape_cast %swap3A_530 : vector<16xf32> to vector<16xf32>
    %swap3A_532 = vector.shape_cast %mul3A_528 : vector<16xf32> to vector<16xf32>
    tpu.vector_store %arg11[%swap3A_529], %swap3A_532 {strides = array<i32>} : memref<336xf32, #tpu.memory_space<vmem>>, vector<16xf32>,
    %mul3A_533 = arith.mulf %select_n3A_518, %select_n3A_510 : vector<16xf32>
    %swap3A_534 = arith.constant 208 : index
    %swap3A_535 = tpu.vector_load %arg12[%swap3A_534] {strides = array<i32>} : memref<336xf32, #tpu.memory_space<vmem>>, vector<16xf32>,
    %swap3A_536 = vector.shape_cast %swap3A_535 : vector<16xf32> to vector<16xf32>
    %swap3A_537 = vector.shape_cast %mul3A_533 : vector<16xf32> to vector<16xf32>
    tpu.vector_store %arg12[%swap3A_534], %swap3A_537 {strides = array<i32>} : memref<336xf32, #tpu.memory_space<vmem>>, vector<16xf32>,
    %get3A_538 = arith.constant 224 : index
    %get3A_539 = tpu.vector_load %arg8[%get3A_538] {strides = array<i32>} : memref<336xi32, #tpu.memory_space<vmem>>, vector<16xi32>,
    %get3A_540 = vector.shape_cast %get3A_539 : vector<16xi32> to vector<16xi32>
    %get3A_541 = arith.constant 224 : index
    %get3A_542 = tpu.vector_load %arg9[%get3A_541] {strides = array<i32>} : memref<672xf32, #tpu.memory_space<vmem>>, vector<16xf32>,
    %get3A_543 = vector.shape_cast %get3A_542 : vector<16xf32> to vector<16xf32>
    %get3A_544 = arith.constant 560 : index
    %get3A_545 = tpu.vector_load %arg9[%get3A_544] {strides = array<i32>} : memref<672xf32, #tpu.memory_space<vmem>>, vector<16xf32>,
    %get3A_546 = vector.shape_cast %get3A_545 : vector<16xf32> to vector<16xf32>
    %gt3A_547 = arith.cmpf ogt, %get3A_546, %get3A_543 : vector<16xf32>
    %select_n3A_548 = arith.select %gt3A_547, %broadcast_in_dim3A_3, %broadcast_in_dim3A_1 : vector<16xi1>, vector<16xf32>
    %eq3A_549 = arith.constant 0 : i32
    %eq3A_550 = vector.broadcast %eq3A_549 : i32 to vector<16xi32>
    %eq3A_551 = arith.cmpi eq, %get3A_540, %eq3A_550 : vector<16xi32>
    %select_n3A_552 = arith.select %eq3A_551, %broadcast_in_dim3A_3, %broadcast_in_dim3A_1 : vector<16xi1>, vector<16xf32>
    %eq3A_553 = arith.constant 1 : i32
    %eq3A_554 = vector.broadcast %eq3A_553 : i32 to vector<16xi32>
    %eq3A_555 = arith.cmpi eq, %get3A_540, %eq3A_554 : vector<16xi32>
    %select_n3A_556 = arith.select %eq3A_555, %broadcast_in_dim3A_3, %broadcast_in_dim3A_1 : vector<16xi1>, vector<16xf32>
    %swap3A_557 = arith.constant 224 : index
    %swap3A_558 = tpu.vector_load %arg13[%swap3A_557] {strides = array<i32>} : memref<336xf32, #tpu.memory_space<vmem>>, vector<16xf32>,
    %swap3A_559 = vector.shape_cast %swap3A_558 : vector<16xf32> to vector<16xf32>
    %swap3A_560 = vector.shape_cast %select_n3A_552 : vector<16xf32> to vector<16xf32>
    tpu.vector_store %arg13[%swap3A_557], %swap3A_560 {strides = array<i32>} : memref<336xf32, #tpu.memory_space<vmem>>, vector<16xf32>,
    %swap3A_561 = arith.constant 224 : index
    %swap3A_562 = tpu.vector_load %arg14[%swap3A_561] {strides = array<i32>} : memref<336xf32, #tpu.memory_space<vmem>>, vector<16xf32>,
    %swap3A_563 = vector.shape_cast %swap3A_562 : vector<16xf32> to vector<16xf32>
    %swap3A_564 = vector.shape_cast %select_n3A_556 : vector<16xf32> to vector<16xf32>
    tpu.vector_store %arg14[%swap3A_561], %swap3A_564 {strides = array<i32>} : memref<336xf32, #tpu.memory_space<vmem>>, vector<16xf32>,
    %sub3A_565 = arith.subf %broadcast_in_dim3A_3, %select_n3A_548 : vector<16xf32>
    %mul3A_566 = arith.mulf %select_n3A_552, %sub3A_565 : vector<16xf32>
    %swap3A_567 = arith.constant 224 : index
    %swap3A_568 = tpu.vector_load %arg11[%swap3A_567] {strides = array<i32>} : memref<336xf32, #tpu.memory_space<vmem>>, vector<16xf32>,
    %swap3A_569 = vector.shape_cast %swap3A_568 : vector<16xf32> to vector<16xf32>
    %swap3A_570 = vector.shape_cast %mul3A_566 : vector<16xf32> to vector<16xf32>
    tpu.vector_store %arg11[%swap3A_567], %swap3A_570 {strides = array<i32>} : memref<336xf32, #tpu.memory_space<vmem>>, vector<16xf32>,
    %mul3A_571 = arith.mulf %select_n3A_556, %select_n3A_548 : vector<16xf32>
    %swap3A_572 = arith.constant 224 : index
    %swap3A_573 = tpu.vector_load %arg12[%swap3A_572] {strides = array<i32>} : memref<336xf32, #tpu.memory_space<vmem>>, vector<16xf32>,
    %swap3A_574 = vector.shape_cast %swap3A_573 : vector<16xf32> to vector<16xf32>
    %swap3A_575 = vector.shape_cast %mul3A_571 : vector<16xf32> to vector<16xf32>
    tpu.vector_store %arg12[%swap3A_572], %swap3A_575 {strides = array<i32>} : memref<336xf32, #tpu.memory_space<vmem>>, vector<16xf32>,
    %get3A_576 = arith.constant 240 : index
    %get3A_577 = tpu.vector_load %arg8[%get3A_576] {strides = array<i32>} : memref<336xi32, #tpu.memory_space<vmem>>, vector<16xi32>,
    %get3A_578 = vector.shape_cast %get3A_577 : vector<16xi32> to vector<16xi32>
    %get3A_579 = arith.constant 240 : index
    %get3A_580 = tpu.vector_load %arg9[%get3A_579] {strides = array<i32>} : memref<672xf32, #tpu.memory_space<vmem>>, vector<16xf32>,
    %get3A_581 = vector.shape_cast %get3A_580 : vector<16xf32> to vector<16xf32>
    %get3A_582 = arith.constant 576 : index
    %get3A_583 = tpu.vector_load %arg9[%get3A_582] {strides = array<i32>} : memref<672xf32, #tpu.memory_space<vmem>>, vector<16xf32>,
    %get3A_584 = vector.shape_cast %get3A_583 : vector<16xf32> to vector<16xf32>
    %gt3A_585 = arith.cmpf ogt, %get3A_584, %get3A_581 : vector<16xf32>
    %select_n3A_586 = arith.select %gt3A_585, %broadcast_in_dim3A_3, %broadcast_in_dim3A_1 : vector<16xi1>, vector<16xf32>
    %eq3A_587 = arith.constant 0 : i32
    %eq3A_588 = vector.broadcast %eq3A_587 : i32 to vector<16xi32>
    %eq3A_589 = arith.cmpi eq, %get3A_578, %eq3A_588 : vector<16xi32>
    %select_n3A_590 = arith.select %eq3A_589, %broadcast_in_dim3A_3, %broadcast_in_dim3A_1 : vector<16xi1>, vector<16xf32>
    %eq3A_591 = arith.constant 1 : i32
    %eq3A_592 = vector.broadcast %eq3A_591 : i32 to vector<16xi32>
    %eq3A_593 = arith.cmpi eq, %get3A_578, %eq3A_592 : vector<16xi32>
    %select_n3A_594 = arith.select %eq3A_593, %broadcast_in_dim3A_3, %broadcast_in_dim3A_1 : vector<16xi1>, vector<16xf32>
    %swap3A_595 = arith.constant 240 : index
    %swap3A_596 = tpu.vector_load %arg13[%swap3A_595] {strides = array<i32>} : memref<336xf32, #tpu.memory_space<vmem>>, vector<16xf32>,
    %swap3A_597 = vector.shape_cast %swap3A_596 : vector<16xf32> to vector<16xf32>
    %swap3A_598 = vector.shape_cast %select_n3A_590 : vector<16xf32> to vector<16xf32>
    tpu.vector_store %arg13[%swap3A_595], %swap3A_598 {strides = array<i32>} : memref<336xf32, #tpu.memory_space<vmem>>, vector<16xf32>,
    %swap3A_599 = arith.constant 240 : index
    %swap3A_600 = tpu.vector_load %arg14[%swap3A_599] {strides = array<i32>} : memref<336xf32, #tpu.memory_space<vmem>>, vector<16xf32>,
    %swap3A_601 = vector.shape_cast %swap3A_600 : vector<16xf32> to vector<16xf32>
    %swap3A_602 = vector.shape_cast %select_n3A_594 : vector<16xf32> to vector<16xf32>
    tpu.vector_store %arg14[%swap3A_599], %swap3A_602 {strides = array<i32>} : memref<336xf32, #tpu.memory_space<vmem>>, vector<16xf32>,
    %sub3A_603 = arith.subf %broadcast_in_dim3A_3, %select_n3A_586 : vector<16xf32>
    %mul3A_604 = arith.mulf %select_n3A_590, %sub3A_603 : vector<16xf32>
    %swap3A_605 = arith.constant 240 : index
    %swap3A_606 = tpu.vector_load %arg11[%swap3A_605] {strides = array<i32>} : memref<336xf32, #tpu.memory_space<vmem>>, vector<16xf32>,
    %swap3A_607 = vector.shape_cast %swap3A_606 : vector<16xf32> to vector<16xf32>
    %swap3A_608 = vector.shape_cast %mul3A_604 : vector<16xf32> to vector<16xf32>
    tpu.vector_store %arg11[%swap3A_605], %swap3A_608 {strides = array<i32>} : memref<336xf32, #tpu.memory_space<vmem>>, vector<16xf32>,
    %mul3A_609 = arith.mulf %select_n3A_594, %select_n3A_586 : vector<16xf32>
    %swap3A_610 = arith.constant 240 : index
    %swap3A_611 = tpu.vector_load %arg12[%swap3A_610] {strides = array<i32>} : memref<336xf32, #tpu.memory_space<vmem>>, vector<16xf32>,
    %swap3A_612 = vector.shape_cast %swap3A_611 : vector<16xf32> to vector<16xf32>
    %swap3A_613 = vector.shape_cast %mul3A_609 : vector<16xf32> to vector<16xf32>
    tpu.vector_store %arg12[%swap3A_610], %swap3A_613 {strides = array<i32>} : memref<336xf32, #tpu.memory_space<vmem>>, vector<16xf32>,
    %get3A_614 = arith.constant 256 : index
    %get3A_615 = tpu.vector_load %arg8[%get3A_614] {strides = array<i32>} : memref<336xi32, #tpu.memory_space<vmem>>, vector<16xi32>,
    %get3A_616 = vector.shape_cast %get3A_615 : vector<16xi32> to vector<16xi32>
    %get3A_617 = arith.constant 256 : index
    %get3A_618 = tpu.vector_load %arg9[%get3A_617] {strides = array<i32>} : memref<672xf32, #tpu.memory_space<vmem>>, vector<16xf32>,
    %get3A_619 = vector.shape_cast %get3A_618 : vector<16xf32> to vector<16xf32>
    %get3A_620 = arith.constant 592 : index
    %get3A_621 = tpu.vector_load %arg9[%get3A_620] {strides = array<i32>} : memref<672xf32, #tpu.memory_space<vmem>>, vector<16xf32>,
    %get3A_622 = vector.shape_cast %get3A_621 : vector<16xf32> to vector<16xf32>
    %gt3A_623 = arith.cmpf ogt, %get3A_622, %get3A_619 : vector<16xf32>
    %select_n3A_624 = arith.select %gt3A_623, %broadcast_in_dim3A_3, %broadcast_in_dim3A_1 : vector<16xi1>, vector<16xf32>
    %eq3A_625 = arith.constant 0 : i32
    %eq3A_626 = vector.broadcast %eq3A_625 : i32 to vector<16xi32>
    %eq3A_627 = arith.cmpi eq, %get3A_616, %eq3A_626 : vector<16xi32>
    %select_n3A_628 = arith.select %eq3A_627, %broadcast_in_dim3A_3, %broadcast_in_dim3A_1 : vector<16xi1>, vector<16xf32>
    %eq3A_629 = arith.constant 1 : i32
    %eq3A_630 = vector.broadcast %eq3A_629 : i32 to vector<16xi32>
    %eq3A_631 = arith.cmpi eq, %get3A_616, %eq3A_630 : vector<16xi32>
    %select_n3A_632 = arith.select %eq3A_631, %broadcast_in_dim3A_3, %broadcast_in_dim3A_1 : vector<16xi1>, vector<16xf32>
    %swap3A_633 = arith.constant 256 : index
    %swap3A_634 = tpu.vector_load %arg13[%swap3A_633] {strides = array<i32>} : memref<336xf32, #tpu.memory_space<vmem>>, vector<16xf32>,
    %swap3A_635 = vector.shape_cast %swap3A_634 : vector<16xf32> to vector<16xf32>
    %swap3A_636 = vector.shape_cast %select_n3A_628 : vector<16xf32> to vector<16xf32>
    tpu.vector_store %arg13[%swap3A_633], %swap3A_636 {strides = array<i32>} : memref<336xf32, #tpu.memory_space<vmem>>, vector<16xf32>,
    %swap3A_637 = arith.constant 256 : index
    %swap3A_638 = tpu.vector_load %arg14[%swap3A_637] {strides = array<i32>} : memref<336xf32, #tpu.memory_space<vmem>>, vector<16xf32>,
    %swap3A_639 = vector.shape_cast %swap3A_638 : vector<16xf32> to vector<16xf32>
    %swap3A_640 = vector.shape_cast %select_n3A_632 : vector<16xf32> to vector<16xf32>
    tpu.vector_store %arg14[%swap3A_637], %swap3A_640 {strides = array<i32>} : memref<336xf32, #tpu.memory_space<vmem>>, vector<16xf32>,
    %sub3A_641 = arith.subf %broadcast_in_dim3A_3, %select_n3A_624 : vector<16xf32>
    %mul3A_642 = arith.mulf %select_n3A_628, %sub3A_641 : vector<16xf32>
    %swap3A_643 = arith.constant 256 : index
    %swap3A_644 = tpu.vector_load %arg11[%swap3A_643] {strides = array<i32>} : memref<336xf32, #tpu.memory_space<vmem>>, vector<16xf32>,
    %swap3A_645 = vector.shape_cast %swap3A_644 : vector<16xf32> to vector<16xf32>
    %swap3A_646 = vector.shape_cast %mul3A_642 : vector<16xf32> to vector<16xf32>
    tpu.vector_store %arg11[%swap3A_643], %swap3A_646 {strides = array<i32>} : memref<336xf32, #tpu.memory_space<vmem>>, vector<16xf32>,
    %mul3A_647 = arith.mulf %select_n3A_632, %select_n3A_624 : vector<16xf32>
    %swap3A_648 = arith.constant 256 : index
    %swap3A_649 = tpu.vector_load %arg12[%swap3A_648] {strides = array<i32>} : memref<336xf32, #tpu.memory_space<vmem>>, vector<16xf32>,
    %swap3A_650 = vector.shape_cast %swap3A_649 : vector<16xf32> to vector<16xf32>
    %swap3A_651 = vector.shape_cast %mul3A_647 : vector<16xf32> to vector<16xf32>
    tpu.vector_store %arg12[%swap3A_648], %swap3A_651 {strides = array<i32>} : memref<336xf32, #tpu.memory_space<vmem>>, vector<16xf32>,
    %get3A_652 = arith.constant 272 : index
    %get3A_653 = tpu.vector_load %arg8[%get3A_652] {strides = array<i32>} : memref<336xi32, #tpu.memory_space<vmem>>, vector<16xi32>,
    %get3A_654 = vector.shape_cast %get3A_653 : vector<16xi32> to vector<16xi32>
    %get3A_655 = arith.constant 272 : index
    %get3A_656 = tpu.vector_load %arg9[%get3A_655] {strides = array<i32>} : memref<672xf32, #tpu.memory_space<vmem>>, vector<16xf32>,
    %get3A_657 = vector.shape_cast %get3A_656 : vector<16xf32> to vector<16xf32>
    %get3A_658 = arith.constant 608 : index
    %get3A_659 = tpu.vector_load %arg9[%get3A_658] {strides = array<i32>} : memref<672xf32, #tpu.memory_space<vmem>>, vector<16xf32>,
    %get3A_660 = vector.shape_cast %get3A_659 : vector<16xf32> to vector<16xf32>
    %gt3A_661 = arith.cmpf ogt, %get3A_660, %get3A_657 : vector<16xf32>
    %select_n3A_662 = arith.select %gt3A_661, %broadcast_in_dim3A_3, %broadcast_in_dim3A_1 : vector<16xi1>, vector<16xf32>
    %eq3A_663 = arith.constant 0 : i32
    %eq3A_664 = vector.broadcast %eq3A_663 : i32 to vector<16xi32>
    %eq3A_665 = arith.cmpi eq, %get3A_654, %eq3A_664 : vector<16xi32>
    %select_n3A_666 = arith.select %eq3A_665, %broadcast_in_dim3A_3, %broadcast_in_dim3A_1 : vector<16xi1>, vector<16xf32>
    %eq3A_667 = arith.constant 1 : i32
    %eq3A_668 = vector.broadcast %eq3A_667 : i32 to vector<16xi32>
    %eq3A_669 = arith.cmpi eq, %get3A_654, %eq3A_668 : vector<16xi32>
    %select_n3A_670 = arith.select %eq3A_669, %broadcast_in_dim3A_3, %broadcast_in_dim3A_1 : vector<16xi1>, vector<16xf32>
    %swap3A_671 = arith.constant 272 : index
    %swap3A_672 = tpu.vector_load %arg13[%swap3A_671] {strides = array<i32>} : memref<336xf32, #tpu.memory_space<vmem>>, vector<16xf32>,
    %swap3A_673 = vector.shape_cast %swap3A_672 : vector<16xf32> to vector<16xf32>
    %swap3A_674 = vector.shape_cast %select_n3A_666 : vector<16xf32> to vector<16xf32>
    tpu.vector_store %arg13[%swap3A_671], %swap3A_674 {strides = array<i32>} : memref<336xf32, #tpu.memory_space<vmem>>, vector<16xf32>,
    %swap3A_675 = arith.constant 272 : index
    %swap3A_676 = tpu.vector_load %arg14[%swap3A_675] {strides = array<i32>} : memref<336xf32, #tpu.memory_space<vmem>>, vector<16xf32>,
    %swap3A_677 = vector.shape_cast %swap3A_676 : vector<16xf32> to vector<16xf32>
    %swap3A_678 = vector.shape_cast %select_n3A_670 : vector<16xf32> to vector<16xf32>
    tpu.vector_store %arg14[%swap3A_675], %swap3A_678 {strides = array<i32>} : memref<336xf32, #tpu.memory_space<vmem>>, vector<16xf32>,
    %sub3A_679 = arith.subf %broadcast_in_dim3A_3, %select_n3A_662 : vector<16xf32>
    %mul3A_680 = arith.mulf %select_n3A_666, %sub3A_679 : vector<16xf32>
    %swap3A_681 = arith.constant 272 : index
    %swap3A_682 = tpu.vector_load %arg11[%swap3A_681] {strides = array<i32>} : memref<336xf32, #tpu.memory_space<vmem>>, vector<16xf32>,
    %swap3A_683 = vector.shape_cast %swap3A_682 : vector<16xf32> to vector<16xf32>
    %swap3A_684 = vector.shape_cast %mul3A_680 : vector<16xf32> to vector<16xf32>
    tpu.vector_store %arg11[%swap3A_681], %swap3A_684 {strides = array<i32>} : memref<336xf32, #tpu.memory_space<vmem>>, vector<16xf32>,
    %mul3A_685 = arith.mulf %select_n3A_670, %select_n3A_662 : vector<16xf32>
    %swap3A_686 = arith.constant 272 : index
    %swap3A_687 = tpu.vector_load %arg12[%swap3A_686] {strides = array<i32>} : memref<336xf32, #tpu.memory_space<vmem>>, vector<16xf32>,
    %swap3A_688 = vector.shape_cast %swap3A_687 : vector<16xf32> to vector<16xf32>
    %swap3A_689 = vector.shape_cast %mul3A_685 : vector<16xf32> to vector<16xf32>
    tpu.vector_store %arg12[%swap3A_686], %swap3A_689 {strides = array<i32>} : memref<336xf32, #tpu.memory_space<vmem>>, vector<16xf32>,
    %get3A_690 = arith.constant 288 : index
    %get3A_691 = tpu.vector_load %arg8[%get3A_690] {strides = array<i32>} : memref<336xi32, #tpu.memory_space<vmem>>, vector<16xi32>,
    %get3A_692 = vector.shape_cast %get3A_691 : vector<16xi32> to vector<16xi32>
    %get3A_693 = arith.constant 288 : index
    %get3A_694 = tpu.vector_load %arg9[%get3A_693] {strides = array<i32>} : memref<672xf32, #tpu.memory_space<vmem>>, vector<16xf32>,
    %get3A_695 = vector.shape_cast %get3A_694 : vector<16xf32> to vector<16xf32>
    %get3A_696 = arith.constant 624 : index
    %get3A_697 = tpu.vector_load %arg9[%get3A_696] {strides = array<i32>} : memref<672xf32, #tpu.memory_space<vmem>>, vector<16xf32>,
    %get3A_698 = vector.shape_cast %get3A_697 : vector<16xf32> to vector<16xf32>
    %gt3A_699 = arith.cmpf ogt, %get3A_698, %get3A_695 : vector<16xf32>
    %select_n3A_700 = arith.select %gt3A_699, %broadcast_in_dim3A_3, %broadcast_in_dim3A_1 : vector<16xi1>, vector<16xf32>
    %eq3A_701 = arith.constant 0 : i32
    %eq3A_702 = vector.broadcast %eq3A_701 : i32 to vector<16xi32>
    %eq3A_703 = arith.cmpi eq, %get3A_692, %eq3A_702 : vector<16xi32>
    %select_n3A_704 = arith.select %eq3A_703, %broadcast_in_dim3A_3, %broadcast_in_dim3A_1 : vector<16xi1>, vector<16xf32>
    %eq3A_705 = arith.constant 1 : i32
    %eq3A_706 = vector.broadcast %eq3A_705 : i32 to vector<16xi32>
    %eq3A_707 = arith.cmpi eq, %get3A_692, %eq3A_706 : vector<16xi32>
    %select_n3A_708 = arith.select %eq3A_707, %broadcast_in_dim3A_3, %broadcast_in_dim3A_1 : vector<16xi1>, vector<16xf32>
    %swap3A_709 = arith.constant 288 : index
    %swap3A_710 = tpu.vector_load %arg13[%swap3A_709] {strides = array<i32>} : memref<336xf32, #tpu.memory_space<vmem>>, vector<16xf32>,
    %swap3A_711 = vector.shape_cast %swap3A_710 : vector<16xf32> to vector<16xf32>
    %swap3A_712 = vector.shape_cast %select_n3A_704 : vector<16xf32> to vector<16xf32>
    tpu.vector_store %arg13[%swap3A_709], %swap3A_712 {strides = array<i32>} : memref<336xf32, #tpu.memory_space<vmem>>, vector<16xf32>,
    %swap3A_713 = arith.constant 288 : index
    %swap3A_714 = tpu.vector_load %arg14[%swap3A_713] {strides = array<i32>} : memref<336xf32, #tpu.memory_space<vmem>>, vector<16xf32>,
    %swap3A_715 = vector.shape_cast %swap3A_714 : vector<16xf32> to vector<16xf32>
    %swap3A_716 = vector.shape_cast %select_n3A_708 : vector<16xf32> to vector<16xf32>
    tpu.vector_store %arg14[%swap3A_713], %swap3A_716 {strides = array<i32>} : memref<336xf32, #tpu.memory_space<vmem>>, vector<16xf32>,
    %sub3A_717 = arith.subf %broadcast_in_dim3A_3, %select_n3A_700 : vector<16xf32>
    %mul3A_718 = arith.mulf %select_n3A_704, %sub3A_717 : vector<16xf32>
    %swap3A_719 = arith.constant 288 : index
    %swap3A_720 = tpu.vector_load %arg11[%swap3A_719] {strides = array<i32>} : memref<336xf32, #tpu.memory_space<vmem>>, vector<16xf32>,
    %swap3A_721 = vector.shape_cast %swap3A_720 : vector<16xf32> to vector<16xf32>
    %swap3A_722 = vector.shape_cast %mul3A_718 : vector<16xf32> to vector<16xf32>
    tpu.vector_store %arg11[%swap3A_719], %swap3A_722 {strides = array<i32>} : memref<336xf32, #tpu.memory_space<vmem>>, vector<16xf32>,
    %mul3A_723 = arith.mulf %select_n3A_708, %select_n3A_700 : vector<16xf32>
    %swap3A_724 = arith.constant 288 : index
    %swap3A_725 = tpu.vector_load %arg12[%swap3A_724] {strides = array<i32>} : memref<336xf32, #tpu.memory_space<vmem>>, vector<16xf32>,
    %swap3A_726 = vector.shape_cast %swap3A_725 : vector<16xf32> to vector<16xf32>
    %swap3A_727 = vector.shape_cast %mul3A_723 : vector<16xf32> to vector<16xf32>
    tpu.vector_store %arg12[%swap3A_724], %swap3A_727 {strides = array<i32>} : memref<336xf32, #tpu.memory_space<vmem>>, vector<16xf32>,
    %get3A_728 = arith.constant 304 : index
    %get3A_729 = tpu.vector_load %arg8[%get3A_728] {strides = array<i32>} : memref<336xi32, #tpu.memory_space<vmem>>, vector<16xi32>,
    %get3A_730 = vector.shape_cast %get3A_729 : vector<16xi32> to vector<16xi32>
    %get3A_731 = arith.constant 304 : index
    %get3A_732 = tpu.vector_load %arg9[%get3A_731] {strides = array<i32>} : memref<672xf32, #tpu.memory_space<vmem>>, vector<16xf32>,
    %get3A_733 = vector.shape_cast %get3A_732 : vector<16xf32> to vector<16xf32>
    %get3A_734 = arith.constant 640 : index
    %get3A_735 = tpu.vector_load %arg9[%get3A_734] {strides = array<i32>} : memref<672xf32, #tpu.memory_space<vmem>>, vector<16xf32>,
    %get3A_736 = vector.shape_cast %get3A_735 : vector<16xf32> to vector<16xf32>
    %gt3A_737 = arith.cmpf ogt, %get3A_736, %get3A_733 : vector<16xf32>
    %select_n3A_738 = arith.select %gt3A_737, %broadcast_in_dim3A_3, %broadcast_in_dim3A_1 : vector<16xi1>, vector<16xf32>
    %eq3A_739 = arith.constant 0 : i32
    %eq3A_740 = vector.broadcast %eq3A_739 : i32 to vector<16xi32>
    %eq3A_741 = arith.cmpi eq, %get3A_730, %eq3A_740 : vector<16xi32>
    %select_n3A_742 = arith.select %eq3A_741, %broadcast_in_dim3A_3, %broadcast_in_dim3A_1 : vector<16xi1>, vector<16xf32>
    %eq3A_743 = arith.constant 1 : i32
    %eq3A_744 = vector.broadcast %eq3A_743 : i32 to vector<16xi32>
    %eq3A_745 = arith.cmpi eq, %get3A_730, %eq3A_744 : vector<16xi32>
    %select_n3A_746 = arith.select %eq3A_745, %broadcast_in_dim3A_3, %broadcast_in_dim3A_1 : vector<16xi1>, vector<16xf32>
    %swap3A_747 = arith.constant 304 : index
    %swap3A_748 = tpu.vector_load %arg13[%swap3A_747] {strides = array<i32>} : memref<336xf32, #tpu.memory_space<vmem>>, vector<16xf32>,
    %swap3A_749 = vector.shape_cast %swap3A_748 : vector<16xf32> to vector<16xf32>
    %swap3A_750 = vector.shape_cast %select_n3A_742 : vector<16xf32> to vector<16xf32>
    tpu.vector_store %arg13[%swap3A_747], %swap3A_750 {strides = array<i32>} : memref<336xf32, #tpu.memory_space<vmem>>, vector<16xf32>,
    %swap3A_751 = arith.constant 304 : index
    %swap3A_752 = tpu.vector_load %arg14[%swap3A_751] {strides = array<i32>} : memref<336xf32, #tpu.memory_space<vmem>>, vector<16xf32>,
    %swap3A_753 = vector.shape_cast %swap3A_752 : vector<16xf32> to vector<16xf32>
    %swap3A_754 = vector.shape_cast %select_n3A_746 : vector<16xf32> to vector<16xf32>
    tpu.vector_store %arg14[%swap3A_751], %swap3A_754 {strides = array<i32>} : memref<336xf32, #tpu.memory_space<vmem>>, vector<16xf32>,
    %sub3A_755 = arith.subf %broadcast_in_dim3A_3, %select_n3A_738 : vector<16xf32>
    %mul3A_756 = arith.mulf %select_n3A_742, %sub3A_755 : vector<16xf32>
    %swap3A_757 = arith.constant 304 : index
    %swap3A_758 = tpu.vector_load %arg11[%swap3A_757] {strides = array<i32>} : memref<336xf32, #tpu.memory_space<vmem>>, vector<16xf32>,
    %swap3A_759 = vector.shape_cast %swap3A_758 : vector<16xf32> to vector<16xf32>
    %swap3A_760 = vector.shape_cast %mul3A_756 : vector<16xf32> to vector<16xf32>
    tpu.vector_store %arg11[%swap3A_757], %swap3A_760 {strides = array<i32>} : memref<336xf32, #tpu.memory_space<vmem>>, vector<16xf32>,
    %mul3A_761 = arith.mulf %select_n3A_746, %select_n3A_738 : vector<16xf32>
    %swap3A_762 = arith.constant 304 : index
    %swap3A_763 = tpu.vector_load %arg12[%swap3A_762] {strides = array<i32>} : memref<336xf32, #tpu.memory_space<vmem>>, vector<16xf32>,
    %swap3A_764 = vector.shape_cast %swap3A_763 : vector<16xf32> to vector<16xf32>
    %swap3A_765 = vector.shape_cast %mul3A_761 : vector<16xf32> to vector<16xf32>
    tpu.vector_store %arg12[%swap3A_762], %swap3A_765 {strides = array<i32>} : memref<336xf32, #tpu.memory_space<vmem>>, vector<16xf32>,
    %get3A_766 = arith.constant 320 : index
    %get3A_767 = tpu.vector_load %arg8[%get3A_766] {strides = array<i32>} : memref<336xi32, #tpu.memory_space<vmem>>, vector<16xi32>,
    %get3A_768 = vector.shape_cast %get3A_767 : vector<16xi32> to vector<16xi32>
    %get3A_769 = arith.constant 320 : index
    %get3A_770 = tpu.vector_load %arg9[%get3A_769] {strides = array<i32>} : memref<672xf32, #tpu.memory_space<vmem>>, vector<16xf32>,
    %get3A_771 = vector.shape_cast %get3A_770 : vector<16xf32> to vector<16xf32>
    %get3A_772 = arith.constant 656 : index
    %get3A_773 = tpu.vector_load %arg9[%get3A_772] {strides = array<i32>} : memref<672xf32, #tpu.memory_space<vmem>>, vector<16xf32>,
    %get3A_774 = vector.shape_cast %get3A_773 : vector<16xf32> to vector<16xf32>
    %gt3A_775 = arith.cmpf ogt, %get3A_774, %get3A_771 : vector<16xf32>
    %select_n3A_776 = arith.select %gt3A_775, %broadcast_in_dim3A_3, %broadcast_in_dim3A_1 : vector<16xi1>, vector<16xf32>
    %eq3A_777 = arith.constant 0 : i32
    %eq3A_778 = vector.broadcast %eq3A_777 : i32 to vector<16xi32>
    %eq3A_779 = arith.cmpi eq, %get3A_768, %eq3A_778 : vector<16xi32>
    %select_n3A_780 = arith.select %eq3A_779, %broadcast_in_dim3A_3, %broadcast_in_dim3A_1 : vector<16xi1>, vector<16xf32>
    %eq3A_781 = arith.constant 1 : i32
    %eq3A_782 = vector.broadcast %eq3A_781 : i32 to vector<16xi32>
    %eq3A_783 = arith.cmpi eq, %get3A_768, %eq3A_782 : vector<16xi32>
    %select_n3A_784 = arith.select %eq3A_783, %broadcast_in_dim3A_3, %broadcast_in_dim3A_1 : vector<16xi1>, vector<16xf32>
    %swap3A_785 = arith.constant 320 : index
    %swap3A_786 = tpu.vector_load %arg13[%swap3A_785] {strides = array<i32>} : memref<336xf32, #tpu.memory_space<vmem>>, vector<16xf32>,
    %swap3A_787 = vector.shape_cast %swap3A_786 : vector<16xf32> to vector<16xf32>
    %swap3A_788 = vector.shape_cast %select_n3A_780 : vector<16xf32> to vector<16xf32>
    tpu.vector_store %arg13[%swap3A_785], %swap3A_788 {strides = array<i32>} : memref<336xf32, #tpu.memory_space<vmem>>, vector<16xf32>,
    %swap3A_789 = arith.constant 320 : index
    %swap3A_790 = tpu.vector_load %arg14[%swap3A_789] {strides = array<i32>} : memref<336xf32, #tpu.memory_space<vmem>>, vector<16xf32>,
    %swap3A_791 = vector.shape_cast %swap3A_790 : vector<16xf32> to vector<16xf32>
    %swap3A_792 = vector.shape_cast %select_n3A_784 : vector<16xf32> to vector<16xf32>
    tpu.vector_store %arg14[%swap3A_789], %swap3A_792 {strides = array<i32>} : memref<336xf32, #tpu.memory_space<vmem>>, vector<16xf32>,
    %sub3A_793 = arith.subf %broadcast_in_dim3A_3, %select_n3A_776 : vector<16xf32>
    %mul3A_794 = arith.mulf %select_n3A_780, %sub3A_793 : vector<16xf32>
    %swap3A_795 = arith.constant 320 : index
    %swap3A_796 = tpu.vector_load %arg11[%swap3A_795] {strides = array<i32>} : memref<336xf32, #tpu.memory_space<vmem>>, vector<16xf32>,
    %swap3A_797 = vector.shape_cast %swap3A_796 : vector<16xf32> to vector<16xf32>
    %swap3A_798 = vector.shape_cast %mul3A_794 : vector<16xf32> to vector<16xf32>
    tpu.vector_store %arg11[%swap3A_795], %swap3A_798 {strides = array<i32>} : memref<336xf32, #tpu.memory_space<vmem>>, vector<16xf32>,
    %mul3A_799 = arith.mulf %select_n3A_784, %select_n3A_776 : vector<16xf32>
    %swap3A_800 = arith.constant 320 : index
    %swap3A_801 = tpu.vector_load %arg12[%swap3A_800] {strides = array<i32>} : memref<336xf32, #tpu.memory_space<vmem>>, vector<16xf32>,
    %swap3A_802 = vector.shape_cast %swap3A_801 : vector<16xf32> to vector<16xf32>
    %swap3A_803 = vector.shape_cast %mul3A_799 : vector<16xf32> to vector<16xf32>
    tpu.vector_store %arg12[%swap3A_800], %swap3A_803 {strides = array<i32>} : memref<336xf32, #tpu.memory_space<vmem>>, vector<16xf32>,
    %scan3A = arith.constant 0 : i32
    %scan3A_804 = arith.constant 256 : i32
    %scan3A_805 = arith.addi %scan3A, %scan3A_804 : i32
    %scan3A_806 = arith.constant 1 : i32
    %scan3A_807 = scf.for %scan3A_2422 = %scan3A to %scan3A_805 step %scan3A_806 iter_args(%scan3A_2423 = %broadcast_in_dim3A_1) -> (vector<16xf32>)  : i32 {
      %mul3A_2424 = arith.constant 320 : i32
      %mul3A_2425 = arith.muli %scan3A_2422, %mul3A_2424 : i32
      %add3A_2426 = arith.constant 0 : i32
      %add3A_2427 = arith.addi %mul3A_2425, %add3A_2426 : i32
      %get3A_2428 = arith.index_cast %add3A_2427 : i32 to index
      %get3A_2429 = tpu.vector_load %arg7[%get3A_2428] {strides = array<i32>} : memref<81936xf32, #tpu.memory_space<vmem>>, vector<16xf32>,
      %get3A_2430 = vector.shape_cast %get3A_2429 : vector<16xf32> to vector<16xf32>
      %mul3A_2431 = arith.mulf %get3A_2430, %get3A_2430 : vector<16xf32>
      %add3A_2432 = arith.addf %scan3A_2423, %mul3A_2431 : vector<16xf32>
      scf.yield %add3A_2432 : vector<16xf32>
    }
    %scan3A_808 = arith.constant 256 : i32
    %bitcast_convert_type3A = tpu.bitcast %scan3A_807 : vector<16xf32> -> vector<16xi32>
    %shift_right_arithmetic3A = arith.constant 1 : i32
    %shift_right_arithmetic3A_809 = vector.broadcast %shift_right_arithmetic3A : i32 to vector<16xi32>
    %shift_right_arithmetic3A_810 = arith.shrsi %bitcast_convert_type3A, %shift_right_arithmetic3A_809 : vector<16xi32>
    %sub3A_811 = arith.constant 1597463007 : i32
    %sub3A_812 = vector.broadcast %sub3A_811 : i32 to vector<16xi32>
    %sub3A_813 = arith.subi %sub3A_812, %shift_right_arithmetic3A_810 : vector<16xi32>
    %bitcast_convert_type3A_814 = tpu.bitcast %sub3A_813 : vector<16xi32> -> vector<16xf32>
    %mul3A_815 = arith.constant 5.000000e-01 : f32
    %mul3A_816 = vector.broadcast %mul3A_815 : f32 to vector<16xf32>
    %mul3A_817 = arith.mulf %mul3A_816, %scan3A_807 : vector<16xf32>
    %mul3A_818 = arith.mulf %mul3A_817, %bitcast_convert_type3A_814 : vector<16xf32>
    %mul3A_819 = arith.mulf %mul3A_818, %bitcast_convert_type3A_814 : vector<16xf32>
    %sub3A_820 = arith.constant 1.500000e+00 : f32
    %sub3A_821 = vector.broadcast %sub3A_820 : f32 to vector<16xf32>
    %sub3A_822 = arith.subf %sub3A_821, %mul3A_819 : vector<16xf32>
    %mul3A_823 = arith.mulf %bitcast_convert_type3A_814, %sub3A_822 : vector<16xf32>
    %mul3A_824 = arith.constant 5.000000e-01 : f32
    %mul3A_825 = vector.broadcast %mul3A_824 : f32 to vector<16xf32>
    %mul3A_826 = arith.mulf %mul3A_825, %scan3A_807 : vector<16xf32>
    %mul3A_827 = arith.mulf %mul3A_826, %mul3A_823 : vector<16xf32>
    %mul3A_828 = arith.mulf %mul3A_827, %mul3A_823 : vector<16xf32>
    %sub3A_829 = arith.constant 1.500000e+00 : f32
    %sub3A_830 = vector.broadcast %sub3A_829 : f32 to vector<16xf32>
    %sub3A_831 = arith.subf %sub3A_830, %mul3A_828 : vector<16xf32>
    %mul3A_832 = arith.mulf %mul3A_823, %sub3A_831 : vector<16xf32>
    %mul3A_833 = arith.constant 5.000000e-01 : f32
    %mul3A_834 = vector.broadcast %mul3A_833 : f32 to vector<16xf32>
    %mul3A_835 = arith.mulf %mul3A_834, %scan3A_807 : vector<16xf32>
    %mul3A_836 = arith.mulf %mul3A_835, %mul3A_832 : vector<16xf32>
    %mul3A_837 = arith.mulf %mul3A_836, %mul3A_832 : vector<16xf32>
    %sub3A_838 = arith.constant 1.500000e+00 : f32
    %sub3A_839 = vector.broadcast %sub3A_838 : f32 to vector<16xf32>
    %sub3A_840 = arith.subf %sub3A_839, %mul3A_837 : vector<16xf32>
    %mul3A_841 = arith.mulf %mul3A_832, %sub3A_840 : vector<16xf32>
    %mul3A_842 = arith.mulf %scan3A_807, %mul3A_841 : vector<16xf32>
    %swap3A_843 = arith.constant 0 : index
    %swap3A_844 = tpu.vector_load %arg15[%swap3A_843] {strides = array<i32>} : memref<336xf32, #tpu.memory_space<vmem>>, vector<16xf32>,
    %swap3A_845 = vector.shape_cast %swap3A_844 : vector<16xf32> to vector<16xf32>
    %swap3A_846 = vector.shape_cast %mul3A_842 : vector<16xf32> to vector<16xf32>
    tpu.vector_store %arg15[%swap3A_843], %swap3A_846 {strides = array<i32>} : memref<336xf32, #tpu.memory_space<vmem>>, vector<16xf32>,
    %scan3A_847 = arith.constant 0 : i32
    %scan3A_848 = arith.constant 256 : i32
    %scan3A_849 = arith.addi %scan3A_847, %scan3A_848 : i32
    %scan3A_850 = arith.constant 1 : i32
    %scan3A_851 = scf.for %scan3A_2422 = %scan3A_847 to %scan3A_849 step %scan3A_850 iter_args(%scan3A_2423 = %broadcast_in_dim3A_1) -> (vector<16xf32>)  : i32 {
      %mul3A_2424 = arith.constant 320 : i32
      %mul3A_2425 = arith.muli %scan3A_2422, %mul3A_2424 : i32
      %add3A_2426 = arith.constant 16 : i32
      %add3A_2427 = arith.addi %mul3A_2425, %add3A_2426 : i32
      %get3A_2428 = arith.index_cast %add3A_2427 : i32 to index
      %get3A_2429 = tpu.vector_load %arg7[%get3A_2428] {strides = array<i32>} : memref<81936xf32, #tpu.memory_space<vmem>>, vector<16xf32>,
      %get3A_2430 = vector.shape_cast %get3A_2429 : vector<16xf32> to vector<16xf32>
      %mul3A_2431 = arith.mulf %get3A_2430, %get3A_2430 : vector<16xf32>
      %add3A_2432 = arith.addf %scan3A_2423, %mul3A_2431 : vector<16xf32>
      scf.yield %add3A_2432 : vector<16xf32>
    }
    %scan3A_852 = arith.constant 256 : i32
    %bitcast_convert_type3A_853 = tpu.bitcast %scan3A_851 : vector<16xf32> -> vector<16xi32>
    %shift_right_arithmetic3A_854 = arith.constant 1 : i32
    %shift_right_arithmetic3A_855 = vector.broadcast %shift_right_arithmetic3A_854 : i32 to vector<16xi32>
    %shift_right_arithmetic3A_856 = arith.shrsi %bitcast_convert_type3A_853, %shift_right_arithmetic3A_855 : vector<16xi32>
    %sub3A_857 = arith.constant 1597463007 : i32
    %sub3A_858 = vector.broadcast %sub3A_857 : i32 to vector<16xi32>
    %sub3A_859 = arith.subi %sub3A_858, %shift_right_arithmetic3A_856 : vector<16xi32>
    %bitcast_convert_type3A_860 = tpu.bitcast %sub3A_859 : vector<16xi32> -> vector<16xf32>
    %mul3A_861 = arith.constant 5.000000e-01 : f32
    %mul3A_862 = vector.broadcast %mul3A_861 : f32 to vector<16xf32>
    %mul3A_863 = arith.mulf %mul3A_862, %scan3A_851 : vector<16xf32>
    %mul3A_864 = arith.mulf %mul3A_863, %bitcast_convert_type3A_860 : vector<16xf32>
    %mul3A_865 = arith.mulf %mul3A_864, %bitcast_convert_type3A_860 : vector<16xf32>
    %sub3A_866 = arith.constant 1.500000e+00 : f32
    %sub3A_867 = vector.broadcast %sub3A_866 : f32 to vector<16xf32>
    %sub3A_868 = arith.subf %sub3A_867, %mul3A_865 : vector<16xf32>
    %mul3A_869 = arith.mulf %bitcast_convert_type3A_860, %sub3A_868 : vector<16xf32>
    %mul3A_870 = arith.constant 5.000000e-01 : f32
    %mul3A_871 = vector.broadcast %mul3A_870 : f32 to vector<16xf32>
    %mul3A_872 = arith.mulf %mul3A_871, %scan3A_851 : vector<16xf32>
    %mul3A_873 = arith.mulf %mul3A_872, %mul3A_869 : vector<16xf32>
    %mul3A_874 = arith.mulf %mul3A_873, %mul3A_869 : vector<16xf32>
    %sub3A_875 = arith.constant 1.500000e+00 : f32
    %sub3A_876 = vector.broadcast %sub3A_875 : f32 to vector<16xf32>
    %sub3A_877 = arith.subf %sub3A_876, %mul3A_874 : vector<16xf32>
    %mul3A_878 = arith.mulf %mul3A_869, %sub3A_877 : vector<16xf32>
    %mul3A_879 = arith.constant 5.000000e-01 : f32
    %mul3A_880 = vector.broadcast %mul3A_879 : f32 to vector<16xf32>
    %mul3A_881 = arith.mulf %mul3A_880, %scan3A_851 : vector<16xf32>
    %mul3A_882 = arith.mulf %mul3A_881, %mul3A_878 : vector<16xf32>
    %mul3A_883 = arith.mulf %mul3A_882, %mul3A_878 : vector<16xf32>
    %sub3A_884 = arith.constant 1.500000e+00 : f32
    %sub3A_885 = vector.broadcast %sub3A_884 : f32 to vector<16xf32>
    %sub3A_886 = arith.subf %sub3A_885, %mul3A_883 : vector<16xf32>
    %mul3A_887 = arith.mulf %mul3A_878, %sub3A_886 : vector<16xf32>
    %mul3A_888 = arith.mulf %scan3A_851, %mul3A_887 : vector<16xf32>
    %swap3A_889 = arith.constant 16 : index
    %swap3A_890 = tpu.vector_load %arg15[%swap3A_889] {strides = array<i32>} : memref<336xf32, #tpu.memory_space<vmem>>, vector<16xf32>,
    %swap3A_891 = vector.shape_cast %swap3A_890 : vector<16xf32> to vector<16xf32>
    %swap3A_892 = vector.shape_cast %mul3A_888 : vector<16xf32> to vector<16xf32>
    tpu.vector_store %arg15[%swap3A_889], %swap3A_892 {strides = array<i32>} : memref<336xf32, #tpu.memory_space<vmem>>, vector<16xf32>,
    %scan3A_893 = arith.constant 0 : i32
    %scan3A_894 = arith.constant 256 : i32
    %scan3A_895 = arith.addi %scan3A_893, %scan3A_894 : i32
    %scan3A_896 = arith.constant 1 : i32
    %scan3A_897 = scf.for %scan3A_2422 = %scan3A_893 to %scan3A_895 step %scan3A_896 iter_args(%scan3A_2423 = %broadcast_in_dim3A_1) -> (vector<16xf32>)  : i32 {
      %mul3A_2424 = arith.constant 320 : i32
      %mul3A_2425 = arith.muli %scan3A_2422, %mul3A_2424 : i32
      %add3A_2426 = arith.constant 32 : i32
      %add3A_2427 = arith.addi %mul3A_2425, %add3A_2426 : i32
      %get3A_2428 = arith.index_cast %add3A_2427 : i32 to index
      %get3A_2429 = tpu.vector_load %arg7[%get3A_2428] {strides = array<i32>} : memref<81936xf32, #tpu.memory_space<vmem>>, vector<16xf32>,
      %get3A_2430 = vector.shape_cast %get3A_2429 : vector<16xf32> to vector<16xf32>
      %mul3A_2431 = arith.mulf %get3A_2430, %get3A_2430 : vector<16xf32>
      %add3A_2432 = arith.addf %scan3A_2423, %mul3A_2431 : vector<16xf32>
      scf.yield %add3A_2432 : vector<16xf32>
    }
    %scan3A_898 = arith.constant 256 : i32
    %bitcast_convert_type3A_899 = tpu.bitcast %scan3A_897 : vector<16xf32> -> vector<16xi32>
    %shift_right_arithmetic3A_900 = arith.constant 1 : i32
    %shift_right_arithmetic3A_901 = vector.broadcast %shift_right_arithmetic3A_900 : i32 to vector<16xi32>
    %shift_right_arithmetic3A_902 = arith.shrsi %bitcast_convert_type3A_899, %shift_right_arithmetic3A_901 : vector<16xi32>
    %sub3A_903 = arith.constant 1597463007 : i32
    %sub3A_904 = vector.broadcast %sub3A_903 : i32 to vector<16xi32>
    %sub3A_905 = arith.subi %sub3A_904, %shift_right_arithmetic3A_902 : vector<16xi32>
    %bitcast_convert_type3A_906 = tpu.bitcast %sub3A_905 : vector<16xi32> -> vector<16xf32>
    %mul3A_907 = arith.constant 5.000000e-01 : f32
    %mul3A_908 = vector.broadcast %mul3A_907 : f32 to vector<16xf32>
    %mul3A_909 = arith.mulf %mul3A_908, %scan3A_897 : vector<16xf32>
    %mul3A_910 = arith.mulf %mul3A_909, %bitcast_convert_type3A_906 : vector<16xf32>
    %mul3A_911 = arith.mulf %mul3A_910, %bitcast_convert_type3A_906 : vector<16xf32>
    %sub3A_912 = arith.constant 1.500000e+00 : f32
    %sub3A_913 = vector.broadcast %sub3A_912 : f32 to vector<16xf32>
    %sub3A_914 = arith.subf %sub3A_913, %mul3A_911 : vector<16xf32>
    %mul3A_915 = arith.mulf %bitcast_convert_type3A_906, %sub3A_914 : vector<16xf32>
    %mul3A_916 = arith.constant 5.000000e-01 : f32
    %mul3A_917 = vector.broadcast %mul3A_916 : f32 to vector<16xf32>
    %mul3A_918 = arith.mulf %mul3A_917, %scan3A_897 : vector<16xf32>
    %mul3A_919 = arith.mulf %mul3A_918, %mul3A_915 : vector<16xf32>
    %mul3A_920 = arith.mulf %mul3A_919, %mul3A_915 : vector<16xf32>
    %sub3A_921 = arith.constant 1.500000e+00 : f32
    %sub3A_922 = vector.broadcast %sub3A_921 : f32 to vector<16xf32>
    %sub3A_923 = arith.subf %sub3A_922, %mul3A_920 : vector<16xf32>
    %mul3A_924 = arith.mulf %mul3A_915, %sub3A_923 : vector<16xf32>
    %mul3A_925 = arith.constant 5.000000e-01 : f32
    %mul3A_926 = vector.broadcast %mul3A_925 : f32 to vector<16xf32>
    %mul3A_927 = arith.mulf %mul3A_926, %scan3A_897 : vector<16xf32>
    %mul3A_928 = arith.mulf %mul3A_927, %mul3A_924 : vector<16xf32>
    %mul3A_929 = arith.mulf %mul3A_928, %mul3A_924 : vector<16xf32>
    %sub3A_930 = arith.constant 1.500000e+00 : f32
    %sub3A_931 = vector.broadcast %sub3A_930 : f32 to vector<16xf32>
    %sub3A_932 = arith.subf %sub3A_931, %mul3A_929 : vector<16xf32>
    %mul3A_933 = arith.mulf %mul3A_924, %sub3A_932 : vector<16xf32>
    %mul3A_934 = arith.mulf %scan3A_897, %mul3A_933 : vector<16xf32>
    %swap3A_935 = arith.constant 32 : index
    %swap3A_936 = tpu.vector_load %arg15[%swap3A_935] {strides = array<i32>} : memref<336xf32, #tpu.memory_space<vmem>>, vector<16xf32>,
    %swap3A_937 = vector.shape_cast %swap3A_936 : vector<16xf32> to vector<16xf32>
    %swap3A_938 = vector.shape_cast %mul3A_934 : vector<16xf32> to vector<16xf32>
    tpu.vector_store %arg15[%swap3A_935], %swap3A_938 {strides = array<i32>} : memref<336xf32, #tpu.memory_space<vmem>>, vector<16xf32>,
    %scan3A_939 = arith.constant 0 : i32
    %scan3A_940 = arith.constant 256 : i32
    %scan3A_941 = arith.addi %scan3A_939, %scan3A_940 : i32
    %scan3A_942 = arith.constant 1 : i32
    %scan3A_943 = scf.for %scan3A_2422 = %scan3A_939 to %scan3A_941 step %scan3A_942 iter_args(%scan3A_2423 = %broadcast_in_dim3A_1) -> (vector<16xf32>)  : i32 {
      %mul3A_2424 = arith.constant 320 : i32
      %mul3A_2425 = arith.muli %scan3A_2422, %mul3A_2424 : i32
      %add3A_2426 = arith.constant 48 : i32
      %add3A_2427 = arith.addi %mul3A_2425, %add3A_2426 : i32
      %get3A_2428 = arith.index_cast %add3A_2427 : i32 to index
      %get3A_2429 = tpu.vector_load %arg7[%get3A_2428] {strides = array<i32>} : memref<81936xf32, #tpu.memory_space<vmem>>, vector<16xf32>,
      %get3A_2430 = vector.shape_cast %get3A_2429 : vector<16xf32> to vector<16xf32>
      %mul3A_2431 = arith.mulf %get3A_2430, %get3A_2430 : vector<16xf32>
      %add3A_2432 = arith.addf %scan3A_2423, %mul3A_2431 : vector<16xf32>
      scf.yield %add3A_2432 : vector<16xf32>
    }
    %scan3A_944 = arith.constant 256 : i32
    %bitcast_convert_type3A_945 = tpu.bitcast %scan3A_943 : vector<16xf32> -> vector<16xi32>
    %shift_right_arithmetic3A_946 = arith.constant 1 : i32
    %shift_right_arithmetic3A_947 = vector.broadcast %shift_right_arithmetic3A_946 : i32 to vector<16xi32>
    %shift_right_arithmetic3A_948 = arith.shrsi %bitcast_convert_type3A_945, %shift_right_arithmetic3A_947 : vector<16xi32>
    %sub3A_949 = arith.constant 1597463007 : i32
    %sub3A_950 = vector.broadcast %sub3A_949 : i32 to vector<16xi32>
    %sub3A_951 = arith.subi %sub3A_950, %shift_right_arithmetic3A_948 : vector<16xi32>
    %bitcast_convert_type3A_952 = tpu.bitcast %sub3A_951 : vector<16xi32> -> vector<16xf32>
    %mul3A_953 = arith.constant 5.000000e-01 : f32
    %mul3A_954 = vector.broadcast %mul3A_953 : f32 to vector<16xf32>
    %mul3A_955 = arith.mulf %mul3A_954, %scan3A_943 : vector<16xf32>
    %mul3A_956 = arith.mulf %mul3A_955, %bitcast_convert_type3A_952 : vector<16xf32>
    %mul3A_957 = arith.mulf %mul3A_956, %bitcast_convert_type3A_952 : vector<16xf32>
    %sub3A_958 = arith.constant 1.500000e+00 : f32
    %sub3A_959 = vector.broadcast %sub3A_958 : f32 to vector<16xf32>
    %sub3A_960 = arith.subf %sub3A_959, %mul3A_957 : vector<16xf32>
    %mul3A_961 = arith.mulf %bitcast_convert_type3A_952, %sub3A_960 : vector<16xf32>
    %mul3A_962 = arith.constant 5.000000e-01 : f32
    %mul3A_963 = vector.broadcast %mul3A_962 : f32 to vector<16xf32>
    %mul3A_964 = arith.mulf %mul3A_963, %scan3A_943 : vector<16xf32>
    %mul3A_965 = arith.mulf %mul3A_964, %mul3A_961 : vector<16xf32>
    %mul3A_966 = arith.mulf %mul3A_965, %mul3A_961 : vector<16xf32>
    %sub3A_967 = arith.constant 1.500000e+00 : f32
    %sub3A_968 = vector.broadcast %sub3A_967 : f32 to vector<16xf32>
    %sub3A_969 = arith.subf %sub3A_968, %mul3A_966 : vector<16xf32>
    %mul3A_970 = arith.mulf %mul3A_961, %sub3A_969 : vector<16xf32>
    %mul3A_971 = arith.constant 5.000000e-01 : f32
    %mul3A_972 = vector.broadcast %mul3A_971 : f32 to vector<16xf32>
    %mul3A_973 = arith.mulf %mul3A_972, %scan3A_943 : vector<16xf32>
    %mul3A_974 = arith.mulf %mul3A_973, %mul3A_970 : vector<16xf32>
    %mul3A_975 = arith.mulf %mul3A_974, %mul3A_970 : vector<16xf32>
    %sub3A_976 = arith.constant 1.500000e+00 : f32
    %sub3A_977 = vector.broadcast %sub3A_976 : f32 to vector<16xf32>
    %sub3A_978 = arith.subf %sub3A_977, %mul3A_975 : vector<16xf32>
    %mul3A_979 = arith.mulf %mul3A_970, %sub3A_978 : vector<16xf32>
    %mul3A_980 = arith.mulf %scan3A_943, %mul3A_979 : vector<16xf32>
    %swap3A_981 = arith.constant 48 : index
    %swap3A_982 = tpu.vector_load %arg15[%swap3A_981] {strides = array<i32>} : memref<336xf32, #tpu.memory_space<vmem>>, vector<16xf32>,
    %swap3A_983 = vector.shape_cast %swap3A_982 : vector<16xf32> to vector<16xf32>
    %swap3A_984 = vector.shape_cast %mul3A_980 : vector<16xf32> to vector<16xf32>
    tpu.vector_store %arg15[%swap3A_981], %swap3A_984 {strides = array<i32>} : memref<336xf32, #tpu.memory_space<vmem>>, vector<16xf32>,
    %scan3A_985 = arith.constant 0 : i32
    %scan3A_986 = arith.constant 256 : i32
    %scan3A_987 = arith.addi %scan3A_985, %scan3A_986 : i32
    %scan3A_988 = arith.constant 1 : i32
    %scan3A_989 = scf.for %scan3A_2422 = %scan3A_985 to %scan3A_987 step %scan3A_988 iter_args(%scan3A_2423 = %broadcast_in_dim3A_1) -> (vector<16xf32>)  : i32 {
      %mul3A_2424 = arith.constant 320 : i32
      %mul3A_2425 = arith.muli %scan3A_2422, %mul3A_2424 : i32
      %add3A_2426 = arith.constant 64 : i32
      %add3A_2427 = arith.addi %mul3A_2425, %add3A_2426 : i32
      %get3A_2428 = arith.index_cast %add3A_2427 : i32 to index
      %get3A_2429 = tpu.vector_load %arg7[%get3A_2428] {strides = array<i32>} : memref<81936xf32, #tpu.memory_space<vmem>>, vector<16xf32>,
      %get3A_2430 = vector.shape_cast %get3A_2429 : vector<16xf32> to vector<16xf32>
      %mul3A_2431 = arith.mulf %get3A_2430, %get3A_2430 : vector<16xf32>
      %add3A_2432 = arith.addf %scan3A_2423, %mul3A_2431 : vector<16xf32>
      scf.yield %add3A_2432 : vector<16xf32>
    }
    %scan3A_990 = arith.constant 256 : i32
    %bitcast_convert_type3A_991 = tpu.bitcast %scan3A_989 : vector<16xf32> -> vector<16xi32>
    %shift_right_arithmetic3A_992 = arith.constant 1 : i32
    %shift_right_arithmetic3A_993 = vector.broadcast %shift_right_arithmetic3A_992 : i32 to vector<16xi32>
    %shift_right_arithmetic3A_994 = arith.shrsi %bitcast_convert_type3A_991, %shift_right_arithmetic3A_993 : vector<16xi32>
    %sub3A_995 = arith.constant 1597463007 : i32
    %sub3A_996 = vector.broadcast %sub3A_995 : i32 to vector<16xi32>
    %sub3A_997 = arith.subi %sub3A_996, %shift_right_arithmetic3A_994 : vector<16xi32>
    %bitcast_convert_type3A_998 = tpu.bitcast %sub3A_997 : vector<16xi32> -> vector<16xf32>
    %mul3A_999 = arith.constant 5.000000e-01 : f32
    %mul3A_1000 = vector.broadcast %mul3A_999 : f32 to vector<16xf32>
    %mul3A_1001 = arith.mulf %mul3A_1000, %scan3A_989 : vector<16xf32>
    %mul3A_1002 = arith.mulf %mul3A_1001, %bitcast_convert_type3A_998 : vector<16xf32>
    %mul3A_1003 = arith.mulf %mul3A_1002, %bitcast_convert_type3A_998 : vector<16xf32>
    %sub3A_1004 = arith.constant 1.500000e+00 : f32
    %sub3A_1005 = vector.broadcast %sub3A_1004 : f32 to vector<16xf32>
    %sub3A_1006 = arith.subf %sub3A_1005, %mul3A_1003 : vector<16xf32>
    %mul3A_1007 = arith.mulf %bitcast_convert_type3A_998, %sub3A_1006 : vector<16xf32>
    %mul3A_1008 = arith.constant 5.000000e-01 : f32
    %mul3A_1009 = vector.broadcast %mul3A_1008 : f32 to vector<16xf32>
    %mul3A_1010 = arith.mulf %mul3A_1009, %scan3A_989 : vector<16xf32>
    %mul3A_1011 = arith.mulf %mul3A_1010, %mul3A_1007 : vector<16xf32>
    %mul3A_1012 = arith.mulf %mul3A_1011, %mul3A_1007 : vector<16xf32>
    %sub3A_1013 = arith.constant 1.500000e+00 : f32
    %sub3A_1014 = vector.broadcast %sub3A_1013 : f32 to vector<16xf32>
    %sub3A_1015 = arith.subf %sub3A_1014, %mul3A_1012 : vector<16xf32>
    %mul3A_1016 = arith.mulf %mul3A_1007, %sub3A_1015 : vector<16xf32>
    %mul3A_1017 = arith.constant 5.000000e-01 : f32
    %mul3A_1018 = vector.broadcast %mul3A_1017 : f32 to vector<16xf32>
    %mul3A_1019 = arith.mulf %mul3A_1018, %scan3A_989 : vector<16xf32>
    %mul3A_1020 = arith.mulf %mul3A_1019, %mul3A_1016 : vector<16xf32>
    %mul3A_1021 = arith.mulf %mul3A_1020, %mul3A_1016 : vector<16xf32>
    %sub3A_1022 = arith.constant 1.500000e+00 : f32
    %sub3A_1023 = vector.broadcast %sub3A_1022 : f32 to vector<16xf32>
    %sub3A_1024 = arith.subf %sub3A_1023, %mul3A_1021 : vector<16xf32>
    %mul3A_1025 = arith.mulf %mul3A_1016, %sub3A_1024 : vector<16xf32>
    %mul3A_1026 = arith.mulf %scan3A_989, %mul3A_1025 : vector<16xf32>
    %swap3A_1027 = arith.constant 64 : index
    %swap3A_1028 = tpu.vector_load %arg15[%swap3A_1027] {strides = array<i32>} : memref<336xf32, #tpu.memory_space<vmem>>, vector<16xf32>,
    %swap3A_1029 = vector.shape_cast %swap3A_1028 : vector<16xf32> to vector<16xf32>
    %swap3A_1030 = vector.shape_cast %mul3A_1026 : vector<16xf32> to vector<16xf32>
    tpu.vector_store %arg15[%swap3A_1027], %swap3A_1030 {strides = array<i32>} : memref<336xf32, #tpu.memory_space<vmem>>, vector<16xf32>,
    %scan3A_1031 = arith.constant 0 : i32
    %scan3A_1032 = arith.constant 256 : i32
    %scan3A_1033 = arith.addi %scan3A_1031, %scan3A_1032 : i32
    %scan3A_1034 = arith.constant 1 : i32
    %scan3A_1035 = scf.for %scan3A_2422 = %scan3A_1031 to %scan3A_1033 step %scan3A_1034 iter_args(%scan3A_2423 = %broadcast_in_dim3A_1) -> (vector<16xf32>)  : i32 {
      %mul3A_2424 = arith.constant 320 : i32
      %mul3A_2425 = arith.muli %scan3A_2422, %mul3A_2424 : i32
      %add3A_2426 = arith.constant 80 : i32
      %add3A_2427 = arith.addi %mul3A_2425, %add3A_2426 : i32
      %get3A_2428 = arith.index_cast %add3A_2427 : i32 to index
      %get3A_2429 = tpu.vector_load %arg7[%get3A_2428] {strides = array<i32>} : memref<81936xf32, #tpu.memory_space<vmem>>, vector<16xf32>,
      %get3A_2430 = vector.shape_cast %get3A_2429 : vector<16xf32> to vector<16xf32>
      %mul3A_2431 = arith.mulf %get3A_2430, %get3A_2430 : vector<16xf32>
      %add3A_2432 = arith.addf %scan3A_2423, %mul3A_2431 : vector<16xf32>
      scf.yield %add3A_2432 : vector<16xf32>
    }
    %scan3A_1036 = arith.constant 256 : i32
    %bitcast_convert_type3A_1037 = tpu.bitcast %scan3A_1035 : vector<16xf32> -> vector<16xi32>
    %shift_right_arithmetic3A_1038 = arith.constant 1 : i32
    %shift_right_arithmetic3A_1039 = vector.broadcast %shift_right_arithmetic3A_1038 : i32 to vector<16xi32>
    %shift_right_arithmetic3A_1040 = arith.shrsi %bitcast_convert_type3A_1037, %shift_right_arithmetic3A_1039 : vector<16xi32>
    %sub3A_1041 = arith.constant 1597463007 : i32
    %sub3A_1042 = vector.broadcast %sub3A_1041 : i32 to vector<16xi32>
    %sub3A_1043 = arith.subi %sub3A_1042, %shift_right_arithmetic3A_1040 : vector<16xi32>
    %bitcast_convert_type3A_1044 = tpu.bitcast %sub3A_1043 : vector<16xi32> -> vector<16xf32>
    %mul3A_1045 = arith.constant 5.000000e-01 : f32
    %mul3A_1046 = vector.broadcast %mul3A_1045 : f32 to vector<16xf32>
    %mul3A_1047 = arith.mulf %mul3A_1046, %scan3A_1035 : vector<16xf32>
    %mul3A_1048 = arith.mulf %mul3A_1047, %bitcast_convert_type3A_1044 : vector<16xf32>
    %mul3A_1049 = arith.mulf %mul3A_1048, %bitcast_convert_type3A_1044 : vector<16xf32>
    %sub3A_1050 = arith.constant 1.500000e+00 : f32
    %sub3A_1051 = vector.broadcast %sub3A_1050 : f32 to vector<16xf32>
    %sub3A_1052 = arith.subf %sub3A_1051, %mul3A_1049 : vector<16xf32>
    %mul3A_1053 = arith.mulf %bitcast_convert_type3A_1044, %sub3A_1052 : vector<16xf32>
    %mul3A_1054 = arith.constant 5.000000e-01 : f32
    %mul3A_1055 = vector.broadcast %mul3A_1054 : f32 to vector<16xf32>
    %mul3A_1056 = arith.mulf %mul3A_1055, %scan3A_1035 : vector<16xf32>
    %mul3A_1057 = arith.mulf %mul3A_1056, %mul3A_1053 : vector<16xf32>
    %mul3A_1058 = arith.mulf %mul3A_1057, %mul3A_1053 : vector<16xf32>
    %sub3A_1059 = arith.constant 1.500000e+00 : f32
    %sub3A_1060 = vector.broadcast %sub3A_1059 : f32 to vector<16xf32>
    %sub3A_1061 = arith.subf %sub3A_1060, %mul3A_1058 : vector<16xf32>
    %mul3A_1062 = arith.mulf %mul3A_1053, %sub3A_1061 : vector<16xf32>
    %mul3A_1063 = arith.constant 5.000000e-01 : f32
    %mul3A_1064 = vector.broadcast %mul3A_1063 : f32 to vector<16xf32>
    %mul3A_1065 = arith.mulf %mul3A_1064, %scan3A_1035 : vector<16xf32>
    %mul3A_1066 = arith.mulf %mul3A_1065, %mul3A_1062 : vector<16xf32>
    %mul3A_1067 = arith.mulf %mul3A_1066, %mul3A_1062 : vector<16xf32>
    %sub3A_1068 = arith.constant 1.500000e+00 : f32
    %sub3A_1069 = vector.broadcast %sub3A_1068 : f32 to vector<16xf32>
    %sub3A_1070 = arith.subf %sub3A_1069, %mul3A_1067 : vector<16xf32>
    %mul3A_1071 = arith.mulf %mul3A_1062, %sub3A_1070 : vector<16xf32>
    %mul3A_1072 = arith.mulf %scan3A_1035, %mul3A_1071 : vector<16xf32>
    %swap3A_1073 = arith.constant 80 : index
    %swap3A_1074 = tpu.vector_load %arg15[%swap3A_1073] {strides = array<i32>} : memref<336xf32, #tpu.memory_space<vmem>>, vector<16xf32>,
    %swap3A_1075 = vector.shape_cast %swap3A_1074 : vector<16xf32> to vector<16xf32>
    %swap3A_1076 = vector.shape_cast %mul3A_1072 : vector<16xf32> to vector<16xf32>
    tpu.vector_store %arg15[%swap3A_1073], %swap3A_1076 {strides = array<i32>} : memref<336xf32, #tpu.memory_space<vmem>>, vector<16xf32>,
    %scan3A_1077 = arith.constant 0 : i32
    %scan3A_1078 = arith.constant 256 : i32
    %scan3A_1079 = arith.addi %scan3A_1077, %scan3A_1078 : i32
    %scan3A_1080 = arith.constant 1 : i32
    %scan3A_1081 = scf.for %scan3A_2422 = %scan3A_1077 to %scan3A_1079 step %scan3A_1080 iter_args(%scan3A_2423 = %broadcast_in_dim3A_1) -> (vector<16xf32>)  : i32 {
      %mul3A_2424 = arith.constant 320 : i32
      %mul3A_2425 = arith.muli %scan3A_2422, %mul3A_2424 : i32
      %add3A_2426 = arith.constant 96 : i32
      %add3A_2427 = arith.addi %mul3A_2425, %add3A_2426 : i32
      %get3A_2428 = arith.index_cast %add3A_2427 : i32 to index
      %get3A_2429 = tpu.vector_load %arg7[%get3A_2428] {strides = array<i32>} : memref<81936xf32, #tpu.memory_space<vmem>>, vector<16xf32>,
      %get3A_2430 = vector.shape_cast %get3A_2429 : vector<16xf32> to vector<16xf32>
      %mul3A_2431 = arith.mulf %get3A_2430, %get3A_2430 : vector<16xf32>
      %add3A_2432 = arith.addf %scan3A_2423, %mul3A_2431 : vector<16xf32>
      scf.yield %add3A_2432 : vector<16xf32>
    }
    %scan3A_1082 = arith.constant 256 : i32
    %bitcast_convert_type3A_1083 = tpu.bitcast %scan3A_1081 : vector<16xf32> -> vector<16xi32>
    %shift_right_arithmetic3A_1084 = arith.constant 1 : i32
    %shift_right_arithmetic3A_1085 = vector.broadcast %shift_right_arithmetic3A_1084 : i32 to vector<16xi32>
    %shift_right_arithmetic3A_1086 = arith.shrsi %bitcast_convert_type3A_1083, %shift_right_arithmetic3A_1085 : vector<16xi32>
    %sub3A_1087 = arith.constant 1597463007 : i32
    %sub3A_1088 = vector.broadcast %sub3A_1087 : i32 to vector<16xi32>
    %sub3A_1089 = arith.subi %sub3A_1088, %shift_right_arithmetic3A_1086 : vector<16xi32>
    %bitcast_convert_type3A_1090 = tpu.bitcast %sub3A_1089 : vector<16xi32> -> vector<16xf32>
    %mul3A_1091 = arith.constant 5.000000e-01 : f32
    %mul3A_1092 = vector.broadcast %mul3A_1091 : f32 to vector<16xf32>
    %mul3A_1093 = arith.mulf %mul3A_1092, %scan3A_1081 : vector<16xf32>
    %mul3A_1094 = arith.mulf %mul3A_1093, %bitcast_convert_type3A_1090 : vector<16xf32>
    %mul3A_1095 = arith.mulf %mul3A_1094, %bitcast_convert_type3A_1090 : vector<16xf32>
    %sub3A_1096 = arith.constant 1.500000e+00 : f32
    %sub3A_1097 = vector.broadcast %sub3A_1096 : f32 to vector<16xf32>
    %sub3A_1098 = arith.subf %sub3A_1097, %mul3A_1095 : vector<16xf32>
    %mul3A_1099 = arith.mulf %bitcast_convert_type3A_1090, %sub3A_1098 : vector<16xf32>
    %mul3A_1100 = arith.constant 5.000000e-01 : f32
    %mul3A_1101 = vector.broadcast %mul3A_1100 : f32 to vector<16xf32>
    %mul3A_1102 = arith.mulf %mul3A_1101, %scan3A_1081 : vector<16xf32>
    %mul3A_1103 = arith.mulf %mul3A_1102, %mul3A_1099 : vector<16xf32>
    %mul3A_1104 = arith.mulf %mul3A_1103, %mul3A_1099 : vector<16xf32>
    %sub3A_1105 = arith.constant 1.500000e+00 : f32
    %sub3A_1106 = vector.broadcast %sub3A_1105 : f32 to vector<16xf32>
    %sub3A_1107 = arith.subf %sub3A_1106, %mul3A_1104 : vector<16xf32>
    %mul3A_1108 = arith.mulf %mul3A_1099, %sub3A_1107 : vector<16xf32>
    %mul3A_1109 = arith.constant 5.000000e-01 : f32
    %mul3A_1110 = vector.broadcast %mul3A_1109 : f32 to vector<16xf32>
    %mul3A_1111 = arith.mulf %mul3A_1110, %scan3A_1081 : vector<16xf32>
    %mul3A_1112 = arith.mulf %mul3A_1111, %mul3A_1108 : vector<16xf32>
    %mul3A_1113 = arith.mulf %mul3A_1112, %mul3A_1108 : vector<16xf32>
    %sub3A_1114 = arith.constant 1.500000e+00 : f32
    %sub3A_1115 = vector.broadcast %sub3A_1114 : f32 to vector<16xf32>
    %sub3A_1116 = arith.subf %sub3A_1115, %mul3A_1113 : vector<16xf32>
    %mul3A_1117 = arith.mulf %mul3A_1108, %sub3A_1116 : vector<16xf32>
    %mul3A_1118 = arith.mulf %scan3A_1081, %mul3A_1117 : vector<16xf32>
    %swap3A_1119 = arith.constant 96 : index
    %swap3A_1120 = tpu.vector_load %arg15[%swap3A_1119] {strides = array<i32>} : memref<336xf32, #tpu.memory_space<vmem>>, vector<16xf32>,
    %swap3A_1121 = vector.shape_cast %swap3A_1120 : vector<16xf32> to vector<16xf32>
    %swap3A_1122 = vector.shape_cast %mul3A_1118 : vector<16xf32> to vector<16xf32>
    tpu.vector_store %arg15[%swap3A_1119], %swap3A_1122 {strides = array<i32>} : memref<336xf32, #tpu.memory_space<vmem>>, vector<16xf32>,
    %scan3A_1123 = arith.constant 0 : i32
    %scan3A_1124 = arith.constant 256 : i32
    %scan3A_1125 = arith.addi %scan3A_1123, %scan3A_1124 : i32
    %scan3A_1126 = arith.constant 1 : i32
    %scan3A_1127 = scf.for %scan3A_2422 = %scan3A_1123 to %scan3A_1125 step %scan3A_1126 iter_args(%scan3A_2423 = %broadcast_in_dim3A_1) -> (vector<16xf32>)  : i32 {
      %mul3A_2424 = arith.constant 320 : i32
      %mul3A_2425 = arith.muli %scan3A_2422, %mul3A_2424 : i32
      %add3A_2426 = arith.constant 112 : i32
      %add3A_2427 = arith.addi %mul3A_2425, %add3A_2426 : i32
      %get3A_2428 = arith.index_cast %add3A_2427 : i32 to index
      %get3A_2429 = tpu.vector_load %arg7[%get3A_2428] {strides = array<i32>} : memref<81936xf32, #tpu.memory_space<vmem>>, vector<16xf32>,
      %get3A_2430 = vector.shape_cast %get3A_2429 : vector<16xf32> to vector<16xf32>
      %mul3A_2431 = arith.mulf %get3A_2430, %get3A_2430 : vector<16xf32>
      %add3A_2432 = arith.addf %scan3A_2423, %mul3A_2431 : vector<16xf32>
      scf.yield %add3A_2432 : vector<16xf32>
    }
    %scan3A_1128 = arith.constant 256 : i32
    %bitcast_convert_type3A_1129 = tpu.bitcast %scan3A_1127 : vector<16xf32> -> vector<16xi32>
    %shift_right_arithmetic3A_1130 = arith.constant 1 : i32
    %shift_right_arithmetic3A_1131 = vector.broadcast %shift_right_arithmetic3A_1130 : i32 to vector<16xi32>
    %shift_right_arithmetic3A_1132 = arith.shrsi %bitcast_convert_type3A_1129, %shift_right_arithmetic3A_1131 : vector<16xi32>
    %sub3A_1133 = arith.constant 1597463007 : i32
    %sub3A_1134 = vector.broadcast %sub3A_1133 : i32 to vector<16xi32>
    %sub3A_1135 = arith.subi %sub3A_1134, %shift_right_arithmetic3A_1132 : vector<16xi32>
    %bitcast_convert_type3A_1136 = tpu.bitcast %sub3A_1135 : vector<16xi32> -> vector<16xf32>
    %mul3A_1137 = arith.constant 5.000000e-01 : f32
    %mul3A_1138 = vector.broadcast %mul3A_1137 : f32 to vector<16xf32>
    %mul3A_1139 = arith.mulf %mul3A_1138, %scan3A_1127 : vector<16xf32>
    %mul3A_1140 = arith.mulf %mul3A_1139, %bitcast_convert_type3A_1136 : vector<16xf32>
    %mul3A_1141 = arith.mulf %mul3A_1140, %bitcast_convert_type3A_1136 : vector<16xf32>
    %sub3A_1142 = arith.constant 1.500000e+00 : f32
    %sub3A_1143 = vector.broadcast %sub3A_1142 : f32 to vector<16xf32>
    %sub3A_1144 = arith.subf %sub3A_1143, %mul3A_1141 : vector<16xf32>
    %mul3A_1145 = arith.mulf %bitcast_convert_type3A_1136, %sub3A_1144 : vector<16xf32>
    %mul3A_1146 = arith.constant 5.000000e-01 : f32
    %mul3A_1147 = vector.broadcast %mul3A_1146 : f32 to vector<16xf32>
    %mul3A_1148 = arith.mulf %mul3A_1147, %scan3A_1127 : vector<16xf32>
    %mul3A_1149 = arith.mulf %mul3A_1148, %mul3A_1145 : vector<16xf32>
    %mul3A_1150 = arith.mulf %mul3A_1149, %mul3A_1145 : vector<16xf32>
    %sub3A_1151 = arith.constant 1.500000e+00 : f32
    %sub3A_1152 = vector.broadcast %sub3A_1151 : f32 to vector<16xf32>
    %sub3A_1153 = arith.subf %sub3A_1152, %mul3A_1150 : vector<16xf32>
    %mul3A_1154 = arith.mulf %mul3A_1145, %sub3A_1153 : vector<16xf32>
    %mul3A_1155 = arith.constant 5.000000e-01 : f32
    %mul3A_1156 = vector.broadcast %mul3A_1155 : f32 to vector<16xf32>
    %mul3A_1157 = arith.mulf %mul3A_1156, %scan3A_1127 : vector<16xf32>
    %mul3A_1158 = arith.mulf %mul3A_1157, %mul3A_1154 : vector<16xf32>
    %mul3A_1159 = arith.mulf %mul3A_1158, %mul3A_1154 : vector<16xf32>
    %sub3A_1160 = arith.constant 1.500000e+00 : f32
    %sub3A_1161 = vector.broadcast %sub3A_1160 : f32 to vector<16xf32>
    %sub3A_1162 = arith.subf %sub3A_1161, %mul3A_1159 : vector<16xf32>
    %mul3A_1163 = arith.mulf %mul3A_1154, %sub3A_1162 : vector<16xf32>
    %mul3A_1164 = arith.mulf %scan3A_1127, %mul3A_1163 : vector<16xf32>
    %swap3A_1165 = arith.constant 112 : index
    %swap3A_1166 = tpu.vector_load %arg15[%swap3A_1165] {strides = array<i32>} : memref<336xf32, #tpu.memory_space<vmem>>, vector<16xf32>,
    %swap3A_1167 = vector.shape_cast %swap3A_1166 : vector<16xf32> to vector<16xf32>
    %swap3A_1168 = vector.shape_cast %mul3A_1164 : vector<16xf32> to vector<16xf32>
    tpu.vector_store %arg15[%swap3A_1165], %swap3A_1168 {strides = array<i32>} : memref<336xf32, #tpu.memory_space<vmem>>, vector<16xf32>,
    %scan3A_1169 = arith.constant 0 : i32
    %scan3A_1170 = arith.constant 256 : i32
    %scan3A_1171 = arith.addi %scan3A_1169, %scan3A_1170 : i32
    %scan3A_1172 = arith.constant 1 : i32
    %scan3A_1173 = scf.for %scan3A_2422 = %scan3A_1169 to %scan3A_1171 step %scan3A_1172 iter_args(%scan3A_2423 = %broadcast_in_dim3A_1) -> (vector<16xf32>)  : i32 {
      %mul3A_2424 = arith.constant 320 : i32
      %mul3A_2425 = arith.muli %scan3A_2422, %mul3A_2424 : i32
      %add3A_2426 = arith.constant 128 : i32
      %add3A_2427 = arith.addi %mul3A_2425, %add3A_2426 : i32
      %get3A_2428 = arith.index_cast %add3A_2427 : i32 to index
      %get3A_2429 = tpu.vector_load %arg7[%get3A_2428] {strides = array<i32>} : memref<81936xf32, #tpu.memory_space<vmem>>, vector<16xf32>,
      %get3A_2430 = vector.shape_cast %get3A_2429 : vector<16xf32> to vector<16xf32>
      %mul3A_2431 = arith.mulf %get3A_2430, %get3A_2430 : vector<16xf32>
      %add3A_2432 = arith.addf %scan3A_2423, %mul3A_2431 : vector<16xf32>
      scf.yield %add3A_2432 : vector<16xf32>
    }
    %scan3A_1174 = arith.constant 256 : i32
    %bitcast_convert_type3A_1175 = tpu.bitcast %scan3A_1173 : vector<16xf32> -> vector<16xi32>
    %shift_right_arithmetic3A_1176 = arith.constant 1 : i32
    %shift_right_arithmetic3A_1177 = vector.broadcast %shift_right_arithmetic3A_1176 : i32 to vector<16xi32>
    %shift_right_arithmetic3A_1178 = arith.shrsi %bitcast_convert_type3A_1175, %shift_right_arithmetic3A_1177 : vector<16xi32>
    %sub3A_1179 = arith.constant 1597463007 : i32
    %sub3A_1180 = vector.broadcast %sub3A_1179 : i32 to vector<16xi32>
    %sub3A_1181 = arith.subi %sub3A_1180, %shift_right_arithmetic3A_1178 : vector<16xi32>
    %bitcast_convert_type3A_1182 = tpu.bitcast %sub3A_1181 : vector<16xi32> -> vector<16xf32>
    %mul3A_1183 = arith.constant 5.000000e-01 : f32
    %mul3A_1184 = vector.broadcast %mul3A_1183 : f32 to vector<16xf32>
    %mul3A_1185 = arith.mulf %mul3A_1184, %scan3A_1173 : vector<16xf32>
    %mul3A_1186 = arith.mulf %mul3A_1185, %bitcast_convert_type3A_1182 : vector<16xf32>
    %mul3A_1187 = arith.mulf %mul3A_1186, %bitcast_convert_type3A_1182 : vector<16xf32>
    %sub3A_1188 = arith.constant 1.500000e+00 : f32
    %sub3A_1189 = vector.broadcast %sub3A_1188 : f32 to vector<16xf32>
    %sub3A_1190 = arith.subf %sub3A_1189, %mul3A_1187 : vector<16xf32>
    %mul3A_1191 = arith.mulf %bitcast_convert_type3A_1182, %sub3A_1190 : vector<16xf32>
    %mul3A_1192 = arith.constant 5.000000e-01 : f32
    %mul3A_1193 = vector.broadcast %mul3A_1192 : f32 to vector<16xf32>
    %mul3A_1194 = arith.mulf %mul3A_1193, %scan3A_1173 : vector<16xf32>
    %mul3A_1195 = arith.mulf %mul3A_1194, %mul3A_1191 : vector<16xf32>
    %mul3A_1196 = arith.mulf %mul3A_1195, %mul3A_1191 : vector<16xf32>
    %sub3A_1197 = arith.constant 1.500000e+00 : f32
    %sub3A_1198 = vector.broadcast %sub3A_1197 : f32 to vector<16xf32>
    %sub3A_1199 = arith.subf %sub3A_1198, %mul3A_1196 : vector<16xf32>
    %mul3A_1200 = arith.mulf %mul3A_1191, %sub3A_1199 : vector<16xf32>
    %mul3A_1201 = arith.constant 5.000000e-01 : f32
    %mul3A_1202 = vector.broadcast %mul3A_1201 : f32 to vector<16xf32>
    %mul3A_1203 = arith.mulf %mul3A_1202, %scan3A_1173 : vector<16xf32>
    %mul3A_1204 = arith.mulf %mul3A_1203, %mul3A_1200 : vector<16xf32>
    %mul3A_1205 = arith.mulf %mul3A_1204, %mul3A_1200 : vector<16xf32>
    %sub3A_1206 = arith.constant 1.500000e+00 : f32
    %sub3A_1207 = vector.broadcast %sub3A_1206 : f32 to vector<16xf32>
    %sub3A_1208 = arith.subf %sub3A_1207, %mul3A_1205 : vector<16xf32>
    %mul3A_1209 = arith.mulf %mul3A_1200, %sub3A_1208 : vector<16xf32>
    %mul3A_1210 = arith.mulf %scan3A_1173, %mul3A_1209 : vector<16xf32>
    %swap3A_1211 = arith.constant 128 : index
    %swap3A_1212 = tpu.vector_load %arg15[%swap3A_1211] {strides = array<i32>} : memref<336xf32, #tpu.memory_space<vmem>>, vector<16xf32>,
    %swap3A_1213 = vector.shape_cast %swap3A_1212 : vector<16xf32> to vector<16xf32>
    %swap3A_1214 = vector.shape_cast %mul3A_1210 : vector<16xf32> to vector<16xf32>
    tpu.vector_store %arg15[%swap3A_1211], %swap3A_1214 {strides = array<i32>} : memref<336xf32, #tpu.memory_space<vmem>>, vector<16xf32>,
    %scan3A_1215 = arith.constant 0 : i32
    %scan3A_1216 = arith.constant 256 : i32
    %scan3A_1217 = arith.addi %scan3A_1215, %scan3A_1216 : i32
    %scan3A_1218 = arith.constant 1 : i32
    %scan3A_1219 = scf.for %scan3A_2422 = %scan3A_1215 to %scan3A_1217 step %scan3A_1218 iter_args(%scan3A_2423 = %broadcast_in_dim3A_1) -> (vector<16xf32>)  : i32 {
      %mul3A_2424 = arith.constant 320 : i32
      %mul3A_2425 = arith.muli %scan3A_2422, %mul3A_2424 : i32
      %add3A_2426 = arith.constant 144 : i32
      %add3A_2427 = arith.addi %mul3A_2425, %add3A_2426 : i32
      %get3A_2428 = arith.index_cast %add3A_2427 : i32 to index
      %get3A_2429 = tpu.vector_load %arg7[%get3A_2428] {strides = array<i32>} : memref<81936xf32, #tpu.memory_space<vmem>>, vector<16xf32>,
      %get3A_2430 = vector.shape_cast %get3A_2429 : vector<16xf32> to vector<16xf32>
      %mul3A_2431 = arith.mulf %get3A_2430, %get3A_2430 : vector<16xf32>
      %add3A_2432 = arith.addf %scan3A_2423, %mul3A_2431 : vector<16xf32>
      scf.yield %add3A_2432 : vector<16xf32>
    }
    %scan3A_1220 = arith.constant 256 : i32
    %bitcast_convert_type3A_1221 = tpu.bitcast %scan3A_1219 : vector<16xf32> -> vector<16xi32>
    %shift_right_arithmetic3A_1222 = arith.constant 1 : i32
    %shift_right_arithmetic3A_1223 = vector.broadcast %shift_right_arithmetic3A_1222 : i32 to vector<16xi32>
    %shift_right_arithmetic3A_1224 = arith.shrsi %bitcast_convert_type3A_1221, %shift_right_arithmetic3A_1223 : vector<16xi32>
    %sub3A_1225 = arith.constant 1597463007 : i32
    %sub3A_1226 = vector.broadcast %sub3A_1225 : i32 to vector<16xi32>
    %sub3A_1227 = arith.subi %sub3A_1226, %shift_right_arithmetic3A_1224 : vector<16xi32>
    %bitcast_convert_type3A_1228 = tpu.bitcast %sub3A_1227 : vector<16xi32> -> vector<16xf32>
    %mul3A_1229 = arith.constant 5.000000e-01 : f32
    %mul3A_1230 = vector.broadcast %mul3A_1229 : f32 to vector<16xf32>
    %mul3A_1231 = arith.mulf %mul3A_1230, %scan3A_1219 : vector<16xf32>
    %mul3A_1232 = arith.mulf %mul3A_1231, %bitcast_convert_type3A_1228 : vector<16xf32>
    %mul3A_1233 = arith.mulf %mul3A_1232, %bitcast_convert_type3A_1228 : vector<16xf32>
    %sub3A_1234 = arith.constant 1.500000e+00 : f32
    %sub3A_1235 = vector.broadcast %sub3A_1234 : f32 to vector<16xf32>
    %sub3A_1236 = arith.subf %sub3A_1235, %mul3A_1233 : vector<16xf32>
    %mul3A_1237 = arith.mulf %bitcast_convert_type3A_1228, %sub3A_1236 : vector<16xf32>
    %mul3A_1238 = arith.constant 5.000000e-01 : f32
    %mul3A_1239 = vector.broadcast %mul3A_1238 : f32 to vector<16xf32>
    %mul3A_1240 = arith.mulf %mul3A_1239, %scan3A_1219 : vector<16xf32>
    %mul3A_1241 = arith.mulf %mul3A_1240, %mul3A_1237 : vector<16xf32>
    %mul3A_1242 = arith.mulf %mul3A_1241, %mul3A_1237 : vector<16xf32>
    %sub3A_1243 = arith.constant 1.500000e+00 : f32
    %sub3A_1244 = vector.broadcast %sub3A_1243 : f32 to vector<16xf32>
    %sub3A_1245 = arith.subf %sub3A_1244, %mul3A_1242 : vector<16xf32>
    %mul3A_1246 = arith.mulf %mul3A_1237, %sub3A_1245 : vector<16xf32>
    %mul3A_1247 = arith.constant 5.000000e-01 : f32
    %mul3A_1248 = vector.broadcast %mul3A_1247 : f32 to vector<16xf32>
    %mul3A_1249 = arith.mulf %mul3A_1248, %scan3A_1219 : vector<16xf32>
    %mul3A_1250 = arith.mulf %mul3A_1249, %mul3A_1246 : vector<16xf32>
    %mul3A_1251 = arith.mulf %mul3A_1250, %mul3A_1246 : vector<16xf32>
    %sub3A_1252 = arith.constant 1.500000e+00 : f32
    %sub3A_1253 = vector.broadcast %sub3A_1252 : f32 to vector<16xf32>
    %sub3A_1254 = arith.subf %sub3A_1253, %mul3A_1251 : vector<16xf32>
    %mul3A_1255 = arith.mulf %mul3A_1246, %sub3A_1254 : vector<16xf32>
    %mul3A_1256 = arith.mulf %scan3A_1219, %mul3A_1255 : vector<16xf32>
    %swap3A_1257 = arith.constant 144 : index
    %swap3A_1258 = tpu.vector_load %arg15[%swap3A_1257] {strides = array<i32>} : memref<336xf32, #tpu.memory_space<vmem>>, vector<16xf32>,
    %swap3A_1259 = vector.shape_cast %swap3A_1258 : vector<16xf32> to vector<16xf32>
    %swap3A_1260 = vector.shape_cast %mul3A_1256 : vector<16xf32> to vector<16xf32>
    tpu.vector_store %arg15[%swap3A_1257], %swap3A_1260 {strides = array<i32>} : memref<336xf32, #tpu.memory_space<vmem>>, vector<16xf32>,
    %scan3A_1261 = arith.constant 0 : i32
    %scan3A_1262 = arith.constant 256 : i32
    %scan3A_1263 = arith.addi %scan3A_1261, %scan3A_1262 : i32
    %scan3A_1264 = arith.constant 1 : i32
    %scan3A_1265 = scf.for %scan3A_2422 = %scan3A_1261 to %scan3A_1263 step %scan3A_1264 iter_args(%scan3A_2423 = %broadcast_in_dim3A_1) -> (vector<16xf32>)  : i32 {
      %mul3A_2424 = arith.constant 320 : i32
      %mul3A_2425 = arith.muli %scan3A_2422, %mul3A_2424 : i32
      %add3A_2426 = arith.constant 160 : i32
      %add3A_2427 = arith.addi %mul3A_2425, %add3A_2426 : i32
      %get3A_2428 = arith.index_cast %add3A_2427 : i32 to index
      %get3A_2429 = tpu.vector_load %arg7[%get3A_2428] {strides = array<i32>} : memref<81936xf32, #tpu.memory_space<vmem>>, vector<16xf32>,
      %get3A_2430 = vector.shape_cast %get3A_2429 : vector<16xf32> to vector<16xf32>
      %mul3A_2431 = arith.mulf %get3A_2430, %get3A_2430 : vector<16xf32>
      %add3A_2432 = arith.addf %scan3A_2423, %mul3A_2431 : vector<16xf32>
      scf.yield %add3A_2432 : vector<16xf32>
    }
    %scan3A_1266 = arith.constant 256 : i32
    %bitcast_convert_type3A_1267 = tpu.bitcast %scan3A_1265 : vector<16xf32> -> vector<16xi32>
    %shift_right_arithmetic3A_1268 = arith.constant 1 : i32
    %shift_right_arithmetic3A_1269 = vector.broadcast %shift_right_arithmetic3A_1268 : i32 to vector<16xi32>
    %shift_right_arithmetic3A_1270 = arith.shrsi %bitcast_convert_type3A_1267, %shift_right_arithmetic3A_1269 : vector<16xi32>
    %sub3A_1271 = arith.constant 1597463007 : i32
    %sub3A_1272 = vector.broadcast %sub3A_1271 : i32 to vector<16xi32>
    %sub3A_1273 = arith.subi %sub3A_1272, %shift_right_arithmetic3A_1270 : vector<16xi32>
    %bitcast_convert_type3A_1274 = tpu.bitcast %sub3A_1273 : vector<16xi32> -> vector<16xf32>
    %mul3A_1275 = arith.constant 5.000000e-01 : f32
    %mul3A_1276 = vector.broadcast %mul3A_1275 : f32 to vector<16xf32>
    %mul3A_1277 = arith.mulf %mul3A_1276, %scan3A_1265 : vector<16xf32>
    %mul3A_1278 = arith.mulf %mul3A_1277, %bitcast_convert_type3A_1274 : vector<16xf32>
    %mul3A_1279 = arith.mulf %mul3A_1278, %bitcast_convert_type3A_1274 : vector<16xf32>
    %sub3A_1280 = arith.constant 1.500000e+00 : f32
    %sub3A_1281 = vector.broadcast %sub3A_1280 : f32 to vector<16xf32>
    %sub3A_1282 = arith.subf %sub3A_1281, %mul3A_1279 : vector<16xf32>
    %mul3A_1283 = arith.mulf %bitcast_convert_type3A_1274, %sub3A_1282 : vector<16xf32>
    %mul3A_1284 = arith.constant 5.000000e-01 : f32
    %mul3A_1285 = vector.broadcast %mul3A_1284 : f32 to vector<16xf32>
    %mul3A_1286 = arith.mulf %mul3A_1285, %scan3A_1265 : vector<16xf32>
    %mul3A_1287 = arith.mulf %mul3A_1286, %mul3A_1283 : vector<16xf32>
    %mul3A_1288 = arith.mulf %mul3A_1287, %mul3A_1283 : vector<16xf32>
    %sub3A_1289 = arith.constant 1.500000e+00 : f32
    %sub3A_1290 = vector.broadcast %sub3A_1289 : f32 to vector<16xf32>
    %sub3A_1291 = arith.subf %sub3A_1290, %mul3A_1288 : vector<16xf32>
    %mul3A_1292 = arith.mulf %mul3A_1283, %sub3A_1291 : vector<16xf32>
    %mul3A_1293 = arith.constant 5.000000e-01 : f32
    %mul3A_1294 = vector.broadcast %mul3A_1293 : f32 to vector<16xf32>
    %mul3A_1295 = arith.mulf %mul3A_1294, %scan3A_1265 : vector<16xf32>
    %mul3A_1296 = arith.mulf %mul3A_1295, %mul3A_1292 : vector<16xf32>
    %mul3A_1297 = arith.mulf %mul3A_1296, %mul3A_1292 : vector<16xf32>
    %sub3A_1298 = arith.constant 1.500000e+00 : f32
    %sub3A_1299 = vector.broadcast %sub3A_1298 : f32 to vector<16xf32>
    %sub3A_1300 = arith.subf %sub3A_1299, %mul3A_1297 : vector<16xf32>
    %mul3A_1301 = arith.mulf %mul3A_1292, %sub3A_1300 : vector<16xf32>
    %mul3A_1302 = arith.mulf %scan3A_1265, %mul3A_1301 : vector<16xf32>
    %swap3A_1303 = arith.constant 160 : index
    %swap3A_1304 = tpu.vector_load %arg15[%swap3A_1303] {strides = array<i32>} : memref<336xf32, #tpu.memory_space<vmem>>, vector<16xf32>,
    %swap3A_1305 = vector.shape_cast %swap3A_1304 : vector<16xf32> to vector<16xf32>
    %swap3A_1306 = vector.shape_cast %mul3A_1302 : vector<16xf32> to vector<16xf32>
    tpu.vector_store %arg15[%swap3A_1303], %swap3A_1306 {strides = array<i32>} : memref<336xf32, #tpu.memory_space<vmem>>, vector<16xf32>,
    %scan3A_1307 = arith.constant 0 : i32
    %scan3A_1308 = arith.constant 256 : i32
    %scan3A_1309 = arith.addi %scan3A_1307, %scan3A_1308 : i32
    %scan3A_1310 = arith.constant 1 : i32
    %scan3A_1311 = scf.for %scan3A_2422 = %scan3A_1307 to %scan3A_1309 step %scan3A_1310 iter_args(%scan3A_2423 = %broadcast_in_dim3A_1) -> (vector<16xf32>)  : i32 {
      %mul3A_2424 = arith.constant 320 : i32
      %mul3A_2425 = arith.muli %scan3A_2422, %mul3A_2424 : i32
      %add3A_2426 = arith.constant 176 : i32
      %add3A_2427 = arith.addi %mul3A_2425, %add3A_2426 : i32
      %get3A_2428 = arith.index_cast %add3A_2427 : i32 to index
      %get3A_2429 = tpu.vector_load %arg7[%get3A_2428] {strides = array<i32>} : memref<81936xf32, #tpu.memory_space<vmem>>, vector<16xf32>,
      %get3A_2430 = vector.shape_cast %get3A_2429 : vector<16xf32> to vector<16xf32>
      %mul3A_2431 = arith.mulf %get3A_2430, %get3A_2430 : vector<16xf32>
      %add3A_2432 = arith.addf %scan3A_2423, %mul3A_2431 : vector<16xf32>
      scf.yield %add3A_2432 : vector<16xf32>
    }
    %scan3A_1312 = arith.constant 256 : i32
    %bitcast_convert_type3A_1313 = tpu.bitcast %scan3A_1311 : vector<16xf32> -> vector<16xi32>
    %shift_right_arithmetic3A_1314 = arith.constant 1 : i32
    %shift_right_arithmetic3A_1315 = vector.broadcast %shift_right_arithmetic3A_1314 : i32 to vector<16xi32>
    %shift_right_arithmetic3A_1316 = arith.shrsi %bitcast_convert_type3A_1313, %shift_right_arithmetic3A_1315 : vector<16xi32>
    %sub3A_1317 = arith.constant 1597463007 : i32
    %sub3A_1318 = vector.broadcast %sub3A_1317 : i32 to vector<16xi32>
    %sub3A_1319 = arith.subi %sub3A_1318, %shift_right_arithmetic3A_1316 : vector<16xi32>
    %bitcast_convert_type3A_1320 = tpu.bitcast %sub3A_1319 : vector<16xi32> -> vector<16xf32>
    %mul3A_1321 = arith.constant 5.000000e-01 : f32
    %mul3A_1322 = vector.broadcast %mul3A_1321 : f32 to vector<16xf32>
    %mul3A_1323 = arith.mulf %mul3A_1322, %scan3A_1311 : vector<16xf32>
    %mul3A_1324 = arith.mulf %mul3A_1323, %bitcast_convert_type3A_1320 : vector<16xf32>
    %mul3A_1325 = arith.mulf %mul3A_1324, %bitcast_convert_type3A_1320 : vector<16xf32>
    %sub3A_1326 = arith.constant 1.500000e+00 : f32
    %sub3A_1327 = vector.broadcast %sub3A_1326 : f32 to vector<16xf32>
    %sub3A_1328 = arith.subf %sub3A_1327, %mul3A_1325 : vector<16xf32>
    %mul3A_1329 = arith.mulf %bitcast_convert_type3A_1320, %sub3A_1328 : vector<16xf32>
    %mul3A_1330 = arith.constant 5.000000e-01 : f32
    %mul3A_1331 = vector.broadcast %mul3A_1330 : f32 to vector<16xf32>
    %mul3A_1332 = arith.mulf %mul3A_1331, %scan3A_1311 : vector<16xf32>
    %mul3A_1333 = arith.mulf %mul3A_1332, %mul3A_1329 : vector<16xf32>
    %mul3A_1334 = arith.mulf %mul3A_1333, %mul3A_1329 : vector<16xf32>
    %sub3A_1335 = arith.constant 1.500000e+00 : f32
    %sub3A_1336 = vector.broadcast %sub3A_1335 : f32 to vector<16xf32>
    %sub3A_1337 = arith.subf %sub3A_1336, %mul3A_1334 : vector<16xf32>
    %mul3A_1338 = arith.mulf %mul3A_1329, %sub3A_1337 : vector<16xf32>
    %mul3A_1339 = arith.constant 5.000000e-01 : f32
    %mul3A_1340 = vector.broadcast %mul3A_1339 : f32 to vector<16xf32>
    %mul3A_1341 = arith.mulf %mul3A_1340, %scan3A_1311 : vector<16xf32>
    %mul3A_1342 = arith.mulf %mul3A_1341, %mul3A_1338 : vector<16xf32>
    %mul3A_1343 = arith.mulf %mul3A_1342, %mul3A_1338 : vector<16xf32>
    %sub3A_1344 = arith.constant 1.500000e+00 : f32
    %sub3A_1345 = vector.broadcast %sub3A_1344 : f32 to vector<16xf32>
    %sub3A_1346 = arith.subf %sub3A_1345, %mul3A_1343 : vector<16xf32>
    %mul3A_1347 = arith.mulf %mul3A_1338, %sub3A_1346 : vector<16xf32>
    %mul3A_1348 = arith.mulf %scan3A_1311, %mul3A_1347 : vector<16xf32>
    %swap3A_1349 = arith.constant 176 : index
    %swap3A_1350 = tpu.vector_load %arg15[%swap3A_1349] {strides = array<i32>} : memref<336xf32, #tpu.memory_space<vmem>>, vector<16xf32>,
    %swap3A_1351 = vector.shape_cast %swap3A_1350 : vector<16xf32> to vector<16xf32>
    %swap3A_1352 = vector.shape_cast %mul3A_1348 : vector<16xf32> to vector<16xf32>
    tpu.vector_store %arg15[%swap3A_1349], %swap3A_1352 {strides = array<i32>} : memref<336xf32, #tpu.memory_space<vmem>>, vector<16xf32>,
    %scan3A_1353 = arith.constant 0 : i32
    %scan3A_1354 = arith.constant 256 : i32
    %scan3A_1355 = arith.addi %scan3A_1353, %scan3A_1354 : i32
    %scan3A_1356 = arith.constant 1 : i32
    %scan3A_1357 = scf.for %scan3A_2422 = %scan3A_1353 to %scan3A_1355 step %scan3A_1356 iter_args(%scan3A_2423 = %broadcast_in_dim3A_1) -> (vector<16xf32>)  : i32 {
      %mul3A_2424 = arith.constant 320 : i32
      %mul3A_2425 = arith.muli %scan3A_2422, %mul3A_2424 : i32
      %add3A_2426 = arith.constant 192 : i32
      %add3A_2427 = arith.addi %mul3A_2425, %add3A_2426 : i32
      %get3A_2428 = arith.index_cast %add3A_2427 : i32 to index
      %get3A_2429 = tpu.vector_load %arg7[%get3A_2428] {strides = array<i32>} : memref<81936xf32, #tpu.memory_space<vmem>>, vector<16xf32>,
      %get3A_2430 = vector.shape_cast %get3A_2429 : vector<16xf32> to vector<16xf32>
      %mul3A_2431 = arith.mulf %get3A_2430, %get3A_2430 : vector<16xf32>
      %add3A_2432 = arith.addf %scan3A_2423, %mul3A_2431 : vector<16xf32>
      scf.yield %add3A_2432 : vector<16xf32>
    }
    %scan3A_1358 = arith.constant 256 : i32
    %bitcast_convert_type3A_1359 = tpu.bitcast %scan3A_1357 : vector<16xf32> -> vector<16xi32>
    %shift_right_arithmetic3A_1360 = arith.constant 1 : i32
    %shift_right_arithmetic3A_1361 = vector.broadcast %shift_right_arithmetic3A_1360 : i32 to vector<16xi32>
    %shift_right_arithmetic3A_1362 = arith.shrsi %bitcast_convert_type3A_1359, %shift_right_arithmetic3A_1361 : vector<16xi32>
    %sub3A_1363 = arith.constant 1597463007 : i32
    %sub3A_1364 = vector.broadcast %sub3A_1363 : i32 to vector<16xi32>
    %sub3A_1365 = arith.subi %sub3A_1364, %shift_right_arithmetic3A_1362 : vector<16xi32>
    %bitcast_convert_type3A_1366 = tpu.bitcast %sub3A_1365 : vector<16xi32> -> vector<16xf32>
    %mul3A_1367 = arith.constant 5.000000e-01 : f32
    %mul3A_1368 = vector.broadcast %mul3A_1367 : f32 to vector<16xf32>
    %mul3A_1369 = arith.mulf %mul3A_1368, %scan3A_1357 : vector<16xf32>
    %mul3A_1370 = arith.mulf %mul3A_1369, %bitcast_convert_type3A_1366 : vector<16xf32>
    %mul3A_1371 = arith.mulf %mul3A_1370, %bitcast_convert_type3A_1366 : vector<16xf32>
    %sub3A_1372 = arith.constant 1.500000e+00 : f32
    %sub3A_1373 = vector.broadcast %sub3A_1372 : f32 to vector<16xf32>
    %sub3A_1374 = arith.subf %sub3A_1373, %mul3A_1371 : vector<16xf32>
    %mul3A_1375 = arith.mulf %bitcast_convert_type3A_1366, %sub3A_1374 : vector<16xf32>
    %mul3A_1376 = arith.constant 5.000000e-01 : f32
    %mul3A_1377 = vector.broadcast %mul3A_1376 : f32 to vector<16xf32>
    %mul3A_1378 = arith.mulf %mul3A_1377, %scan3A_1357 : vector<16xf32>
    %mul3A_1379 = arith.mulf %mul3A_1378, %mul3A_1375 : vector<16xf32>
    %mul3A_1380 = arith.mulf %mul3A_1379, %mul3A_1375 : vector<16xf32>
    %sub3A_1381 = arith.constant 1.500000e+00 : f32
    %sub3A_1382 = vector.broadcast %sub3A_1381 : f32 to vector<16xf32>
    %sub3A_1383 = arith.subf %sub3A_1382, %mul3A_1380 : vector<16xf32>
    %mul3A_1384 = arith.mulf %mul3A_1375, %sub3A_1383 : vector<16xf32>
    %mul3A_1385 = arith.constant 5.000000e-01 : f32
    %mul3A_1386 = vector.broadcast %mul3A_1385 : f32 to vector<16xf32>
    %mul3A_1387 = arith.mulf %mul3A_1386, %scan3A_1357 : vector<16xf32>
    %mul3A_1388 = arith.mulf %mul3A_1387, %mul3A_1384 : vector<16xf32>
    %mul3A_1389 = arith.mulf %mul3A_1388, %mul3A_1384 : vector<16xf32>
    %sub3A_1390 = arith.constant 1.500000e+00 : f32
    %sub3A_1391 = vector.broadcast %sub3A_1390 : f32 to vector<16xf32>
    %sub3A_1392 = arith.subf %sub3A_1391, %mul3A_1389 : vector<16xf32>
    %mul3A_1393 = arith.mulf %mul3A_1384, %sub3A_1392 : vector<16xf32>
    %mul3A_1394 = arith.mulf %scan3A_1357, %mul3A_1393 : vector<16xf32>
    %swap3A_1395 = arith.constant 192 : index
    %swap3A_1396 = tpu.vector_load %arg15[%swap3A_1395] {strides = array<i32>} : memref<336xf32, #tpu.memory_space<vmem>>, vector<16xf32>,
    %swap3A_1397 = vector.shape_cast %swap3A_1396 : vector<16xf32> to vector<16xf32>
    %swap3A_1398 = vector.shape_cast %mul3A_1394 : vector<16xf32> to vector<16xf32>
    tpu.vector_store %arg15[%swap3A_1395], %swap3A_1398 {strides = array<i32>} : memref<336xf32, #tpu.memory_space<vmem>>, vector<16xf32>,
    %scan3A_1399 = arith.constant 0 : i32
    %scan3A_1400 = arith.constant 256 : i32
    %scan3A_1401 = arith.addi %scan3A_1399, %scan3A_1400 : i32
    %scan3A_1402 = arith.constant 1 : i32
    %scan3A_1403 = scf.for %scan3A_2422 = %scan3A_1399 to %scan3A_1401 step %scan3A_1402 iter_args(%scan3A_2423 = %broadcast_in_dim3A_1) -> (vector<16xf32>)  : i32 {
      %mul3A_2424 = arith.constant 320 : i32
      %mul3A_2425 = arith.muli %scan3A_2422, %mul3A_2424 : i32
      %add3A_2426 = arith.constant 208 : i32
      %add3A_2427 = arith.addi %mul3A_2425, %add3A_2426 : i32
      %get3A_2428 = arith.index_cast %add3A_2427 : i32 to index
      %get3A_2429 = tpu.vector_load %arg7[%get3A_2428] {strides = array<i32>} : memref<81936xf32, #tpu.memory_space<vmem>>, vector<16xf32>,
      %get3A_2430 = vector.shape_cast %get3A_2429 : vector<16xf32> to vector<16xf32>
      %mul3A_2431 = arith.mulf %get3A_2430, %get3A_2430 : vector<16xf32>
      %add3A_2432 = arith.addf %scan3A_2423, %mul3A_2431 : vector<16xf32>
      scf.yield %add3A_2432 : vector<16xf32>
    }
    %scan3A_1404 = arith.constant 256 : i32
    %bitcast_convert_type3A_1405 = tpu.bitcast %scan3A_1403 : vector<16xf32> -> vector<16xi32>
    %shift_right_arithmetic3A_1406 = arith.constant 1 : i32
    %shift_right_arithmetic3A_1407 = vector.broadcast %shift_right_arithmetic3A_1406 : i32 to vector<16xi32>
    %shift_right_arithmetic3A_1408 = arith.shrsi %bitcast_convert_type3A_1405, %shift_right_arithmetic3A_1407 : vector<16xi32>
    %sub3A_1409 = arith.constant 1597463007 : i32
    %sub3A_1410 = vector.broadcast %sub3A_1409 : i32 to vector<16xi32>
    %sub3A_1411 = arith.subi %sub3A_1410, %shift_right_arithmetic3A_1408 : vector<16xi32>
    %bitcast_convert_type3A_1412 = tpu.bitcast %sub3A_1411 : vector<16xi32> -> vector<16xf32>
    %mul3A_1413 = arith.constant 5.000000e-01 : f32
    %mul3A_1414 = vector.broadcast %mul3A_1413 : f32 to vector<16xf32>
    %mul3A_1415 = arith.mulf %mul3A_1414, %scan3A_1403 : vector<16xf32>
    %mul3A_1416 = arith.mulf %mul3A_1415, %bitcast_convert_type3A_1412 : vector<16xf32>
    %mul3A_1417 = arith.mulf %mul3A_1416, %bitcast_convert_type3A_1412 : vector<16xf32>
    %sub3A_1418 = arith.constant 1.500000e+00 : f32
    %sub3A_1419 = vector.broadcast %sub3A_1418 : f32 to vector<16xf32>
    %sub3A_1420 = arith.subf %sub3A_1419, %mul3A_1417 : vector<16xf32>
    %mul3A_1421 = arith.mulf %bitcast_convert_type3A_1412, %sub3A_1420 : vector<16xf32>
    %mul3A_1422 = arith.constant 5.000000e-01 : f32
    %mul3A_1423 = vector.broadcast %mul3A_1422 : f32 to vector<16xf32>
    %mul3A_1424 = arith.mulf %mul3A_1423, %scan3A_1403 : vector<16xf32>
    %mul3A_1425 = arith.mulf %mul3A_1424, %mul3A_1421 : vector<16xf32>
    %mul3A_1426 = arith.mulf %mul3A_1425, %mul3A_1421 : vector<16xf32>
    %sub3A_1427 = arith.constant 1.500000e+00 : f32
    %sub3A_1428 = vector.broadcast %sub3A_1427 : f32 to vector<16xf32>
    %sub3A_1429 = arith.subf %sub3A_1428, %mul3A_1426 : vector<16xf32>
    %mul3A_1430 = arith.mulf %mul3A_1421, %sub3A_1429 : vector<16xf32>
    %mul3A_1431 = arith.constant 5.000000e-01 : f32
    %mul3A_1432 = vector.broadcast %mul3A_1431 : f32 to vector<16xf32>
    %mul3A_1433 = arith.mulf %mul3A_1432, %scan3A_1403 : vector<16xf32>
    %mul3A_1434 = arith.mulf %mul3A_1433, %mul3A_1430 : vector<16xf32>
    %mul3A_1435 = arith.mulf %mul3A_1434, %mul3A_1430 : vector<16xf32>
    %sub3A_1436 = arith.constant 1.500000e+00 : f32
    %sub3A_1437 = vector.broadcast %sub3A_1436 : f32 to vector<16xf32>
    %sub3A_1438 = arith.subf %sub3A_1437, %mul3A_1435 : vector<16xf32>
    %mul3A_1439 = arith.mulf %mul3A_1430, %sub3A_1438 : vector<16xf32>
    %mul3A_1440 = arith.mulf %scan3A_1403, %mul3A_1439 : vector<16xf32>
    %swap3A_1441 = arith.constant 208 : index
    %swap3A_1442 = tpu.vector_load %arg15[%swap3A_1441] {strides = array<i32>} : memref<336xf32, #tpu.memory_space<vmem>>, vector<16xf32>,
    %swap3A_1443 = vector.shape_cast %swap3A_1442 : vector<16xf32> to vector<16xf32>
    %swap3A_1444 = vector.shape_cast %mul3A_1440 : vector<16xf32> to vector<16xf32>
    tpu.vector_store %arg15[%swap3A_1441], %swap3A_1444 {strides = array<i32>} : memref<336xf32, #tpu.memory_space<vmem>>, vector<16xf32>,
    %scan3A_1445 = arith.constant 0 : i32
    %scan3A_1446 = arith.constant 256 : i32
    %scan3A_1447 = arith.addi %scan3A_1445, %scan3A_1446 : i32
    %scan3A_1448 = arith.constant 1 : i32
    %scan3A_1449 = scf.for %scan3A_2422 = %scan3A_1445 to %scan3A_1447 step %scan3A_1448 iter_args(%scan3A_2423 = %broadcast_in_dim3A_1) -> (vector<16xf32>)  : i32 {
      %mul3A_2424 = arith.constant 320 : i32
      %mul3A_2425 = arith.muli %scan3A_2422, %mul3A_2424 : i32
      %add3A_2426 = arith.constant 224 : i32
      %add3A_2427 = arith.addi %mul3A_2425, %add3A_2426 : i32
      %get3A_2428 = arith.index_cast %add3A_2427 : i32 to index
      %get3A_2429 = tpu.vector_load %arg7[%get3A_2428] {strides = array<i32>} : memref<81936xf32, #tpu.memory_space<vmem>>, vector<16xf32>,
      %get3A_2430 = vector.shape_cast %get3A_2429 : vector<16xf32> to vector<16xf32>
      %mul3A_2431 = arith.mulf %get3A_2430, %get3A_2430 : vector<16xf32>
      %add3A_2432 = arith.addf %scan3A_2423, %mul3A_2431 : vector<16xf32>
      scf.yield %add3A_2432 : vector<16xf32>
    }
    %scan3A_1450 = arith.constant 256 : i32
    %bitcast_convert_type3A_1451 = tpu.bitcast %scan3A_1449 : vector<16xf32> -> vector<16xi32>
    %shift_right_arithmetic3A_1452 = arith.constant 1 : i32
    %shift_right_arithmetic3A_1453 = vector.broadcast %shift_right_arithmetic3A_1452 : i32 to vector<16xi32>
    %shift_right_arithmetic3A_1454 = arith.shrsi %bitcast_convert_type3A_1451, %shift_right_arithmetic3A_1453 : vector<16xi32>
    %sub3A_1455 = arith.constant 1597463007 : i32
    %sub3A_1456 = vector.broadcast %sub3A_1455 : i32 to vector<16xi32>
    %sub3A_1457 = arith.subi %sub3A_1456, %shift_right_arithmetic3A_1454 : vector<16xi32>
    %bitcast_convert_type3A_1458 = tpu.bitcast %sub3A_1457 : vector<16xi32> -> vector<16xf32>
    %mul3A_1459 = arith.constant 5.000000e-01 : f32
    %mul3A_1460 = vector.broadcast %mul3A_1459 : f32 to vector<16xf32>
    %mul3A_1461 = arith.mulf %mul3A_1460, %scan3A_1449 : vector<16xf32>
    %mul3A_1462 = arith.mulf %mul3A_1461, %bitcast_convert_type3A_1458 : vector<16xf32>
    %mul3A_1463 = arith.mulf %mul3A_1462, %bitcast_convert_type3A_1458 : vector<16xf32>
    %sub3A_1464 = arith.constant 1.500000e+00 : f32
    %sub3A_1465 = vector.broadcast %sub3A_1464 : f32 to vector<16xf32>
    %sub3A_1466 = arith.subf %sub3A_1465, %mul3A_1463 : vector<16xf32>
    %mul3A_1467 = arith.mulf %bitcast_convert_type3A_1458, %sub3A_1466 : vector<16xf32>
    %mul3A_1468 = arith.constant 5.000000e-01 : f32
    %mul3A_1469 = vector.broadcast %mul3A_1468 : f32 to vector<16xf32>
    %mul3A_1470 = arith.mulf %mul3A_1469, %scan3A_1449 : vector<16xf32>
    %mul3A_1471 = arith.mulf %mul3A_1470, %mul3A_1467 : vector<16xf32>
    %mul3A_1472 = arith.mulf %mul3A_1471, %mul3A_1467 : vector<16xf32>
    %sub3A_1473 = arith.constant 1.500000e+00 : f32
    %sub3A_1474 = vector.broadcast %sub3A_1473 : f32 to vector<16xf32>
    %sub3A_1475 = arith.subf %sub3A_1474, %mul3A_1472 : vector<16xf32>
    %mul3A_1476 = arith.mulf %mul3A_1467, %sub3A_1475 : vector<16xf32>
    %mul3A_1477 = arith.constant 5.000000e-01 : f32
    %mul3A_1478 = vector.broadcast %mul3A_1477 : f32 to vector<16xf32>
    %mul3A_1479 = arith.mulf %mul3A_1478, %scan3A_1449 : vector<16xf32>
    %mul3A_1480 = arith.mulf %mul3A_1479, %mul3A_1476 : vector<16xf32>
    %mul3A_1481 = arith.mulf %mul3A_1480, %mul3A_1476 : vector<16xf32>
    %sub3A_1482 = arith.constant 1.500000e+00 : f32
    %sub3A_1483 = vector.broadcast %sub3A_1482 : f32 to vector<16xf32>
    %sub3A_1484 = arith.subf %sub3A_1483, %mul3A_1481 : vector<16xf32>
    %mul3A_1485 = arith.mulf %mul3A_1476, %sub3A_1484 : vector<16xf32>
    %mul3A_1486 = arith.mulf %scan3A_1449, %mul3A_1485 : vector<16xf32>
    %swap3A_1487 = arith.constant 224 : index
    %swap3A_1488 = tpu.vector_load %arg15[%swap3A_1487] {strides = array<i32>} : memref<336xf32, #tpu.memory_space<vmem>>, vector<16xf32>,
    %swap3A_1489 = vector.shape_cast %swap3A_1488 : vector<16xf32> to vector<16xf32>
    %swap3A_1490 = vector.shape_cast %mul3A_1486 : vector<16xf32> to vector<16xf32>
    tpu.vector_store %arg15[%swap3A_1487], %swap3A_1490 {strides = array<i32>} : memref<336xf32, #tpu.memory_space<vmem>>, vector<16xf32>,
    %scan3A_1491 = arith.constant 0 : i32
    %scan3A_1492 = arith.constant 256 : i32
    %scan3A_1493 = arith.addi %scan3A_1491, %scan3A_1492 : i32
    %scan3A_1494 = arith.constant 1 : i32
    %scan3A_1495 = scf.for %scan3A_2422 = %scan3A_1491 to %scan3A_1493 step %scan3A_1494 iter_args(%scan3A_2423 = %broadcast_in_dim3A_1) -> (vector<16xf32>)  : i32 {
      %mul3A_2424 = arith.constant 320 : i32
      %mul3A_2425 = arith.muli %scan3A_2422, %mul3A_2424 : i32
      %add3A_2426 = arith.constant 240 : i32
      %add3A_2427 = arith.addi %mul3A_2425, %add3A_2426 : i32
      %get3A_2428 = arith.index_cast %add3A_2427 : i32 to index
      %get3A_2429 = tpu.vector_load %arg7[%get3A_2428] {strides = array<i32>} : memref<81936xf32, #tpu.memory_space<vmem>>, vector<16xf32>,
      %get3A_2430 = vector.shape_cast %get3A_2429 : vector<16xf32> to vector<16xf32>
      %mul3A_2431 = arith.mulf %get3A_2430, %get3A_2430 : vector<16xf32>
      %add3A_2432 = arith.addf %scan3A_2423, %mul3A_2431 : vector<16xf32>
      scf.yield %add3A_2432 : vector<16xf32>
    }
    %scan3A_1496 = arith.constant 256 : i32
    %bitcast_convert_type3A_1497 = tpu.bitcast %scan3A_1495 : vector<16xf32> -> vector<16xi32>
    %shift_right_arithmetic3A_1498 = arith.constant 1 : i32
    %shift_right_arithmetic3A_1499 = vector.broadcast %shift_right_arithmetic3A_1498 : i32 to vector<16xi32>
    %shift_right_arithmetic3A_1500 = arith.shrsi %bitcast_convert_type3A_1497, %shift_right_arithmetic3A_1499 : vector<16xi32>
    %sub3A_1501 = arith.constant 1597463007 : i32
    %sub3A_1502 = vector.broadcast %sub3A_1501 : i32 to vector<16xi32>
    %sub3A_1503 = arith.subi %sub3A_1502, %shift_right_arithmetic3A_1500 : vector<16xi32>
    %bitcast_convert_type3A_1504 = tpu.bitcast %sub3A_1503 : vector<16xi32> -> vector<16xf32>
    %mul3A_1505 = arith.constant 5.000000e-01 : f32
    %mul3A_1506 = vector.broadcast %mul3A_1505 : f32 to vector<16xf32>
    %mul3A_1507 = arith.mulf %mul3A_1506, %scan3A_1495 : vector<16xf32>
    %mul3A_1508 = arith.mulf %mul3A_1507, %bitcast_convert_type3A_1504 : vector<16xf32>
    %mul3A_1509 = arith.mulf %mul3A_1508, %bitcast_convert_type3A_1504 : vector<16xf32>
    %sub3A_1510 = arith.constant 1.500000e+00 : f32
    %sub3A_1511 = vector.broadcast %sub3A_1510 : f32 to vector<16xf32>
    %sub3A_1512 = arith.subf %sub3A_1511, %mul3A_1509 : vector<16xf32>
    %mul3A_1513 = arith.mulf %bitcast_convert_type3A_1504, %sub3A_1512 : vector<16xf32>
    %mul3A_1514 = arith.constant 5.000000e-01 : f32
    %mul3A_1515 = vector.broadcast %mul3A_1514 : f32 to vector<16xf32>
    %mul3A_1516 = arith.mulf %mul3A_1515, %scan3A_1495 : vector<16xf32>
    %mul3A_1517 = arith.mulf %mul3A_1516, %mul3A_1513 : vector<16xf32>
    %mul3A_1518 = arith.mulf %mul3A_1517, %mul3A_1513 : vector<16xf32>
    %sub3A_1519 = arith.constant 1.500000e+00 : f32
    %sub3A_1520 = vector.broadcast %sub3A_1519 : f32 to vector<16xf32>
    %sub3A_1521 = arith.subf %sub3A_1520, %mul3A_1518 : vector<16xf32>
    %mul3A_1522 = arith.mulf %mul3A_1513, %sub3A_1521 : vector<16xf32>
    %mul3A_1523 = arith.constant 5.000000e-01 : f32
    %mul3A_1524 = vector.broadcast %mul3A_1523 : f32 to vector<16xf32>
    %mul3A_1525 = arith.mulf %mul3A_1524, %scan3A_1495 : vector<16xf32>
    %mul3A_1526 = arith.mulf %mul3A_1525, %mul3A_1522 : vector<16xf32>
    %mul3A_1527 = arith.mulf %mul3A_1526, %mul3A_1522 : vector<16xf32>
    %sub3A_1528 = arith.constant 1.500000e+00 : f32
    %sub3A_1529 = vector.broadcast %sub3A_1528 : f32 to vector<16xf32>
    %sub3A_1530 = arith.subf %sub3A_1529, %mul3A_1527 : vector<16xf32>
    %mul3A_1531 = arith.mulf %mul3A_1522, %sub3A_1530 : vector<16xf32>
    %mul3A_1532 = arith.mulf %scan3A_1495, %mul3A_1531 : vector<16xf32>
    %swap3A_1533 = arith.constant 240 : index
    %swap3A_1534 = tpu.vector_load %arg15[%swap3A_1533] {strides = array<i32>} : memref<336xf32, #tpu.memory_space<vmem>>, vector<16xf32>,
    %swap3A_1535 = vector.shape_cast %swap3A_1534 : vector<16xf32> to vector<16xf32>
    %swap3A_1536 = vector.shape_cast %mul3A_1532 : vector<16xf32> to vector<16xf32>
    tpu.vector_store %arg15[%swap3A_1533], %swap3A_1536 {strides = array<i32>} : memref<336xf32, #tpu.memory_space<vmem>>, vector<16xf32>,
    %scan3A_1537 = arith.constant 0 : i32
    %scan3A_1538 = arith.constant 256 : i32
    %scan3A_1539 = arith.addi %scan3A_1537, %scan3A_1538 : i32
    %scan3A_1540 = arith.constant 1 : i32
    %scan3A_1541 = scf.for %scan3A_2422 = %scan3A_1537 to %scan3A_1539 step %scan3A_1540 iter_args(%scan3A_2423 = %broadcast_in_dim3A_1) -> (vector<16xf32>)  : i32 {
      %mul3A_2424 = arith.constant 320 : i32
      %mul3A_2425 = arith.muli %scan3A_2422, %mul3A_2424 : i32
      %add3A_2426 = arith.constant 256 : i32
      %add3A_2427 = arith.addi %mul3A_2425, %add3A_2426 : i32
      %get3A_2428 = arith.index_cast %add3A_2427 : i32 to index
      %get3A_2429 = tpu.vector_load %arg7[%get3A_2428] {strides = array<i32>} : memref<81936xf32, #tpu.memory_space<vmem>>, vector<16xf32>,
      %get3A_2430 = vector.shape_cast %get3A_2429 : vector<16xf32> to vector<16xf32>
      %mul3A_2431 = arith.mulf %get3A_2430, %get3A_2430 : vector<16xf32>
      %add3A_2432 = arith.addf %scan3A_2423, %mul3A_2431 : vector<16xf32>
      scf.yield %add3A_2432 : vector<16xf32>
    }
    %scan3A_1542 = arith.constant 256 : i32
    %bitcast_convert_type3A_1543 = tpu.bitcast %scan3A_1541 : vector<16xf32> -> vector<16xi32>
    %shift_right_arithmetic3A_1544 = arith.constant 1 : i32
    %shift_right_arithmetic3A_1545 = vector.broadcast %shift_right_arithmetic3A_1544 : i32 to vector<16xi32>
    %shift_right_arithmetic3A_1546 = arith.shrsi %bitcast_convert_type3A_1543, %shift_right_arithmetic3A_1545 : vector<16xi32>
    %sub3A_1547 = arith.constant 1597463007 : i32
    %sub3A_1548 = vector.broadcast %sub3A_1547 : i32 to vector<16xi32>
    %sub3A_1549 = arith.subi %sub3A_1548, %shift_right_arithmetic3A_1546 : vector<16xi32>
    %bitcast_convert_type3A_1550 = tpu.bitcast %sub3A_1549 : vector<16xi32> -> vector<16xf32>
    %mul3A_1551 = arith.constant 5.000000e-01 : f32
    %mul3A_1552 = vector.broadcast %mul3A_1551 : f32 to vector<16xf32>
    %mul3A_1553 = arith.mulf %mul3A_1552, %scan3A_1541 : vector<16xf32>
    %mul3A_1554 = arith.mulf %mul3A_1553, %bitcast_convert_type3A_1550 : vector<16xf32>
    %mul3A_1555 = arith.mulf %mul3A_1554, %bitcast_convert_type3A_1550 : vector<16xf32>
    %sub3A_1556 = arith.constant 1.500000e+00 : f32
    %sub3A_1557 = vector.broadcast %sub3A_1556 : f32 to vector<16xf32>
    %sub3A_1558 = arith.subf %sub3A_1557, %mul3A_1555 : vector<16xf32>
    %mul3A_1559 = arith.mulf %bitcast_convert_type3A_1550, %sub3A_1558 : vector<16xf32>
    %mul3A_1560 = arith.constant 5.000000e-01 : f32
    %mul3A_1561 = vector.broadcast %mul3A_1560 : f32 to vector<16xf32>
    %mul3A_1562 = arith.mulf %mul3A_1561, %scan3A_1541 : vector<16xf32>
    %mul3A_1563 = arith.mulf %mul3A_1562, %mul3A_1559 : vector<16xf32>
    %mul3A_1564 = arith.mulf %mul3A_1563, %mul3A_1559 : vector<16xf32>
    %sub3A_1565 = arith.constant 1.500000e+00 : f32
    %sub3A_1566 = vector.broadcast %sub3A_1565 : f32 to vector<16xf32>
    %sub3A_1567 = arith.subf %sub3A_1566, %mul3A_1564 : vector<16xf32>
    %mul3A_1568 = arith.mulf %mul3A_1559, %sub3A_1567 : vector<16xf32>
    %mul3A_1569 = arith.constant 5.000000e-01 : f32
    %mul3A_1570 = vector.broadcast %mul3A_1569 : f32 to vector<16xf32>
    %mul3A_1571 = arith.mulf %mul3A_1570, %scan3A_1541 : vector<16xf32>
    %mul3A_1572 = arith.mulf %mul3A_1571, %mul3A_1568 : vector<16xf32>
    %mul3A_1573 = arith.mulf %mul3A_1572, %mul3A_1568 : vector<16xf32>
    %sub3A_1574 = arith.constant 1.500000e+00 : f32
    %sub3A_1575 = vector.broadcast %sub3A_1574 : f32 to vector<16xf32>
    %sub3A_1576 = arith.subf %sub3A_1575, %mul3A_1573 : vector<16xf32>
    %mul3A_1577 = arith.mulf %mul3A_1568, %sub3A_1576 : vector<16xf32>
    %mul3A_1578 = arith.mulf %scan3A_1541, %mul3A_1577 : vector<16xf32>
    %swap3A_1579 = arith.constant 256 : index
    %swap3A_1580 = tpu.vector_load %arg15[%swap3A_1579] {strides = array<i32>} : memref<336xf32, #tpu.memory_space<vmem>>, vector<16xf32>,
    %swap3A_1581 = vector.shape_cast %swap3A_1580 : vector<16xf32> to vector<16xf32>
    %swap3A_1582 = vector.shape_cast %mul3A_1578 : vector<16xf32> to vector<16xf32>
    tpu.vector_store %arg15[%swap3A_1579], %swap3A_1582 {strides = array<i32>} : memref<336xf32, #tpu.memory_space<vmem>>, vector<16xf32>,
    %scan3A_1583 = arith.constant 0 : i32
    %scan3A_1584 = arith.constant 256 : i32
    %scan3A_1585 = arith.addi %scan3A_1583, %scan3A_1584 : i32
    %scan3A_1586 = arith.constant 1 : i32
    %scan3A_1587 = scf.for %scan3A_2422 = %scan3A_1583 to %scan3A_1585 step %scan3A_1586 iter_args(%scan3A_2423 = %broadcast_in_dim3A_1) -> (vector<16xf32>)  : i32 {
      %mul3A_2424 = arith.constant 320 : i32
      %mul3A_2425 = arith.muli %scan3A_2422, %mul3A_2424 : i32
      %add3A_2426 = arith.constant 272 : i32
      %add3A_2427 = arith.addi %mul3A_2425, %add3A_2426 : i32
      %get3A_2428 = arith.index_cast %add3A_2427 : i32 to index
      %get3A_2429 = tpu.vector_load %arg7[%get3A_2428] {strides = array<i32>} : memref<81936xf32, #tpu.memory_space<vmem>>, vector<16xf32>,
      %get3A_2430 = vector.shape_cast %get3A_2429 : vector<16xf32> to vector<16xf32>
      %mul3A_2431 = arith.mulf %get3A_2430, %get3A_2430 : vector<16xf32>
      %add3A_2432 = arith.addf %scan3A_2423, %mul3A_2431 : vector<16xf32>
      scf.yield %add3A_2432 : vector<16xf32>
    }
    %scan3A_1588 = arith.constant 256 : i32
    %bitcast_convert_type3A_1589 = tpu.bitcast %scan3A_1587 : vector<16xf32> -> vector<16xi32>
    %shift_right_arithmetic3A_1590 = arith.constant 1 : i32
    %shift_right_arithmetic3A_1591 = vector.broadcast %shift_right_arithmetic3A_1590 : i32 to vector<16xi32>
    %shift_right_arithmetic3A_1592 = arith.shrsi %bitcast_convert_type3A_1589, %shift_right_arithmetic3A_1591 : vector<16xi32>
    %sub3A_1593 = arith.constant 1597463007 : i32
    %sub3A_1594 = vector.broadcast %sub3A_1593 : i32 to vector<16xi32>
    %sub3A_1595 = arith.subi %sub3A_1594, %shift_right_arithmetic3A_1592 : vector<16xi32>
    %bitcast_convert_type3A_1596 = tpu.bitcast %sub3A_1595 : vector<16xi32> -> vector<16xf32>
    %mul3A_1597 = arith.constant 5.000000e-01 : f32
    %mul3A_1598 = vector.broadcast %mul3A_1597 : f32 to vector<16xf32>
    %mul3A_1599 = arith.mulf %mul3A_1598, %scan3A_1587 : vector<16xf32>
    %mul3A_1600 = arith.mulf %mul3A_1599, %bitcast_convert_type3A_1596 : vector<16xf32>
    %mul3A_1601 = arith.mulf %mul3A_1600, %bitcast_convert_type3A_1596 : vector<16xf32>
    %sub3A_1602 = arith.constant 1.500000e+00 : f32
    %sub3A_1603 = vector.broadcast %sub3A_1602 : f32 to vector<16xf32>
    %sub3A_1604 = arith.subf %sub3A_1603, %mul3A_1601 : vector<16xf32>
    %mul3A_1605 = arith.mulf %bitcast_convert_type3A_1596, %sub3A_1604 : vector<16xf32>
    %mul3A_1606 = arith.constant 5.000000e-01 : f32
    %mul3A_1607 = vector.broadcast %mul3A_1606 : f32 to vector<16xf32>
    %mul3A_1608 = arith.mulf %mul3A_1607, %scan3A_1587 : vector<16xf32>
    %mul3A_1609 = arith.mulf %mul3A_1608, %mul3A_1605 : vector<16xf32>
    %mul3A_1610 = arith.mulf %mul3A_1609, %mul3A_1605 : vector<16xf32>
    %sub3A_1611 = arith.constant 1.500000e+00 : f32
    %sub3A_1612 = vector.broadcast %sub3A_1611 : f32 to vector<16xf32>
    %sub3A_1613 = arith.subf %sub3A_1612, %mul3A_1610 : vector<16xf32>
    %mul3A_1614 = arith.mulf %mul3A_1605, %sub3A_1613 : vector<16xf32>
    %mul3A_1615 = arith.constant 5.000000e-01 : f32
    %mul3A_1616 = vector.broadcast %mul3A_1615 : f32 to vector<16xf32>
    %mul3A_1617 = arith.mulf %mul3A_1616, %scan3A_1587 : vector<16xf32>
    %mul3A_1618 = arith.mulf %mul3A_1617, %mul3A_1614 : vector<16xf32>
    %mul3A_1619 = arith.mulf %mul3A_1618, %mul3A_1614 : vector<16xf32>
    %sub3A_1620 = arith.constant 1.500000e+00 : f32
    %sub3A_1621 = vector.broadcast %sub3A_1620 : f32 to vector<16xf32>
    %sub3A_1622 = arith.subf %sub3A_1621, %mul3A_1619 : vector<16xf32>
    %mul3A_1623 = arith.mulf %mul3A_1614, %sub3A_1622 : vector<16xf32>
    %mul3A_1624 = arith.mulf %scan3A_1587, %mul3A_1623 : vector<16xf32>
    %swap3A_1625 = arith.constant 272 : index
    %swap3A_1626 = tpu.vector_load %arg15[%swap3A_1625] {strides = array<i32>} : memref<336xf32, #tpu.memory_space<vmem>>, vector<16xf32>,
    %swap3A_1627 = vector.shape_cast %swap3A_1626 : vector<16xf32> to vector<16xf32>
    %swap3A_1628 = vector.shape_cast %mul3A_1624 : vector<16xf32> to vector<16xf32>
    tpu.vector_store %arg15[%swap3A_1625], %swap3A_1628 {strides = array<i32>} : memref<336xf32, #tpu.memory_space<vmem>>, vector<16xf32>,
    %scan3A_1629 = arith.constant 0 : i32
    %scan3A_1630 = arith.constant 256 : i32
    %scan3A_1631 = arith.addi %scan3A_1629, %scan3A_1630 : i32
    %scan3A_1632 = arith.constant 1 : i32
    %scan3A_1633 = scf.for %scan3A_2422 = %scan3A_1629 to %scan3A_1631 step %scan3A_1632 iter_args(%scan3A_2423 = %broadcast_in_dim3A_1) -> (vector<16xf32>)  : i32 {
      %mul3A_2424 = arith.constant 320 : i32
      %mul3A_2425 = arith.muli %scan3A_2422, %mul3A_2424 : i32
      %add3A_2426 = arith.constant 288 : i32
      %add3A_2427 = arith.addi %mul3A_2425, %add3A_2426 : i32
      %get3A_2428 = arith.index_cast %add3A_2427 : i32 to index
      %get3A_2429 = tpu.vector_load %arg7[%get3A_2428] {strides = array<i32>} : memref<81936xf32, #tpu.memory_space<vmem>>, vector<16xf32>,
      %get3A_2430 = vector.shape_cast %get3A_2429 : vector<16xf32> to vector<16xf32>
      %mul3A_2431 = arith.mulf %get3A_2430, %get3A_2430 : vector<16xf32>
      %add3A_2432 = arith.addf %scan3A_2423, %mul3A_2431 : vector<16xf32>
      scf.yield %add3A_2432 : vector<16xf32>
    }
    %scan3A_1634 = arith.constant 256 : i32
    %bitcast_convert_type3A_1635 = tpu.bitcast %scan3A_1633 : vector<16xf32> -> vector<16xi32>
    %shift_right_arithmetic3A_1636 = arith.constant 1 : i32
    %shift_right_arithmetic3A_1637 = vector.broadcast %shift_right_arithmetic3A_1636 : i32 to vector<16xi32>
    %shift_right_arithmetic3A_1638 = arith.shrsi %bitcast_convert_type3A_1635, %shift_right_arithmetic3A_1637 : vector<16xi32>
    %sub3A_1639 = arith.constant 1597463007 : i32
    %sub3A_1640 = vector.broadcast %sub3A_1639 : i32 to vector<16xi32>
    %sub3A_1641 = arith.subi %sub3A_1640, %shift_right_arithmetic3A_1638 : vector<16xi32>
    %bitcast_convert_type3A_1642 = tpu.bitcast %sub3A_1641 : vector<16xi32> -> vector<16xf32>
    %mul3A_1643 = arith.constant 5.000000e-01 : f32
    %mul3A_1644 = vector.broadcast %mul3A_1643 : f32 to vector<16xf32>
    %mul3A_1645 = arith.mulf %mul3A_1644, %scan3A_1633 : vector<16xf32>
    %mul3A_1646 = arith.mulf %mul3A_1645, %bitcast_convert_type3A_1642 : vector<16xf32>
    %mul3A_1647 = arith.mulf %mul3A_1646, %bitcast_convert_type3A_1642 : vector<16xf32>
    %sub3A_1648 = arith.constant 1.500000e+00 : f32
    %sub3A_1649 = vector.broadcast %sub3A_1648 : f32 to vector<16xf32>
    %sub3A_1650 = arith.subf %sub3A_1649, %mul3A_1647 : vector<16xf32>
    %mul3A_1651 = arith.mulf %bitcast_convert_type3A_1642, %sub3A_1650 : vector<16xf32>
    %mul3A_1652 = arith.constant 5.000000e-01 : f32
    %mul3A_1653 = vector.broadcast %mul3A_1652 : f32 to vector<16xf32>
    %mul3A_1654 = arith.mulf %mul3A_1653, %scan3A_1633 : vector<16xf32>
    %mul3A_1655 = arith.mulf %mul3A_1654, %mul3A_1651 : vector<16xf32>
    %mul3A_1656 = arith.mulf %mul3A_1655, %mul3A_1651 : vector<16xf32>
    %sub3A_1657 = arith.constant 1.500000e+00 : f32
    %sub3A_1658 = vector.broadcast %sub3A_1657 : f32 to vector<16xf32>
    %sub3A_1659 = arith.subf %sub3A_1658, %mul3A_1656 : vector<16xf32>
    %mul3A_1660 = arith.mulf %mul3A_1651, %sub3A_1659 : vector<16xf32>
    %mul3A_1661 = arith.constant 5.000000e-01 : f32
    %mul3A_1662 = vector.broadcast %mul3A_1661 : f32 to vector<16xf32>
    %mul3A_1663 = arith.mulf %mul3A_1662, %scan3A_1633 : vector<16xf32>
    %mul3A_1664 = arith.mulf %mul3A_1663, %mul3A_1660 : vector<16xf32>
    %mul3A_1665 = arith.mulf %mul3A_1664, %mul3A_1660 : vector<16xf32>
    %sub3A_1666 = arith.constant 1.500000e+00 : f32
    %sub3A_1667 = vector.broadcast %sub3A_1666 : f32 to vector<16xf32>
    %sub3A_1668 = arith.subf %sub3A_1667, %mul3A_1665 : vector<16xf32>
    %mul3A_1669 = arith.mulf %mul3A_1660, %sub3A_1668 : vector<16xf32>
    %mul3A_1670 = arith.mulf %scan3A_1633, %mul3A_1669 : vector<16xf32>
    %swap3A_1671 = arith.constant 288 : index
    %swap3A_1672 = tpu.vector_load %arg15[%swap3A_1671] {strides = array<i32>} : memref<336xf32, #tpu.memory_space<vmem>>, vector<16xf32>,
    %swap3A_1673 = vector.shape_cast %swap3A_1672 : vector<16xf32> to vector<16xf32>
    %swap3A_1674 = vector.shape_cast %mul3A_1670 : vector<16xf32> to vector<16xf32>
    tpu.vector_store %arg15[%swap3A_1671], %swap3A_1674 {strides = array<i32>} : memref<336xf32, #tpu.memory_space<vmem>>, vector<16xf32>,
    %scan3A_1675 = arith.constant 0 : i32
    %scan3A_1676 = arith.constant 256 : i32
    %scan3A_1677 = arith.addi %scan3A_1675, %scan3A_1676 : i32
    %scan3A_1678 = arith.constant 1 : i32
    %scan3A_1679 = scf.for %scan3A_2422 = %scan3A_1675 to %scan3A_1677 step %scan3A_1678 iter_args(%scan3A_2423 = %broadcast_in_dim3A_1) -> (vector<16xf32>)  : i32 {
      %mul3A_2424 = arith.constant 320 : i32
      %mul3A_2425 = arith.muli %scan3A_2422, %mul3A_2424 : i32
      %add3A_2426 = arith.constant 304 : i32
      %add3A_2427 = arith.addi %mul3A_2425, %add3A_2426 : i32
      %get3A_2428 = arith.index_cast %add3A_2427 : i32 to index
      %get3A_2429 = tpu.vector_load %arg7[%get3A_2428] {strides = array<i32>} : memref<81936xf32, #tpu.memory_space<vmem>>, vector<16xf32>,
      %get3A_2430 = vector.shape_cast %get3A_2429 : vector<16xf32> to vector<16xf32>
      %mul3A_2431 = arith.mulf %get3A_2430, %get3A_2430 : vector<16xf32>
      %add3A_2432 = arith.addf %scan3A_2423, %mul3A_2431 : vector<16xf32>
      scf.yield %add3A_2432 : vector<16xf32>
    }
    %scan3A_1680 = arith.constant 256 : i32
    %bitcast_convert_type3A_1681 = tpu.bitcast %scan3A_1679 : vector<16xf32> -> vector<16xi32>
    %shift_right_arithmetic3A_1682 = arith.constant 1 : i32
    %shift_right_arithmetic3A_1683 = vector.broadcast %shift_right_arithmetic3A_1682 : i32 to vector<16xi32>
    %shift_right_arithmetic3A_1684 = arith.shrsi %bitcast_convert_type3A_1681, %shift_right_arithmetic3A_1683 : vector<16xi32>
    %sub3A_1685 = arith.constant 1597463007 : i32
    %sub3A_1686 = vector.broadcast %sub3A_1685 : i32 to vector<16xi32>
    %sub3A_1687 = arith.subi %sub3A_1686, %shift_right_arithmetic3A_1684 : vector<16xi32>
    %bitcast_convert_type3A_1688 = tpu.bitcast %sub3A_1687 : vector<16xi32> -> vector<16xf32>
    %mul3A_1689 = arith.constant 5.000000e-01 : f32
    %mul3A_1690 = vector.broadcast %mul3A_1689 : f32 to vector<16xf32>
    %mul3A_1691 = arith.mulf %mul3A_1690, %scan3A_1679 : vector<16xf32>
    %mul3A_1692 = arith.mulf %mul3A_1691, %bitcast_convert_type3A_1688 : vector<16xf32>
    %mul3A_1693 = arith.mulf %mul3A_1692, %bitcast_convert_type3A_1688 : vector<16xf32>
    %sub3A_1694 = arith.constant 1.500000e+00 : f32
    %sub3A_1695 = vector.broadcast %sub3A_1694 : f32 to vector<16xf32>
    %sub3A_1696 = arith.subf %sub3A_1695, %mul3A_1693 : vector<16xf32>
    %mul3A_1697 = arith.mulf %bitcast_convert_type3A_1688, %sub3A_1696 : vector<16xf32>
    %mul3A_1698 = arith.constant 5.000000e-01 : f32
    %mul3A_1699 = vector.broadcast %mul3A_1698 : f32 to vector<16xf32>
    %mul3A_1700 = arith.mulf %mul3A_1699, %scan3A_1679 : vector<16xf32>
    %mul3A_1701 = arith.mulf %mul3A_1700, %mul3A_1697 : vector<16xf32>
    %mul3A_1702 = arith.mulf %mul3A_1701, %mul3A_1697 : vector<16xf32>
    %sub3A_1703 = arith.constant 1.500000e+00 : f32
    %sub3A_1704 = vector.broadcast %sub3A_1703 : f32 to vector<16xf32>
    %sub3A_1705 = arith.subf %sub3A_1704, %mul3A_1702 : vector<16xf32>
    %mul3A_1706 = arith.mulf %mul3A_1697, %sub3A_1705 : vector<16xf32>
    %mul3A_1707 = arith.constant 5.000000e-01 : f32
    %mul3A_1708 = vector.broadcast %mul3A_1707 : f32 to vector<16xf32>
    %mul3A_1709 = arith.mulf %mul3A_1708, %scan3A_1679 : vector<16xf32>
    %mul3A_1710 = arith.mulf %mul3A_1709, %mul3A_1706 : vector<16xf32>
    %mul3A_1711 = arith.mulf %mul3A_1710, %mul3A_1706 : vector<16xf32>
    %sub3A_1712 = arith.constant 1.500000e+00 : f32
    %sub3A_1713 = vector.broadcast %sub3A_1712 : f32 to vector<16xf32>
    %sub3A_1714 = arith.subf %sub3A_1713, %mul3A_1711 : vector<16xf32>
    %mul3A_1715 = arith.mulf %mul3A_1706, %sub3A_1714 : vector<16xf32>
    %mul3A_1716 = arith.mulf %scan3A_1679, %mul3A_1715 : vector<16xf32>
    %swap3A_1717 = arith.constant 304 : index
    %swap3A_1718 = tpu.vector_load %arg15[%swap3A_1717] {strides = array<i32>} : memref<336xf32, #tpu.memory_space<vmem>>, vector<16xf32>,
    %swap3A_1719 = vector.shape_cast %swap3A_1718 : vector<16xf32> to vector<16xf32>
    %swap3A_1720 = vector.shape_cast %mul3A_1716 : vector<16xf32> to vector<16xf32>
    tpu.vector_store %arg15[%swap3A_1717], %swap3A_1720 {strides = array<i32>} : memref<336xf32, #tpu.memory_space<vmem>>, vector<16xf32>,
    %scan3A_1721 = arith.constant 0 : i32
    %scan3A_1722 = arith.constant 256 : i32
    %scan3A_1723 = arith.addi %scan3A_1721, %scan3A_1722 : i32
    %scan3A_1724 = arith.constant 1 : i32
    %scan3A_1725 = scf.for %scan3A_2422 = %scan3A_1721 to %scan3A_1723 step %scan3A_1724 iter_args(%scan3A_2423 = %broadcast_in_dim3A_1) -> (vector<16xf32>)  : i32 {
      %mul3A_2424 = arith.constant 320 : i32
      %mul3A_2425 = arith.muli %scan3A_2422, %mul3A_2424 : i32
      %add3A_2426 = arith.constant 320 : i32
      %add3A_2427 = arith.addi %mul3A_2425, %add3A_2426 : i32
      %get3A_2428 = arith.index_cast %add3A_2427 : i32 to index
      %get3A_2429 = tpu.vector_load %arg7[%get3A_2428] {strides = array<i32>} : memref<81936xf32, #tpu.memory_space<vmem>>, vector<16xf32>,
      %get3A_2430 = vector.shape_cast %get3A_2429 : vector<16xf32> to vector<16xf32>
      %mul3A_2431 = arith.mulf %get3A_2430, %get3A_2430 : vector<16xf32>
      %add3A_2432 = arith.addf %scan3A_2423, %mul3A_2431 : vector<16xf32>
      scf.yield %add3A_2432 : vector<16xf32>
    }
    %scan3A_1726 = arith.constant 256 : i32
    %bitcast_convert_type3A_1727 = tpu.bitcast %scan3A_1725 : vector<16xf32> -> vector<16xi32>
    %shift_right_arithmetic3A_1728 = arith.constant 1 : i32
    %shift_right_arithmetic3A_1729 = vector.broadcast %shift_right_arithmetic3A_1728 : i32 to vector<16xi32>
    %shift_right_arithmetic3A_1730 = arith.shrsi %bitcast_convert_type3A_1727, %shift_right_arithmetic3A_1729 : vector<16xi32>
    %sub3A_1731 = arith.constant 1597463007 : i32
    %sub3A_1732 = vector.broadcast %sub3A_1731 : i32 to vector<16xi32>
    %sub3A_1733 = arith.subi %sub3A_1732, %shift_right_arithmetic3A_1730 : vector<16xi32>
    %bitcast_convert_type3A_1734 = tpu.bitcast %sub3A_1733 : vector<16xi32> -> vector<16xf32>
    %mul3A_1735 = arith.constant 5.000000e-01 : f32
    %mul3A_1736 = vector.broadcast %mul3A_1735 : f32 to vector<16xf32>
    %mul3A_1737 = arith.mulf %mul3A_1736, %scan3A_1725 : vector<16xf32>
    %mul3A_1738 = arith.mulf %mul3A_1737, %bitcast_convert_type3A_1734 : vector<16xf32>
    %mul3A_1739 = arith.mulf %mul3A_1738, %bitcast_convert_type3A_1734 : vector<16xf32>
    %sub3A_1740 = arith.constant 1.500000e+00 : f32
    %sub3A_1741 = vector.broadcast %sub3A_1740 : f32 to vector<16xf32>
    %sub3A_1742 = arith.subf %sub3A_1741, %mul3A_1739 : vector<16xf32>
    %mul3A_1743 = arith.mulf %bitcast_convert_type3A_1734, %sub3A_1742 : vector<16xf32>
    %mul3A_1744 = arith.constant 5.000000e-01 : f32
    %mul3A_1745 = vector.broadcast %mul3A_1744 : f32 to vector<16xf32>
    %mul3A_1746 = arith.mulf %mul3A_1745, %scan3A_1725 : vector<16xf32>
    %mul3A_1747 = arith.mulf %mul3A_1746, %mul3A_1743 : vector<16xf32>
    %mul3A_1748 = arith.mulf %mul3A_1747, %mul3A_1743 : vector<16xf32>
    %sub3A_1749 = arith.constant 1.500000e+00 : f32
    %sub3A_1750 = vector.broadcast %sub3A_1749 : f32 to vector<16xf32>
    %sub3A_1751 = arith.subf %sub3A_1750, %mul3A_1748 : vector<16xf32>
    %mul3A_1752 = arith.mulf %mul3A_1743, %sub3A_1751 : vector<16xf32>
    %mul3A_1753 = arith.constant 5.000000e-01 : f32
    %mul3A_1754 = vector.broadcast %mul3A_1753 : f32 to vector<16xf32>
    %mul3A_1755 = arith.mulf %mul3A_1754, %scan3A_1725 : vector<16xf32>
    %mul3A_1756 = arith.mulf %mul3A_1755, %mul3A_1752 : vector<16xf32>
    %mul3A_1757 = arith.mulf %mul3A_1756, %mul3A_1752 : vector<16xf32>
    %sub3A_1758 = arith.constant 1.500000e+00 : f32
    %sub3A_1759 = vector.broadcast %sub3A_1758 : f32 to vector<16xf32>
    %sub3A_1760 = arith.subf %sub3A_1759, %mul3A_1757 : vector<16xf32>
    %mul3A_1761 = arith.mulf %mul3A_1752, %sub3A_1760 : vector<16xf32>
    %mul3A_1762 = arith.mulf %scan3A_1725, %mul3A_1761 : vector<16xf32>
    %swap3A_1763 = arith.constant 320 : index
    %swap3A_1764 = tpu.vector_load %arg15[%swap3A_1763] {strides = array<i32>} : memref<336xf32, #tpu.memory_space<vmem>>, vector<16xf32>,
    %swap3A_1765 = vector.shape_cast %swap3A_1764 : vector<16xf32> to vector<16xf32>
    %swap3A_1766 = vector.shape_cast %mul3A_1762 : vector<16xf32> to vector<16xf32>
    tpu.vector_store %arg15[%swap3A_1763], %swap3A_1766 {strides = array<i32>} : memref<336xf32, #tpu.memory_space<vmem>>, vector<16xf32>,
    %iota3A = tpu.iota {dimensions = array<i32: 0>} : vector<16xi32>
    %add3A_1767 = arith.constant 0 : i32
    %add3A_1768 = vector.broadcast %add3A_1767 : i32 to vector<16xi32>
    %add3A_1769 = arith.addi %iota3A, %add3A_1768 : vector<16xi32>
    %add3A_1770 = arith.constant -2 : i32
    %add3A_1771 = vector.broadcast %add3A_1770 : i32 to vector<16xi32>
    %add3A_1772 = arith.addi %add3A_1769, %add3A_1771 : vector<16xi32>
    %ge3A = arith.constant 0 : i32
    %ge3A_1773 = vector.broadcast %ge3A : i32 to vector<16xi32>
    %ge3A_1774 = arith.cmpi sge, %add3A_1772, %ge3A_1773 : vector<16xi32>
    %select_n3A_1775 = arith.select %ge3A_1774, %broadcast_in_dim3A_3, %broadcast_in_dim3A_1 : vector<16xi1>, vector<16xf32>
    %lt3A = arith.constant 64 : i32
    %lt3A_1776 = vector.broadcast %lt3A : i32 to vector<16xi32>
    %lt3A_1777 = arith.cmpi slt, %add3A_1772, %lt3A_1776 : vector<16xi32>
    %select_n3A_1778 = arith.select %lt3A_1777, %broadcast_in_dim3A_3, %broadcast_in_dim3A_1 : vector<16xi1>, vector<16xf32>
    %mul3A_1779 = arith.mulf %select_n3A_1775, %select_n3A_1778 : vector<16xf32>
    %swap3A_1780 = arith.constant 0 : index
    %swap3A_1781 = tpu.vector_load %arg16[%swap3A_1780] {strides = array<i32>} : memref<320xf32, #tpu.memory_space<vmem>>, vector<16xf32>,
    %swap3A_1782 = vector.shape_cast %swap3A_1781 : vector<16xf32> to vector<16xf32>
    %swap3A_1783 = vector.shape_cast %mul3A_1779 : vector<16xf32> to vector<16xf32>
    tpu.vector_store %arg16[%swap3A_1780], %swap3A_1783 {strides = array<i32>} : memref<320xf32, #tpu.memory_space<vmem>>, vector<16xf32>,
    %add3A_1784 = arith.constant -1 : i32
    %add3A_1785 = vector.broadcast %add3A_1784 : i32 to vector<16xi32>
    %add3A_1786 = arith.addi %add3A_1769, %add3A_1785 : vector<16xi32>
    %ge3A_1787 = arith.constant 0 : i32
    %ge3A_1788 = vector.broadcast %ge3A_1787 : i32 to vector<16xi32>
    %ge3A_1789 = arith.cmpi sge, %add3A_1786, %ge3A_1788 : vector<16xi32>
    %select_n3A_1790 = arith.select %ge3A_1789, %broadcast_in_dim3A_3, %broadcast_in_dim3A_1 : vector<16xi1>, vector<16xf32>
    %lt3A_1791 = arith.constant 64 : i32
    %lt3A_1792 = vector.broadcast %lt3A_1791 : i32 to vector<16xi32>
    %lt3A_1793 = arith.cmpi slt, %add3A_1786, %lt3A_1792 : vector<16xi32>
    %select_n3A_1794 = arith.select %lt3A_1793, %broadcast_in_dim3A_3, %broadcast_in_dim3A_1 : vector<16xi1>, vector<16xf32>
    %mul3A_1795 = arith.mulf %select_n3A_1790, %select_n3A_1794 : vector<16xf32>
    %swap3A_1796 = arith.constant 16 : index
    %swap3A_1797 = tpu.vector_load %arg16[%swap3A_1796] {strides = array<i32>} : memref<320xf32, #tpu.memory_space<vmem>>, vector<16xf32>,
    %swap3A_1798 = vector.shape_cast %swap3A_1797 : vector<16xf32> to vector<16xf32>
    %swap3A_1799 = vector.shape_cast %mul3A_1795 : vector<16xf32> to vector<16xf32>
    tpu.vector_store %arg16[%swap3A_1796], %swap3A_1799 {strides = array<i32>} : memref<320xf32, #tpu.memory_space<vmem>>, vector<16xf32>,
    %add3A_1800 = arith.constant 0 : i32
    %add3A_1801 = vector.broadcast %add3A_1800 : i32 to vector<16xi32>
    %add3A_1802 = arith.addi %add3A_1769, %add3A_1801 : vector<16xi32>
    %ge3A_1803 = arith.constant 0 : i32
    %ge3A_1804 = vector.broadcast %ge3A_1803 : i32 to vector<16xi32>
    %ge3A_1805 = arith.cmpi sge, %add3A_1802, %ge3A_1804 : vector<16xi32>
    %select_n3A_1806 = arith.select %ge3A_1805, %broadcast_in_dim3A_3, %broadcast_in_dim3A_1 : vector<16xi1>, vector<16xf32>
    %lt3A_1807 = arith.constant 64 : i32
    %lt3A_1808 = vector.broadcast %lt3A_1807 : i32 to vector<16xi32>
    %lt3A_1809 = arith.cmpi slt, %add3A_1802, %lt3A_1808 : vector<16xi32>
    %select_n3A_1810 = arith.select %lt3A_1809, %broadcast_in_dim3A_3, %broadcast_in_dim3A_1 : vector<16xi1>, vector<16xf32>
    %mul3A_1811 = arith.mulf %select_n3A_1806, %select_n3A_1810 : vector<16xf32>
    %swap3A_1812 = arith.constant 32 : index
    %swap3A_1813 = tpu.vector_load %arg16[%swap3A_1812] {strides = array<i32>} : memref<320xf32, #tpu.memory_space<vmem>>, vector<16xf32>,
    %swap3A_1814 = vector.shape_cast %swap3A_1813 : vector<16xf32> to vector<16xf32>
    %swap3A_1815 = vector.shape_cast %mul3A_1811 : vector<16xf32> to vector<16xf32>
    tpu.vector_store %arg16[%swap3A_1812], %swap3A_1815 {strides = array<i32>} : memref<320xf32, #tpu.memory_space<vmem>>, vector<16xf32>,
    %add3A_1816 = arith.constant 1 : i32
    %add3A_1817 = vector.broadcast %add3A_1816 : i32 to vector<16xi32>
    %add3A_1818 = arith.addi %add3A_1769, %add3A_1817 : vector<16xi32>
    %ge3A_1819 = arith.constant 0 : i32
    %ge3A_1820 = vector.broadcast %ge3A_1819 : i32 to vector<16xi32>
    %ge3A_1821 = arith.cmpi sge, %add3A_1818, %ge3A_1820 : vector<16xi32>
    %select_n3A_1822 = arith.select %ge3A_1821, %broadcast_in_dim3A_3, %broadcast_in_dim3A_1 : vector<16xi1>, vector<16xf32>
    %lt3A_1823 = arith.constant 64 : i32
    %lt3A_1824 = vector.broadcast %lt3A_1823 : i32 to vector<16xi32>
    %lt3A_1825 = arith.cmpi slt, %add3A_1818, %lt3A_1824 : vector<16xi32>
    %select_n3A_1826 = arith.select %lt3A_1825, %broadcast_in_dim3A_3, %broadcast_in_dim3A_1 : vector<16xi1>, vector<16xf32>
    %mul3A_1827 = arith.mulf %select_n3A_1822, %select_n3A_1826 : vector<16xf32>
    %swap3A_1828 = arith.constant 48 : index
    %swap3A_1829 = tpu.vector_load %arg16[%swap3A_1828] {strides = array<i32>} : memref<320xf32, #tpu.memory_space<vmem>>, vector<16xf32>,
    %swap3A_1830 = vector.shape_cast %swap3A_1829 : vector<16xf32> to vector<16xf32>
    %swap3A_1831 = vector.shape_cast %mul3A_1827 : vector<16xf32> to vector<16xf32>
    tpu.vector_store %arg16[%swap3A_1828], %swap3A_1831 {strides = array<i32>} : memref<320xf32, #tpu.memory_space<vmem>>, vector<16xf32>,
    %add3A_1832 = arith.constant 2 : i32
    %add3A_1833 = vector.broadcast %add3A_1832 : i32 to vector<16xi32>
    %add3A_1834 = arith.addi %add3A_1769, %add3A_1833 : vector<16xi32>
    %ge3A_1835 = arith.constant 0 : i32
    %ge3A_1836 = vector.broadcast %ge3A_1835 : i32 to vector<16xi32>
    %ge3A_1837 = arith.cmpi sge, %add3A_1834, %ge3A_1836 : vector<16xi32>
    %select_n3A_1838 = arith.select %ge3A_1837, %broadcast_in_dim3A_3, %broadcast_in_dim3A_1 : vector<16xi1>, vector<16xf32>
    %lt3A_1839 = arith.constant 64 : i32
    %lt3A_1840 = vector.broadcast %lt3A_1839 : i32 to vector<16xi32>
    %lt3A_1841 = arith.cmpi slt, %add3A_1834, %lt3A_1840 : vector<16xi32>
    %select_n3A_1842 = arith.select %lt3A_1841, %broadcast_in_dim3A_3, %broadcast_in_dim3A_1 : vector<16xi1>, vector<16xf32>
    %mul3A_1843 = arith.mulf %select_n3A_1838, %select_n3A_1842 : vector<16xf32>
    %swap3A_1844 = arith.constant 64 : index
    %swap3A_1845 = tpu.vector_load %arg16[%swap3A_1844] {strides = array<i32>} : memref<320xf32, #tpu.memory_space<vmem>>, vector<16xf32>,
    %swap3A_1846 = vector.shape_cast %swap3A_1845 : vector<16xf32> to vector<16xf32>
    %swap3A_1847 = vector.shape_cast %mul3A_1843 : vector<16xf32> to vector<16xf32>
    tpu.vector_store %arg16[%swap3A_1844], %swap3A_1847 {strides = array<i32>} : memref<320xf32, #tpu.memory_space<vmem>>, vector<16xf32>,
    %add3A_1848 = arith.constant 16 : i32
    %add3A_1849 = vector.broadcast %add3A_1848 : i32 to vector<16xi32>
    %add3A_1850 = arith.addi %iota3A, %add3A_1849 : vector<16xi32>
    %add3A_1851 = arith.constant -2 : i32
    %add3A_1852 = vector.broadcast %add3A_1851 : i32 to vector<16xi32>
    %add3A_1853 = arith.addi %add3A_1850, %add3A_1852 : vector<16xi32>
    %ge3A_1854 = arith.constant 0 : i32
    %ge3A_1855 = vector.broadcast %ge3A_1854 : i32 to vector<16xi32>
    %ge3A_1856 = arith.cmpi sge, %add3A_1853, %ge3A_1855 : vector<16xi32>
    %select_n3A_1857 = arith.select %ge3A_1856, %broadcast_in_dim3A_3, %broadcast_in_dim3A_1 : vector<16xi1>, vector<16xf32>
    %lt3A_1858 = arith.constant 64 : i32
    %lt3A_1859 = vector.broadcast %lt3A_1858 : i32 to vector<16xi32>
    %lt3A_1860 = arith.cmpi slt, %add3A_1853, %lt3A_1859 : vector<16xi32>
    %select_n3A_1861 = arith.select %lt3A_1860, %broadcast_in_dim3A_3, %broadcast_in_dim3A_1 : vector<16xi1>, vector<16xf32>
    %mul3A_1862 = arith.mulf %select_n3A_1857, %select_n3A_1861 : vector<16xf32>
    %swap3A_1863 = arith.constant 80 : index
    %swap3A_1864 = tpu.vector_load %arg16[%swap3A_1863] {strides = array<i32>} : memref<320xf32, #tpu.memory_space<vmem>>, vector<16xf32>,
    %swap3A_1865 = vector.shape_cast %swap3A_1864 : vector<16xf32> to vector<16xf32>
    %swap3A_1866 = vector.shape_cast %mul3A_1862 : vector<16xf32> to vector<16xf32>
    tpu.vector_store %arg16[%swap3A_1863], %swap3A_1866 {strides = array<i32>} : memref<320xf32, #tpu.memory_space<vmem>>, vector<16xf32>,
    %add3A_1867 = arith.constant -1 : i32
    %add3A_1868 = vector.broadcast %add3A_1867 : i32 to vector<16xi32>
    %add3A_1869 = arith.addi %add3A_1850, %add3A_1868 : vector<16xi32>
    %ge3A_1870 = arith.constant 0 : i32
    %ge3A_1871 = vector.broadcast %ge3A_1870 : i32 to vector<16xi32>
    %ge3A_1872 = arith.cmpi sge, %add3A_1869, %ge3A_1871 : vector<16xi32>
    %select_n3A_1873 = arith.select %ge3A_1872, %broadcast_in_dim3A_3, %broadcast_in_dim3A_1 : vector<16xi1>, vector<16xf32>
    %lt3A_1874 = arith.constant 64 : i32
    %lt3A_1875 = vector.broadcast %lt3A_1874 : i32 to vector<16xi32>
    %lt3A_1876 = arith.cmpi slt, %add3A_1869, %lt3A_1875 : vector<16xi32>
    %select_n3A_1877 = arith.select %lt3A_1876, %broadcast_in_dim3A_3, %broadcast_in_dim3A_1 : vector<16xi1>, vector<16xf32>
    %mul3A_1878 = arith.mulf %select_n3A_1873, %select_n3A_1877 : vector<16xf32>
    %swap3A_1879 = arith.constant 96 : index
    %swap3A_1880 = tpu.vector_load %arg16[%swap3A_1879] {strides = array<i32>} : memref<320xf32, #tpu.memory_space<vmem>>, vector<16xf32>,
    %swap3A_1881 = vector.shape_cast %swap3A_1880 : vector<16xf32> to vector<16xf32>
    %swap3A_1882 = vector.shape_cast %mul3A_1878 : vector<16xf32> to vector<16xf32>
    tpu.vector_store %arg16[%swap3A_1879], %swap3A_1882 {strides = array<i32>} : memref<320xf32, #tpu.memory_space<vmem>>, vector<16xf32>,
    %add3A_1883 = arith.constant 0 : i32
    %add3A_1884 = vector.broadcast %add3A_1883 : i32 to vector<16xi32>
    %add3A_1885 = arith.addi %add3A_1850, %add3A_1884 : vector<16xi32>
    %ge3A_1886 = arith.constant 0 : i32
    %ge3A_1887 = vector.broadcast %ge3A_1886 : i32 to vector<16xi32>
    %ge3A_1888 = arith.cmpi sge, %add3A_1885, %ge3A_1887 : vector<16xi32>
    %select_n3A_1889 = arith.select %ge3A_1888, %broadcast_in_dim3A_3, %broadcast_in_dim3A_1 : vector<16xi1>, vector<16xf32>
    %lt3A_1890 = arith.constant 64 : i32
    %lt3A_1891 = vector.broadcast %lt3A_1890 : i32 to vector<16xi32>
    %lt3A_1892 = arith.cmpi slt, %add3A_1885, %lt3A_1891 : vector<16xi32>
    %select_n3A_1893 = arith.select %lt3A_1892, %broadcast_in_dim3A_3, %broadcast_in_dim3A_1 : vector<16xi1>, vector<16xf32>
    %mul3A_1894 = arith.mulf %select_n3A_1889, %select_n3A_1893 : vector<16xf32>
    %swap3A_1895 = arith.constant 112 : index
    %swap3A_1896 = tpu.vector_load %arg16[%swap3A_1895] {strides = array<i32>} : memref<320xf32, #tpu.memory_space<vmem>>, vector<16xf32>,
    %swap3A_1897 = vector.shape_cast %swap3A_1896 : vector<16xf32> to vector<16xf32>
    %swap3A_1898 = vector.shape_cast %mul3A_1894 : vector<16xf32> to vector<16xf32>
    tpu.vector_store %arg16[%swap3A_1895], %swap3A_1898 {strides = array<i32>} : memref<320xf32, #tpu.memory_space<vmem>>, vector<16xf32>,
    %add3A_1899 = arith.constant 1 : i32
    %add3A_1900 = vector.broadcast %add3A_1899 : i32 to vector<16xi32>
    %add3A_1901 = arith.addi %add3A_1850, %add3A_1900 : vector<16xi32>
    %ge3A_1902 = arith.constant 0 : i32
    %ge3A_1903 = vector.broadcast %ge3A_1902 : i32 to vector<16xi32>
    %ge3A_1904 = arith.cmpi sge, %add3A_1901, %ge3A_1903 : vector<16xi32>
    %select_n3A_1905 = arith.select %ge3A_1904, %broadcast_in_dim3A_3, %broadcast_in_dim3A_1 : vector<16xi1>, vector<16xf32>
    %lt3A_1906 = arith.constant 64 : i32
    %lt3A_1907 = vector.broadcast %lt3A_1906 : i32 to vector<16xi32>
    %lt3A_1908 = arith.cmpi slt, %add3A_1901, %lt3A_1907 : vector<16xi32>
    %select_n3A_1909 = arith.select %lt3A_1908, %broadcast_in_dim3A_3, %broadcast_in_dim3A_1 : vector<16xi1>, vector<16xf32>
    %mul3A_1910 = arith.mulf %select_n3A_1905, %select_n3A_1909 : vector<16xf32>
    %swap3A_1911 = arith.constant 128 : index
    %swap3A_1912 = tpu.vector_load %arg16[%swap3A_1911] {strides = array<i32>} : memref<320xf32, #tpu.memory_space<vmem>>, vector<16xf32>,
    %swap3A_1913 = vector.shape_cast %swap3A_1912 : vector<16xf32> to vector<16xf32>
    %swap3A_1914 = vector.shape_cast %mul3A_1910 : vector<16xf32> to vector<16xf32>
    tpu.vector_store %arg16[%swap3A_1911], %swap3A_1914 {strides = array<i32>} : memref<320xf32, #tpu.memory_space<vmem>>, vector<16xf32>,
    %add3A_1915 = arith.constant 2 : i32
    %add3A_1916 = vector.broadcast %add3A_1915 : i32 to vector<16xi32>
    %add3A_1917 = arith.addi %add3A_1850, %add3A_1916 : vector<16xi32>
    %ge3A_1918 = arith.constant 0 : i32
    %ge3A_1919 = vector.broadcast %ge3A_1918 : i32 to vector<16xi32>
    %ge3A_1920 = arith.cmpi sge, %add3A_1917, %ge3A_1919 : vector<16xi32>
    %select_n3A_1921 = arith.select %ge3A_1920, %broadcast_in_dim3A_3, %broadcast_in_dim3A_1 : vector<16xi1>, vector<16xf32>
    %lt3A_1922 = arith.constant 64 : i32
    %lt3A_1923 = vector.broadcast %lt3A_1922 : i32 to vector<16xi32>
    %lt3A_1924 = arith.cmpi slt, %add3A_1917, %lt3A_1923 : vector<16xi32>
    %select_n3A_1925 = arith.select %lt3A_1924, %broadcast_in_dim3A_3, %broadcast_in_dim3A_1 : vector<16xi1>, vector<16xf32>
    %mul3A_1926 = arith.mulf %select_n3A_1921, %select_n3A_1925 : vector<16xf32>
    %swap3A_1927 = arith.constant 144 : index
    %swap3A_1928 = tpu.vector_load %arg16[%swap3A_1927] {strides = array<i32>} : memref<320xf32, #tpu.memory_space<vmem>>, vector<16xf32>,
    %swap3A_1929 = vector.shape_cast %swap3A_1928 : vector<16xf32> to vector<16xf32>
    %swap3A_1930 = vector.shape_cast %mul3A_1926 : vector<16xf32> to vector<16xf32>
    tpu.vector_store %arg16[%swap3A_1927], %swap3A_1930 {strides = array<i32>} : memref<320xf32, #tpu.memory_space<vmem>>, vector<16xf32>,
    %add3A_1931 = arith.constant 32 : i32
    %add3A_1932 = vector.broadcast %add3A_1931 : i32 to vector<16xi32>
    %add3A_1933 = arith.addi %iota3A, %add3A_1932 : vector<16xi32>
    %add3A_1934 = arith.constant -2 : i32
    %add3A_1935 = vector.broadcast %add3A_1934 : i32 to vector<16xi32>
    %add3A_1936 = arith.addi %add3A_1933, %add3A_1935 : vector<16xi32>
    %ge3A_1937 = arith.constant 0 : i32
    %ge3A_1938 = vector.broadcast %ge3A_1937 : i32 to vector<16xi32>
    %ge3A_1939 = arith.cmpi sge, %add3A_1936, %ge3A_1938 : vector<16xi32>
    %select_n3A_1940 = arith.select %ge3A_1939, %broadcast_in_dim3A_3, %broadcast_in_dim3A_1 : vector<16xi1>, vector<16xf32>
    %lt3A_1941 = arith.constant 64 : i32
    %lt3A_1942 = vector.broadcast %lt3A_1941 : i32 to vector<16xi32>
    %lt3A_1943 = arith.cmpi slt, %add3A_1936, %lt3A_1942 : vector<16xi32>
    %select_n3A_1944 = arith.select %lt3A_1943, %broadcast_in_dim3A_3, %broadcast_in_dim3A_1 : vector<16xi1>, vector<16xf32>
    %mul3A_1945 = arith.mulf %select_n3A_1940, %select_n3A_1944 : vector<16xf32>
    %swap3A_1946 = arith.constant 160 : index
    %swap3A_1947 = tpu.vector_load %arg16[%swap3A_1946] {strides = array<i32>} : memref<320xf32, #tpu.memory_space<vmem>>, vector<16xf32>,
    %swap3A_1948 = vector.shape_cast %swap3A_1947 : vector<16xf32> to vector<16xf32>
    %swap3A_1949 = vector.shape_cast %mul3A_1945 : vector<16xf32> to vector<16xf32>
    tpu.vector_store %arg16[%swap3A_1946], %swap3A_1949 {strides = array<i32>} : memref<320xf32, #tpu.memory_space<vmem>>, vector<16xf32>,
    %add3A_1950 = arith.constant -1 : i32
    %add3A_1951 = vector.broadcast %add3A_1950 : i32 to vector<16xi32>
    %add3A_1952 = arith.addi %add3A_1933, %add3A_1951 : vector<16xi32>
    %ge3A_1953 = arith.constant 0 : i32
    %ge3A_1954 = vector.broadcast %ge3A_1953 : i32 to vector<16xi32>
    %ge3A_1955 = arith.cmpi sge, %add3A_1952, %ge3A_1954 : vector<16xi32>
    %select_n3A_1956 = arith.select %ge3A_1955, %broadcast_in_dim3A_3, %broadcast_in_dim3A_1 : vector<16xi1>, vector<16xf32>
    %lt3A_1957 = arith.constant 64 : i32
    %lt3A_1958 = vector.broadcast %lt3A_1957 : i32 to vector<16xi32>
    %lt3A_1959 = arith.cmpi slt, %add3A_1952, %lt3A_1958 : vector<16xi32>
    %select_n3A_1960 = arith.select %lt3A_1959, %broadcast_in_dim3A_3, %broadcast_in_dim3A_1 : vector<16xi1>, vector<16xf32>
    %mul3A_1961 = arith.mulf %select_n3A_1956, %select_n3A_1960 : vector<16xf32>
    %swap3A_1962 = arith.constant 176 : index
    %swap3A_1963 = tpu.vector_load %arg16[%swap3A_1962] {strides = array<i32>} : memref<320xf32, #tpu.memory_space<vmem>>, vector<16xf32>,
    %swap3A_1964 = vector.shape_cast %swap3A_1963 : vector<16xf32> to vector<16xf32>
    %swap3A_1965 = vector.shape_cast %mul3A_1961 : vector<16xf32> to vector<16xf32>
    tpu.vector_store %arg16[%swap3A_1962], %swap3A_1965 {strides = array<i32>} : memref<320xf32, #tpu.memory_space<vmem>>, vector<16xf32>,
    %add3A_1966 = arith.constant 0 : i32
    %add3A_1967 = vector.broadcast %add3A_1966 : i32 to vector<16xi32>
    %add3A_1968 = arith.addi %add3A_1933, %add3A_1967 : vector<16xi32>
    %ge3A_1969 = arith.constant 0 : i32
    %ge3A_1970 = vector.broadcast %ge3A_1969 : i32 to vector<16xi32>
    %ge3A_1971 = arith.cmpi sge, %add3A_1968, %ge3A_1970 : vector<16xi32>
    %select_n3A_1972 = arith.select %ge3A_1971, %broadcast_in_dim3A_3, %broadcast_in_dim3A_1 : vector<16xi1>, vector<16xf32>
    %lt3A_1973 = arith.constant 64 : i32
    %lt3A_1974 = vector.broadcast %lt3A_1973 : i32 to vector<16xi32>
    %lt3A_1975 = arith.cmpi slt, %add3A_1968, %lt3A_1974 : vector<16xi32>
    %select_n3A_1976 = arith.select %lt3A_1975, %broadcast_in_dim3A_3, %broadcast_in_dim3A_1 : vector<16xi1>, vector<16xf32>
    %mul3A_1977 = arith.mulf %select_n3A_1972, %select_n3A_1976 : vector<16xf32>
    %swap3A_1978 = arith.constant 192 : index
    %swap3A_1979 = tpu.vector_load %arg16[%swap3A_1978] {strides = array<i32>} : memref<320xf32, #tpu.memory_space<vmem>>, vector<16xf32>,
    %swap3A_1980 = vector.shape_cast %swap3A_1979 : vector<16xf32> to vector<16xf32>
    %swap3A_1981 = vector.shape_cast %mul3A_1977 : vector<16xf32> to vector<16xf32>
    tpu.vector_store %arg16[%swap3A_1978], %swap3A_1981 {strides = array<i32>} : memref<320xf32, #tpu.memory_space<vmem>>, vector<16xf32>,
    %add3A_1982 = arith.constant 1 : i32
    %add3A_1983 = vector.broadcast %add3A_1982 : i32 to vector<16xi32>
    %add3A_1984 = arith.addi %add3A_1933, %add3A_1983 : vector<16xi32>
    %ge3A_1985 = arith.constant 0 : i32
    %ge3A_1986 = vector.broadcast %ge3A_1985 : i32 to vector<16xi32>
    %ge3A_1987 = arith.cmpi sge, %add3A_1984, %ge3A_1986 : vector<16xi32>
    %select_n3A_1988 = arith.select %ge3A_1987, %broadcast_in_dim3A_3, %broadcast_in_dim3A_1 : vector<16xi1>, vector<16xf32>
    %lt3A_1989 = arith.constant 64 : i32
    %lt3A_1990 = vector.broadcast %lt3A_1989 : i32 to vector<16xi32>
    %lt3A_1991 = arith.cmpi slt, %add3A_1984, %lt3A_1990 : vector<16xi32>
    %select_n3A_1992 = arith.select %lt3A_1991, %broadcast_in_dim3A_3, %broadcast_in_dim3A_1 : vector<16xi1>, vector<16xf32>
    %mul3A_1993 = arith.mulf %select_n3A_1988, %select_n3A_1992 : vector<16xf32>
    %swap3A_1994 = arith.constant 208 : index
    %swap3A_1995 = tpu.vector_load %arg16[%swap3A_1994] {strides = array<i32>} : memref<320xf32, #tpu.memory_space<vmem>>, vector<16xf32>,
    %swap3A_1996 = vector.shape_cast %swap3A_1995 : vector<16xf32> to vector<16xf32>
    %swap3A_1997 = vector.shape_cast %mul3A_1993 : vector<16xf32> to vector<16xf32>
    tpu.vector_store %arg16[%swap3A_1994], %swap3A_1997 {strides = array<i32>} : memref<320xf32, #tpu.memory_space<vmem>>, vector<16xf32>,
    %add3A_1998 = arith.constant 2 : i32
    %add3A_1999 = vector.broadcast %add3A_1998 : i32 to vector<16xi32>
    %add3A_2000 = arith.addi %add3A_1933, %add3A_1999 : vector<16xi32>
    %ge3A_2001 = arith.constant 0 : i32
    %ge3A_2002 = vector.broadcast %ge3A_2001 : i32 to vector<16xi32>
    %ge3A_2003 = arith.cmpi sge, %add3A_2000, %ge3A_2002 : vector<16xi32>
    %select_n3A_2004 = arith.select %ge3A_2003, %broadcast_in_dim3A_3, %broadcast_in_dim3A_1 : vector<16xi1>, vector<16xf32>
    %lt3A_2005 = arith.constant 64 : i32
    %lt3A_2006 = vector.broadcast %lt3A_2005 : i32 to vector<16xi32>
    %lt3A_2007 = arith.cmpi slt, %add3A_2000, %lt3A_2006 : vector<16xi32>
    %select_n3A_2008 = arith.select %lt3A_2007, %broadcast_in_dim3A_3, %broadcast_in_dim3A_1 : vector<16xi1>, vector<16xf32>
    %mul3A_2009 = arith.mulf %select_n3A_2004, %select_n3A_2008 : vector<16xf32>
    %swap3A_2010 = arith.constant 224 : index
    %swap3A_2011 = tpu.vector_load %arg16[%swap3A_2010] {strides = array<i32>} : memref<320xf32, #tpu.memory_space<vmem>>, vector<16xf32>,
    %swap3A_2012 = vector.shape_cast %swap3A_2011 : vector<16xf32> to vector<16xf32>
    %swap3A_2013 = vector.shape_cast %mul3A_2009 : vector<16xf32> to vector<16xf32>
    tpu.vector_store %arg16[%swap3A_2010], %swap3A_2013 {strides = array<i32>} : memref<320xf32, #tpu.memory_space<vmem>>, vector<16xf32>,
    %add3A_2014 = arith.constant 48 : i32
    %add3A_2015 = vector.broadcast %add3A_2014 : i32 to vector<16xi32>
    %add3A_2016 = arith.addi %iota3A, %add3A_2015 : vector<16xi32>
    %add3A_2017 = arith.constant -2 : i32
    %add3A_2018 = vector.broadcast %add3A_2017 : i32 to vector<16xi32>
    %add3A_2019 = arith.addi %add3A_2016, %add3A_2018 : vector<16xi32>
    %ge3A_2020 = arith.constant 0 : i32
    %ge3A_2021 = vector.broadcast %ge3A_2020 : i32 to vector<16xi32>
    %ge3A_2022 = arith.cmpi sge, %add3A_2019, %ge3A_2021 : vector<16xi32>
    %select_n3A_2023 = arith.select %ge3A_2022, %broadcast_in_dim3A_3, %broadcast_in_dim3A_1 : vector<16xi1>, vector<16xf32>
    %lt3A_2024 = arith.constant 64 : i32
    %lt3A_2025 = vector.broadcast %lt3A_2024 : i32 to vector<16xi32>
    %lt3A_2026 = arith.cmpi slt, %add3A_2019, %lt3A_2025 : vector<16xi32>
    %select_n3A_2027 = arith.select %lt3A_2026, %broadcast_in_dim3A_3, %broadcast_in_dim3A_1 : vector<16xi1>, vector<16xf32>
    %mul3A_2028 = arith.mulf %select_n3A_2023, %select_n3A_2027 : vector<16xf32>
    %swap3A_2029 = arith.constant 240 : index
    %swap3A_2030 = tpu.vector_load %arg16[%swap3A_2029] {strides = array<i32>} : memref<320xf32, #tpu.memory_space<vmem>>, vector<16xf32>,
    %swap3A_2031 = vector.shape_cast %swap3A_2030 : vector<16xf32> to vector<16xf32>
    %swap3A_2032 = vector.shape_cast %mul3A_2028 : vector<16xf32> to vector<16xf32>
    tpu.vector_store %arg16[%swap3A_2029], %swap3A_2032 {strides = array<i32>} : memref<320xf32, #tpu.memory_space<vmem>>, vector<16xf32>,
    %add3A_2033 = arith.constant -1 : i32
    %add3A_2034 = vector.broadcast %add3A_2033 : i32 to vector<16xi32>
    %add3A_2035 = arith.addi %add3A_2016, %add3A_2034 : vector<16xi32>
    %ge3A_2036 = arith.constant 0 : i32
    %ge3A_2037 = vector.broadcast %ge3A_2036 : i32 to vector<16xi32>
    %ge3A_2038 = arith.cmpi sge, %add3A_2035, %ge3A_2037 : vector<16xi32>
    %select_n3A_2039 = arith.select %ge3A_2038, %broadcast_in_dim3A_3, %broadcast_in_dim3A_1 : vector<16xi1>, vector<16xf32>
    %lt3A_2040 = arith.constant 64 : i32
    %lt3A_2041 = vector.broadcast %lt3A_2040 : i32 to vector<16xi32>
    %lt3A_2042 = arith.cmpi slt, %add3A_2035, %lt3A_2041 : vector<16xi32>
    %select_n3A_2043 = arith.select %lt3A_2042, %broadcast_in_dim3A_3, %broadcast_in_dim3A_1 : vector<16xi1>, vector<16xf32>
    %mul3A_2044 = arith.mulf %select_n3A_2039, %select_n3A_2043 : vector<16xf32>
    %swap3A_2045 = arith.constant 256 : index
    %swap3A_2046 = tpu.vector_load %arg16[%swap3A_2045] {strides = array<i32>} : memref<320xf32, #tpu.memory_space<vmem>>, vector<16xf32>,
    %swap3A_2047 = vector.shape_cast %swap3A_2046 : vector<16xf32> to vector<16xf32>
    %swap3A_2048 = vector.shape_cast %mul3A_2044 : vector<16xf32> to vector<16xf32>
    tpu.vector_store %arg16[%swap3A_2045], %swap3A_2048 {strides = array<i32>} : memref<320xf32, #tpu.memory_space<vmem>>, vector<16xf32>,
    %add3A_2049 = arith.constant 0 : i32
    %add3A_2050 = vector.broadcast %add3A_2049 : i32 to vector<16xi32>
    %add3A_2051 = arith.addi %add3A_2016, %add3A_2050 : vector<16xi32>
    %ge3A_2052 = arith.constant 0 : i32
    %ge3A_2053 = vector.broadcast %ge3A_2052 : i32 to vector<16xi32>
    %ge3A_2054 = arith.cmpi sge, %add3A_2051, %ge3A_2053 : vector<16xi32>
    %select_n3A_2055 = arith.select %ge3A_2054, %broadcast_in_dim3A_3, %broadcast_in_dim3A_1 : vector<16xi1>, vector<16xf32>
    %lt3A_2056 = arith.constant 64 : i32
    %lt3A_2057 = vector.broadcast %lt3A_2056 : i32 to vector<16xi32>
    %lt3A_2058 = arith.cmpi slt, %add3A_2051, %lt3A_2057 : vector<16xi32>
    %select_n3A_2059 = arith.select %lt3A_2058, %broadcast_in_dim3A_3, %broadcast_in_dim3A_1 : vector<16xi1>, vector<16xf32>
    %mul3A_2060 = arith.mulf %select_n3A_2055, %select_n3A_2059 : vector<16xf32>
    %swap3A_2061 = arith.constant 272 : index
    %swap3A_2062 = tpu.vector_load %arg16[%swap3A_2061] {strides = array<i32>} : memref<320xf32, #tpu.memory_space<vmem>>, vector<16xf32>,
    %swap3A_2063 = vector.shape_cast %swap3A_2062 : vector<16xf32> to vector<16xf32>
    %swap3A_2064 = vector.shape_cast %mul3A_2060 : vector<16xf32> to vector<16xf32>
    tpu.vector_store %arg16[%swap3A_2061], %swap3A_2064 {strides = array<i32>} : memref<320xf32, #tpu.memory_space<vmem>>, vector<16xf32>,
    %add3A_2065 = arith.constant 1 : i32
    %add3A_2066 = vector.broadcast %add3A_2065 : i32 to vector<16xi32>
    %add3A_2067 = arith.addi %add3A_2016, %add3A_2066 : vector<16xi32>
    %ge3A_2068 = arith.constant 0 : i32
    %ge3A_2069 = vector.broadcast %ge3A_2068 : i32 to vector<16xi32>
    %ge3A_2070 = arith.cmpi sge, %add3A_2067, %ge3A_2069 : vector<16xi32>
    %select_n3A_2071 = arith.select %ge3A_2070, %broadcast_in_dim3A_3, %broadcast_in_dim3A_1 : vector<16xi1>, vector<16xf32>
    %lt3A_2072 = arith.constant 64 : i32
    %lt3A_2073 = vector.broadcast %lt3A_2072 : i32 to vector<16xi32>
    %lt3A_2074 = arith.cmpi slt, %add3A_2067, %lt3A_2073 : vector<16xi32>
    %select_n3A_2075 = arith.select %lt3A_2074, %broadcast_in_dim3A_3, %broadcast_in_dim3A_1 : vector<16xi1>, vector<16xf32>
    %mul3A_2076 = arith.mulf %select_n3A_2071, %select_n3A_2075 : vector<16xf32>
    %swap3A_2077 = arith.constant 288 : index
    %swap3A_2078 = tpu.vector_load %arg16[%swap3A_2077] {strides = array<i32>} : memref<320xf32, #tpu.memory_space<vmem>>, vector<16xf32>,
    %swap3A_2079 = vector.shape_cast %swap3A_2078 : vector<16xf32> to vector<16xf32>
    %swap3A_2080 = vector.shape_cast %mul3A_2076 : vector<16xf32> to vector<16xf32>
    tpu.vector_store %arg16[%swap3A_2077], %swap3A_2080 {strides = array<i32>} : memref<320xf32, #tpu.memory_space<vmem>>, vector<16xf32>,
    %add3A_2081 = arith.constant 2 : i32
    %add3A_2082 = vector.broadcast %add3A_2081 : i32 to vector<16xi32>
    %add3A_2083 = arith.addi %add3A_2016, %add3A_2082 : vector<16xi32>
    %ge3A_2084 = arith.constant 0 : i32
    %ge3A_2085 = vector.broadcast %ge3A_2084 : i32 to vector<16xi32>
    %ge3A_2086 = arith.cmpi sge, %add3A_2083, %ge3A_2085 : vector<16xi32>
    %select_n3A_2087 = arith.select %ge3A_2086, %broadcast_in_dim3A_3, %broadcast_in_dim3A_1 : vector<16xi1>, vector<16xf32>
    %lt3A_2088 = arith.constant 64 : i32
    %lt3A_2089 = vector.broadcast %lt3A_2088 : i32 to vector<16xi32>
    %lt3A_2090 = arith.cmpi slt, %add3A_2083, %lt3A_2089 : vector<16xi32>
    %select_n3A_2091 = arith.select %lt3A_2090, %broadcast_in_dim3A_3, %broadcast_in_dim3A_1 : vector<16xi1>, vector<16xf32>
    %mul3A_2092 = arith.mulf %select_n3A_2087, %select_n3A_2091 : vector<16xf32>
    %swap3A_2093 = arith.constant 304 : index
    %swap3A_2094 = tpu.vector_load %arg16[%swap3A_2093] {strides = array<i32>} : memref<320xf32, #tpu.memory_space<vmem>>, vector<16xf32>,
    %swap3A_2095 = vector.shape_cast %swap3A_2094 : vector<16xf32> to vector<16xf32>
    %swap3A_2096 = vector.shape_cast %mul3A_2092 : vector<16xf32> to vector<16xf32>
    tpu.vector_store %arg16[%swap3A_2093], %swap3A_2096 {strides = array<i32>} : memref<320xf32, #tpu.memory_space<vmem>>, vector<16xf32>,
    %jit3A = arith.constant 4 : i32
    %eq3A_2097 = arith.constant 0 : i32
    %eq3A_2098 = arith.cmpi eq, %jit3A, %eq3A_2097 : i32
    %jit3A_2099 = arith.constant 1 : i32
    %select_n3A_2100 = arith.select %eq3A_2098, %jit3A_2099, %jit3A : i32
    %rem3A = arith.remsi %add3A, %select_n3A_2100 : i32
    %ne3A = arith.constant 0 : i32
    %ne3A_2101 = arith.cmpi ne, %rem3A, %ne3A : i32
    %lt3A_2102 = arith.constant 0 : i32
    %lt3A_2103 = arith.cmpi slt, %rem3A, %lt3A_2102 : i32
    %lt3A_2104 = arith.constant 0 : i32
    %lt3A_2105 = arith.cmpi slt, %select_n3A_2100, %lt3A_2104 : i32
    %ne3A_2106 = arith.xori %lt3A_2103, %lt3A_2105 : i1
    %and3A = arith.andi %ne3A_2106, %ne3A_2101 : i1
    %add3A_2107 = arith.addi %rem3A, %select_n3A_2100 : i32
    %select_n3A_2108 = arith.select %and3A, %add3A_2107, %rem3A : i32
    %mul3A_2109 = arith.constant 16 : i32
    %mul3A_2110 = arith.muli %mul3A_2109, %select_n3A_2108 : i32
    %add3A_2111 = arith.constant 128 : i32
    %add3A_2112 = arith.addi %add3A_2111, %mul3A_2110 : i32
    %jit3A_2113 = arith.constant 4 : i32
    %eq3A_2114 = arith.constant 0 : i32
    %eq3A_2115 = arith.cmpi eq, %jit3A_2113, %eq3A_2114 : i32
    %jit3A_2116 = arith.constant 1 : i32
    %select_n3A_2117 = arith.select %eq3A_2115, %jit3A_2116, %jit3A_2113 : i32
    %rem3A_2118 = arith.remsi %add3A, %select_n3A_2117 : i32
    %ne3A_2119 = arith.constant 0 : i32
    %ne3A_2120 = arith.cmpi ne, %rem3A_2118, %ne3A_2119 : i32
    %lt3A_2121 = arith.constant 0 : i32
    %lt3A_2122 = arith.cmpi slt, %rem3A_2118, %lt3A_2121 : i32
    %lt3A_2123 = arith.constant 0 : i32
    %lt3A_2124 = arith.cmpi slt, %select_n3A_2117, %lt3A_2123 : i32
    %ne3A_2125 = arith.xori %lt3A_2122, %lt3A_2124 : i1
    %and3A_2126 = arith.andi %ne3A_2125, %ne3A_2120 : i1
    %add3A_2127 = arith.addi %rem3A_2118, %select_n3A_2117 : i32
    %select_n3A_2128 = arith.select %and3A_2126, %add3A_2127, %rem3A_2118 : i32
    %mul3A_2129 = arith.constant 80 : i32
    %mul3A_2130 = arith.muli %select_n3A_2128, %mul3A_2129 : i32
    %add3A_2131 = arith.constant 8 : i32
    %add3A_2132 = arith.addi %add3A_2112, %add3A_2131 : i32
    %get3A_2133 = arith.index_cast %add3A_2132 : i32 to index
    %get3A_2134 = tpu.vector_load %arg11[%get3A_2133] {strides = array<i32>} : memref<336xf32, #tpu.memory_space<vmem>>, vector<16xf32>,
    %get3A_2135 = vector.shape_cast %get3A_2134 : vector<16xf32> to vector<16xf32>
    %add3A_2136 = arith.constant 8 : i32
    %add3A_2137 = arith.addi %add3A_2112, %add3A_2136 : i32
    %get3A_2138 = arith.index_cast %add3A_2137 : i32 to index
    %get3A_2139 = tpu.vector_load %arg12[%get3A_2138] {strides = array<i32>} : memref<336xf32, #tpu.memory_space<vmem>>, vector<16xf32>,
    %get3A_2140 = vector.shape_cast %get3A_2139 : vector<16xf32> to vector<16xf32>
    %add3A_2141 = arith.constant 8 : i32
    %add3A_2142 = arith.addi %add3A_2112, %add3A_2141 : i32
    %get3A_2143 = arith.index_cast %add3A_2142 : i32 to index
    %get3A_2144 = tpu.vector_load %arg13[%get3A_2143] {strides = array<i32>} : memref<336xf32, #tpu.memory_space<vmem>>, vector<16xf32>,
    %get3A_2145 = vector.shape_cast %get3A_2144 : vector<16xf32> to vector<16xf32>
    %add3A_2146 = arith.constant 8 : i32
    %add3A_2147 = arith.addi %add3A_2112, %add3A_2146 : i32
    %get3A_2148 = arith.index_cast %add3A_2147 : i32 to index
    %get3A_2149 = tpu.vector_load %arg14[%get3A_2148] {strides = array<i32>} : memref<336xf32, #tpu.memory_space<vmem>>, vector<16xf32>,
    %get3A_2150 = vector.shape_cast %get3A_2149 : vector<16xf32> to vector<16xf32>
    %scan3A_2151 = arith.constant 0 : i32
    %scan3A_2152 = arith.constant 0 : i32
    %scan3A_2153 = arith.constant 256 : i32
    %scan3A_2154 = arith.addi %scan3A_2152, %scan3A_2153 : i32
    %scan3A_2155 = arith.constant 1 : i32
    %scan3A_2156 = scf.for %scan3A_2422 = %scan3A_2152 to %scan3A_2154 step %scan3A_2155 iter_args(%scan3A_2423 = %scan3A_2151) -> (i32)  : i32 {
      %mul3A_2424 = arith.constant 16 : i32
      %mul3A_2425 = arith.muli %scan3A_2422, %mul3A_2424 : i32
      %swap3A_2426 = arith.index_cast %mul3A_2425 : i32 to index
      %swap3A_2427 = tpu.vector_load %arg17[%swap3A_2426] {strides = array<i32>} : memref<8192xf32, #tpu.memory_space<vmem>>, vector<16xf32>,
      %swap3A_2428 = vector.shape_cast %swap3A_2427 : vector<16xf32> to vector<16xf32>
      %swap3A_2429 = vector.shape_cast %broadcast_in_dim3A_1 : vector<16xf32> to vector<16xf32>
      tpu.vector_store %arg17[%swap3A_2426], %swap3A_2429 {strides = array<i32>} : memref<8192xf32, #tpu.memory_space<vmem>>, vector<16xf32>,
      %mul3A_2430 = arith.constant 16 : i32
      %mul3A_2431 = arith.muli %scan3A_2422, %mul3A_2430 : i32
      %add3A_2432 = arith.constant 4096 : i32
      %add3A_2433 = arith.addi %add3A_2432, %mul3A_2431 : i32
      %swap3A_2434 = arith.index_cast %add3A_2433 : i32 to index
      %swap3A_2435 = tpu.vector_load %arg17[%swap3A_2434] {strides = array<i32>} : memref<8192xf32, #tpu.memory_space<vmem>>, vector<16xf32>,
      %swap3A_2436 = vector.shape_cast %swap3A_2435 : vector<16xf32> to vector<16xf32>
      %swap3A_2437 = vector.shape_cast %broadcast_in_dim3A_1 : vector<16xf32> to vector<16xf32>
      tpu.vector_store %arg17[%swap3A_2434], %swap3A_2437 {strides = array<i32>} : memref<8192xf32, #tpu.memory_space<vmem>>, vector<16xf32>,
      %scan3A_2438 = arith.constant 0 : i32
      scf.yield %scan3A_2438 : i32
    }
    %scan3A_2157 = arith.constant 256 : i32
    %scan3A_2158 = arith.constant 0 : i32
    %scan3A_2159 = arith.constant 0 : i32
    %scan3A_2160 = arith.constant 25 : i32
    %scan3A_2161 = arith.addi %scan3A_2159, %scan3A_2160 : i32
    %scan3A_2162 = arith.constant 1 : i32
    %scan3A_2163 = scf.for %scan3A_2422 = %scan3A_2159 to %scan3A_2161 step %scan3A_2162 iter_args(%scan3A_2423 = %scan3A_2158) -> (i32)  : i32 {
      %jit3A_2424 = arith.constant 5 : i32
      %div3A_2425 = arith.divsi %scan3A_2422, %jit3A_2424 : i32
      %sign3A = arith.constant 0 : i32
      %sign3A_2426 = arith.cmpi sgt, %scan3A_2422, %sign3A : i32
      %sign3A_2427 = arith.extui %sign3A_2426 : i1 to i32
      %sign3A_2428 = arith.constant 0 : i32
      %sign3A_2429 = arith.cmpi slt, %scan3A_2422, %sign3A_2428 : i32
      %sign3A_2430 = arith.extui %sign3A_2429 : i1 to i32
      %sign3A_2431 = arith.subi %sign3A_2427, %sign3A_2430 : i32
      %sign3A_2432 = arith.constant 0 : i32
      %sign3A_2433 = arith.cmpi sgt, %jit3A_2424, %sign3A_2432 : i32
      %sign3A_2434 = arith.extui %sign3A_2433 : i1 to i32
      %sign3A_2435 = arith.constant 0 : i32
      %sign3A_2436 = arith.cmpi slt, %jit3A_2424, %sign3A_2435 : i32
      %sign3A_2437 = arith.extui %sign3A_2436 : i1 to i32
      %sign3A_2438 = arith.subi %sign3A_2434, %sign3A_2437 : i32
      %ne3A_2439 = arith.cmpi ne, %sign3A_2431, %sign3A_2438 : i32
      %rem3A_2440 = arith.remsi %scan3A_2422, %jit3A_2424 : i32
      %ne3A_2441 = arith.constant 0 : i32
      %ne3A_2442 = arith.cmpi ne, %rem3A_2440, %ne3A_2441 : i32
      %and3A_2443 = arith.andi %ne3A_2439, %ne3A_2442 : i1
      %sub3A_2444 = arith.constant 1 : i32
      %sub3A_2445 = arith.subi %div3A_2425, %sub3A_2444 : i32
      %select_n3A_2446 = arith.select %and3A_2443, %sub3A_2445, %div3A_2425 : i32
      %sub3A_2447 = arith.constant 2 : i32
      %sub3A_2448 = arith.subi %select_n3A_2446, %sub3A_2447 : i32
      %jit3A_2449 = arith.constant 5 : i32
      %eq3A_2450 = arith.constant 0 : i32
      %eq3A_2451 = arith.cmpi eq, %jit3A_2449, %eq3A_2450 : i32
      %jit3A_2452 = arith.constant 1 : i32
      %select_n3A_2453 = arith.select %eq3A_2451, %jit3A_2452, %jit3A_2449 : i32
      %rem3A_2454 = arith.remsi %scan3A_2422, %select_n3A_2453 : i32
      %ne3A_2455 = arith.constant 0 : i32
      %ne3A_2456 = arith.cmpi ne, %rem3A_2454, %ne3A_2455 : i32
      %lt3A_2457 = arith.constant 0 : i32
      %lt3A_2458 = arith.cmpi slt, %rem3A_2454, %lt3A_2457 : i32
      %lt3A_2459 = arith.constant 0 : i32
      %lt3A_2460 = arith.cmpi slt, %select_n3A_2453, %lt3A_2459 : i32
      %ne3A_2461 = arith.xori %lt3A_2458, %lt3A_2460 : i1
      %and3A_2462 = arith.andi %ne3A_2461, %ne3A_2456 : i1
      %add3A_2463 = arith.addi %rem3A_2454, %select_n3A_2453 : i32
      %select_n3A_2464 = arith.select %and3A_2462, %add3A_2463, %rem3A_2454 : i32
      %mul3A_2465 = arith.constant 64 : i32
      %mul3A_2466 = arith.muli %sub3A_2448, %mul3A_2465 : i32
      %add3A_2467 = arith.addi %add3A_2112, %mul3A_2466 : i32
      %add3A_2468 = arith.addi %add3A_2467, %select_n3A_2464 : i32
      %sub3A_2469 = arith.constant 2 : i32
      %sub3A_2470 = arith.subi %add3A_2468, %sub3A_2469 : i32
      %mul3A_2471 = arith.constant 16 : i32
      %mul3A_2472 = arith.muli %select_n3A_2464, %mul3A_2471 : i32
      %add3A_2473 = arith.addi %mul3A_2130, %mul3A_2472 : i32
      %get3A_2474 = arith.index_cast %add3A_2473 : i32 to index
      %get3A_2475 = tpu.vector_load %arg16[%get3A_2474] {strides = array<i32>} : memref<320xf32, #tpu.memory_space<vmem>>, vector<16xf32>,
      %get3A_2476 = vector.shape_cast %get3A_2475 : vector<16xf32> to vector<16xf32>
      %add3A_2477 = arith.constant 8 : i32
      %add3A_2478 = arith.addi %sub3A_2470, %add3A_2477 : i32
      %get3A_2479 = arith.index_cast %add3A_2478 : i32 to index
      %get3A_2480 = tpu.vector_load %arg11[%get3A_2479] {strides = array<i32>} : memref<336xf32, #tpu.memory_space<vmem>>, vector<16xf32>,
      %get3A_2481 = vector.shape_cast %get3A_2480 : vector<16xf32> to vector<16xf32>
      %mul3A_2482 = arith.mulf %get3A_2481, %get3A_2476 : vector<16xf32>
      %add3A_2483 = arith.constant 8 : i32
      %add3A_2484 = arith.addi %sub3A_2470, %add3A_2483 : i32
      %get3A_2485 = arith.index_cast %add3A_2484 : i32 to index
      %get3A_2486 = tpu.vector_load %arg12[%get3A_2485] {strides = array<i32>} : memref<336xf32, #tpu.memory_space<vmem>>, vector<16xf32>,
      %get3A_2487 = vector.shape_cast %get3A_2486 : vector<16xf32> to vector<16xf32>
      %mul3A_2488 = arith.mulf %get3A_2487, %get3A_2476 : vector<16xf32>
      %scan3A_2489 = arith.constant 0 : i32
      %scan3A_2490 = arith.constant 256 : i32
      %scan3A_2491 = arith.addi %scan3A_2489, %scan3A_2490 : i32
      %scan3A_2492 = arith.constant 1 : i32
      %scan3A_2493 = scf.for %scan3A_2502 = %scan3A_2489 to %scan3A_2491 step %scan3A_2492 iter_args(%scan3A_2503 = %broadcast_in_dim3A_1) -> (vector<16xf32>)  : i32 {
        %mul3A_2504 = arith.constant 320 : i32
        %mul3A_2505 = arith.muli %scan3A_2502, %mul3A_2504 : i32
        %add3A_2506 = arith.constant 8 : i32
        %add3A_2507 = arith.addi %add3A_2506, %mul3A_2505 : i32
        %add3A_2508 = arith.addi %add3A_2507, %add3A_2112 : i32
        %get3A_2509 = arith.index_cast %add3A_2508 : i32 to index
        %get3A_2510 = tpu.vector_load %arg7[%get3A_2509] {strides = array<i32>} : memref<81936xf32, #tpu.memory_space<vmem>>, vector<16xf32>,
        %get3A_2511 = vector.shape_cast %get3A_2510 : vector<16xf32> to vector<16xf32>
        %mul3A_2512 = arith.constant 320 : i32
        %mul3A_2513 = arith.muli %scan3A_2502, %mul3A_2512 : i32
        %add3A_2514 = arith.constant 8 : i32
        %add3A_2515 = arith.addi %add3A_2514, %mul3A_2513 : i32
        %add3A_2516 = arith.addi %add3A_2515, %sub3A_2470 : i32
        %get3A_2517 = arith.index_cast %add3A_2516 : i32 to index
        %get3A_2518 = tpu.vector_load %arg7[%get3A_2517] {strides = array<i32>} : memref<81936xf32, #tpu.memory_space<vmem>>, vector<16xf32>,
        %get3A_2519 = vector.shape_cast %get3A_2518 : vector<16xf32> to vector<16xf32>
        %mul3A_2520 = arith.constant 16 : i32
        %mul3A_2521 = arith.muli %scan3A_2502, %mul3A_2520 : i32
        %mul3A_2522 = arith.mulf %get3A_2519, %mul3A_2482 : vector<16xf32>
        %swap3A_2523 = arith.index_cast %mul3A_2521 : i32 to index
        %swap3A_2524 = tpu.vector_load %arg17[%swap3A_2523] {strides = array<i32>} : memref<8192xf32, #tpu.memory_space<vmem>>, vector<16xf32>,
        %swap3A_2525 = vector.shape_cast %swap3A_2524 : vector<16xf32> to vector<16xf32>
        %swap3A_2526 = vector.shape_cast %mul3A_2522 : vector<16xf32> to vector<16xf32>
        tpu.vector_store %arg17[%swap3A_2523], %swap3A_2526 {add = true, strides = array<i32>} : memref<8192xf32, #tpu.memory_space<vmem>>, vector<16xf32>,
        %mul3A_2527 = arith.constant 16 : i32
        %mul3A_2528 = arith.muli %scan3A_2502, %mul3A_2527 : i32
        %add3A_2529 = arith.constant 4096 : i32
        %add3A_2530 = arith.addi %add3A_2529, %mul3A_2528 : i32
        %mul3A_2531 = arith.mulf %get3A_2519, %mul3A_2488 : vector<16xf32>
        %swap3A_2532 = arith.index_cast %add3A_2530 : i32 to index
        %swap3A_2533 = tpu.vector_load %arg17[%swap3A_2532] {strides = array<i32>} : memref<8192xf32, #tpu.memory_space<vmem>>, vector<16xf32>,
        %swap3A_2534 = vector.shape_cast %swap3A_2533 : vector<16xf32> to vector<16xf32>
        %swap3A_2535 = vector.shape_cast %mul3A_2531 : vector<16xf32> to vector<16xf32>
        tpu.vector_store %arg17[%swap3A_2532], %swap3A_2535 {add = true, strides = array<i32>} : memref<8192xf32, #tpu.memory_space<vmem>>, vector<16xf32>,
        %mul3A_2536 = arith.mulf %get3A_2511, %get3A_2519 : vector<16xf32>
        %add3A_2537 = arith.addf %scan3A_2503, %mul3A_2536 : vector<16xf32>
        scf.yield %add3A_2537 : vector<16xf32>
      }
      %scan3A_2494 = arith.constant 256 : i32
      %mul3A_2495 = arith.constant 16 : i32
      %mul3A_2496 = arith.muli %scan3A_2422, %mul3A_2495 : i32
      %swap3A_2497 = arith.index_cast %mul3A_2496 : i32 to index
      %swap3A_2498 = tpu.vector_load %arg18[%swap3A_2497] {strides = array<i32>} : memref<400xf32, #tpu.memory_space<vmem>>, vector<16xf32>,
      %swap3A_2499 = vector.shape_cast %swap3A_2498 : vector<16xf32> to vector<16xf32>
      %swap3A_2500 = vector.shape_cast %scan3A_2493 : vector<16xf32> to vector<16xf32>
      tpu.vector_store %arg18[%swap3A_2497], %swap3A_2500 {strides = array<i32>} : memref<400xf32, #tpu.memory_space<vmem>>, vector<16xf32>,
      %scan3A_2501 = arith.constant 0 : i32
      scf.yield %scan3A_2501 : i32
    }
    %scan3A_2164 = arith.constant 25 : i32
    %scan3A_2165 = arith.constant 0 : i32
    %scan3A_2166 = arith.constant 256 : i32
    %scan3A_2167 = arith.addi %scan3A_2165, %scan3A_2166 : i32
    %scan3A_2168 = arith.constant 1 : i32
    %scan3A_2169:4 = scf.for %scan3A_2422 = %scan3A_2165 to %scan3A_2167 step %scan3A_2168 iter_args(%scan3A_2423 = %broadcast_in_dim3A_1, %scan3A_2424 = %broadcast_in_dim3A_1, %scan3A_2425 = %broadcast_in_dim3A_1, %scan3A_2426 = %broadcast_in_dim3A_1) -> (vector<16xf32>, vector<16xf32>, vector<16xf32>, vector<16xf32>)  : i32 {
      %mul3A_2427 = arith.constant 320 : i32
      %mul3A_2428 = arith.muli %scan3A_2422, %mul3A_2427 : i32
      %add3A_2429 = arith.constant 8 : i32
      %add3A_2430 = arith.addi %add3A_2429, %mul3A_2428 : i32
      %add3A_2431 = arith.addi %add3A_2430, %add3A_2112 : i32
      %get3A_2432 = arith.index_cast %add3A_2431 : i32 to index
      %get3A_2433 = tpu.vector_load %arg7[%get3A_2432] {strides = array<i32>} : memref<81936xf32, #tpu.memory_space<vmem>>, vector<16xf32>,
      %get3A_2434 = vector.shape_cast %get3A_2433 : vector<16xf32> to vector<16xf32>
      %mul3A_2435 = arith.constant 16 : i32
      %mul3A_2436 = arith.muli %scan3A_2422, %mul3A_2435 : i32
      %get3A_2437 = arith.index_cast %mul3A_2436 : i32 to index
      %get3A_2438 = tpu.vector_load %arg17[%get3A_2437] {strides = array<i32>} : memref<8192xf32, #tpu.memory_space<vmem>>, vector<16xf32>,
      %get3A_2439 = vector.shape_cast %get3A_2438 : vector<16xf32> to vector<16xf32>
      %mul3A_2440 = arith.mulf %get3A_2434, %get3A_2135 : vector<16xf32>
      %sub3A_2441 = arith.subf %get3A_2439, %mul3A_2440 : vector<16xf32>
      %mul3A_2442 = arith.constant 4.000000e-02 : f32
      %mul3A_2443 = vector.broadcast %mul3A_2442 : f32 to vector<16xf32>
      %mul3A_2444 = arith.mulf %sub3A_2441, %mul3A_2443 : vector<16xf32>
      %mul3A_2445 = arith.constant 16 : i32
      %mul3A_2446 = arith.muli %scan3A_2422, %mul3A_2445 : i32
      %add3A_2447 = arith.constant 4096 : i32
      %add3A_2448 = arith.addi %add3A_2447, %mul3A_2446 : i32
      %get3A_2449 = arith.index_cast %add3A_2448 : i32 to index
      %get3A_2450 = tpu.vector_load %arg17[%get3A_2449] {strides = array<i32>} : memref<8192xf32, #tpu.memory_space<vmem>>, vector<16xf32>,
      %get3A_2451 = vector.shape_cast %get3A_2450 : vector<16xf32> to vector<16xf32>
      %mul3A_2452 = arith.mulf %get3A_2434, %get3A_2140 : vector<16xf32>
      %sub3A_2453 = arith.subf %get3A_2451, %mul3A_2452 : vector<16xf32>
      %mul3A_2454 = arith.constant 4.000000e-02 : f32
      %mul3A_2455 = vector.broadcast %mul3A_2454 : f32 to vector<16xf32>
      %mul3A_2456 = arith.mulf %sub3A_2453, %mul3A_2455 : vector<16xf32>
      %mul3A_2457 = arith.mulf %get3A_2434, %mul3A_2444 : vector<16xf32>
      %add3A_2458 = arith.addf %scan3A_2423, %mul3A_2457 : vector<16xf32>
      %mul3A_2459 = arith.mulf %mul3A_2444, %mul3A_2444 : vector<16xf32>
      %add3A_2460 = arith.addf %scan3A_2424, %mul3A_2459 : vector<16xf32>
      %mul3A_2461 = arith.mulf %get3A_2434, %mul3A_2456 : vector<16xf32>
      %add3A_2462 = arith.addf %scan3A_2425, %mul3A_2461 : vector<16xf32>
      %mul3A_2463 = arith.mulf %mul3A_2456, %mul3A_2456 : vector<16xf32>
      %add3A_2464 = arith.addf %scan3A_2426, %mul3A_2463 : vector<16xf32>
      scf.yield %add3A_2458, %add3A_2460, %add3A_2462, %add3A_2464 : vector<16xf32>, vector<16xf32>, vector<16xf32>, vector<16xf32>
    }
    %scan3A_2170 = arith.constant 256 : i32
    %add3A_2171 = arith.constant 8 : i32
    %add3A_2172 = arith.addi %add3A_2112, %add3A_2171 : i32
    %get3A_2173 = arith.index_cast %add3A_2172 : i32 to index
    %get3A_2174 = tpu.vector_load %arg15[%get3A_2173] {strides = array<i32>} : memref<336xf32, #tpu.memory_space<vmem>>, vector<16xf32>,
    %get3A_2175 = vector.shape_cast %get3A_2174 : vector<16xf32> to vector<16xf32>
    %bitcast_convert_type3A_2176 = tpu.bitcast %scan3A_2169#1 : vector<16xf32> -> vector<16xi32>
    %shift_right_arithmetic3A_2177 = arith.constant 1 : i32
    %shift_right_arithmetic3A_2178 = vector.broadcast %shift_right_arithmetic3A_2177 : i32 to vector<16xi32>
    %shift_right_arithmetic3A_2179 = arith.shrsi %bitcast_convert_type3A_2176, %shift_right_arithmetic3A_2178 : vector<16xi32>
    %sub3A_2180 = arith.constant 1597463007 : i32
    %sub3A_2181 = vector.broadcast %sub3A_2180 : i32 to vector<16xi32>
    %sub3A_2182 = arith.subi %sub3A_2181, %shift_right_arithmetic3A_2179 : vector<16xi32>
    %bitcast_convert_type3A_2183 = tpu.bitcast %sub3A_2182 : vector<16xi32> -> vector<16xf32>
    %mul3A_2184 = arith.constant 5.000000e-01 : f32
    %mul3A_2185 = vector.broadcast %mul3A_2184 : f32 to vector<16xf32>
    %mul3A_2186 = arith.mulf %mul3A_2185, %scan3A_2169#1 : vector<16xf32>
    %mul3A_2187 = arith.mulf %mul3A_2186, %bitcast_convert_type3A_2183 : vector<16xf32>
    %mul3A_2188 = arith.mulf %mul3A_2187, %bitcast_convert_type3A_2183 : vector<16xf32>
    %sub3A_2189 = arith.constant 1.500000e+00 : f32
    %sub3A_2190 = vector.broadcast %sub3A_2189 : f32 to vector<16xf32>
    %sub3A_2191 = arith.subf %sub3A_2190, %mul3A_2188 : vector<16xf32>
    %mul3A_2192 = arith.mulf %bitcast_convert_type3A_2183, %sub3A_2191 : vector<16xf32>
    %mul3A_2193 = arith.constant 5.000000e-01 : f32
    %mul3A_2194 = vector.broadcast %mul3A_2193 : f32 to vector<16xf32>
    %mul3A_2195 = arith.mulf %mul3A_2194, %scan3A_2169#1 : vector<16xf32>
    %mul3A_2196 = arith.mulf %mul3A_2195, %mul3A_2192 : vector<16xf32>
    %mul3A_2197 = arith.mulf %mul3A_2196, %mul3A_2192 : vector<16xf32>
    %sub3A_2198 = arith.constant 1.500000e+00 : f32
    %sub3A_2199 = vector.broadcast %sub3A_2198 : f32 to vector<16xf32>
    %sub3A_2200 = arith.subf %sub3A_2199, %mul3A_2197 : vector<16xf32>
    %mul3A_2201 = arith.mulf %mul3A_2192, %sub3A_2200 : vector<16xf32>
    %mul3A_2202 = arith.constant 5.000000e-01 : f32
    %mul3A_2203 = vector.broadcast %mul3A_2202 : f32 to vector<16xf32>
    %mul3A_2204 = arith.mulf %mul3A_2203, %scan3A_2169#1 : vector<16xf32>
    %mul3A_2205 = arith.mulf %mul3A_2204, %mul3A_2201 : vector<16xf32>
    %mul3A_2206 = arith.mulf %mul3A_2205, %mul3A_2201 : vector<16xf32>
    %sub3A_2207 = arith.constant 1.500000e+00 : f32
    %sub3A_2208 = vector.broadcast %sub3A_2207 : f32 to vector<16xf32>
    %sub3A_2209 = arith.subf %sub3A_2208, %mul3A_2206 : vector<16xf32>
    %mul3A_2210 = arith.mulf %mul3A_2201, %sub3A_2209 : vector<16xf32>
    %mul3A_2211 = arith.mulf %scan3A_2169#1, %mul3A_2210 : vector<16xf32>
    %bitcast_convert_type3A_2212 = tpu.bitcast %scan3A_2169#3 : vector<16xf32> -> vector<16xi32>
    %shift_right_arithmetic3A_2213 = arith.constant 1 : i32
    %shift_right_arithmetic3A_2214 = vector.broadcast %shift_right_arithmetic3A_2213 : i32 to vector<16xi32>
    %shift_right_arithmetic3A_2215 = arith.shrsi %bitcast_convert_type3A_2212, %shift_right_arithmetic3A_2214 : vector<16xi32>
    %sub3A_2216 = arith.constant 1597463007 : i32
    %sub3A_2217 = vector.broadcast %sub3A_2216 : i32 to vector<16xi32>
    %sub3A_2218 = arith.subi %sub3A_2217, %shift_right_arithmetic3A_2215 : vector<16xi32>
    %bitcast_convert_type3A_2219 = tpu.bitcast %sub3A_2218 : vector<16xi32> -> vector<16xf32>
    %mul3A_2220 = arith.constant 5.000000e-01 : f32
    %mul3A_2221 = vector.broadcast %mul3A_2220 : f32 to vector<16xf32>
    %mul3A_2222 = arith.mulf %mul3A_2221, %scan3A_2169#3 : vector<16xf32>
    %mul3A_2223 = arith.mulf %mul3A_2222, %bitcast_convert_type3A_2219 : vector<16xf32>
    %mul3A_2224 = arith.mulf %mul3A_2223, %bitcast_convert_type3A_2219 : vector<16xf32>
    %sub3A_2225 = arith.constant 1.500000e+00 : f32
    %sub3A_2226 = vector.broadcast %sub3A_2225 : f32 to vector<16xf32>
    %sub3A_2227 = arith.subf %sub3A_2226, %mul3A_2224 : vector<16xf32>
    %mul3A_2228 = arith.mulf %bitcast_convert_type3A_2219, %sub3A_2227 : vector<16xf32>
    %mul3A_2229 = arith.constant 5.000000e-01 : f32
    %mul3A_2230 = vector.broadcast %mul3A_2229 : f32 to vector<16xf32>
    %mul3A_2231 = arith.mulf %mul3A_2230, %scan3A_2169#3 : vector<16xf32>
    %mul3A_2232 = arith.mulf %mul3A_2231, %mul3A_2228 : vector<16xf32>
    %mul3A_2233 = arith.mulf %mul3A_2232, %mul3A_2228 : vector<16xf32>
    %sub3A_2234 = arith.constant 1.500000e+00 : f32
    %sub3A_2235 = vector.broadcast %sub3A_2234 : f32 to vector<16xf32>
    %sub3A_2236 = arith.subf %sub3A_2235, %mul3A_2233 : vector<16xf32>
    %mul3A_2237 = arith.mulf %mul3A_2228, %sub3A_2236 : vector<16xf32>
    %mul3A_2238 = arith.constant 5.000000e-01 : f32
    %mul3A_2239 = vector.broadcast %mul3A_2238 : f32 to vector<16xf32>
    %mul3A_2240 = arith.mulf %mul3A_2239, %scan3A_2169#3 : vector<16xf32>
    %mul3A_2241 = arith.mulf %mul3A_2240, %mul3A_2237 : vector<16xf32>
    %mul3A_2242 = arith.mulf %mul3A_2241, %mul3A_2237 : vector<16xf32>
    %sub3A_2243 = arith.constant 1.500000e+00 : f32
    %sub3A_2244 = vector.broadcast %sub3A_2243 : f32 to vector<16xf32>
    %sub3A_2245 = arith.subf %sub3A_2244, %mul3A_2242 : vector<16xf32>
    %mul3A_2246 = arith.mulf %mul3A_2237, %sub3A_2245 : vector<16xf32>
    %mul3A_2247 = arith.mulf %scan3A_2169#3, %mul3A_2246 : vector<16xf32>
    %mul3A_2248 = arith.mulf %get3A_2135, %get3A_2175 : vector<16xf32>
    %add3A_2249 = arith.constant 9.99999993E-9 : f32
    %add3A_2250 = vector.broadcast %add3A_2249 : f32 to vector<16xf32>
    %add3A_2251 = arith.addf %mul3A_2248, %add3A_2250 : vector<16xf32>
    %mul3A_2252 = arith.mulf %get3A_2140, %get3A_2175 : vector<16xf32>
    %add3A_2253 = arith.constant 9.99999993E-9 : f32
    %add3A_2254 = vector.broadcast %add3A_2253 : f32 to vector<16xf32>
    %add3A_2255 = arith.addf %mul3A_2252, %add3A_2254 : vector<16xf32>
    %mul3A_2256 = arith.mulf %get3A_2135, %scan3A_2169#0 : vector<16xf32>
    %add3A_2257 = arith.constant 9.99999993E-9 : f32
    %add3A_2258 = vector.broadcast %add3A_2257 : f32 to vector<16xf32>
    %add3A_2259 = arith.addf %mul3A_2211, %add3A_2258 : vector<16xf32>
    %mul3A_2260 = arith.mulf %add3A_2251, %add3A_2259 : vector<16xf32>
    %div3A = arith.divf %mul3A_2256, %mul3A_2260 : vector<16xf32>
    %mul3A_2261 = arith.constant 1.000000e+01 : f32
    %mul3A_2262 = vector.broadcast %mul3A_2261 : f32 to vector<16xf32>
    %mul3A_2263 = arith.mulf %div3A, %mul3A_2262 : vector<16xf32>
    %mul3A_2264 = arith.mulf %get3A_2140, %scan3A_2169#2 : vector<16xf32>
    %add3A_2265 = arith.constant 9.99999993E-9 : f32
    %add3A_2266 = vector.broadcast %add3A_2265 : f32 to vector<16xf32>
    %add3A_2267 = arith.addf %mul3A_2247, %add3A_2266 : vector<16xf32>
    %mul3A_2268 = arith.mulf %add3A_2255, %add3A_2267 : vector<16xf32>
    %div3A_2269 = arith.divf %mul3A_2264, %mul3A_2268 : vector<16xf32>
    %mul3A_2270 = arith.constant 1.000000e+01 : f32
    %mul3A_2271 = vector.broadcast %mul3A_2270 : f32 to vector<16xf32>
    %mul3A_2272 = arith.mulf %div3A_2269, %mul3A_2271 : vector<16xf32>
    %scan3A_2273 = arith.constant 0 : i32
    %scan3A_2274 = arith.constant 25 : i32
    %scan3A_2275 = arith.addi %scan3A_2273, %scan3A_2274 : i32
    %scan3A_2276 = arith.constant 1 : i32
    %scan3A_2277:4 = scf.for %scan3A_2422 = %scan3A_2273 to %scan3A_2275 step %scan3A_2276 iter_args(%scan3A_2423 = %mul3A_2263, %scan3A_2424 = %mul3A_2272, %scan3A_2425 = %broadcast_in_dim3A_1, %scan3A_2426 = %broadcast_in_dim3A_1) -> (vector<16xf32>, vector<16xf32>, vector<16xf32>, vector<16xf32>)  : i32 {
      %jit3A_2427 = arith.constant 5 : i32
      %div3A_2428 = arith.divsi %scan3A_2422, %jit3A_2427 : i32
      %sign3A = arith.constant 0 : i32
      %sign3A_2429 = arith.cmpi sgt, %scan3A_2422, %sign3A : i32
      %sign3A_2430 = arith.extui %sign3A_2429 : i1 to i32
      %sign3A_2431 = arith.constant 0 : i32
      %sign3A_2432 = arith.cmpi slt, %scan3A_2422, %sign3A_2431 : i32
      %sign3A_2433 = arith.extui %sign3A_2432 : i1 to i32
      %sign3A_2434 = arith.subi %sign3A_2430, %sign3A_2433 : i32
      %sign3A_2435 = arith.constant 0 : i32
      %sign3A_2436 = arith.cmpi sgt, %jit3A_2427, %sign3A_2435 : i32
      %sign3A_2437 = arith.extui %sign3A_2436 : i1 to i32
      %sign3A_2438 = arith.constant 0 : i32
      %sign3A_2439 = arith.cmpi slt, %jit3A_2427, %sign3A_2438 : i32
      %sign3A_2440 = arith.extui %sign3A_2439 : i1 to i32
      %sign3A_2441 = arith.subi %sign3A_2437, %sign3A_2440 : i32
      %ne3A_2442 = arith.cmpi ne, %sign3A_2434, %sign3A_2441 : i32
      %rem3A_2443 = arith.remsi %scan3A_2422, %jit3A_2427 : i32
      %ne3A_2444 = arith.constant 0 : i32
      %ne3A_2445 = arith.cmpi ne, %rem3A_2443, %ne3A_2444 : i32
      %and3A_2446 = arith.andi %ne3A_2442, %ne3A_2445 : i1
      %sub3A_2447 = arith.constant 1 : i32
      %sub3A_2448 = arith.subi %div3A_2428, %sub3A_2447 : i32
      %select_n3A_2449 = arith.select %and3A_2446, %sub3A_2448, %div3A_2428 : i32
      %sub3A_2450 = arith.constant 2 : i32
      %sub3A_2451 = arith.subi %select_n3A_2449, %sub3A_2450 : i32
      %jit3A_2452 = arith.constant 5 : i32
      %eq3A_2453 = arith.constant 0 : i32
      %eq3A_2454 = arith.cmpi eq, %jit3A_2452, %eq3A_2453 : i32
      %jit3A_2455 = arith.constant 1 : i32
      %select_n3A_2456 = arith.select %eq3A_2454, %jit3A_2455, %jit3A_2452 : i32
      %rem3A_2457 = arith.remsi %scan3A_2422, %select_n3A_2456 : i32
      %ne3A_2458 = arith.constant 0 : i32
      %ne3A_2459 = arith.cmpi ne, %rem3A_2457, %ne3A_2458 : i32
      %lt3A_2460 = arith.constant 0 : i32
      %lt3A_2461 = arith.cmpi slt, %rem3A_2457, %lt3A_2460 : i32
      %lt3A_2462 = arith.constant 0 : i32
      %lt3A_2463 = arith.cmpi slt, %select_n3A_2456, %lt3A_2462 : i32
      %ne3A_2464 = arith.xori %lt3A_2461, %lt3A_2463 : i1
      %and3A_2465 = arith.andi %ne3A_2464, %ne3A_2459 : i1
      %add3A_2466 = arith.addi %rem3A_2457, %select_n3A_2456 : i32
      %select_n3A_2467 = arith.select %and3A_2465, %add3A_2466, %rem3A_2457 : i32
      %mul3A_2468 = arith.constant 64 : i32
      %mul3A_2469 = arith.muli %sub3A_2451, %mul3A_2468 : i32
      %add3A_2470 = arith.addi %add3A_2112, %mul3A_2469 : i32
      %add3A_2471 = arith.addi %add3A_2470, %select_n3A_2467 : i32
      %sub3A_2472 = arith.constant 2 : i32
      %sub3A_2473 = arith.subi %add3A_2471, %sub3A_2472 : i32
      %mul3A_2474 = arith.constant 16 : i32
      %mul3A_2475 = arith.muli %select_n3A_2467, %mul3A_2474 : i32
      %add3A_2476 = arith.addi %mul3A_2130, %mul3A_2475 : i32
      %get3A_2477 = arith.index_cast %add3A_2476 : i32 to index
      %get3A_2478 = tpu.vector_load %arg16[%get3A_2477] {strides = array<i32>} : memref<320xf32, #tpu.memory_space<vmem>>, vector<16xf32>,
      %get3A_2479 = vector.shape_cast %get3A_2478 : vector<16xf32> to vector<16xf32>
      %mul3A_2480 = arith.constant 16 : i32
      %mul3A_2481 = arith.muli %scan3A_2422, %mul3A_2480 : i32
      %get3A_2482 = arith.index_cast %mul3A_2481 : i32 to index
      %get3A_2483 = tpu.vector_load %arg18[%get3A_2482] {strides = array<i32>} : memref<400xf32, #tpu.memory_space<vmem>>, vector<16xf32>,
      %get3A_2484 = vector.shape_cast %get3A_2483 : vector<16xf32> to vector<16xf32>
      %add3A_2485 = arith.constant 8 : i32
      %add3A_2486 = arith.addi %sub3A_2473, %add3A_2485 : i32
      %get3A_2487 = arith.index_cast %add3A_2486 : i32 to index
      %get3A_2488 = tpu.vector_load %arg11[%get3A_2487] {strides = array<i32>} : memref<336xf32, #tpu.memory_space<vmem>>, vector<16xf32>,
      %get3A_2489 = vector.shape_cast %get3A_2488 : vector<16xf32> to vector<16xf32>
      %mul3A_2490 = arith.mulf %get3A_2489, %get3A_2479 : vector<16xf32>
      %add3A_2491 = arith.constant 8 : i32
      %add3A_2492 = arith.addi %sub3A_2473, %add3A_2491 : i32
      %get3A_2493 = arith.index_cast %add3A_2492 : i32 to index
      %get3A_2494 = tpu.vector_load %arg12[%get3A_2493] {strides = array<i32>} : memref<336xf32, #tpu.memory_space<vmem>>, vector<16xf32>,
      %get3A_2495 = vector.shape_cast %get3A_2494 : vector<16xf32> to vector<16xf32>
      %mul3A_2496 = arith.mulf %get3A_2495, %get3A_2479 : vector<16xf32>
      %add3A_2497 = arith.constant 8 : i32
      %add3A_2498 = arith.addi %sub3A_2473, %add3A_2497 : i32
      %get3A_2499 = arith.index_cast %add3A_2498 : i32 to index
      %get3A_2500 = tpu.vector_load %arg15[%get3A_2499] {strides = array<i32>} : memref<336xf32, #tpu.memory_space<vmem>>, vector<16xf32>,
      %get3A_2501 = vector.shape_cast %get3A_2500 : vector<16xf32> to vector<16xf32>
      %mul3A_2502 = arith.constant 2.000000e+00 : f32
      %mul3A_2503 = vector.broadcast %mul3A_2502 : f32 to vector<16xf32>
      %mul3A_2504 = arith.mulf %get3A_2135, %mul3A_2503 : vector<16xf32>
      %mul3A_2505 = arith.mulf %mul3A_2504, %get3A_2484 : vector<16xf32>
      %mul3A_2506 = arith.mulf %mul3A_2505, %mul3A_2496 : vector<16xf32>
      %mul3A_2507 = arith.constant 2.000000e+00 : f32
      %mul3A_2508 = vector.broadcast %mul3A_2507 : f32 to vector<16xf32>
      %mul3A_2509 = arith.mulf %mul3A_2508, %get3A_2501 : vector<16xf32>
      %mul3A_2510 = arith.mulf %mul3A_2509, %mul3A_2496 : vector<16xf32>
      %add3A_2511 = arith.constant 9.99999993E-9 : f32
      %add3A_2512 = vector.broadcast %add3A_2511 : f32 to vector<16xf32>
      %add3A_2513 = arith.addf %mul3A_2510, %add3A_2512 : vector<16xf32>
      %mul3A_2514 = arith.mulf %add3A_2251, %add3A_2513 : vector<16xf32>
      %div3A_2515 = arith.divf %mul3A_2506, %mul3A_2514 : vector<16xf32>
      %mul3A_2516 = arith.constant 1.000000e+01 : f32
      %mul3A_2517 = vector.broadcast %mul3A_2516 : f32 to vector<16xf32>
      %mul3A_2518 = arith.mulf %div3A_2515, %mul3A_2517 : vector<16xf32>
      %mul3A_2519 = arith.constant 2.000000e+00 : f32
      %mul3A_2520 = vector.broadcast %mul3A_2519 : f32 to vector<16xf32>
      %mul3A_2521 = arith.mulf %get3A_2140, %mul3A_2520 : vector<16xf32>
      %mul3A_2522 = arith.mulf %mul3A_2521, %get3A_2484 : vector<16xf32>
      %mul3A_2523 = arith.mulf %mul3A_2522, %mul3A_2490 : vector<16xf32>
      %mul3A_2524 = arith.constant 2.000000e+00 : f32
      %mul3A_2525 = vector.broadcast %mul3A_2524 : f32 to vector<16xf32>
      %mul3A_2526 = arith.mulf %mul3A_2525, %get3A_2501 : vector<16xf32>
      %mul3A_2527 = arith.mulf %mul3A_2526, %mul3A_2490 : vector<16xf32>
      %add3A_2528 = arith.constant 9.99999993E-9 : f32
      %add3A_2529 = vector.broadcast %add3A_2528 : f32 to vector<16xf32>
      %add3A_2530 = arith.addf %mul3A_2527, %add3A_2529 : vector<16xf32>
      %mul3A_2531 = arith.mulf %add3A_2255, %add3A_2530 : vector<16xf32>
      %div3A_2532 = arith.divf %mul3A_2523, %mul3A_2531 : vector<16xf32>
      %mul3A_2533 = arith.constant 1.000000e+01 : f32
      %mul3A_2534 = vector.broadcast %mul3A_2533 : f32 to vector<16xf32>
      %mul3A_2535 = arith.mulf %div3A_2532, %mul3A_2534 : vector<16xf32>
      %mul3A_2536 = arith.constant 16 : i32
      %mul3A_2537 = arith.muli %scan3A_2422, %mul3A_2536 : i32
      %swap3A_2538 = arith.index_cast %mul3A_2537 : i32 to index
      %swap3A_2539 = tpu.vector_load %arg19[%swap3A_2538] {strides = array<i32>} : memref<800xf32, #tpu.memory_space<vmem>>, vector<16xf32>,
      %swap3A_2540 = vector.shape_cast %swap3A_2539 : vector<16xf32> to vector<16xf32>
      %swap3A_2541 = vector.shape_cast %mul3A_2518 : vector<16xf32> to vector<16xf32>
      tpu.vector_store %arg19[%swap3A_2538], %swap3A_2541 {strides = array<i32>} : memref<800xf32, #tpu.memory_space<vmem>>, vector<16xf32>,
      %mul3A_2542 = arith.constant 16 : i32
      %mul3A_2543 = arith.muli %scan3A_2422, %mul3A_2542 : i32
      %add3A_2544 = arith.constant 400 : i32
      %add3A_2545 = arith.addi %add3A_2544, %mul3A_2543 : i32
      %swap3A_2546 = arith.index_cast %add3A_2545 : i32 to index
      %swap3A_2547 = tpu.vector_load %arg19[%swap3A_2546] {strides = array<i32>} : memref<800xf32, #tpu.memory_space<vmem>>, vector<16xf32>,
      %swap3A_2548 = vector.shape_cast %swap3A_2547 : vector<16xf32> to vector<16xf32>
      %swap3A_2549 = vector.shape_cast %mul3A_2535 : vector<16xf32> to vector<16xf32>
      tpu.vector_store %arg19[%swap3A_2546], %swap3A_2549 {strides = array<i32>} : memref<800xf32, #tpu.memory_space<vmem>>, vector<16xf32>,
      %add3A_2550 = arith.constant 8 : i32
      %add3A_2551 = arith.addi %sub3A_2473, %add3A_2550 : i32
      %get3A_2552 = arith.index_cast %add3A_2551 : i32 to index
      %get3A_2553 = tpu.vector_load %arg13[%get3A_2552] {strides = array<i32>} : memref<336xf32, #tpu.memory_space<vmem>>, vector<16xf32>,
      %get3A_2554 = vector.shape_cast %get3A_2553 : vector<16xf32> to vector<16xf32>
      %mul3A_2555 = arith.mulf %get3A_2554, %get3A_2479 : vector<16xf32>
      %add3A_2556 = arith.addf %scan3A_2425, %mul3A_2555 : vector<16xf32>
      %add3A_2557 = arith.constant 8 : i32
      %add3A_2558 = arith.addi %sub3A_2473, %add3A_2557 : i32
      %get3A_2559 = arith.index_cast %add3A_2558 : i32 to index
      %get3A_2560 = tpu.vector_load %arg14[%get3A_2559] {strides = array<i32>} : memref<336xf32, #tpu.memory_space<vmem>>, vector<16xf32>,
      %get3A_2561 = vector.shape_cast %get3A_2560 : vector<16xf32> to vector<16xf32>
      %mul3A_2562 = arith.mulf %get3A_2561, %get3A_2479 : vector<16xf32>
      %add3A_2563 = arith.addf %scan3A_2426, %mul3A_2562 : vector<16xf32>
      %max3A = arith.maximumf %scan3A_2423, %mul3A_2518 : vector<16xf32>
      %max3A_2564 = arith.maximumf %scan3A_2424, %mul3A_2535 : vector<16xf32>
      scf.yield %max3A, %max3A_2564, %add3A_2556, %add3A_2563 : vector<16xf32>, vector<16xf32>, vector<16xf32>, vector<16xf32>
    }
    %scan3A_2278 = arith.constant 25 : i32
    %sub3A_2279 = arith.subf %mul3A_2263, %scan3A_2277#0 : vector<16xf32>
    %exp3A = math.exp %sub3A_2279 : vector<16xf32>
    %sub3A_2280 = arith.subf %mul3A_2272, %scan3A_2277#1 : vector<16xf32>
    %exp3A_2281 = math.exp %sub3A_2280 : vector<16xf32>
    %scan3A_2282 = arith.constant 0 : i32
    %scan3A_2283 = arith.constant 25 : i32
    %scan3A_2284 = arith.addi %scan3A_2282, %scan3A_2283 : i32
    %scan3A_2285 = arith.constant 1 : i32
    %scan3A_2286:2 = scf.for %scan3A_2422 = %scan3A_2282 to %scan3A_2284 step %scan3A_2285 iter_args(%scan3A_2423 = %exp3A, %scan3A_2424 = %exp3A_2281) -> (vector<16xf32>, vector<16xf32>)  : i32 {
      %mul3A_2425 = arith.constant 16 : i32
      %mul3A_2426 = arith.muli %scan3A_2422, %mul3A_2425 : i32
      %get3A_2427 = arith.index_cast %mul3A_2426 : i32 to index
      %get3A_2428 = tpu.vector_load %arg19[%get3A_2427] {strides = array<i32>} : memref<800xf32, #tpu.memory_space<vmem>>, vector<16xf32>,
      %get3A_2429 = vector.shape_cast %get3A_2428 : vector<16xf32> to vector<16xf32>
      %sub3A_2430 = arith.subf %get3A_2429, %scan3A_2277#0 : vector<16xf32>
      %exp3A_2431 = math.exp %sub3A_2430 : vector<16xf32>
      %add3A_2432 = arith.addf %scan3A_2423, %exp3A_2431 : vector<16xf32>
      %mul3A_2433 = arith.constant 16 : i32
      %mul3A_2434 = arith.muli %scan3A_2422, %mul3A_2433 : i32
      %add3A_2435 = arith.constant 400 : i32
      %add3A_2436 = arith.addi %add3A_2435, %mul3A_2434 : i32
      %get3A_2437 = arith.index_cast %add3A_2436 : i32 to index
      %get3A_2438 = tpu.vector_load %arg19[%get3A_2437] {strides = array<i32>} : memref<800xf32, #tpu.memory_space<vmem>>, vector<16xf32>,
      %get3A_2439 = vector.shape_cast %get3A_2438 : vector<16xf32> to vector<16xf32>
      %sub3A_2440 = arith.subf %get3A_2439, %scan3A_2277#1 : vector<16xf32>
      %exp3A_2441 = math.exp %sub3A_2440 : vector<16xf32>
      %add3A_2442 = arith.addf %scan3A_2424, %exp3A_2441 : vector<16xf32>
      scf.yield %add3A_2432, %add3A_2442 : vector<16xf32>, vector<16xf32>
    }
    %scan3A_2287 = arith.constant 25 : i32
    %bitcast_convert_type3A_2288 = tpu.bitcast %scan3A_2286#0 : vector<16xf32> -> vector<16xi32>
    %shift_right_arithmetic3A_2289 = arith.constant 23 : i32
    %shift_right_arithmetic3A_2290 = vector.broadcast %shift_right_arithmetic3A_2289 : i32 to vector<16xi32>
    %shift_right_arithmetic3A_2291 = arith.shrsi %bitcast_convert_type3A_2288, %shift_right_arithmetic3A_2290 : vector<16xi32>
    %sub3A_2292 = arith.constant 127 : i32
    %sub3A_2293 = vector.broadcast %sub3A_2292 : i32 to vector<16xi32>
    %sub3A_2294 = arith.subi %shift_right_arithmetic3A_2291, %sub3A_2293 : vector<16xi32>
    %and3A_2295 = arith.constant 8388607 : i32
    %and3A_2296 = vector.broadcast %and3A_2295 : i32 to vector<16xi32>
    %and3A_2297 = arith.andi %bitcast_convert_type3A_2288, %and3A_2296 : vector<16xi32>
    %or3A = arith.constant 1065353216 : i32
    %or3A_2298 = vector.broadcast %or3A : i32 to vector<16xi32>
    %or3A_2299 = arith.ori %and3A_2297, %or3A_2298 : vector<16xi32>
    %bitcast_convert_type3A_2300 = tpu.bitcast %or3A_2299 : vector<16xi32> -> vector<16xf32>
    %mul3A_2301 = arith.constant -0.0172080602 : f32
    %mul3A_2302 = vector.broadcast %mul3A_2301 : f32 to vector<16xf32>
    %mul3A_2303 = arith.mulf %mul3A_2302, %bitcast_convert_type3A_2300 : vector<16xf32>
    %add3A_2304 = arith.constant 0.184975177 : f32
    %add3A_2305 = vector.broadcast %add3A_2304 : f32 to vector<16xf32>
    %add3A_2306 = arith.addf %mul3A_2303, %add3A_2305 : vector<16xf32>
    %mul3A_2307 = arith.mulf %add3A_2306, %bitcast_convert_type3A_2300 : vector<16xf32>
    %add3A_2308 = arith.constant -0.855537653 : f32
    %add3A_2309 = vector.broadcast %add3A_2308 : f32 to vector<16xf32>
    %add3A_2310 = arith.addf %mul3A_2307, %add3A_2309 : vector<16xf32>
    %mul3A_2311 = arith.mulf %add3A_2310, %bitcast_convert_type3A_2300 : vector<16xf32>
    %add3A_2312 = arith.constant 2.23115063 : f32
    %add3A_2313 = vector.broadcast %add3A_2312 : f32 to vector<16xf32>
    %add3A_2314 = arith.addf %mul3A_2311, %add3A_2313 : vector<16xf32>
    %mul3A_2315 = arith.mulf %add3A_2314, %bitcast_convert_type3A_2300 : vector<16xf32>
    %add3A_2316 = arith.constant -3.64883447 : f32
    %add3A_2317 = vector.broadcast %add3A_2316 : f32 to vector<16xf32>
    %add3A_2318 = arith.addf %mul3A_2315, %add3A_2317 : vector<16xf32>
    %mul3A_2319 = arith.mulf %add3A_2318, %bitcast_convert_type3A_2300 : vector<16xf32>
    %add3A_2320 = arith.constant 4.2045331 : f32
    %add3A_2321 = vector.broadcast %add3A_2320 : f32 to vector<16xf32>
    %add3A_2322 = arith.addf %mul3A_2319, %add3A_2321 : vector<16xf32>
    %mul3A_2323 = arith.mulf %add3A_2322, %bitcast_convert_type3A_2300 : vector<16xf32>
    %add3A_2324 = arith.constant -2.09907484 : f32
    %add3A_2325 = vector.broadcast %add3A_2324 : f32 to vector<16xf32>
    %add3A_2326 = arith.addf %mul3A_2323, %add3A_2325 : vector<16xf32>
    %convert_element_type3A = arith.sitofp %sub3A_2294 : vector<16xi32> to vector<16xf32>
    %mul3A_2327 = arith.constant 0.693147182 : f32
    %mul3A_2328 = vector.broadcast %mul3A_2327 : f32 to vector<16xf32>
    %mul3A_2329 = arith.mulf %mul3A_2328, %convert_element_type3A : vector<16xf32>
    %add3A_2330 = arith.addf %add3A_2326, %mul3A_2329 : vector<16xf32>
    %add3A_2331 = arith.addf %scan3A_2277#0, %add3A_2330 : vector<16xf32>
    %sub3A_2332 = arith.subf %add3A_2331, %mul3A_2263 : vector<16xf32>
    %bitcast_convert_type3A_2333 = tpu.bitcast %scan3A_2286#1 : vector<16xf32> -> vector<16xi32>
    %shift_right_arithmetic3A_2334 = arith.constant 23 : i32
    %shift_right_arithmetic3A_2335 = vector.broadcast %shift_right_arithmetic3A_2334 : i32 to vector<16xi32>
    %shift_right_arithmetic3A_2336 = arith.shrsi %bitcast_convert_type3A_2333, %shift_right_arithmetic3A_2335 : vector<16xi32>
    %sub3A_2337 = arith.constant 127 : i32
    %sub3A_2338 = vector.broadcast %sub3A_2337 : i32 to vector<16xi32>
    %sub3A_2339 = arith.subi %shift_right_arithmetic3A_2336, %sub3A_2338 : vector<16xi32>
    %and3A_2340 = arith.constant 8388607 : i32
    %and3A_2341 = vector.broadcast %and3A_2340 : i32 to vector<16xi32>
    %and3A_2342 = arith.andi %bitcast_convert_type3A_2333, %and3A_2341 : vector<16xi32>
    %or3A_2343 = arith.constant 1065353216 : i32
    %or3A_2344 = vector.broadcast %or3A_2343 : i32 to vector<16xi32>
    %or3A_2345 = arith.ori %and3A_2342, %or3A_2344 : vector<16xi32>
    %bitcast_convert_type3A_2346 = tpu.bitcast %or3A_2345 : vector<16xi32> -> vector<16xf32>
    %mul3A_2347 = arith.constant -0.0172080602 : f32
    %mul3A_2348 = vector.broadcast %mul3A_2347 : f32 to vector<16xf32>
    %mul3A_2349 = arith.mulf %mul3A_2348, %bitcast_convert_type3A_2346 : vector<16xf32>
    %add3A_2350 = arith.constant 0.184975177 : f32
    %add3A_2351 = vector.broadcast %add3A_2350 : f32 to vector<16xf32>
    %add3A_2352 = arith.addf %mul3A_2349, %add3A_2351 : vector<16xf32>
    %mul3A_2353 = arith.mulf %add3A_2352, %bitcast_convert_type3A_2346 : vector<16xf32>
    %add3A_2354 = arith.constant -0.855537653 : f32
    %add3A_2355 = vector.broadcast %add3A_2354 : f32 to vector<16xf32>
    %add3A_2356 = arith.addf %mul3A_2353, %add3A_2355 : vector<16xf32>
    %mul3A_2357 = arith.mulf %add3A_2356, %bitcast_convert_type3A_2346 : vector<16xf32>
    %add3A_2358 = arith.constant 2.23115063 : f32
    %add3A_2359 = vector.broadcast %add3A_2358 : f32 to vector<16xf32>
    %add3A_2360 = arith.addf %mul3A_2357, %add3A_2359 : vector<16xf32>
    %mul3A_2361 = arith.mulf %add3A_2360, %bitcast_convert_type3A_2346 : vector<16xf32>
    %add3A_2362 = arith.constant -3.64883447 : f32
    %add3A_2363 = vector.broadcast %add3A_2362 : f32 to vector<16xf32>
    %add3A_2364 = arith.addf %mul3A_2361, %add3A_2363 : vector<16xf32>
    %mul3A_2365 = arith.mulf %add3A_2364, %bitcast_convert_type3A_2346 : vector<16xf32>
    %add3A_2366 = arith.constant 4.2045331 : f32
    %add3A_2367 = vector.broadcast %add3A_2366 : f32 to vector<16xf32>
    %add3A_2368 = arith.addf %mul3A_2365, %add3A_2367 : vector<16xf32>
    %mul3A_2369 = arith.mulf %add3A_2368, %bitcast_convert_type3A_2346 : vector<16xf32>
    %add3A_2370 = arith.constant -2.09907484 : f32
    %add3A_2371 = vector.broadcast %add3A_2370 : f32 to vector<16xf32>
    %add3A_2372 = arith.addf %mul3A_2369, %add3A_2371 : vector<16xf32>
    %convert_element_type3A_2373 = arith.sitofp %sub3A_2339 : vector<16xi32> to vector<16xf32>
    %mul3A_2374 = arith.constant 0.693147182 : f32
    %mul3A_2375 = vector.broadcast %mul3A_2374 : f32 to vector<16xf32>
    %mul3A_2376 = arith.mulf %mul3A_2375, %convert_element_type3A_2373 : vector<16xf32>
    %add3A_2377 = arith.addf %add3A_2372, %mul3A_2376 : vector<16xf32>
    %add3A_2378 = arith.addf %scan3A_2277#1, %add3A_2377 : vector<16xf32>
    %sub3A_2379 = arith.subf %add3A_2378, %mul3A_2272 : vector<16xf32>
    %get3A_2380 = arith.constant 0 : index
    %get3A_2381 = tpu.vector_load %arg10[%get3A_2380] {strides = array<i32>} : memref<16xi32, #tpu.memory_space<vmem>>, vector<16xi32>,
    %get3A_2382 = vector.shape_cast %get3A_2381 : vector<16xi32> to vector<16xi32>
    %ne3A_2383 = arith.constant 0 : i32
    %ne3A_2384 = vector.broadcast %ne3A_2383 : i32 to vector<16xi32>
    %ne3A_2385 = arith.cmpi ne, %get3A_2382, %ne3A_2384 : vector<16xi32>
    %select_n3A_2386 = arith.select %ne3A_2385, %broadcast_in_dim3A_3, %broadcast_in_dim3A_1 : vector<16xi1>, vector<16xf32>
    %ne3A_2387 = arith.constant 255 : i32
    %ne3A_2388 = vector.broadcast %ne3A_2387 : i32 to vector<16xi32>
    %ne3A_2389 = arith.cmpi ne, %get3A_2382, %ne3A_2388 : vector<16xi32>
    %select_n3A_2390 = arith.select %ne3A_2389, %broadcast_in_dim3A_3, %broadcast_in_dim3A_1 : vector<16xi1>, vector<16xf32>
    %mul3A_2391 = arith.mulf %select_n3A_2386, %select_n3A_2390 : vector<16xf32>
    %sub3A_2392 = arith.subf %scan3A_2277#2, %get3A_2145 : vector<16xf32>
    %sub3A_2393 = arith.subf %scan3A_2277#3, %get3A_2150 : vector<16xf32>
    %ge3A_2394 = arith.constant 1.000000e+00 : f32
    %ge3A_2395 = vector.broadcast %ge3A_2394 : f32 to vector<16xf32>
    %ge3A_2396 = arith.cmpf oge, %sub3A_2392, %ge3A_2395 : vector<16xf32>
    %mul3A_2397 = arith.mulf %mul3A_2391, %get3A_2145 : vector<16xf32>
    %select_n3A_2398 = arith.select %ge3A_2396, %mul3A_2397, %broadcast_in_dim3A_1 : vector<16xi1>, vector<16xf32>
    %ge3A_2399 = arith.constant 1.000000e+00 : f32
    %ge3A_2400 = vector.broadcast %ge3A_2399 : f32 to vector<16xf32>
    %ge3A_2401 = arith.cmpf oge, %sub3A_2393, %ge3A_2400 : vector<16xf32>
    %mul3A_2402 = arith.mulf %mul3A_2391, %get3A_2150 : vector<16xf32>
    %select_n3A_2403 = arith.select %ge3A_2401, %mul3A_2402, %broadcast_in_dim3A_1 : vector<16xi1>, vector<16xf32>
    %mul3A_2404 = arith.mulf %sub3A_2332, %select_n3A_2398 : vector<16xf32>
    %swap3A_2405 = arith.constant 0 : index
    %swap3A_2406 = tpu.vector_load %arg20[%swap3A_2405] {strides = array<i32>} : memref<64xf32, #tpu.memory_space<vmem>>, vector<16xf32>,
    %swap3A_2407 = vector.shape_cast %swap3A_2406 : vector<16xf32> to vector<16xf32>
    %swap3A_2408 = vector.shape_cast %mul3A_2404 : vector<16xf32> to vector<16xf32>
    tpu.vector_store %arg20[%swap3A_2405], %swap3A_2408 {strides = array<i32>} : memref<64xf32, #tpu.memory_space<vmem>>, vector<16xf32>,
    %swap3A_2409 = arith.constant 16 : index
    %swap3A_2410 = tpu.vector_load %arg20[%swap3A_2409] {strides = array<i32>} : memref<64xf32, #tpu.memory_space<vmem>>, vector<16xf32>,
    %swap3A_2411 = vector.shape_cast %swap3A_2410 : vector<16xf32> to vector<16xf32>
    %swap3A_2412 = vector.shape_cast %select_n3A_2398 : vector<16xf32> to vector<16xf32>
    tpu.vector_store %arg20[%swap3A_2409], %swap3A_2412 {strides = array<i32>} : memref<64xf32, #tpu.memory_space<vmem>>, vector<16xf32>,
    %mul3A_2413 = arith.mulf %sub3A_2379, %select_n3A_2403 : vector<16xf32>
    %swap3A_2414 = arith.constant 32 : index
    %swap3A_2415 = tpu.vector_load %arg20[%swap3A_2414] {strides = array<i32>} : memref<64xf32, #tpu.memory_space<vmem>>, vector<16xf32>,
    %swap3A_2416 = vector.shape_cast %swap3A_2415 : vector<16xf32> to vector<16xf32>
    %swap3A_2417 = vector.shape_cast %mul3A_2413 : vector<16xf32> to vector<16xf32>
    tpu.vector_store %arg20[%swap3A_2414], %swap3A_2417 {strides = array<i32>} : memref<64xf32, #tpu.memory_space<vmem>>, vector<16xf32>,
    %swap3A_2418 = arith.constant 48 : index
    %swap3A_2419 = tpu.vector_load %arg20[%swap3A_2418] {strides = array<i32>} : memref<64xf32, #tpu.memory_space<vmem>>, vector<16xf32>,
    %swap3A_2420 = vector.shape_cast %swap3A_2419 : vector<16xf32> to vector<16xf32>
    %swap3A_2421 = vector.shape_cast %select_n3A_2403 : vector<16xf32> to vector<16xf32>
    tpu.vector_store %arg20[%swap3A_2418], %swap3A_2421 {strides = array<i32>} : memref<64xf32, #tpu.memory_space<vmem>>, vector<16xf32>,
    "tpu.region"() ({
      %run_scoped3A = tpu.sem_alloc : memref<!tpu.dma_semaphore, #tpu.memory_space<semaphore_mem>>
      %dma_start3A = arith.constant 0 : i32
      %dma_start3A_2422 = tpu.memref_slice %arg6[%add3A, %dma_start3A] : memref<32x64xf32, #tpu.memory_space<hbm>> -> memref<1x64xf32, #tpu.memory_space<hbm>>
      %dma_start3A_2423 = tpu.memref_squeeze %dma_start3A_2422 : memref<1x64xf32, #tpu.memory_space<hbm>> -> memref<64xf32, #tpu.memory_space<hbm>>
      %dma_start3A_2424 = arith.constant 0 : i32
      %dma_start3A_2425 = tpu.memref_slice %arg6[%add3A, %dma_start3A_2424] : memref<32x64xf32, #tpu.memory_space<hbm>> -> memref<1x64xf32, #tpu.memory_space<hbm>>
      %dma_start3A_2426 = tpu.memref_squeeze %dma_start3A_2425 : memref<1x64xf32, #tpu.memory_space<hbm>> -> memref<64xf32, #tpu.memory_space<hbm>>
      tpu.enqueue_dma source(%arg20 : memref<64xf32, #tpu.memory_space<vmem>>) target(%dma_start3A_2426 : memref<64xf32, #tpu.memory_space<hbm>>) target_semaphore(%run_scoped3A : memref<!tpu.dma_semaphore, #tpu.memory_space<semaphore_mem>>)
      %dma_wait3A = arith.constant 0 : i32
      %dma_wait3A_2427 = tpu.memref_slice %arg6[%add3A, %dma_wait3A] : memref<32x64xf32, #tpu.memory_space<hbm>> -> memref<1x64xf32, #tpu.memory_space<hbm>>
      %dma_wait3A_2428 = tpu.memref_squeeze %dma_wait3A_2427 : memref<1x64xf32, #tpu.memory_space<hbm>> -> memref<64xf32, #tpu.memory_space<hbm>>
      %dma_wait3A_2429 = arith.constant 0 : i32
      %dma_wait3A_2430 = tpu.memref_slice %arg6[%add3A, %dma_wait3A_2429] : memref<32x64xf32, #tpu.memory_space<hbm>> -> memref<1x64xf32, #tpu.memory_space<hbm>>
      %dma_wait3A_2431 = tpu.memref_squeeze %dma_wait3A_2430 : memref<1x64xf32, #tpu.memory_space<hbm>> -> memref<64xf32, #tpu.memory_space<hbm>>
      tpu.wait_dma2 semaphore(%run_scoped3A : memref<!tpu.dma_semaphore, #tpu.memory_space<semaphore_mem>>) src(%arg20 : memref<64xf32, #tpu.memory_space<vmem>>) dst(%dma_wait3A_2431 : memref<64xf32, #tpu.memory_space<hbm>>)
      tpu.yield
    }) : () -> ()
    return
  }
}

module attributes {stable_mosaic.version = 14 : i64} {
  func.func @_tc_loss_kernel(%arg0: memref<256x4096xf32, #tpu.memory_space<vmem>>, %arg1: memref<1x4096xi32, #tpu.memory_space<vmem>>, %arg2: memref<2x4096xf32, #tpu.memory_space<vmem>>, %arg3: memref<1x4096xi32, #tpu.memory_space<vmem>>, %arg4: memref<1x8xf32, #tpu.memory_space<vmem>>) attributes {dimension_semantics = [], scalar_prefetch = 0 : i64, scratch_operands = 0 : i64, tpu.core_type = #tpu.core_type<tc>} {
    %get3A = arith.constant 0 : index
    %get3A_0 = arith.constant 0 : index
    %get3A_1 = vector.load %arg0[%get3A, %get3A_0] : memref<256x4096xf32, #tpu.memory_space<vmem>>, vector<256x4096xf32>
    %get3A_2 = arith.constant 0 : index
    %get3A_3 = arith.constant 0 : index
    %get3A_4 = vector.load %arg1[%get3A_2, %get3A_3] : memref<1x4096xi32, #tpu.memory_space<vmem>>, vector<1x4096xi32>
    %get3A_5 = arith.constant 0 : index
    %get3A_6 = arith.constant 0 : index
    %get3A_7 = vector.load %arg2[%get3A_5, %get3A_6] : memref<2x4096xf32, #tpu.memory_space<vmem>>, vector<1x4096xf32>
    %get3A_8 = arith.constant 1 : index
    %get3A_9 = arith.constant 0 : index
    %get3A_10 = vector.load %arg2[%get3A_8, %get3A_9] : memref<2x4096xf32, #tpu.memory_space<vmem>>, vector<1x4096xf32>
    %get3A_11 = arith.constant 0 : index
    %get3A_12 = arith.constant 0 : index
    %get3A_13 = vector.load %arg3[%get3A_11, %get3A_12] : memref<1x4096xi32, #tpu.memory_space<vmem>>, vector<1x4096xi32>
    %iota3A = tpu.iota {dimensions = array<i32: 1>} : vector<1x4096xi32>
    %jit3A = arith.constant 64 : i32
    %eq3A = arith.constant 0 : i32
    %eq3A_14 = arith.cmpi eq, %jit3A, %eq3A : i32
    %jit3A_15 = arith.constant 1 : i32
    %select_n3A = arith.select %eq3A_14, %jit3A_15, %jit3A : i32
    %rem3A = vector.broadcast %select_n3A : i32 to vector<1x4096xi32>
    %rem3A_16 = arith.remsi %iota3A, %rem3A : vector<1x4096xi32>
    %ne3A = arith.constant 0 : i32
    %ne3A_17 = vector.broadcast %ne3A : i32 to vector<1x4096xi32>
    %ne3A_18 = arith.cmpi ne, %rem3A_16, %ne3A_17 : vector<1x4096xi32>
    %lt3A = arith.constant 0 : i32
    %lt3A_19 = vector.broadcast %lt3A : i32 to vector<1x4096xi32>
    %lt3A_20 = arith.cmpi slt, %rem3A_16, %lt3A_19 : vector<1x4096xi32>
    %lt3A_21 = arith.constant 0 : i32
    %lt3A_22 = arith.cmpi slt, %select_n3A, %lt3A_21 : i32
    %ne3A_23 = vector.broadcast %lt3A_22 : i1 to vector<1x4096xi1>
    %ne3A_24 = vector.broadcast %ne3A_23 : vector<1x4096xi1> to vector<1x4096xi1>
    %ne3A_25 = arith.xori %lt3A_20, %ne3A_24 : vector<1x4096xi1>
    %and3A = arith.andi %ne3A_25, %ne3A_18 : vector<1x4096xi1>
    %add3A = vector.broadcast %select_n3A : i32 to vector<1x4096xi32>
    %add3A_26 = arith.addi %rem3A_16, %add3A : vector<1x4096xi32>
    %select_n3A_27 = arith.select %and3A, %add3A_26, %rem3A_16 : vector<1x4096xi1>, vector<1x4096xi32>
    %jit3A_28 = arith.constant 64 : i32
    %div3A = vector.broadcast %jit3A_28 : i32 to vector<1x4096xi32>
    %div3A_29 = arith.divsi %iota3A, %div3A : vector<1x4096xi32>
    %sign3A = arith.constant 0 : i32
    %sign3A_30 = vector.broadcast %sign3A : i32 to vector<1x4096xi32>
    %sign3A_31 = arith.cmpi sgt, %iota3A, %sign3A_30 : vector<1x4096xi32>
    %sign3A_32 = arith.extui %sign3A_31 : vector<1x4096xi1> to vector<1x4096xi32>
    %sign3A_33 = arith.constant 0 : i32
    %sign3A_34 = vector.broadcast %sign3A_33 : i32 to vector<1x4096xi32>
    %sign3A_35 = arith.cmpi slt, %iota3A, %sign3A_34 : vector<1x4096xi32>
    %sign3A_36 = arith.extui %sign3A_35 : vector<1x4096xi1> to vector<1x4096xi32>
    %sign3A_37 = arith.subi %sign3A_32, %sign3A_36 : vector<1x4096xi32>
    %sign3A_38 = arith.constant 0 : i32
    %sign3A_39 = arith.cmpi sgt, %jit3A_28, %sign3A_38 : i32
    %sign3A_40 = arith.extui %sign3A_39 : i1 to i32
    %sign3A_41 = arith.constant 0 : i32
    %sign3A_42 = arith.cmpi slt, %jit3A_28, %sign3A_41 : i32
    %sign3A_43 = arith.extui %sign3A_42 : i1 to i32
    %sign3A_44 = arith.subi %sign3A_40, %sign3A_43 : i32
    %ne3A_45 = vector.broadcast %sign3A_44 : i32 to vector<1x4096xi32>
    %ne3A_46 = arith.cmpi ne, %sign3A_37, %ne3A_45 : vector<1x4096xi32>
    %rem3A_47 = vector.broadcast %jit3A_28 : i32 to vector<1x4096xi32>
    %rem3A_48 = arith.remsi %iota3A, %rem3A_47 : vector<1x4096xi32>
    %ne3A_49 = arith.constant 0 : i32
    %ne3A_50 = vector.broadcast %ne3A_49 : i32 to vector<1x4096xi32>
    %ne3A_51 = arith.cmpi ne, %rem3A_48, %ne3A_50 : vector<1x4096xi32>
    %and3A_52 = arith.andi %ne3A_46, %ne3A_51 : vector<1x4096xi1>
    %sub3A = arith.constant 1 : i32
    %sub3A_53 = vector.broadcast %sub3A : i32 to vector<1x4096xi32>
    %sub3A_54 = arith.subi %div3A_29, %sub3A_53 : vector<1x4096xi32>
    %select_n3A_55 = arith.select %and3A_52, %sub3A_54, %div3A_29 : vector<1x4096xi1>, vector<1x4096xi32>
    %ge3A = arith.constant 8 : i32
    %ge3A_56 = vector.broadcast %ge3A : i32 to vector<1x4096xi32>
    %ge3A_57 = arith.cmpi sge, %select_n3A_55, %ge3A_56 : vector<1x4096xi32>
    %convert_element_type3A = arith.extui %ge3A_57 : vector<1x4096xi1> to vector<1x4096xi32>
    %convert_element_type3A_58 = arith.sitofp %convert_element_type3A : vector<1x4096xi32> to vector<1x4096xf32>
    %add3A_59 = arith.constant -2 : i32
    %add3A_60 = vector.broadcast %add3A_59 : i32 to vector<1x4096xi32>
    %add3A_61 = arith.addi %select_n3A_27, %add3A_60 : vector<1x4096xi32>
    %ge3A_62 = arith.constant 0 : i32
    %ge3A_63 = vector.broadcast %ge3A_62 : i32 to vector<1x4096xi32>
    %ge3A_64 = arith.cmpi sge, %add3A_61, %ge3A_63 : vector<1x4096xi32>
    %add3A_65 = arith.constant -2 : i32
    %add3A_66 = vector.broadcast %add3A_65 : i32 to vector<1x4096xi32>
    %add3A_67 = arith.addi %select_n3A_27, %add3A_66 : vector<1x4096xi32>
    %lt3A_68 = arith.constant 64 : i32
    %lt3A_69 = vector.broadcast %lt3A_68 : i32 to vector<1x4096xi32>
    %lt3A_70 = arith.cmpi slt, %add3A_67, %lt3A_69 : vector<1x4096xi32>
    %and3A_71 = arith.andi %ge3A_64, %lt3A_70 : vector<1x4096xi1>
    %convert_element_type3A_72 = arith.extui %and3A_71 : vector<1x4096xi1> to vector<1x4096xi32>
    %convert_element_type3A_73 = arith.sitofp %convert_element_type3A_72 : vector<1x4096xi32> to vector<1x4096xf32>
    %add3A_74 = arith.constant -1 : i32
    %add3A_75 = vector.broadcast %add3A_74 : i32 to vector<1x4096xi32>
    %add3A_76 = arith.addi %select_n3A_27, %add3A_75 : vector<1x4096xi32>
    %ge3A_77 = arith.constant 0 : i32
    %ge3A_78 = vector.broadcast %ge3A_77 : i32 to vector<1x4096xi32>
    %ge3A_79 = arith.cmpi sge, %add3A_76, %ge3A_78 : vector<1x4096xi32>
    %add3A_80 = arith.constant -1 : i32
    %add3A_81 = vector.broadcast %add3A_80 : i32 to vector<1x4096xi32>
    %add3A_82 = arith.addi %select_n3A_27, %add3A_81 : vector<1x4096xi32>
    %lt3A_83 = arith.constant 64 : i32
    %lt3A_84 = vector.broadcast %lt3A_83 : i32 to vector<1x4096xi32>
    %lt3A_85 = arith.cmpi slt, %add3A_82, %lt3A_84 : vector<1x4096xi32>
    %and3A_86 = arith.andi %ge3A_79, %lt3A_85 : vector<1x4096xi1>
    %convert_element_type3A_87 = arith.extui %and3A_86 : vector<1x4096xi1> to vector<1x4096xi32>
    %convert_element_type3A_88 = arith.sitofp %convert_element_type3A_87 : vector<1x4096xi32> to vector<1x4096xf32>
    %add3A_89 = arith.constant 0 : i32
    %add3A_90 = vector.broadcast %add3A_89 : i32 to vector<1x4096xi32>
    %add3A_91 = arith.addi %select_n3A_27, %add3A_90 : vector<1x4096xi32>
    %ge3A_92 = arith.constant 0 : i32
    %ge3A_93 = vector.broadcast %ge3A_92 : i32 to vector<1x4096xi32>
    %ge3A_94 = arith.cmpi sge, %add3A_91, %ge3A_93 : vector<1x4096xi32>
    %add3A_95 = arith.constant 0 : i32
    %add3A_96 = vector.broadcast %add3A_95 : i32 to vector<1x4096xi32>
    %add3A_97 = arith.addi %select_n3A_27, %add3A_96 : vector<1x4096xi32>
    %lt3A_98 = arith.constant 64 : i32
    %lt3A_99 = vector.broadcast %lt3A_98 : i32 to vector<1x4096xi32>
    %lt3A_100 = arith.cmpi slt, %add3A_97, %lt3A_99 : vector<1x4096xi32>
    %and3A_101 = arith.andi %ge3A_94, %lt3A_100 : vector<1x4096xi1>
    %convert_element_type3A_102 = arith.extui %and3A_101 : vector<1x4096xi1> to vector<1x4096xi32>
    %convert_element_type3A_103 = arith.sitofp %convert_element_type3A_102 : vector<1x4096xi32> to vector<1x4096xf32>
    %add3A_104 = arith.constant 1 : i32
    %add3A_105 = vector.broadcast %add3A_104 : i32 to vector<1x4096xi32>
    %add3A_106 = arith.addi %select_n3A_27, %add3A_105 : vector<1x4096xi32>
    %ge3A_107 = arith.constant 0 : i32
    %ge3A_108 = vector.broadcast %ge3A_107 : i32 to vector<1x4096xi32>
    %ge3A_109 = arith.cmpi sge, %add3A_106, %ge3A_108 : vector<1x4096xi32>
    %add3A_110 = arith.constant 1 : i32
    %add3A_111 = vector.broadcast %add3A_110 : i32 to vector<1x4096xi32>
    %add3A_112 = arith.addi %select_n3A_27, %add3A_111 : vector<1x4096xi32>
    %lt3A_113 = arith.constant 64 : i32
    %lt3A_114 = vector.broadcast %lt3A_113 : i32 to vector<1x4096xi32>
    %lt3A_115 = arith.cmpi slt, %add3A_112, %lt3A_114 : vector<1x4096xi32>
    %and3A_116 = arith.andi %ge3A_109, %lt3A_115 : vector<1x4096xi1>
    %convert_element_type3A_117 = arith.extui %and3A_116 : vector<1x4096xi1> to vector<1x4096xi32>
    %convert_element_type3A_118 = arith.sitofp %convert_element_type3A_117 : vector<1x4096xi32> to vector<1x4096xf32>
    %add3A_119 = arith.constant 2 : i32
    %add3A_120 = vector.broadcast %add3A_119 : i32 to vector<1x4096xi32>
    %add3A_121 = arith.addi %select_n3A_27, %add3A_120 : vector<1x4096xi32>
    %ge3A_122 = arith.constant 0 : i32
    %ge3A_123 = vector.broadcast %ge3A_122 : i32 to vector<1x4096xi32>
    %ge3A_124 = arith.cmpi sge, %add3A_121, %ge3A_123 : vector<1x4096xi32>
    %add3A_125 = arith.constant 2 : i32
    %add3A_126 = vector.broadcast %add3A_125 : i32 to vector<1x4096xi32>
    %add3A_127 = arith.addi %select_n3A_27, %add3A_126 : vector<1x4096xi32>
    %lt3A_128 = arith.constant 64 : i32
    %lt3A_129 = vector.broadcast %lt3A_128 : i32 to vector<1x4096xi32>
    %lt3A_130 = arith.cmpi slt, %add3A_127, %lt3A_129 : vector<1x4096xi32>
    %and3A_131 = arith.andi %ge3A_124, %lt3A_130 : vector<1x4096xi1>
    %convert_element_type3A_132 = arith.extui %and3A_131 : vector<1x4096xi1> to vector<1x4096xi32>
    %convert_element_type3A_133 = arith.sitofp %convert_element_type3A_132 : vector<1x4096xi32> to vector<1x4096xf32>
    %gt3A = arith.cmpf ogt, %get3A_10, %get3A_7 : vector<1x4096xf32>
    %ne3A_134 = arith.constant 0 : i32
    %ne3A_135 = vector.broadcast %ne3A_134 : i32 to vector<1x4096xi32>
    %ne3A_136 = arith.cmpi ne, %get3A_13, %ne3A_135 : vector<1x4096xi32>
    %ne3A_137 = arith.constant 255 : i32
    %ne3A_138 = vector.broadcast %ne3A_137 : i32 to vector<1x4096xi32>
    %ne3A_139 = arith.cmpi ne, %get3A_13, %ne3A_138 : vector<1x4096xi32>
    %and3A_140 = arith.andi %ne3A_136, %ne3A_139 : vector<1x4096xi1>
    %convert_element_type3A_141 = arith.extui %and3A_140 : vector<1x4096xi1> to vector<1x4096xi32>
    %convert_element_type3A_142 = arith.sitofp %convert_element_type3A_141 : vector<1x4096xi32> to vector<1x4096xf32>
    %eq3A_143 = arith.constant 0 : i32
    %eq3A_144 = vector.broadcast %eq3A_143 : i32 to vector<1x4096xi32>
    %eq3A_145 = arith.cmpi eq, %get3A_4, %eq3A_144 : vector<1x4096xi32>
    %not3A = arith.constant dense<true> : vector<1x4096xi1>
    %not3A_146 = arith.xori %gt3A, %not3A : vector<1x4096xi1>
    %and3A_147 = arith.andi %eq3A_145, %not3A_146 : vector<1x4096xi1>
    %convert_element_type3A_148 = arith.extui %and3A_147 : vector<1x4096xi1> to vector<1x4096xi32>
    %convert_element_type3A_149 = arith.sitofp %convert_element_type3A_148 : vector<1x4096xi32> to vector<1x4096xf32>
    %eq3A_150 = arith.constant 1 : i32
    %eq3A_151 = vector.broadcast %eq3A_150 : i32 to vector<1x4096xi32>
    %eq3A_152 = arith.cmpi eq, %get3A_4, %eq3A_151 : vector<1x4096xi32>
    %and3A_153 = arith.andi %eq3A_152, %gt3A : vector<1x4096xi1>
    %convert_element_type3A_154 = arith.extui %and3A_153 : vector<1x4096xi1> to vector<1x4096xi32>
    %convert_element_type3A_155 = arith.sitofp %convert_element_type3A_154 : vector<1x4096xi32> to vector<1x4096xf32>
    %mul3A = arith.mulf %get3A_1, %get3A_1 : vector<256x4096xf32>
    %reduce_sum3A = arith.constant dense<0.000000e+00> : vector<4096xf32>
    %reduce_sum3A_156 = vector.multi_reduction <add>, %mul3A, %reduce_sum3A [0] : vector<256x4096xf32> to vector<4096xf32>
    %broadcast_in_dim3A = vector.shape_cast %reduce_sum3A_156 : vector<4096xf32> to vector<1x4096xf32>
    %sqrt3A = math.sqrt %broadcast_in_dim3A : vector<1x4096xf32>
    %broadcast_in_dim3A_157 = arith.constant 0.000000e+00 : f32
    %broadcast_in_dim3A_158 = vector.broadcast %broadcast_in_dim3A_157 : f32 to vector<256x1xf32>
    %slice3A = vector.extract_strided_slice %get3A_1 {offsets = [0, 1], sizes = [256, 4095], strides = [1, 1]} : vector<256x4096xf32> to vector<256x4095xf32>
    %concatenate3A = tpu.concatenate %slice3A, %broadcast_in_dim3A_158 in 1 : vector<256x4095xf32>, vector<256x1xf32> -> vector<256x4096xf32>
    %mul3A_159 = vector.broadcast %convert_element_type3A_118 : vector<1x4096xf32> to vector<256x4096xf32>
    %mul3A_160 = arith.mulf %concatenate3A, %mul3A_159 : vector<256x4096xf32>
    %mul3A_161 = arith.mulf %get3A_1, %mul3A_160 : vector<256x4096xf32>
    %reduce_sum3A_162 = arith.constant dense<0.000000e+00> : vector<4096xf32>
    %reduce_sum3A_163 = vector.multi_reduction <add>, %mul3A_161, %reduce_sum3A_162 [0] : vector<256x4096xf32> to vector<4096xf32>
    %broadcast_in_dim3A_164 = vector.shape_cast %reduce_sum3A_163 : vector<4096xf32> to vector<1x4096xf32>
    %broadcast_in_dim3A_165 = arith.constant 0.000000e+00 : f32
    %broadcast_in_dim3A_166 = vector.broadcast %broadcast_in_dim3A_165 : f32 to vector<256x2xf32>
    %slice3A_167 = vector.extract_strided_slice %get3A_1 {offsets = [0, 2], sizes = [256, 4094], strides = [1, 1]} : vector<256x4096xf32> to vector<256x4094xf32>
    %concatenate3A_168 = tpu.concatenate %slice3A_167, %broadcast_in_dim3A_166 in 1 : vector<256x4094xf32>, vector<256x2xf32> -> vector<256x4096xf32>
    %mul3A_169 = vector.broadcast %convert_element_type3A_133 : vector<1x4096xf32> to vector<256x4096xf32>
    %mul3A_170 = arith.mulf %concatenate3A_168, %mul3A_169 : vector<256x4096xf32>
    %mul3A_171 = arith.mulf %get3A_1, %mul3A_170 : vector<256x4096xf32>
    %reduce_sum3A_172 = arith.constant dense<0.000000e+00> : vector<4096xf32>
    %reduce_sum3A_173 = vector.multi_reduction <add>, %mul3A_171, %reduce_sum3A_172 [0] : vector<256x4096xf32> to vector<4096xf32>
    %broadcast_in_dim3A_174 = vector.shape_cast %reduce_sum3A_173 : vector<4096xf32> to vector<1x4096xf32>
    %broadcast_in_dim3A_175 = arith.constant 0.000000e+00 : f32
    %broadcast_in_dim3A_176 = vector.broadcast %broadcast_in_dim3A_175 : f32 to vector<256x62xf32>
    %slice3A_177 = vector.extract_strided_slice %get3A_1 {offsets = [0, 62], sizes = [256, 4034], strides = [1, 1]} : vector<256x4096xf32> to vector<256x4034xf32>
    %concatenate3A_178 = tpu.concatenate %slice3A_177, %broadcast_in_dim3A_176 in 1 : vector<256x4034xf32>, vector<256x62xf32> -> vector<256x4096xf32>
    %mul3A_179 = vector.broadcast %convert_element_type3A_73 : vector<1x4096xf32> to vector<256x4096xf32>
    %mul3A_180 = arith.mulf %concatenate3A_178, %mul3A_179 : vector<256x4096xf32>
    %mul3A_181 = arith.mulf %get3A_1, %mul3A_180 : vector<256x4096xf32>
    %reduce_sum3A_182 = arith.constant dense<0.000000e+00> : vector<4096xf32>
    %reduce_sum3A_183 = vector.multi_reduction <add>, %mul3A_181, %reduce_sum3A_182 [0] : vector<256x4096xf32> to vector<4096xf32>
    %broadcast_in_dim3A_184 = vector.shape_cast %reduce_sum3A_183 : vector<4096xf32> to vector<1x4096xf32>
    %broadcast_in_dim3A_185 = arith.constant 0.000000e+00 : f32
    %broadcast_in_dim3A_186 = vector.broadcast %broadcast_in_dim3A_185 : f32 to vector<256x63xf32>
    %slice3A_187 = vector.extract_strided_slice %get3A_1 {offsets = [0, 63], sizes = [256, 4033], strides = [1, 1]} : vector<256x4096xf32> to vector<256x4033xf32>
    %concatenate3A_188 = tpu.concatenate %slice3A_187, %broadcast_in_dim3A_186 in 1 : vector<256x4033xf32>, vector<256x63xf32> -> vector<256x4096xf32>
    %mul3A_189 = vector.broadcast %convert_element_type3A_88 : vector<1x4096xf32> to vector<256x4096xf32>
    %mul3A_190 = arith.mulf %concatenate3A_188, %mul3A_189 : vector<256x4096xf32>
    %mul3A_191 = arith.mulf %get3A_1, %mul3A_190 : vector<256x4096xf32>
    %reduce_sum3A_192 = arith.constant dense<0.000000e+00> : vector<4096xf32>
    %reduce_sum3A_193 = vector.multi_reduction <add>, %mul3A_191, %reduce_sum3A_192 [0] : vector<256x4096xf32> to vector<4096xf32>
    %broadcast_in_dim3A_194 = vector.shape_cast %reduce_sum3A_193 : vector<4096xf32> to vector<1x4096xf32>
    %broadcast_in_dim3A_195 = arith.constant 0.000000e+00 : f32
    %broadcast_in_dim3A_196 = vector.broadcast %broadcast_in_dim3A_195 : f32 to vector<256x64xf32>
    %slice3A_197 = vector.extract_strided_slice %get3A_1 {offsets = [0, 64], sizes = [256, 4032], strides = [1, 1]} : vector<256x4096xf32> to vector<256x4032xf32>
    %concatenate3A_198 = tpu.concatenate %slice3A_197, %broadcast_in_dim3A_196 in 1 : vector<256x4032xf32>, vector<256x64xf32> -> vector<256x4096xf32>
    %mul3A_199 = vector.broadcast %convert_element_type3A_103 : vector<1x4096xf32> to vector<256x4096xf32>
    %mul3A_200 = arith.mulf %concatenate3A_198, %mul3A_199 : vector<256x4096xf32>
    %mul3A_201 = arith.mulf %get3A_1, %mul3A_200 : vector<256x4096xf32>
    %reduce_sum3A_202 = arith.constant dense<0.000000e+00> : vector<4096xf32>
    %reduce_sum3A_203 = vector.multi_reduction <add>, %mul3A_201, %reduce_sum3A_202 [0] : vector<256x4096xf32> to vector<4096xf32>
    %broadcast_in_dim3A_204 = vector.shape_cast %reduce_sum3A_203 : vector<4096xf32> to vector<1x4096xf32>
    %broadcast_in_dim3A_205 = arith.constant 0.000000e+00 : f32
    %broadcast_in_dim3A_206 = vector.broadcast %broadcast_in_dim3A_205 : f32 to vector<256x65xf32>
    %slice3A_207 = vector.extract_strided_slice %get3A_1 {offsets = [0, 65], sizes = [256, 4031], strides = [1, 1]} : vector<256x4096xf32> to vector<256x4031xf32>
    %concatenate3A_208 = tpu.concatenate %slice3A_207, %broadcast_in_dim3A_206 in 1 : vector<256x4031xf32>, vector<256x65xf32> -> vector<256x4096xf32>
    %mul3A_209 = vector.broadcast %convert_element_type3A_118 : vector<1x4096xf32> to vector<256x4096xf32>
    %mul3A_210 = arith.mulf %concatenate3A_208, %mul3A_209 : vector<256x4096xf32>
    %mul3A_211 = arith.mulf %get3A_1, %mul3A_210 : vector<256x4096xf32>
    %reduce_sum3A_212 = arith.constant dense<0.000000e+00> : vector<4096xf32>
    %reduce_sum3A_213 = vector.multi_reduction <add>, %mul3A_211, %reduce_sum3A_212 [0] : vector<256x4096xf32> to vector<4096xf32>
    %broadcast_in_dim3A_214 = vector.shape_cast %reduce_sum3A_213 : vector<4096xf32> to vector<1x4096xf32>
    %broadcast_in_dim3A_215 = arith.constant 0.000000e+00 : f32
    %broadcast_in_dim3A_216 = vector.broadcast %broadcast_in_dim3A_215 : f32 to vector<256x66xf32>
    %slice3A_217 = vector.extract_strided_slice %get3A_1 {offsets = [0, 66], sizes = [256, 4030], strides = [1, 1]} : vector<256x4096xf32> to vector<256x4030xf32>
    %concatenate3A_218 = tpu.concatenate %slice3A_217, %broadcast_in_dim3A_216 in 1 : vector<256x4030xf32>, vector<256x66xf32> -> vector<256x4096xf32>
    %mul3A_219 = vector.broadcast %convert_element_type3A_133 : vector<1x4096xf32> to vector<256x4096xf32>
    %mul3A_220 = arith.mulf %concatenate3A_218, %mul3A_219 : vector<256x4096xf32>
    %mul3A_221 = arith.mulf %get3A_1, %mul3A_220 : vector<256x4096xf32>
    %reduce_sum3A_222 = arith.constant dense<0.000000e+00> : vector<4096xf32>
    %reduce_sum3A_223 = vector.multi_reduction <add>, %mul3A_221, %reduce_sum3A_222 [0] : vector<256x4096xf32> to vector<4096xf32>
    %broadcast_in_dim3A_224 = vector.shape_cast %reduce_sum3A_223 : vector<4096xf32> to vector<1x4096xf32>
    %broadcast_in_dim3A_225 = arith.constant 0.000000e+00 : f32
    %broadcast_in_dim3A_226 = vector.broadcast %broadcast_in_dim3A_225 : f32 to vector<256x126xf32>
    %slice3A_227 = vector.extract_strided_slice %get3A_1 {offsets = [0, 126], sizes = [256, 3970], strides = [1, 1]} : vector<256x4096xf32> to vector<256x3970xf32>
    %concatenate3A_228 = tpu.concatenate %slice3A_227, %broadcast_in_dim3A_226 in 1 : vector<256x3970xf32>, vector<256x126xf32> -> vector<256x4096xf32>
    %mul3A_229 = vector.broadcast %convert_element_type3A_73 : vector<1x4096xf32> to vector<256x4096xf32>
    %mul3A_230 = arith.mulf %concatenate3A_228, %mul3A_229 : vector<256x4096xf32>
    %mul3A_231 = arith.mulf %get3A_1, %mul3A_230 : vector<256x4096xf32>
    %reduce_sum3A_232 = arith.constant dense<0.000000e+00> : vector<4096xf32>
    %reduce_sum3A_233 = vector.multi_reduction <add>, %mul3A_231, %reduce_sum3A_232 [0] : vector<256x4096xf32> to vector<4096xf32>
    %broadcast_in_dim3A_234 = vector.shape_cast %reduce_sum3A_233 : vector<4096xf32> to vector<1x4096xf32>
    %broadcast_in_dim3A_235 = arith.constant 0.000000e+00 : f32
    %broadcast_in_dim3A_236 = vector.broadcast %broadcast_in_dim3A_235 : f32 to vector<256x127xf32>
    %slice3A_237 = vector.extract_strided_slice %get3A_1 {offsets = [0, 127], sizes = [256, 3969], strides = [1, 1]} : vector<256x4096xf32> to vector<256x3969xf32>
    %concatenate3A_238 = tpu.concatenate %slice3A_237, %broadcast_in_dim3A_236 in 1 : vector<256x3969xf32>, vector<256x127xf32> -> vector<256x4096xf32>
    %mul3A_239 = vector.broadcast %convert_element_type3A_88 : vector<1x4096xf32> to vector<256x4096xf32>
    %mul3A_240 = arith.mulf %concatenate3A_238, %mul3A_239 : vector<256x4096xf32>
    %mul3A_241 = arith.mulf %get3A_1, %mul3A_240 : vector<256x4096xf32>
    %reduce_sum3A_242 = arith.constant dense<0.000000e+00> : vector<4096xf32>
    %reduce_sum3A_243 = vector.multi_reduction <add>, %mul3A_241, %reduce_sum3A_242 [0] : vector<256x4096xf32> to vector<4096xf32>
    %broadcast_in_dim3A_244 = vector.shape_cast %reduce_sum3A_243 : vector<4096xf32> to vector<1x4096xf32>
    %broadcast_in_dim3A_245 = arith.constant 0.000000e+00 : f32
    %broadcast_in_dim3A_246 = vector.broadcast %broadcast_in_dim3A_245 : f32 to vector<256x128xf32>
    %slice3A_247 = vector.extract_strided_slice %get3A_1 {offsets = [0, 128], sizes = [256, 3968], strides = [1, 1]} : vector<256x4096xf32> to vector<256x3968xf32>
    %concatenate3A_248 = tpu.concatenate %slice3A_247, %broadcast_in_dim3A_246 in 1 : vector<256x3968xf32>, vector<256x128xf32> -> vector<256x4096xf32>
    %mul3A_249 = vector.broadcast %convert_element_type3A_103 : vector<1x4096xf32> to vector<256x4096xf32>
    %mul3A_250 = arith.mulf %concatenate3A_248, %mul3A_249 : vector<256x4096xf32>
    %mul3A_251 = arith.mulf %get3A_1, %mul3A_250 : vector<256x4096xf32>
    %reduce_sum3A_252 = arith.constant dense<0.000000e+00> : vector<4096xf32>
    %reduce_sum3A_253 = vector.multi_reduction <add>, %mul3A_251, %reduce_sum3A_252 [0] : vector<256x4096xf32> to vector<4096xf32>
    %broadcast_in_dim3A_254 = vector.shape_cast %reduce_sum3A_253 : vector<4096xf32> to vector<1x4096xf32>
    %broadcast_in_dim3A_255 = arith.constant 0.000000e+00 : f32
    %broadcast_in_dim3A_256 = vector.broadcast %broadcast_in_dim3A_255 : f32 to vector<256x129xf32>
    %slice3A_257 = vector.extract_strided_slice %get3A_1 {offsets = [0, 129], sizes = [256, 3967], strides = [1, 1]} : vector<256x4096xf32> to vector<256x3967xf32>
    %concatenate3A_258 = tpu.concatenate %slice3A_257, %broadcast_in_dim3A_256 in 1 : vector<256x3967xf32>, vector<256x129xf32> -> vector<256x4096xf32>
    %mul3A_259 = vector.broadcast %convert_element_type3A_118 : vector<1x4096xf32> to vector<256x4096xf32>
    %mul3A_260 = arith.mulf %concatenate3A_258, %mul3A_259 : vector<256x4096xf32>
    %mul3A_261 = arith.mulf %get3A_1, %mul3A_260 : vector<256x4096xf32>
    %reduce_sum3A_262 = arith.constant dense<0.000000e+00> : vector<4096xf32>
    %reduce_sum3A_263 = vector.multi_reduction <add>, %mul3A_261, %reduce_sum3A_262 [0] : vector<256x4096xf32> to vector<4096xf32>
    %broadcast_in_dim3A_264 = vector.shape_cast %reduce_sum3A_263 : vector<4096xf32> to vector<1x4096xf32>
    %broadcast_in_dim3A_265 = arith.constant 0.000000e+00 : f32
    %broadcast_in_dim3A_266 = vector.broadcast %broadcast_in_dim3A_265 : f32 to vector<256x130xf32>
    %slice3A_267 = vector.extract_strided_slice %get3A_1 {offsets = [0, 130], sizes = [256, 3966], strides = [1, 1]} : vector<256x4096xf32> to vector<256x3966xf32>
    %concatenate3A_268 = tpu.concatenate %slice3A_267, %broadcast_in_dim3A_266 in 1 : vector<256x3966xf32>, vector<256x130xf32> -> vector<256x4096xf32>
    %mul3A_269 = vector.broadcast %convert_element_type3A_133 : vector<1x4096xf32> to vector<256x4096xf32>
    %mul3A_270 = arith.mulf %concatenate3A_268, %mul3A_269 : vector<256x4096xf32>
    %mul3A_271 = arith.mulf %get3A_1, %mul3A_270 : vector<256x4096xf32>
    %reduce_sum3A_272 = arith.constant dense<0.000000e+00> : vector<4096xf32>
    %reduce_sum3A_273 = vector.multi_reduction <add>, %mul3A_271, %reduce_sum3A_272 [0] : vector<256x4096xf32> to vector<4096xf32>
    %broadcast_in_dim3A_274 = vector.shape_cast %reduce_sum3A_273 : vector<4096xf32> to vector<1x4096xf32>
    %broadcast_in_dim3A_275 = arith.constant 0.000000e+00 : f32
    %broadcast_in_dim3A_276 = vector.broadcast %broadcast_in_dim3A_275 : f32 to vector<1x130xf32>
    %slice3A_277 = vector.extract_strided_slice %broadcast_in_dim3A_274 {offsets = [0, 0], sizes = [1, 3966], strides = [1, 1]} : vector<1x4096xf32> to vector<1x3966xf32>
    %concatenate3A_278 = tpu.concatenate %broadcast_in_dim3A_276, %slice3A_277 in 1 : vector<1x130xf32>, vector<1x3966xf32> -> vector<1x4096xf32>
    %mul3A_279 = arith.mulf %concatenate3A_278, %convert_element_type3A_73 : vector<1x4096xf32>
    %broadcast_in_dim3A_280 = arith.constant 0.000000e+00 : f32
    %broadcast_in_dim3A_281 = vector.broadcast %broadcast_in_dim3A_280 : f32 to vector<1x129xf32>
    %slice3A_282 = vector.extract_strided_slice %broadcast_in_dim3A_264 {offsets = [0, 0], sizes = [1, 3967], strides = [1, 1]} : vector<1x4096xf32> to vector<1x3967xf32>
    %concatenate3A_283 = tpu.concatenate %broadcast_in_dim3A_281, %slice3A_282 in 1 : vector<1x129xf32>, vector<1x3967xf32> -> vector<1x4096xf32>
    %mul3A_284 = arith.mulf %concatenate3A_283, %convert_element_type3A_88 : vector<1x4096xf32>
    %broadcast_in_dim3A_285 = arith.constant 0.000000e+00 : f32
    %broadcast_in_dim3A_286 = vector.broadcast %broadcast_in_dim3A_285 : f32 to vector<1x128xf32>
    %slice3A_287 = vector.extract_strided_slice %broadcast_in_dim3A_254 {offsets = [0, 0], sizes = [1, 3968], strides = [1, 1]} : vector<1x4096xf32> to vector<1x3968xf32>
    %concatenate3A_288 = tpu.concatenate %broadcast_in_dim3A_286, %slice3A_287 in 1 : vector<1x128xf32>, vector<1x3968xf32> -> vector<1x4096xf32>
    %mul3A_289 = arith.mulf %concatenate3A_288, %convert_element_type3A_103 : vector<1x4096xf32>
    %broadcast_in_dim3A_290 = arith.constant 0.000000e+00 : f32
    %broadcast_in_dim3A_291 = vector.broadcast %broadcast_in_dim3A_290 : f32 to vector<1x127xf32>
    %slice3A_292 = vector.extract_strided_slice %broadcast_in_dim3A_244 {offsets = [0, 0], sizes = [1, 3969], strides = [1, 1]} : vector<1x4096xf32> to vector<1x3969xf32>
    %concatenate3A_293 = tpu.concatenate %broadcast_in_dim3A_291, %slice3A_292 in 1 : vector<1x127xf32>, vector<1x3969xf32> -> vector<1x4096xf32>
    %mul3A_294 = arith.mulf %concatenate3A_293, %convert_element_type3A_118 : vector<1x4096xf32>
    %broadcast_in_dim3A_295 = arith.constant 0.000000e+00 : f32
    %broadcast_in_dim3A_296 = vector.broadcast %broadcast_in_dim3A_295 : f32 to vector<1x126xf32>
    %slice3A_297 = vector.extract_strided_slice %broadcast_in_dim3A_234 {offsets = [0, 0], sizes = [1, 3970], strides = [1, 1]} : vector<1x4096xf32> to vector<1x3970xf32>
    %concatenate3A_298 = tpu.concatenate %broadcast_in_dim3A_296, %slice3A_297 in 1 : vector<1x126xf32>, vector<1x3970xf32> -> vector<1x4096xf32>
    %mul3A_299 = arith.mulf %concatenate3A_298, %convert_element_type3A_133 : vector<1x4096xf32>
    %broadcast_in_dim3A_300 = arith.constant 0.000000e+00 : f32
    %broadcast_in_dim3A_301 = vector.broadcast %broadcast_in_dim3A_300 : f32 to vector<1x66xf32>
    %slice3A_302 = vector.extract_strided_slice %broadcast_in_dim3A_224 {offsets = [0, 0], sizes = [1, 4030], strides = [1, 1]} : vector<1x4096xf32> to vector<1x4030xf32>
    %concatenate3A_303 = tpu.concatenate %broadcast_in_dim3A_301, %slice3A_302 in 1 : vector<1x66xf32>, vector<1x4030xf32> -> vector<1x4096xf32>
    %mul3A_304 = arith.mulf %concatenate3A_303, %convert_element_type3A_73 : vector<1x4096xf32>
    %broadcast_in_dim3A_305 = arith.constant 0.000000e+00 : f32
    %broadcast_in_dim3A_306 = vector.broadcast %broadcast_in_dim3A_305 : f32 to vector<1x65xf32>
    %slice3A_307 = vector.extract_strided_slice %broadcast_in_dim3A_214 {offsets = [0, 0], sizes = [1, 4031], strides = [1, 1]} : vector<1x4096xf32> to vector<1x4031xf32>
    %concatenate3A_308 = tpu.concatenate %broadcast_in_dim3A_306, %slice3A_307 in 1 : vector<1x65xf32>, vector<1x4031xf32> -> vector<1x4096xf32>
    %mul3A_309 = arith.mulf %concatenate3A_308, %convert_element_type3A_88 : vector<1x4096xf32>
    %broadcast_in_dim3A_310 = arith.constant 0.000000e+00 : f32
    %broadcast_in_dim3A_311 = vector.broadcast %broadcast_in_dim3A_310 : f32 to vector<1x64xf32>
    %slice3A_312 = vector.extract_strided_slice %broadcast_in_dim3A_204 {offsets = [0, 0], sizes = [1, 4032], strides = [1, 1]} : vector<1x4096xf32> to vector<1x4032xf32>
    %concatenate3A_313 = tpu.concatenate %broadcast_in_dim3A_311, %slice3A_312 in 1 : vector<1x64xf32>, vector<1x4032xf32> -> vector<1x4096xf32>
    %mul3A_314 = arith.mulf %concatenate3A_313, %convert_element_type3A_103 : vector<1x4096xf32>
    %broadcast_in_dim3A_315 = arith.constant 0.000000e+00 : f32
    %broadcast_in_dim3A_316 = vector.broadcast %broadcast_in_dim3A_315 : f32 to vector<1x63xf32>
    %slice3A_317 = vector.extract_strided_slice %broadcast_in_dim3A_194 {offsets = [0, 0], sizes = [1, 4033], strides = [1, 1]} : vector<1x4096xf32> to vector<1x4033xf32>
    %concatenate3A_318 = tpu.concatenate %broadcast_in_dim3A_316, %slice3A_317 in 1 : vector<1x63xf32>, vector<1x4033xf32> -> vector<1x4096xf32>
    %mul3A_319 = arith.mulf %concatenate3A_318, %convert_element_type3A_118 : vector<1x4096xf32>
    %broadcast_in_dim3A_320 = arith.constant 0.000000e+00 : f32
    %broadcast_in_dim3A_321 = vector.broadcast %broadcast_in_dim3A_320 : f32 to vector<1x62xf32>
    %slice3A_322 = vector.extract_strided_slice %broadcast_in_dim3A_184 {offsets = [0, 0], sizes = [1, 4034], strides = [1, 1]} : vector<1x4096xf32> to vector<1x4034xf32>
    %concatenate3A_323 = tpu.concatenate %broadcast_in_dim3A_321, %slice3A_322 in 1 : vector<1x62xf32>, vector<1x4034xf32> -> vector<1x4096xf32>
    %mul3A_324 = arith.mulf %concatenate3A_323, %convert_element_type3A_133 : vector<1x4096xf32>
    %broadcast_in_dim3A_325 = arith.constant 0.000000e+00 : f32
    %broadcast_in_dim3A_326 = vector.broadcast %broadcast_in_dim3A_325 : f32 to vector<1x2xf32>
    %slice3A_327 = vector.extract_strided_slice %broadcast_in_dim3A_174 {offsets = [0, 0], sizes = [1, 4094], strides = [1, 1]} : vector<1x4096xf32> to vector<1x4094xf32>
    %concatenate3A_328 = tpu.concatenate %broadcast_in_dim3A_326, %slice3A_327 in 1 : vector<1x2xf32>, vector<1x4094xf32> -> vector<1x4096xf32>
    %mul3A_329 = arith.mulf %concatenate3A_328, %convert_element_type3A_73 : vector<1x4096xf32>
    %broadcast_in_dim3A_330 = arith.constant 0.000000e+00 : f32
    %broadcast_in_dim3A_331 = vector.broadcast %broadcast_in_dim3A_330 : f32 to vector<1x1xf32>
    %slice3A_332 = vector.extract_strided_slice %broadcast_in_dim3A_164 {offsets = [0, 0], sizes = [1, 4095], strides = [1, 1]} : vector<1x4096xf32> to vector<1x4095xf32>
    %concatenate3A_333 = tpu.concatenate %broadcast_in_dim3A_331, %slice3A_332 in 1 : vector<1x1xf32>, vector<1x4095xf32> -> vector<1x4096xf32>
    %mul3A_334 = arith.mulf %concatenate3A_333, %convert_element_type3A_88 : vector<1x4096xf32>
    %mul3A_335 = arith.constant 2.000000e+00 : f32
    %mul3A_336 = vector.broadcast %mul3A_335 : f32 to vector<1x4096xf32>
    %mul3A_337 = arith.mulf %mul3A_336, %sqrt3A : vector<1x4096xf32>
    %add3A_338 = arith.constant 9.99999993E-9 : f32
    %add3A_339 = vector.broadcast %add3A_338 : f32 to vector<1x4096xf32>
    %add3A_340 = arith.addf %mul3A_337, %add3A_339 : vector<1x4096xf32>
    %div3A_341 = arith.constant 1.000000e+00 : f32
    %div3A_342 = vector.broadcast %div3A_341 : f32 to vector<1x4096xf32>
    %div3A_343 = arith.divf %div3A_342, %add3A_340 : vector<1x4096xf32>
    %mul3A_344 = arith.mulf %convert_element_type3A_149, %div3A_343 : vector<1x4096xf32>
    %mul3A_345 = arith.mulf %convert_element_type3A_155, %div3A_343 : vector<1x4096xf32>
    %broadcast_in_dim3A_346 = arith.constant 0.000000e+00 : f32
    %broadcast_in_dim3A_347 = vector.broadcast %broadcast_in_dim3A_346 : f32 to vector<1x130xf32>
    %slice3A_348 = vector.extract_strided_slice %mul3A_344 {offsets = [0, 0], sizes = [1, 3966], strides = [1, 1]} : vector<1x4096xf32> to vector<1x3966xf32>
    %concatenate3A_349 = tpu.concatenate %broadcast_in_dim3A_347, %slice3A_348 in 1 : vector<1x130xf32>, vector<1x3966xf32> -> vector<1x4096xf32>
    %mul3A_350 = arith.mulf %concatenate3A_349, %convert_element_type3A_73 : vector<1x4096xf32>
    %broadcast_in_dim3A_351 = arith.constant 0.000000e+00 : f32
    %broadcast_in_dim3A_352 = vector.broadcast %broadcast_in_dim3A_351 : f32 to vector<1x130xf32>
    %slice3A_353 = vector.extract_strided_slice %mul3A_345 {offsets = [0, 0], sizes = [1, 3966], strides = [1, 1]} : vector<1x4096xf32> to vector<1x3966xf32>
    %concatenate3A_354 = tpu.concatenate %broadcast_in_dim3A_352, %slice3A_353 in 1 : vector<1x130xf32>, vector<1x3966xf32> -> vector<1x4096xf32>
    %mul3A_355 = arith.mulf %concatenate3A_354, %convert_element_type3A_73 : vector<1x4096xf32>
    %broadcast_in_dim3A_356 = arith.constant 0.000000e+00 : f32
    %broadcast_in_dim3A_357 = vector.broadcast %broadcast_in_dim3A_356 : f32 to vector<1x129xf32>
    %slice3A_358 = vector.extract_strided_slice %mul3A_344 {offsets = [0, 0], sizes = [1, 3967], strides = [1, 1]} : vector<1x4096xf32> to vector<1x3967xf32>
    %concatenate3A_359 = tpu.concatenate %broadcast_in_dim3A_357, %slice3A_358 in 1 : vector<1x129xf32>, vector<1x3967xf32> -> vector<1x4096xf32>
    %mul3A_360 = arith.mulf %concatenate3A_359, %convert_element_type3A_88 : vector<1x4096xf32>
    %broadcast_in_dim3A_361 = arith.constant 0.000000e+00 : f32
    %broadcast_in_dim3A_362 = vector.broadcast %broadcast_in_dim3A_361 : f32 to vector<1x129xf32>
    %slice3A_363 = vector.extract_strided_slice %mul3A_345 {offsets = [0, 0], sizes = [1, 3967], strides = [1, 1]} : vector<1x4096xf32> to vector<1x3967xf32>
    %concatenate3A_364 = tpu.concatenate %broadcast_in_dim3A_362, %slice3A_363 in 1 : vector<1x129xf32>, vector<1x3967xf32> -> vector<1x4096xf32>
    %mul3A_365 = arith.mulf %concatenate3A_364, %convert_element_type3A_88 : vector<1x4096xf32>
    %broadcast_in_dim3A_366 = arith.constant 0.000000e+00 : f32
    %broadcast_in_dim3A_367 = vector.broadcast %broadcast_in_dim3A_366 : f32 to vector<1x128xf32>
    %slice3A_368 = vector.extract_strided_slice %mul3A_344 {offsets = [0, 0], sizes = [1, 3968], strides = [1, 1]} : vector<1x4096xf32> to vector<1x3968xf32>
    %concatenate3A_369 = tpu.concatenate %broadcast_in_dim3A_367, %slice3A_368 in 1 : vector<1x128xf32>, vector<1x3968xf32> -> vector<1x4096xf32>
    %mul3A_370 = arith.mulf %concatenate3A_369, %convert_element_type3A_103 : vector<1x4096xf32>
    %broadcast_in_dim3A_371 = arith.constant 0.000000e+00 : f32
    %broadcast_in_dim3A_372 = vector.broadcast %broadcast_in_dim3A_371 : f32 to vector<1x128xf32>
    %slice3A_373 = vector.extract_strided_slice %mul3A_345 {offsets = [0, 0], sizes = [1, 3968], strides = [1, 1]} : vector<1x4096xf32> to vector<1x3968xf32>
    %concatenate3A_374 = tpu.concatenate %broadcast_in_dim3A_372, %slice3A_373 in 1 : vector<1x128xf32>, vector<1x3968xf32> -> vector<1x4096xf32>
    %mul3A_375 = arith.mulf %concatenate3A_374, %convert_element_type3A_103 : vector<1x4096xf32>
    %broadcast_in_dim3A_376 = arith.constant 0.000000e+00 : f32
    %broadcast_in_dim3A_377 = vector.broadcast %broadcast_in_dim3A_376 : f32 to vector<1x127xf32>
    %slice3A_378 = vector.extract_strided_slice %mul3A_344 {offsets = [0, 0], sizes = [1, 3969], strides = [1, 1]} : vector<1x4096xf32> to vector<1x3969xf32>
    %concatenate3A_379 = tpu.concatenate %broadcast_in_dim3A_377, %slice3A_378 in 1 : vector<1x127xf32>, vector<1x3969xf32> -> vector<1x4096xf32>
    %mul3A_380 = arith.mulf %concatenate3A_379, %convert_element_type3A_118 : vector<1x4096xf32>
    %broadcast_in_dim3A_381 = arith.constant 0.000000e+00 : f32
    %broadcast_in_dim3A_382 = vector.broadcast %broadcast_in_dim3A_381 : f32 to vector<1x127xf32>
    %slice3A_383 = vector.extract_strided_slice %mul3A_345 {offsets = [0, 0], sizes = [1, 3969], strides = [1, 1]} : vector<1x4096xf32> to vector<1x3969xf32>
    %concatenate3A_384 = tpu.concatenate %broadcast_in_dim3A_382, %slice3A_383 in 1 : vector<1x127xf32>, vector<1x3969xf32> -> vector<1x4096xf32>
    %mul3A_385 = arith.mulf %concatenate3A_384, %convert_element_type3A_118 : vector<1x4096xf32>
    %broadcast_in_dim3A_386 = arith.constant 0.000000e+00 : f32
    %broadcast_in_dim3A_387 = vector.broadcast %broadcast_in_dim3A_386 : f32 to vector<1x126xf32>
    %slice3A_388 = vector.extract_strided_slice %mul3A_344 {offsets = [0, 0], sizes = [1, 3970], strides = [1, 1]} : vector<1x4096xf32> to vector<1x3970xf32>
    %concatenate3A_389 = tpu.concatenate %broadcast_in_dim3A_387, %slice3A_388 in 1 : vector<1x126xf32>, vector<1x3970xf32> -> vector<1x4096xf32>
    %mul3A_390 = arith.mulf %concatenate3A_389, %convert_element_type3A_133 : vector<1x4096xf32>
    %broadcast_in_dim3A_391 = arith.constant 0.000000e+00 : f32
    %broadcast_in_dim3A_392 = vector.broadcast %broadcast_in_dim3A_391 : f32 to vector<1x126xf32>
    %slice3A_393 = vector.extract_strided_slice %mul3A_345 {offsets = [0, 0], sizes = [1, 3970], strides = [1, 1]} : vector<1x4096xf32> to vector<1x3970xf32>
    %concatenate3A_394 = tpu.concatenate %broadcast_in_dim3A_392, %slice3A_393 in 1 : vector<1x126xf32>, vector<1x3970xf32> -> vector<1x4096xf32>
    %mul3A_395 = arith.mulf %concatenate3A_394, %convert_element_type3A_133 : vector<1x4096xf32>
    %broadcast_in_dim3A_396 = arith.constant 0.000000e+00 : f32
    %broadcast_in_dim3A_397 = vector.broadcast %broadcast_in_dim3A_396 : f32 to vector<1x66xf32>
    %slice3A_398 = vector.extract_strided_slice %mul3A_344 {offsets = [0, 0], sizes = [1, 4030], strides = [1, 1]} : vector<1x4096xf32> to vector<1x4030xf32>
    %concatenate3A_399 = tpu.concatenate %broadcast_in_dim3A_397, %slice3A_398 in 1 : vector<1x66xf32>, vector<1x4030xf32> -> vector<1x4096xf32>
    %mul3A_400 = arith.mulf %concatenate3A_399, %convert_element_type3A_73 : vector<1x4096xf32>
    %broadcast_in_dim3A_401 = arith.constant 0.000000e+00 : f32
    %broadcast_in_dim3A_402 = vector.broadcast %broadcast_in_dim3A_401 : f32 to vector<1x66xf32>
    %slice3A_403 = vector.extract_strided_slice %mul3A_345 {offsets = [0, 0], sizes = [1, 4030], strides = [1, 1]} : vector<1x4096xf32> to vector<1x4030xf32>
    %concatenate3A_404 = tpu.concatenate %broadcast_in_dim3A_402, %slice3A_403 in 1 : vector<1x66xf32>, vector<1x4030xf32> -> vector<1x4096xf32>
    %mul3A_405 = arith.mulf %concatenate3A_404, %convert_element_type3A_73 : vector<1x4096xf32>
    %broadcast_in_dim3A_406 = arith.constant 0.000000e+00 : f32
    %broadcast_in_dim3A_407 = vector.broadcast %broadcast_in_dim3A_406 : f32 to vector<1x65xf32>
    %slice3A_408 = vector.extract_strided_slice %mul3A_344 {offsets = [0, 0], sizes = [1, 4031], strides = [1, 1]} : vector<1x4096xf32> to vector<1x4031xf32>
    %concatenate3A_409 = tpu.concatenate %broadcast_in_dim3A_407, %slice3A_408 in 1 : vector<1x65xf32>, vector<1x4031xf32> -> vector<1x4096xf32>
    %mul3A_410 = arith.mulf %concatenate3A_409, %convert_element_type3A_88 : vector<1x4096xf32>
    %broadcast_in_dim3A_411 = arith.constant 0.000000e+00 : f32
    %broadcast_in_dim3A_412 = vector.broadcast %broadcast_in_dim3A_411 : f32 to vector<1x65xf32>
    %slice3A_413 = vector.extract_strided_slice %mul3A_345 {offsets = [0, 0], sizes = [1, 4031], strides = [1, 1]} : vector<1x4096xf32> to vector<1x4031xf32>
    %concatenate3A_414 = tpu.concatenate %broadcast_in_dim3A_412, %slice3A_413 in 1 : vector<1x65xf32>, vector<1x4031xf32> -> vector<1x4096xf32>
    %mul3A_415 = arith.mulf %concatenate3A_414, %convert_element_type3A_88 : vector<1x4096xf32>
    %broadcast_in_dim3A_416 = arith.constant 0.000000e+00 : f32
    %broadcast_in_dim3A_417 = vector.broadcast %broadcast_in_dim3A_416 : f32 to vector<1x64xf32>
    %slice3A_418 = vector.extract_strided_slice %mul3A_344 {offsets = [0, 0], sizes = [1, 4032], strides = [1, 1]} : vector<1x4096xf32> to vector<1x4032xf32>
    %concatenate3A_419 = tpu.concatenate %broadcast_in_dim3A_417, %slice3A_418 in 1 : vector<1x64xf32>, vector<1x4032xf32> -> vector<1x4096xf32>
    %mul3A_420 = arith.mulf %concatenate3A_419, %convert_element_type3A_103 : vector<1x4096xf32>
    %broadcast_in_dim3A_421 = arith.constant 0.000000e+00 : f32
    %broadcast_in_dim3A_422 = vector.broadcast %broadcast_in_dim3A_421 : f32 to vector<1x64xf32>
    %slice3A_423 = vector.extract_strided_slice %mul3A_345 {offsets = [0, 0], sizes = [1, 4032], strides = [1, 1]} : vector<1x4096xf32> to vector<1x4032xf32>
    %concatenate3A_424 = tpu.concatenate %broadcast_in_dim3A_422, %slice3A_423 in 1 : vector<1x64xf32>, vector<1x4032xf32> -> vector<1x4096xf32>
    %mul3A_425 = arith.mulf %concatenate3A_424, %convert_element_type3A_103 : vector<1x4096xf32>
    %broadcast_in_dim3A_426 = arith.constant 0.000000e+00 : f32
    %broadcast_in_dim3A_427 = vector.broadcast %broadcast_in_dim3A_426 : f32 to vector<1x63xf32>
    %slice3A_428 = vector.extract_strided_slice %mul3A_344 {offsets = [0, 0], sizes = [1, 4033], strides = [1, 1]} : vector<1x4096xf32> to vector<1x4033xf32>
    %concatenate3A_429 = tpu.concatenate %broadcast_in_dim3A_427, %slice3A_428 in 1 : vector<1x63xf32>, vector<1x4033xf32> -> vector<1x4096xf32>
    %mul3A_430 = arith.mulf %concatenate3A_429, %convert_element_type3A_118 : vector<1x4096xf32>
    %broadcast_in_dim3A_431 = arith.constant 0.000000e+00 : f32
    %broadcast_in_dim3A_432 = vector.broadcast %broadcast_in_dim3A_431 : f32 to vector<1x63xf32>
    %slice3A_433 = vector.extract_strided_slice %mul3A_345 {offsets = [0, 0], sizes = [1, 4033], strides = [1, 1]} : vector<1x4096xf32> to vector<1x4033xf32>
    %concatenate3A_434 = tpu.concatenate %broadcast_in_dim3A_432, %slice3A_433 in 1 : vector<1x63xf32>, vector<1x4033xf32> -> vector<1x4096xf32>
    %mul3A_435 = arith.mulf %concatenate3A_434, %convert_element_type3A_118 : vector<1x4096xf32>
    %broadcast_in_dim3A_436 = arith.constant 0.000000e+00 : f32
    %broadcast_in_dim3A_437 = vector.broadcast %broadcast_in_dim3A_436 : f32 to vector<1x62xf32>
    %slice3A_438 = vector.extract_strided_slice %mul3A_344 {offsets = [0, 0], sizes = [1, 4034], strides = [1, 1]} : vector<1x4096xf32> to vector<1x4034xf32>
    %concatenate3A_439 = tpu.concatenate %broadcast_in_dim3A_437, %slice3A_438 in 1 : vector<1x62xf32>, vector<1x4034xf32> -> vector<1x4096xf32>
    %mul3A_440 = arith.mulf %concatenate3A_439, %convert_element_type3A_133 : vector<1x4096xf32>
    %broadcast_in_dim3A_441 = arith.constant 0.000000e+00 : f32
    %broadcast_in_dim3A_442 = vector.broadcast %broadcast_in_dim3A_441 : f32 to vector<1x62xf32>
    %slice3A_443 = vector.extract_strided_slice %mul3A_345 {offsets = [0, 0], sizes = [1, 4034], strides = [1, 1]} : vector<1x4096xf32> to vector<1x4034xf32>
    %concatenate3A_444 = tpu.concatenate %broadcast_in_dim3A_442, %slice3A_443 in 1 : vector<1x62xf32>, vector<1x4034xf32> -> vector<1x4096xf32>
    %mul3A_445 = arith.mulf %concatenate3A_444, %convert_element_type3A_133 : vector<1x4096xf32>
    %broadcast_in_dim3A_446 = arith.constant 0.000000e+00 : f32
    %broadcast_in_dim3A_447 = vector.broadcast %broadcast_in_dim3A_446 : f32 to vector<1x2xf32>
    %slice3A_448 = vector.extract_strided_slice %mul3A_344 {offsets = [0, 0], sizes = [1, 4094], strides = [1, 1]} : vector<1x4096xf32> to vector<1x4094xf32>
    %concatenate3A_449 = tpu.concatenate %broadcast_in_dim3A_447, %slice3A_448 in 1 : vector<1x2xf32>, vector<1x4094xf32> -> vector<1x4096xf32>
    %mul3A_450 = arith.mulf %concatenate3A_449, %convert_element_type3A_73 : vector<1x4096xf32>
    %broadcast_in_dim3A_451 = arith.constant 0.000000e+00 : f32
    %broadcast_in_dim3A_452 = vector.broadcast %broadcast_in_dim3A_451 : f32 to vector<1x2xf32>
    %slice3A_453 = vector.extract_strided_slice %mul3A_345 {offsets = [0, 0], sizes = [1, 4094], strides = [1, 1]} : vector<1x4096xf32> to vector<1x4094xf32>
    %concatenate3A_454 = tpu.concatenate %broadcast_in_dim3A_452, %slice3A_453 in 1 : vector<1x2xf32>, vector<1x4094xf32> -> vector<1x4096xf32>
    %mul3A_455 = arith.mulf %concatenate3A_454, %convert_element_type3A_73 : vector<1x4096xf32>
    %broadcast_in_dim3A_456 = arith.constant 0.000000e+00 : f32
    %broadcast_in_dim3A_457 = vector.broadcast %broadcast_in_dim3A_456 : f32 to vector<1x1xf32>
    %slice3A_458 = vector.extract_strided_slice %mul3A_344 {offsets = [0, 0], sizes = [1, 4095], strides = [1, 1]} : vector<1x4096xf32> to vector<1x4095xf32>
    %concatenate3A_459 = tpu.concatenate %broadcast_in_dim3A_457, %slice3A_458 in 1 : vector<1x1xf32>, vector<1x4095xf32> -> vector<1x4096xf32>
    %mul3A_460 = arith.mulf %concatenate3A_459, %convert_element_type3A_88 : vector<1x4096xf32>
    %broadcast_in_dim3A_461 = arith.constant 0.000000e+00 : f32
    %broadcast_in_dim3A_462 = vector.broadcast %broadcast_in_dim3A_461 : f32 to vector<1x1xf32>
    %slice3A_463 = vector.extract_strided_slice %mul3A_345 {offsets = [0, 0], sizes = [1, 4095], strides = [1, 1]} : vector<1x4096xf32> to vector<1x4095xf32>
    %concatenate3A_464 = tpu.concatenate %broadcast_in_dim3A_462, %slice3A_463 in 1 : vector<1x1xf32>, vector<1x4095xf32> -> vector<1x4096xf32>
    %mul3A_465 = arith.mulf %concatenate3A_464, %convert_element_type3A_88 : vector<1x4096xf32>
    %mul3A_466 = arith.mulf %mul3A_344, %convert_element_type3A_103 : vector<1x4096xf32>
    %mul3A_467 = arith.mulf %mul3A_345, %convert_element_type3A_103 : vector<1x4096xf32>
    %broadcast_in_dim3A_468 = arith.constant 0.000000e+00 : f32
    %broadcast_in_dim3A_469 = vector.broadcast %broadcast_in_dim3A_468 : f32 to vector<1x1xf32>
    %slice3A_470 = vector.extract_strided_slice %mul3A_344 {offsets = [0, 1], sizes = [1, 4095], strides = [1, 1]} : vector<1x4096xf32> to vector<1x4095xf32>
    %concatenate3A_471 = tpu.concatenate %slice3A_470, %broadcast_in_dim3A_469 in 1 : vector<1x4095xf32>, vector<1x1xf32> -> vector<1x4096xf32>
    %mul3A_472 = arith.mulf %concatenate3A_471, %convert_element_type3A_118 : vector<1x4096xf32>
    %broadcast_in_dim3A_473 = arith.constant 0.000000e+00 : f32
    %broadcast_in_dim3A_474 = vector.broadcast %broadcast_in_dim3A_473 : f32 to vector<1x1xf32>
    %slice3A_475 = vector.extract_strided_slice %mul3A_345 {offsets = [0, 1], sizes = [1, 4095], strides = [1, 1]} : vector<1x4096xf32> to vector<1x4095xf32>
    %concatenate3A_476 = tpu.concatenate %slice3A_475, %broadcast_in_dim3A_474 in 1 : vector<1x4095xf32>, vector<1x1xf32> -> vector<1x4096xf32>
    %mul3A_477 = arith.mulf %concatenate3A_476, %convert_element_type3A_118 : vector<1x4096xf32>
    %broadcast_in_dim3A_478 = arith.constant 0.000000e+00 : f32
    %broadcast_in_dim3A_479 = vector.broadcast %broadcast_in_dim3A_478 : f32 to vector<1x2xf32>
    %slice3A_480 = vector.extract_strided_slice %mul3A_344 {offsets = [0, 2], sizes = [1, 4094], strides = [1, 1]} : vector<1x4096xf32> to vector<1x4094xf32>
    %concatenate3A_481 = tpu.concatenate %slice3A_480, %broadcast_in_dim3A_479 in 1 : vector<1x4094xf32>, vector<1x2xf32> -> vector<1x4096xf32>
    %mul3A_482 = arith.mulf %concatenate3A_481, %convert_element_type3A_133 : vector<1x4096xf32>
    %broadcast_in_dim3A_483 = arith.constant 0.000000e+00 : f32
    %broadcast_in_dim3A_484 = vector.broadcast %broadcast_in_dim3A_483 : f32 to vector<1x2xf32>
    %slice3A_485 = vector.extract_strided_slice %mul3A_345 {offsets = [0, 2], sizes = [1, 4094], strides = [1, 1]} : vector<1x4096xf32> to vector<1x4094xf32>
    %concatenate3A_486 = tpu.concatenate %slice3A_485, %broadcast_in_dim3A_484 in 1 : vector<1x4094xf32>, vector<1x2xf32> -> vector<1x4096xf32>
    %mul3A_487 = arith.mulf %concatenate3A_486, %convert_element_type3A_133 : vector<1x4096xf32>
    %broadcast_in_dim3A_488 = arith.constant 0.000000e+00 : f32
    %broadcast_in_dim3A_489 = vector.broadcast %broadcast_in_dim3A_488 : f32 to vector<1x62xf32>
    %slice3A_490 = vector.extract_strided_slice %mul3A_344 {offsets = [0, 62], sizes = [1, 4034], strides = [1, 1]} : vector<1x4096xf32> to vector<1x4034xf32>
    %concatenate3A_491 = tpu.concatenate %slice3A_490, %broadcast_in_dim3A_489 in 1 : vector<1x4034xf32>, vector<1x62xf32> -> vector<1x4096xf32>
    %mul3A_492 = arith.mulf %concatenate3A_491, %convert_element_type3A_73 : vector<1x4096xf32>
    %broadcast_in_dim3A_493 = arith.constant 0.000000e+00 : f32
    %broadcast_in_dim3A_494 = vector.broadcast %broadcast_in_dim3A_493 : f32 to vector<1x62xf32>
    %slice3A_495 = vector.extract_strided_slice %mul3A_345 {offsets = [0, 62], sizes = [1, 4034], strides = [1, 1]} : vector<1x4096xf32> to vector<1x4034xf32>
    %concatenate3A_496 = tpu.concatenate %slice3A_495, %broadcast_in_dim3A_494 in 1 : vector<1x4034xf32>, vector<1x62xf32> -> vector<1x4096xf32>
    %mul3A_497 = arith.mulf %concatenate3A_496, %convert_element_type3A_73 : vector<1x4096xf32>
    %broadcast_in_dim3A_498 = arith.constant 0.000000e+00 : f32
    %broadcast_in_dim3A_499 = vector.broadcast %broadcast_in_dim3A_498 : f32 to vector<1x63xf32>
    %slice3A_500 = vector.extract_strided_slice %mul3A_344 {offsets = [0, 63], sizes = [1, 4033], strides = [1, 1]} : vector<1x4096xf32> to vector<1x4033xf32>
    %concatenate3A_501 = tpu.concatenate %slice3A_500, %broadcast_in_dim3A_499 in 1 : vector<1x4033xf32>, vector<1x63xf32> -> vector<1x4096xf32>
    %mul3A_502 = arith.mulf %concatenate3A_501, %convert_element_type3A_88 : vector<1x4096xf32>
    %broadcast_in_dim3A_503 = arith.constant 0.000000e+00 : f32
    %broadcast_in_dim3A_504 = vector.broadcast %broadcast_in_dim3A_503 : f32 to vector<1x63xf32>
    %slice3A_505 = vector.extract_strided_slice %mul3A_345 {offsets = [0, 63], sizes = [1, 4033], strides = [1, 1]} : vector<1x4096xf32> to vector<1x4033xf32>
    %concatenate3A_506 = tpu.concatenate %slice3A_505, %broadcast_in_dim3A_504 in 1 : vector<1x4033xf32>, vector<1x63xf32> -> vector<1x4096xf32>
    %mul3A_507 = arith.mulf %concatenate3A_506, %convert_element_type3A_88 : vector<1x4096xf32>
    %broadcast_in_dim3A_508 = arith.constant 0.000000e+00 : f32
    %broadcast_in_dim3A_509 = vector.broadcast %broadcast_in_dim3A_508 : f32 to vector<1x64xf32>
    %slice3A_510 = vector.extract_strided_slice %mul3A_344 {offsets = [0, 64], sizes = [1, 4032], strides = [1, 1]} : vector<1x4096xf32> to vector<1x4032xf32>
    %concatenate3A_511 = tpu.concatenate %slice3A_510, %broadcast_in_dim3A_509 in 1 : vector<1x4032xf32>, vector<1x64xf32> -> vector<1x4096xf32>
    %mul3A_512 = arith.mulf %concatenate3A_511, %convert_element_type3A_103 : vector<1x4096xf32>
    %broadcast_in_dim3A_513 = arith.constant 0.000000e+00 : f32
    %broadcast_in_dim3A_514 = vector.broadcast %broadcast_in_dim3A_513 : f32 to vector<1x64xf32>
    %slice3A_515 = vector.extract_strided_slice %mul3A_345 {offsets = [0, 64], sizes = [1, 4032], strides = [1, 1]} : vector<1x4096xf32> to vector<1x4032xf32>
    %concatenate3A_516 = tpu.concatenate %slice3A_515, %broadcast_in_dim3A_514 in 1 : vector<1x4032xf32>, vector<1x64xf32> -> vector<1x4096xf32>
    %mul3A_517 = arith.mulf %concatenate3A_516, %convert_element_type3A_103 : vector<1x4096xf32>
    %broadcast_in_dim3A_518 = arith.constant 0.000000e+00 : f32
    %broadcast_in_dim3A_519 = vector.broadcast %broadcast_in_dim3A_518 : f32 to vector<1x65xf32>
    %slice3A_520 = vector.extract_strided_slice %mul3A_344 {offsets = [0, 65], sizes = [1, 4031], strides = [1, 1]} : vector<1x4096xf32> to vector<1x4031xf32>
    %concatenate3A_521 = tpu.concatenate %slice3A_520, %broadcast_in_dim3A_519 in 1 : vector<1x4031xf32>, vector<1x65xf32> -> vector<1x4096xf32>
    %mul3A_522 = arith.mulf %concatenate3A_521, %convert_element_type3A_118 : vector<1x4096xf32>
    %broadcast_in_dim3A_523 = arith.constant 0.000000e+00 : f32
    %broadcast_in_dim3A_524 = vector.broadcast %broadcast_in_dim3A_523 : f32 to vector<1x65xf32>
    %slice3A_525 = vector.extract_strided_slice %mul3A_345 {offsets = [0, 65], sizes = [1, 4031], strides = [1, 1]} : vector<1x4096xf32> to vector<1x4031xf32>
    %concatenate3A_526 = tpu.concatenate %slice3A_525, %broadcast_in_dim3A_524 in 1 : vector<1x4031xf32>, vector<1x65xf32> -> vector<1x4096xf32>
    %mul3A_527 = arith.mulf %concatenate3A_526, %convert_element_type3A_118 : vector<1x4096xf32>
    %broadcast_in_dim3A_528 = arith.constant 0.000000e+00 : f32
    %broadcast_in_dim3A_529 = vector.broadcast %broadcast_in_dim3A_528 : f32 to vector<1x66xf32>
    %slice3A_530 = vector.extract_strided_slice %mul3A_344 {offsets = [0, 66], sizes = [1, 4030], strides = [1, 1]} : vector<1x4096xf32> to vector<1x4030xf32>
    %concatenate3A_531 = tpu.concatenate %slice3A_530, %broadcast_in_dim3A_529 in 1 : vector<1x4030xf32>, vector<1x66xf32> -> vector<1x4096xf32>
    %mul3A_532 = arith.mulf %concatenate3A_531, %convert_element_type3A_133 : vector<1x4096xf32>
    %broadcast_in_dim3A_533 = arith.constant 0.000000e+00 : f32
    %broadcast_in_dim3A_534 = vector.broadcast %broadcast_in_dim3A_533 : f32 to vector<1x66xf32>
    %slice3A_535 = vector.extract_strided_slice %mul3A_345 {offsets = [0, 66], sizes = [1, 4030], strides = [1, 1]} : vector<1x4096xf32> to vector<1x4030xf32>
    %concatenate3A_536 = tpu.concatenate %slice3A_535, %broadcast_in_dim3A_534 in 1 : vector<1x4030xf32>, vector<1x66xf32> -> vector<1x4096xf32>
    %mul3A_537 = arith.mulf %concatenate3A_536, %convert_element_type3A_133 : vector<1x4096xf32>
    %broadcast_in_dim3A_538 = arith.constant 0.000000e+00 : f32
    %broadcast_in_dim3A_539 = vector.broadcast %broadcast_in_dim3A_538 : f32 to vector<1x126xf32>
    %slice3A_540 = vector.extract_strided_slice %mul3A_344 {offsets = [0, 126], sizes = [1, 3970], strides = [1, 1]} : vector<1x4096xf32> to vector<1x3970xf32>
    %concatenate3A_541 = tpu.concatenate %slice3A_540, %broadcast_in_dim3A_539 in 1 : vector<1x3970xf32>, vector<1x126xf32> -> vector<1x4096xf32>
    %mul3A_542 = arith.mulf %concatenate3A_541, %convert_element_type3A_73 : vector<1x4096xf32>
    %broadcast_in_dim3A_543 = arith.constant 0.000000e+00 : f32
    %broadcast_in_dim3A_544 = vector.broadcast %broadcast_in_dim3A_543 : f32 to vector<1x126xf32>
    %slice3A_545 = vector.extract_strided_slice %mul3A_345 {offsets = [0, 126], sizes = [1, 3970], strides = [1, 1]} : vector<1x4096xf32> to vector<1x3970xf32>
    %concatenate3A_546 = tpu.concatenate %slice3A_545, %broadcast_in_dim3A_544 in 1 : vector<1x3970xf32>, vector<1x126xf32> -> vector<1x4096xf32>
    %mul3A_547 = arith.mulf %concatenate3A_546, %convert_element_type3A_73 : vector<1x4096xf32>
    %broadcast_in_dim3A_548 = arith.constant 0.000000e+00 : f32
    %broadcast_in_dim3A_549 = vector.broadcast %broadcast_in_dim3A_548 : f32 to vector<1x127xf32>
    %slice3A_550 = vector.extract_strided_slice %mul3A_344 {offsets = [0, 127], sizes = [1, 3969], strides = [1, 1]} : vector<1x4096xf32> to vector<1x3969xf32>
    %concatenate3A_551 = tpu.concatenate %slice3A_550, %broadcast_in_dim3A_549 in 1 : vector<1x3969xf32>, vector<1x127xf32> -> vector<1x4096xf32>
    %mul3A_552 = arith.mulf %concatenate3A_551, %convert_element_type3A_88 : vector<1x4096xf32>
    %broadcast_in_dim3A_553 = arith.constant 0.000000e+00 : f32
    %broadcast_in_dim3A_554 = vector.broadcast %broadcast_in_dim3A_553 : f32 to vector<1x127xf32>
    %slice3A_555 = vector.extract_strided_slice %mul3A_345 {offsets = [0, 127], sizes = [1, 3969], strides = [1, 1]} : vector<1x4096xf32> to vector<1x3969xf32>
    %concatenate3A_556 = tpu.concatenate %slice3A_555, %broadcast_in_dim3A_554 in 1 : vector<1x3969xf32>, vector<1x127xf32> -> vector<1x4096xf32>
    %mul3A_557 = arith.mulf %concatenate3A_556, %convert_element_type3A_88 : vector<1x4096xf32>
    %broadcast_in_dim3A_558 = arith.constant 0.000000e+00 : f32
    %broadcast_in_dim3A_559 = vector.broadcast %broadcast_in_dim3A_558 : f32 to vector<1x128xf32>
    %slice3A_560 = vector.extract_strided_slice %mul3A_344 {offsets = [0, 128], sizes = [1, 3968], strides = [1, 1]} : vector<1x4096xf32> to vector<1x3968xf32>
    %concatenate3A_561 = tpu.concatenate %slice3A_560, %broadcast_in_dim3A_559 in 1 : vector<1x3968xf32>, vector<1x128xf32> -> vector<1x4096xf32>
    %mul3A_562 = arith.mulf %concatenate3A_561, %convert_element_type3A_103 : vector<1x4096xf32>
    %broadcast_in_dim3A_563 = arith.constant 0.000000e+00 : f32
    %broadcast_in_dim3A_564 = vector.broadcast %broadcast_in_dim3A_563 : f32 to vector<1x128xf32>
    %slice3A_565 = vector.extract_strided_slice %mul3A_345 {offsets = [0, 128], sizes = [1, 3968], strides = [1, 1]} : vector<1x4096xf32> to vector<1x3968xf32>
    %concatenate3A_566 = tpu.concatenate %slice3A_565, %broadcast_in_dim3A_564 in 1 : vector<1x3968xf32>, vector<1x128xf32> -> vector<1x4096xf32>
    %mul3A_567 = arith.mulf %concatenate3A_566, %convert_element_type3A_103 : vector<1x4096xf32>
    %broadcast_in_dim3A_568 = arith.constant 0.000000e+00 : f32
    %broadcast_in_dim3A_569 = vector.broadcast %broadcast_in_dim3A_568 : f32 to vector<1x129xf32>
    %slice3A_570 = vector.extract_strided_slice %mul3A_344 {offsets = [0, 129], sizes = [1, 3967], strides = [1, 1]} : vector<1x4096xf32> to vector<1x3967xf32>
    %concatenate3A_571 = tpu.concatenate %slice3A_570, %broadcast_in_dim3A_569 in 1 : vector<1x3967xf32>, vector<1x129xf32> -> vector<1x4096xf32>
    %mul3A_572 = arith.mulf %concatenate3A_571, %convert_element_type3A_118 : vector<1x4096xf32>
    %broadcast_in_dim3A_573 = arith.constant 0.000000e+00 : f32
    %broadcast_in_dim3A_574 = vector.broadcast %broadcast_in_dim3A_573 : f32 to vector<1x129xf32>
    %slice3A_575 = vector.extract_strided_slice %mul3A_345 {offsets = [0, 129], sizes = [1, 3967], strides = [1, 1]} : vector<1x4096xf32> to vector<1x3967xf32>
    %concatenate3A_576 = tpu.concatenate %slice3A_575, %broadcast_in_dim3A_574 in 1 : vector<1x3967xf32>, vector<1x129xf32> -> vector<1x4096xf32>
    %mul3A_577 = arith.mulf %concatenate3A_576, %convert_element_type3A_118 : vector<1x4096xf32>
    %broadcast_in_dim3A_578 = arith.constant 0.000000e+00 : f32
    %broadcast_in_dim3A_579 = vector.broadcast %broadcast_in_dim3A_578 : f32 to vector<1x130xf32>
    %slice3A_580 = vector.extract_strided_slice %mul3A_344 {offsets = [0, 130], sizes = [1, 3966], strides = [1, 1]} : vector<1x4096xf32> to vector<1x3966xf32>
    %concatenate3A_581 = tpu.concatenate %slice3A_580, %broadcast_in_dim3A_579 in 1 : vector<1x3966xf32>, vector<1x130xf32> -> vector<1x4096xf32>
    %mul3A_582 = arith.mulf %concatenate3A_581, %convert_element_type3A_133 : vector<1x4096xf32>
    %broadcast_in_dim3A_583 = arith.constant 0.000000e+00 : f32
    %broadcast_in_dim3A_584 = vector.broadcast %broadcast_in_dim3A_583 : f32 to vector<1x130xf32>
    %slice3A_585 = vector.extract_strided_slice %mul3A_345 {offsets = [0, 130], sizes = [1, 3966], strides = [1, 1]} : vector<1x4096xf32> to vector<1x3966xf32>
    %concatenate3A_586 = tpu.concatenate %slice3A_585, %broadcast_in_dim3A_584 in 1 : vector<1x3966xf32>, vector<1x130xf32> -> vector<1x4096xf32>
    %mul3A_587 = arith.mulf %concatenate3A_586, %convert_element_type3A_133 : vector<1x4096xf32>
    %mul3A_588 = vector.broadcast %convert_element_type3A_149 : vector<1x4096xf32> to vector<256x4096xf32>
    %mul3A_589 = arith.mulf %get3A_1, %mul3A_588 : vector<256x4096xf32>
    %broadcast_in_dim3A_590 = arith.constant 0.000000e+00 : f32
    %broadcast_in_dim3A_591 = vector.broadcast %broadcast_in_dim3A_590 : f32 to vector<256x128xf32>
    %slice3A_592 = vector.extract_strided_slice %mul3A_589 {offsets = [0, 0], sizes = [256, 3968], strides = [1, 1]} : vector<256x4096xf32> to vector<256x3968xf32>
    %concatenate3A_593 = tpu.concatenate %broadcast_in_dim3A_591, %slice3A_592 in 1 : vector<256x128xf32>, vector<256x3968xf32> -> vector<256x4096xf32>
    %add3A_594 = arith.addf %mul3A_589, %concatenate3A_593 : vector<256x4096xf32>
    %broadcast_in_dim3A_595 = arith.constant 0.000000e+00 : f32
    %broadcast_in_dim3A_596 = vector.broadcast %broadcast_in_dim3A_595 : f32 to vector<256x64xf32>
    %slice3A_597 = vector.extract_strided_slice %mul3A_589 {offsets = [0, 0], sizes = [256, 4032], strides = [1, 1]} : vector<256x4096xf32> to vector<256x4032xf32>
    %concatenate3A_598 = tpu.concatenate %broadcast_in_dim3A_596, %slice3A_597 in 1 : vector<256x64xf32>, vector<256x4032xf32> -> vector<256x4096xf32>
    %add3A_599 = arith.addf %add3A_594, %concatenate3A_598 : vector<256x4096xf32>
    %broadcast_in_dim3A_600 = arith.constant 0.000000e+00 : f32
    %broadcast_in_dim3A_601 = vector.broadcast %broadcast_in_dim3A_600 : f32 to vector<256x64xf32>
    %slice3A_602 = vector.extract_strided_slice %mul3A_589 {offsets = [0, 64], sizes = [256, 4032], strides = [1, 1]} : vector<256x4096xf32> to vector<256x4032xf32>
    %concatenate3A_603 = tpu.concatenate %slice3A_602, %broadcast_in_dim3A_601 in 1 : vector<256x4032xf32>, vector<256x64xf32> -> vector<256x4096xf32>
    %add3A_604 = arith.addf %add3A_599, %concatenate3A_603 : vector<256x4096xf32>
    %broadcast_in_dim3A_605 = arith.constant 0.000000e+00 : f32
    %broadcast_in_dim3A_606 = vector.broadcast %broadcast_in_dim3A_605 : f32 to vector<256x128xf32>
    %slice3A_607 = vector.extract_strided_slice %mul3A_589 {offsets = [0, 128], sizes = [256, 3968], strides = [1, 1]} : vector<256x4096xf32> to vector<256x3968xf32>
    %concatenate3A_608 = tpu.concatenate %slice3A_607, %broadcast_in_dim3A_606 in 1 : vector<256x3968xf32>, vector<256x128xf32> -> vector<256x4096xf32>
    %add3A_609 = arith.addf %add3A_604, %concatenate3A_608 : vector<256x4096xf32>
    %broadcast_in_dim3A_610 = arith.constant 0.000000e+00 : f32
    %broadcast_in_dim3A_611 = vector.broadcast %broadcast_in_dim3A_610 : f32 to vector<256x2xf32>
    %slice3A_612 = vector.extract_strided_slice %add3A_609 {offsets = [0, 0], sizes = [256, 4094], strides = [1, 1]} : vector<256x4096xf32> to vector<256x4094xf32>
    %concatenate3A_613 = tpu.concatenate %broadcast_in_dim3A_611, %slice3A_612 in 1 : vector<256x2xf32>, vector<256x4094xf32> -> vector<256x4096xf32>
    %mul3A_614 = vector.broadcast %convert_element_type3A_73 : vector<1x4096xf32> to vector<256x4096xf32>
    %mul3A_615 = arith.mulf %concatenate3A_613, %mul3A_614 : vector<256x4096xf32>
    %add3A_616 = arith.addf %add3A_609, %mul3A_615 : vector<256x4096xf32>
    %broadcast_in_dim3A_617 = arith.constant 0.000000e+00 : f32
    %broadcast_in_dim3A_618 = vector.broadcast %broadcast_in_dim3A_617 : f32 to vector<256x1xf32>
    %slice3A_619 = vector.extract_strided_slice %add3A_609 {offsets = [0, 0], sizes = [256, 4095], strides = [1, 1]} : vector<256x4096xf32> to vector<256x4095xf32>
    %concatenate3A_620 = tpu.concatenate %broadcast_in_dim3A_618, %slice3A_619 in 1 : vector<256x1xf32>, vector<256x4095xf32> -> vector<256x4096xf32>
    %mul3A_621 = vector.broadcast %convert_element_type3A_88 : vector<1x4096xf32> to vector<256x4096xf32>
    %mul3A_622 = arith.mulf %concatenate3A_620, %mul3A_621 : vector<256x4096xf32>
    %add3A_623 = arith.addf %add3A_616, %mul3A_622 : vector<256x4096xf32>
    %broadcast_in_dim3A_624 = arith.constant 0.000000e+00 : f32
    %broadcast_in_dim3A_625 = vector.broadcast %broadcast_in_dim3A_624 : f32 to vector<256x1xf32>
    %slice3A_626 = vector.extract_strided_slice %add3A_609 {offsets = [0, 1], sizes = [256, 4095], strides = [1, 1]} : vector<256x4096xf32> to vector<256x4095xf32>
    %concatenate3A_627 = tpu.concatenate %slice3A_626, %broadcast_in_dim3A_625 in 1 : vector<256x4095xf32>, vector<256x1xf32> -> vector<256x4096xf32>
    %mul3A_628 = vector.broadcast %convert_element_type3A_118 : vector<1x4096xf32> to vector<256x4096xf32>
    %mul3A_629 = arith.mulf %concatenate3A_627, %mul3A_628 : vector<256x4096xf32>
    %add3A_630 = arith.addf %add3A_623, %mul3A_629 : vector<256x4096xf32>
    %broadcast_in_dim3A_631 = arith.constant 0.000000e+00 : f32
    %broadcast_in_dim3A_632 = vector.broadcast %broadcast_in_dim3A_631 : f32 to vector<256x2xf32>
    %slice3A_633 = vector.extract_strided_slice %add3A_609 {offsets = [0, 2], sizes = [256, 4094], strides = [1, 1]} : vector<256x4096xf32> to vector<256x4094xf32>
    %concatenate3A_634 = tpu.concatenate %slice3A_633, %broadcast_in_dim3A_632 in 1 : vector<256x4094xf32>, vector<256x2xf32> -> vector<256x4096xf32>
    %mul3A_635 = vector.broadcast %convert_element_type3A_133 : vector<1x4096xf32> to vector<256x4096xf32>
    %mul3A_636 = arith.mulf %concatenate3A_634, %mul3A_635 : vector<256x4096xf32>
    %add3A_637 = arith.addf %add3A_630, %mul3A_636 : vector<256x4096xf32>
    %sub3A_638 = arith.subf %add3A_637, %mul3A_589 : vector<256x4096xf32>
    %mul3A_639 = arith.constant 4.000000e-02 : f32
    %mul3A_640 = vector.broadcast %mul3A_639 : f32 to vector<256x4096xf32>
    %mul3A_641 = arith.mulf %sub3A_638, %mul3A_640 : vector<256x4096xf32>
    %mul3A_642 = arith.mulf %get3A_1, %mul3A_641 : vector<256x4096xf32>
    %reduce_sum3A_643 = arith.constant dense<0.000000e+00> : vector<4096xf32>
    %reduce_sum3A_644 = vector.multi_reduction <add>, %mul3A_642, %reduce_sum3A_643 [0] : vector<256x4096xf32> to vector<4096xf32>
    %broadcast_in_dim3A_645 = vector.shape_cast %reduce_sum3A_644 : vector<4096xf32> to vector<1x4096xf32>
    %mul3A_646 = arith.mulf %mul3A_641, %mul3A_641 : vector<256x4096xf32>
    %reduce_sum3A_647 = arith.constant dense<0.000000e+00> : vector<4096xf32>
    %reduce_sum3A_648 = vector.multi_reduction <add>, %mul3A_646, %reduce_sum3A_647 [0] : vector<256x4096xf32> to vector<4096xf32>
    %broadcast_in_dim3A_649 = vector.shape_cast %reduce_sum3A_648 : vector<4096xf32> to vector<1x4096xf32>
    %sqrt3A_650 = math.sqrt %broadcast_in_dim3A_649 : vector<1x4096xf32>
    %mul3A_651 = arith.mulf %convert_element_type3A_149, %sqrt3A : vector<1x4096xf32>
    %add3A_652 = arith.constant 9.99999993E-9 : f32
    %add3A_653 = vector.broadcast %add3A_652 : f32 to vector<1x4096xf32>
    %add3A_654 = arith.addf %mul3A_651, %add3A_653 : vector<1x4096xf32>
    %mul3A_655 = arith.mulf %convert_element_type3A_149, %broadcast_in_dim3A_645 : vector<1x4096xf32>
    %add3A_656 = arith.constant 9.99999993E-9 : f32
    %add3A_657 = vector.broadcast %add3A_656 : f32 to vector<1x4096xf32>
    %add3A_658 = arith.addf %sqrt3A_650, %add3A_657 : vector<1x4096xf32>
    %mul3A_659 = arith.mulf %add3A_654, %add3A_658 : vector<1x4096xf32>
    %div3A_660 = arith.divf %mul3A_655, %mul3A_659 : vector<1x4096xf32>
    %mul3A_661 = arith.constant 1.000000e+01 : f32
    %mul3A_662 = vector.broadcast %mul3A_661 : f32 to vector<1x4096xf32>
    %mul3A_663 = arith.mulf %div3A_660, %mul3A_662 : vector<1x4096xf32>
    %mul3A_664 = arith.constant 2.000000e+01 : f32
    %mul3A_665 = vector.broadcast %mul3A_664 : f32 to vector<1x4096xf32>
    %mul3A_666 = arith.mulf %convert_element_type3A_149, %mul3A_665 : vector<1x4096xf32>
    %div3A_667 = arith.divf %mul3A_666, %add3A_654 : vector<1x4096xf32>
    %mul3A_668 = arith.mulf %div3A_667, %mul3A_279 : vector<1x4096xf32>
    %mul3A_669 = arith.mulf %mul3A_668, %mul3A_355 : vector<1x4096xf32>
    %max3A = arith.maximumf %mul3A_663, %mul3A_669 : vector<1x4096xf32>
    %mul3A_670 = arith.mulf %div3A_667, %mul3A_284 : vector<1x4096xf32>
    %mul3A_671 = arith.mulf %mul3A_670, %mul3A_365 : vector<1x4096xf32>
    %max3A_672 = arith.maximumf %max3A, %mul3A_671 : vector<1x4096xf32>
    %mul3A_673 = arith.mulf %div3A_667, %mul3A_289 : vector<1x4096xf32>
    %mul3A_674 = arith.mulf %mul3A_673, %mul3A_375 : vector<1x4096xf32>
    %max3A_675 = arith.maximumf %max3A_672, %mul3A_674 : vector<1x4096xf32>
    %mul3A_676 = arith.mulf %div3A_667, %mul3A_294 : vector<1x4096xf32>
    %mul3A_677 = arith.mulf %mul3A_676, %mul3A_385 : vector<1x4096xf32>
    %max3A_678 = arith.maximumf %max3A_675, %mul3A_677 : vector<1x4096xf32>
    %mul3A_679 = arith.mulf %div3A_667, %mul3A_299 : vector<1x4096xf32>
    %mul3A_680 = arith.mulf %mul3A_679, %mul3A_395 : vector<1x4096xf32>
    %max3A_681 = arith.maximumf %max3A_678, %mul3A_680 : vector<1x4096xf32>
    %mul3A_682 = arith.mulf %div3A_667, %mul3A_304 : vector<1x4096xf32>
    %mul3A_683 = arith.mulf %mul3A_682, %mul3A_405 : vector<1x4096xf32>
    %max3A_684 = arith.maximumf %max3A_681, %mul3A_683 : vector<1x4096xf32>
    %mul3A_685 = arith.mulf %div3A_667, %mul3A_309 : vector<1x4096xf32>
    %mul3A_686 = arith.mulf %mul3A_685, %mul3A_415 : vector<1x4096xf32>
    %max3A_687 = arith.maximumf %max3A_684, %mul3A_686 : vector<1x4096xf32>
    %mul3A_688 = arith.mulf %div3A_667, %mul3A_314 : vector<1x4096xf32>
    %mul3A_689 = arith.mulf %mul3A_688, %mul3A_425 : vector<1x4096xf32>
    %max3A_690 = arith.maximumf %max3A_687, %mul3A_689 : vector<1x4096xf32>
    %mul3A_691 = arith.mulf %div3A_667, %mul3A_319 : vector<1x4096xf32>
    %mul3A_692 = arith.mulf %mul3A_691, %mul3A_435 : vector<1x4096xf32>
    %max3A_693 = arith.maximumf %max3A_690, %mul3A_692 : vector<1x4096xf32>
    %mul3A_694 = arith.mulf %div3A_667, %mul3A_324 : vector<1x4096xf32>
    %mul3A_695 = arith.mulf %mul3A_694, %mul3A_445 : vector<1x4096xf32>
    %max3A_696 = arith.maximumf %max3A_693, %mul3A_695 : vector<1x4096xf32>
    %mul3A_697 = arith.mulf %div3A_667, %mul3A_329 : vector<1x4096xf32>
    %mul3A_698 = arith.mulf %mul3A_697, %mul3A_455 : vector<1x4096xf32>
    %max3A_699 = arith.maximumf %max3A_696, %mul3A_698 : vector<1x4096xf32>
    %mul3A_700 = arith.mulf %div3A_667, %mul3A_334 : vector<1x4096xf32>
    %mul3A_701 = arith.mulf %mul3A_700, %mul3A_465 : vector<1x4096xf32>
    %max3A_702 = arith.maximumf %max3A_699, %mul3A_701 : vector<1x4096xf32>
    %mul3A_703 = arith.mulf %div3A_667, %broadcast_in_dim3A : vector<1x4096xf32>
    %mul3A_704 = arith.mulf %mul3A_703, %mul3A_467 : vector<1x4096xf32>
    %max3A_705 = arith.maximumf %max3A_702, %mul3A_704 : vector<1x4096xf32>
    %mul3A_706 = arith.mulf %div3A_667, %broadcast_in_dim3A_164 : vector<1x4096xf32>
    %mul3A_707 = arith.mulf %mul3A_706, %mul3A_477 : vector<1x4096xf32>
    %max3A_708 = arith.maximumf %max3A_705, %mul3A_707 : vector<1x4096xf32>
    %mul3A_709 = arith.mulf %div3A_667, %broadcast_in_dim3A_174 : vector<1x4096xf32>
    %mul3A_710 = arith.mulf %mul3A_709, %mul3A_487 : vector<1x4096xf32>
    %max3A_711 = arith.maximumf %max3A_708, %mul3A_710 : vector<1x4096xf32>
    %mul3A_712 = arith.mulf %div3A_667, %broadcast_in_dim3A_184 : vector<1x4096xf32>
    %mul3A_713 = arith.mulf %mul3A_712, %mul3A_497 : vector<1x4096xf32>
    %max3A_714 = arith.maximumf %max3A_711, %mul3A_713 : vector<1x4096xf32>
    %mul3A_715 = arith.mulf %div3A_667, %broadcast_in_dim3A_194 : vector<1x4096xf32>
    %mul3A_716 = arith.mulf %mul3A_715, %mul3A_507 : vector<1x4096xf32>
    %max3A_717 = arith.maximumf %max3A_714, %mul3A_716 : vector<1x4096xf32>
    %mul3A_718 = arith.mulf %div3A_667, %broadcast_in_dim3A_204 : vector<1x4096xf32>
    %mul3A_719 = arith.mulf %mul3A_718, %mul3A_517 : vector<1x4096xf32>
    %max3A_720 = arith.maximumf %max3A_717, %mul3A_719 : vector<1x4096xf32>
    %mul3A_721 = arith.mulf %div3A_667, %broadcast_in_dim3A_214 : vector<1x4096xf32>
    %mul3A_722 = arith.mulf %mul3A_721, %mul3A_527 : vector<1x4096xf32>
    %max3A_723 = arith.maximumf %max3A_720, %mul3A_722 : vector<1x4096xf32>
    %mul3A_724 = arith.mulf %div3A_667, %broadcast_in_dim3A_224 : vector<1x4096xf32>
    %mul3A_725 = arith.mulf %mul3A_724, %mul3A_537 : vector<1x4096xf32>
    %max3A_726 = arith.maximumf %max3A_723, %mul3A_725 : vector<1x4096xf32>
    %mul3A_727 = arith.mulf %div3A_667, %broadcast_in_dim3A_234 : vector<1x4096xf32>
    %mul3A_728 = arith.mulf %mul3A_727, %mul3A_547 : vector<1x4096xf32>
    %max3A_729 = arith.maximumf %max3A_726, %mul3A_728 : vector<1x4096xf32>
    %mul3A_730 = arith.mulf %div3A_667, %broadcast_in_dim3A_244 : vector<1x4096xf32>
    %mul3A_731 = arith.mulf %mul3A_730, %mul3A_557 : vector<1x4096xf32>
    %max3A_732 = arith.maximumf %max3A_729, %mul3A_731 : vector<1x4096xf32>
    %mul3A_733 = arith.mulf %div3A_667, %broadcast_in_dim3A_254 : vector<1x4096xf32>
    %mul3A_734 = arith.mulf %mul3A_733, %mul3A_567 : vector<1x4096xf32>
    %max3A_735 = arith.maximumf %max3A_732, %mul3A_734 : vector<1x4096xf32>
    %mul3A_736 = arith.mulf %div3A_667, %broadcast_in_dim3A_264 : vector<1x4096xf32>
    %mul3A_737 = arith.mulf %mul3A_736, %mul3A_577 : vector<1x4096xf32>
    %max3A_738 = arith.maximumf %max3A_735, %mul3A_737 : vector<1x4096xf32>
    %mul3A_739 = arith.mulf %div3A_667, %broadcast_in_dim3A_274 : vector<1x4096xf32>
    %mul3A_740 = arith.mulf %mul3A_739, %mul3A_587 : vector<1x4096xf32>
    %max3A_741 = arith.maximumf %max3A_738, %mul3A_740 : vector<1x4096xf32>
    %sub3A_742 = arith.subf %mul3A_663, %max3A_741 : vector<1x4096xf32>
    %exp3A = math.exp %sub3A_742 : vector<1x4096xf32>
    %sub3A_743 = arith.subf %mul3A_669, %max3A_741 : vector<1x4096xf32>
    %exp3A_744 = math.exp %sub3A_743 : vector<1x4096xf32>
    %add3A_745 = arith.addf %exp3A, %exp3A_744 : vector<1x4096xf32>
    %sub3A_746 = arith.subf %mul3A_671, %max3A_741 : vector<1x4096xf32>
    %exp3A_747 = math.exp %sub3A_746 : vector<1x4096xf32>
    %add3A_748 = arith.addf %add3A_745, %exp3A_747 : vector<1x4096xf32>
    %sub3A_749 = arith.subf %mul3A_674, %max3A_741 : vector<1x4096xf32>
    %exp3A_750 = math.exp %sub3A_749 : vector<1x4096xf32>
    %add3A_751 = arith.addf %add3A_748, %exp3A_750 : vector<1x4096xf32>
    %sub3A_752 = arith.subf %mul3A_677, %max3A_741 : vector<1x4096xf32>
    %exp3A_753 = math.exp %sub3A_752 : vector<1x4096xf32>
    %add3A_754 = arith.addf %add3A_751, %exp3A_753 : vector<1x4096xf32>
    %sub3A_755 = arith.subf %mul3A_680, %max3A_741 : vector<1x4096xf32>
    %exp3A_756 = math.exp %sub3A_755 : vector<1x4096xf32>
    %add3A_757 = arith.addf %add3A_754, %exp3A_756 : vector<1x4096xf32>
    %sub3A_758 = arith.subf %mul3A_683, %max3A_741 : vector<1x4096xf32>
    %exp3A_759 = math.exp %sub3A_758 : vector<1x4096xf32>
    %add3A_760 = arith.addf %add3A_757, %exp3A_759 : vector<1x4096xf32>
    %sub3A_761 = arith.subf %mul3A_686, %max3A_741 : vector<1x4096xf32>
    %exp3A_762 = math.exp %sub3A_761 : vector<1x4096xf32>
    %add3A_763 = arith.addf %add3A_760, %exp3A_762 : vector<1x4096xf32>
    %sub3A_764 = arith.subf %mul3A_689, %max3A_741 : vector<1x4096xf32>
    %exp3A_765 = math.exp %sub3A_764 : vector<1x4096xf32>
    %add3A_766 = arith.addf %add3A_763, %exp3A_765 : vector<1x4096xf32>
    %sub3A_767 = arith.subf %mul3A_692, %max3A_741 : vector<1x4096xf32>
    %exp3A_768 = math.exp %sub3A_767 : vector<1x4096xf32>
    %add3A_769 = arith.addf %add3A_766, %exp3A_768 : vector<1x4096xf32>
    %sub3A_770 = arith.subf %mul3A_695, %max3A_741 : vector<1x4096xf32>
    %exp3A_771 = math.exp %sub3A_770 : vector<1x4096xf32>
    %add3A_772 = arith.addf %add3A_769, %exp3A_771 : vector<1x4096xf32>
    %sub3A_773 = arith.subf %mul3A_698, %max3A_741 : vector<1x4096xf32>
    %exp3A_774 = math.exp %sub3A_773 : vector<1x4096xf32>
    %add3A_775 = arith.addf %add3A_772, %exp3A_774 : vector<1x4096xf32>
    %sub3A_776 = arith.subf %mul3A_701, %max3A_741 : vector<1x4096xf32>
    %exp3A_777 = math.exp %sub3A_776 : vector<1x4096xf32>
    %add3A_778 = arith.addf %add3A_775, %exp3A_777 : vector<1x4096xf32>
    %sub3A_779 = arith.subf %mul3A_704, %max3A_741 : vector<1x4096xf32>
    %exp3A_780 = math.exp %sub3A_779 : vector<1x4096xf32>
    %add3A_781 = arith.addf %add3A_778, %exp3A_780 : vector<1x4096xf32>
    %sub3A_782 = arith.subf %mul3A_707, %max3A_741 : vector<1x4096xf32>
    %exp3A_783 = math.exp %sub3A_782 : vector<1x4096xf32>
    %add3A_784 = arith.addf %add3A_781, %exp3A_783 : vector<1x4096xf32>
    %sub3A_785 = arith.subf %mul3A_710, %max3A_741 : vector<1x4096xf32>
    %exp3A_786 = math.exp %sub3A_785 : vector<1x4096xf32>
    %add3A_787 = arith.addf %add3A_784, %exp3A_786 : vector<1x4096xf32>
    %sub3A_788 = arith.subf %mul3A_713, %max3A_741 : vector<1x4096xf32>
    %exp3A_789 = math.exp %sub3A_788 : vector<1x4096xf32>
    %add3A_790 = arith.addf %add3A_787, %exp3A_789 : vector<1x4096xf32>
    %sub3A_791 = arith.subf %mul3A_716, %max3A_741 : vector<1x4096xf32>
    %exp3A_792 = math.exp %sub3A_791 : vector<1x4096xf32>
    %add3A_793 = arith.addf %add3A_790, %exp3A_792 : vector<1x4096xf32>
    %sub3A_794 = arith.subf %mul3A_719, %max3A_741 : vector<1x4096xf32>
    %exp3A_795 = math.exp %sub3A_794 : vector<1x4096xf32>
    %add3A_796 = arith.addf %add3A_793, %exp3A_795 : vector<1x4096xf32>
    %sub3A_797 = arith.subf %mul3A_722, %max3A_741 : vector<1x4096xf32>
    %exp3A_798 = math.exp %sub3A_797 : vector<1x4096xf32>
    %add3A_799 = arith.addf %add3A_796, %exp3A_798 : vector<1x4096xf32>
    %sub3A_800 = arith.subf %mul3A_725, %max3A_741 : vector<1x4096xf32>
    %exp3A_801 = math.exp %sub3A_800 : vector<1x4096xf32>
    %add3A_802 = arith.addf %add3A_799, %exp3A_801 : vector<1x4096xf32>
    %sub3A_803 = arith.subf %mul3A_728, %max3A_741 : vector<1x4096xf32>
    %exp3A_804 = math.exp %sub3A_803 : vector<1x4096xf32>
    %add3A_805 = arith.addf %add3A_802, %exp3A_804 : vector<1x4096xf32>
    %sub3A_806 = arith.subf %mul3A_731, %max3A_741 : vector<1x4096xf32>
    %exp3A_807 = math.exp %sub3A_806 : vector<1x4096xf32>
    %add3A_808 = arith.addf %add3A_805, %exp3A_807 : vector<1x4096xf32>
    %sub3A_809 = arith.subf %mul3A_734, %max3A_741 : vector<1x4096xf32>
    %exp3A_810 = math.exp %sub3A_809 : vector<1x4096xf32>
    %add3A_811 = arith.addf %add3A_808, %exp3A_810 : vector<1x4096xf32>
    %sub3A_812 = arith.subf %mul3A_737, %max3A_741 : vector<1x4096xf32>
    %exp3A_813 = math.exp %sub3A_812 : vector<1x4096xf32>
    %add3A_814 = arith.addf %add3A_811, %exp3A_813 : vector<1x4096xf32>
    %sub3A_815 = arith.subf %mul3A_740, %max3A_741 : vector<1x4096xf32>
    %exp3A_816 = math.exp %sub3A_815 : vector<1x4096xf32>
    %add3A_817 = arith.addf %add3A_814, %exp3A_816 : vector<1x4096xf32>
    %log3A = math.log %add3A_817 : vector<1x4096xf32>
    %add3A_818 = arith.addf %max3A_741, %log3A : vector<1x4096xf32>
    %sub3A_819 = arith.subf %add3A_818, %mul3A_663 : vector<1x4096xf32>
    %eq3A_820 = arith.constant 0 : i32
    %eq3A_821 = vector.broadcast %eq3A_820 : i32 to vector<1x4096xi32>
    %eq3A_822 = arith.cmpi eq, %get3A_4, %eq3A_821 : vector<1x4096xi32>
    %convert_element_type3A_823 = arith.extui %eq3A_822 : vector<1x4096xi1> to vector<1x4096xi32>
    %convert_element_type3A_824 = arith.sitofp %convert_element_type3A_823 : vector<1x4096xi32> to vector<1x4096xf32>
    %broadcast_in_dim3A_825 = arith.constant 0.000000e+00 : f32
    %broadcast_in_dim3A_826 = vector.broadcast %broadcast_in_dim3A_825 : f32 to vector<1x128xf32>
    %slice3A_827 = vector.extract_strided_slice %convert_element_type3A_824 {offsets = [0, 0], sizes = [1, 3968], strides = [1, 1]} : vector<1x4096xf32> to vector<1x3968xf32>
    %concatenate3A_828 = tpu.concatenate %broadcast_in_dim3A_826, %slice3A_827 in 1 : vector<1x128xf32>, vector<1x3968xf32> -> vector<1x4096xf32>
    %add3A_829 = arith.addf %convert_element_type3A_824, %concatenate3A_828 : vector<1x4096xf32>
    %broadcast_in_dim3A_830 = arith.constant 0.000000e+00 : f32
    %broadcast_in_dim3A_831 = vector.broadcast %broadcast_in_dim3A_830 : f32 to vector<1x64xf32>
    %slice3A_832 = vector.extract_strided_slice %convert_element_type3A_824 {offsets = [0, 0], sizes = [1, 4032], strides = [1, 1]} : vector<1x4096xf32> to vector<1x4032xf32>
    %concatenate3A_833 = tpu.concatenate %broadcast_in_dim3A_831, %slice3A_832 in 1 : vector<1x64xf32>, vector<1x4032xf32> -> vector<1x4096xf32>
    %add3A_834 = arith.addf %add3A_829, %concatenate3A_833 : vector<1x4096xf32>
    %broadcast_in_dim3A_835 = arith.constant 0.000000e+00 : f32
    %broadcast_in_dim3A_836 = vector.broadcast %broadcast_in_dim3A_835 : f32 to vector<1x64xf32>
    %slice3A_837 = vector.extract_strided_slice %convert_element_type3A_824 {offsets = [0, 64], sizes = [1, 4032], strides = [1, 1]} : vector<1x4096xf32> to vector<1x4032xf32>
    %concatenate3A_838 = tpu.concatenate %slice3A_837, %broadcast_in_dim3A_836 in 1 : vector<1x4032xf32>, vector<1x64xf32> -> vector<1x4096xf32>
    %add3A_839 = arith.addf %add3A_834, %concatenate3A_838 : vector<1x4096xf32>
    %broadcast_in_dim3A_840 = arith.constant 0.000000e+00 : f32
    %broadcast_in_dim3A_841 = vector.broadcast %broadcast_in_dim3A_840 : f32 to vector<1x128xf32>
    %slice3A_842 = vector.extract_strided_slice %convert_element_type3A_824 {offsets = [0, 128], sizes = [1, 3968], strides = [1, 1]} : vector<1x4096xf32> to vector<1x3968xf32>
    %concatenate3A_843 = tpu.concatenate %slice3A_842, %broadcast_in_dim3A_841 in 1 : vector<1x3968xf32>, vector<1x128xf32> -> vector<1x4096xf32>
    %add3A_844 = arith.addf %add3A_839, %concatenate3A_843 : vector<1x4096xf32>
    %broadcast_in_dim3A_845 = arith.constant 0.000000e+00 : f32
    %broadcast_in_dim3A_846 = vector.broadcast %broadcast_in_dim3A_845 : f32 to vector<1x2xf32>
    %slice3A_847 = vector.extract_strided_slice %add3A_844 {offsets = [0, 0], sizes = [1, 4094], strides = [1, 1]} : vector<1x4096xf32> to vector<1x4094xf32>
    %concatenate3A_848 = tpu.concatenate %broadcast_in_dim3A_846, %slice3A_847 in 1 : vector<1x2xf32>, vector<1x4094xf32> -> vector<1x4096xf32>
    %mul3A_849 = arith.mulf %concatenate3A_848, %convert_element_type3A_73 : vector<1x4096xf32>
    %add3A_850 = arith.addf %add3A_844, %mul3A_849 : vector<1x4096xf32>
    %broadcast_in_dim3A_851 = arith.constant 0.000000e+00 : f32
    %broadcast_in_dim3A_852 = vector.broadcast %broadcast_in_dim3A_851 : f32 to vector<1x1xf32>
    %slice3A_853 = vector.extract_strided_slice %add3A_844 {offsets = [0, 0], sizes = [1, 4095], strides = [1, 1]} : vector<1x4096xf32> to vector<1x4095xf32>
    %concatenate3A_854 = tpu.concatenate %broadcast_in_dim3A_852, %slice3A_853 in 1 : vector<1x1xf32>, vector<1x4095xf32> -> vector<1x4096xf32>
    %mul3A_855 = arith.mulf %concatenate3A_854, %convert_element_type3A_88 : vector<1x4096xf32>
    %add3A_856 = arith.addf %add3A_850, %mul3A_855 : vector<1x4096xf32>
    %broadcast_in_dim3A_857 = arith.constant 0.000000e+00 : f32
    %broadcast_in_dim3A_858 = vector.broadcast %broadcast_in_dim3A_857 : f32 to vector<1x1xf32>
    %slice3A_859 = vector.extract_strided_slice %add3A_844 {offsets = [0, 1], sizes = [1, 4095], strides = [1, 1]} : vector<1x4096xf32> to vector<1x4095xf32>
    %concatenate3A_860 = tpu.concatenate %slice3A_859, %broadcast_in_dim3A_858 in 1 : vector<1x4095xf32>, vector<1x1xf32> -> vector<1x4096xf32>
    %mul3A_861 = arith.mulf %concatenate3A_860, %convert_element_type3A_118 : vector<1x4096xf32>
    %add3A_862 = arith.addf %add3A_856, %mul3A_861 : vector<1x4096xf32>
    %broadcast_in_dim3A_863 = arith.constant 0.000000e+00 : f32
    %broadcast_in_dim3A_864 = vector.broadcast %broadcast_in_dim3A_863 : f32 to vector<1x2xf32>
    %slice3A_865 = vector.extract_strided_slice %add3A_844 {offsets = [0, 2], sizes = [1, 4094], strides = [1, 1]} : vector<1x4096xf32> to vector<1x4094xf32>
    %concatenate3A_866 = tpu.concatenate %slice3A_865, %broadcast_in_dim3A_864 in 1 : vector<1x4094xf32>, vector<1x2xf32> -> vector<1x4096xf32>
    %mul3A_867 = arith.mulf %concatenate3A_866, %convert_element_type3A_133 : vector<1x4096xf32>
    %add3A_868 = arith.addf %add3A_862, %mul3A_867 : vector<1x4096xf32>
    %sub3A_869 = arith.subf %add3A_868, %convert_element_type3A_824 : vector<1x4096xf32>
    %ge3A_870 = arith.constant 1.000000e+00 : f32
    %ge3A_871 = vector.broadcast %ge3A_870 : f32 to vector<1x4096xf32>
    %ge3A_872 = arith.cmpf oge, %sub3A_869, %ge3A_871 : vector<1x4096xf32>
    %convert_element_type3A_873 = arith.extui %ge3A_872 : vector<1x4096xi1> to vector<1x4096xi32>
    %convert_element_type3A_874 = arith.sitofp %convert_element_type3A_873 : vector<1x4096xi32> to vector<1x4096xf32>
    %mul3A_875 = arith.mulf %convert_element_type3A_874, %convert_element_type3A_142 : vector<1x4096xf32>
    %mul3A_876 = arith.mulf %mul3A_875, %convert_element_type3A_824 : vector<1x4096xf32>
    %mul3A_877 = arith.mulf %mul3A_876, %convert_element_type3A_58 : vector<1x4096xf32>
    %mul3A_878 = arith.mulf %sub3A_819, %mul3A_877 : vector<1x4096xf32>
    %reduce_sum3A_879 = vector.shape_cast %mul3A_878 : vector<1x4096xf32> to vector<1x1x4096xf32>
    %reduce_sum3A_880 = arith.constant dense<0.000000e+00> : vector<1xf32>
    %reduce_sum3A_881 = vector.multi_reduction <add>, %reduce_sum3A_879, %reduce_sum3A_880 [1, 2] : vector<1x1x4096xf32> to vector<1xf32>
    %reduce_sum3A_882 = vector.shape_cast %reduce_sum3A_881 : vector<1xf32> to vector<1x1x1xf32>
    %reduce_sum3A_883 = vector.extract %reduce_sum3A_882[0, 0, 0] : f32 from vector<1x1x1xf32>
    %reduce_sum3A_884 = vector.shape_cast %mul3A_877 : vector<1x4096xf32> to vector<1x1x4096xf32>
    %reduce_sum3A_885 = arith.constant dense<0.000000e+00> : vector<1xf32>
    %reduce_sum3A_886 = vector.multi_reduction <add>, %reduce_sum3A_884, %reduce_sum3A_885 [1, 2] : vector<1x1x4096xf32> to vector<1xf32>
    %reduce_sum3A_887 = vector.shape_cast %reduce_sum3A_886 : vector<1xf32> to vector<1x1x1xf32>
    %reduce_sum3A_888 = vector.extract %reduce_sum3A_887[0, 0, 0] : f32 from vector<1x1x1xf32>
    %mul3A_889 = vector.broadcast %convert_element_type3A_155 : vector<1x4096xf32> to vector<256x4096xf32>
    %mul3A_890 = arith.mulf %get3A_1, %mul3A_889 : vector<256x4096xf32>
    %broadcast_in_dim3A_891 = arith.constant 0.000000e+00 : f32
    %broadcast_in_dim3A_892 = vector.broadcast %broadcast_in_dim3A_891 : f32 to vector<256x128xf32>
    %slice3A_893 = vector.extract_strided_slice %mul3A_890 {offsets = [0, 0], sizes = [256, 3968], strides = [1, 1]} : vector<256x4096xf32> to vector<256x3968xf32>
    %concatenate3A_894 = tpu.concatenate %broadcast_in_dim3A_892, %slice3A_893 in 1 : vector<256x128xf32>, vector<256x3968xf32> -> vector<256x4096xf32>
    %add3A_895 = arith.addf %mul3A_890, %concatenate3A_894 : vector<256x4096xf32>
    %broadcast_in_dim3A_896 = arith.constant 0.000000e+00 : f32
    %broadcast_in_dim3A_897 = vector.broadcast %broadcast_in_dim3A_896 : f32 to vector<256x64xf32>
    %slice3A_898 = vector.extract_strided_slice %mul3A_890 {offsets = [0, 0], sizes = [256, 4032], strides = [1, 1]} : vector<256x4096xf32> to vector<256x4032xf32>
    %concatenate3A_899 = tpu.concatenate %broadcast_in_dim3A_897, %slice3A_898 in 1 : vector<256x64xf32>, vector<256x4032xf32> -> vector<256x4096xf32>
    %add3A_900 = arith.addf %add3A_895, %concatenate3A_899 : vector<256x4096xf32>
    %broadcast_in_dim3A_901 = arith.constant 0.000000e+00 : f32
    %broadcast_in_dim3A_902 = vector.broadcast %broadcast_in_dim3A_901 : f32 to vector<256x64xf32>
    %slice3A_903 = vector.extract_strided_slice %mul3A_890 {offsets = [0, 64], sizes = [256, 4032], strides = [1, 1]} : vector<256x4096xf32> to vector<256x4032xf32>
    %concatenate3A_904 = tpu.concatenate %slice3A_903, %broadcast_in_dim3A_902 in 1 : vector<256x4032xf32>, vector<256x64xf32> -> vector<256x4096xf32>
    %add3A_905 = arith.addf %add3A_900, %concatenate3A_904 : vector<256x4096xf32>
    %broadcast_in_dim3A_906 = arith.constant 0.000000e+00 : f32
    %broadcast_in_dim3A_907 = vector.broadcast %broadcast_in_dim3A_906 : f32 to vector<256x128xf32>
    %slice3A_908 = vector.extract_strided_slice %mul3A_890 {offsets = [0, 128], sizes = [256, 3968], strides = [1, 1]} : vector<256x4096xf32> to vector<256x3968xf32>
    %concatenate3A_909 = tpu.concatenate %slice3A_908, %broadcast_in_dim3A_907 in 1 : vector<256x3968xf32>, vector<256x128xf32> -> vector<256x4096xf32>
    %add3A_910 = arith.addf %add3A_905, %concatenate3A_909 : vector<256x4096xf32>
    %broadcast_in_dim3A_911 = arith.constant 0.000000e+00 : f32
    %broadcast_in_dim3A_912 = vector.broadcast %broadcast_in_dim3A_911 : f32 to vector<256x2xf32>
    %slice3A_913 = vector.extract_strided_slice %add3A_910 {offsets = [0, 0], sizes = [256, 4094], strides = [1, 1]} : vector<256x4096xf32> to vector<256x4094xf32>
    %concatenate3A_914 = tpu.concatenate %broadcast_in_dim3A_912, %slice3A_913 in 1 : vector<256x2xf32>, vector<256x4094xf32> -> vector<256x4096xf32>
    %mul3A_915 = vector.broadcast %convert_element_type3A_73 : vector<1x4096xf32> to vector<256x4096xf32>
    %mul3A_916 = arith.mulf %concatenate3A_914, %mul3A_915 : vector<256x4096xf32>
    %add3A_917 = arith.addf %add3A_910, %mul3A_916 : vector<256x4096xf32>
    %broadcast_in_dim3A_918 = arith.constant 0.000000e+00 : f32
    %broadcast_in_dim3A_919 = vector.broadcast %broadcast_in_dim3A_918 : f32 to vector<256x1xf32>
    %slice3A_920 = vector.extract_strided_slice %add3A_910 {offsets = [0, 0], sizes = [256, 4095], strides = [1, 1]} : vector<256x4096xf32> to vector<256x4095xf32>
    %concatenate3A_921 = tpu.concatenate %broadcast_in_dim3A_919, %slice3A_920 in 1 : vector<256x1xf32>, vector<256x4095xf32> -> vector<256x4096xf32>
    %mul3A_922 = vector.broadcast %convert_element_type3A_88 : vector<1x4096xf32> to vector<256x4096xf32>
    %mul3A_923 = arith.mulf %concatenate3A_921, %mul3A_922 : vector<256x4096xf32>
    %add3A_924 = arith.addf %add3A_917, %mul3A_923 : vector<256x4096xf32>
    %broadcast_in_dim3A_925 = arith.constant 0.000000e+00 : f32
    %broadcast_in_dim3A_926 = vector.broadcast %broadcast_in_dim3A_925 : f32 to vector<256x1xf32>
    %slice3A_927 = vector.extract_strided_slice %add3A_910 {offsets = [0, 1], sizes = [256, 4095], strides = [1, 1]} : vector<256x4096xf32> to vector<256x4095xf32>
    %concatenate3A_928 = tpu.concatenate %slice3A_927, %broadcast_in_dim3A_926 in 1 : vector<256x4095xf32>, vector<256x1xf32> -> vector<256x4096xf32>
    %mul3A_929 = vector.broadcast %convert_element_type3A_118 : vector<1x4096xf32> to vector<256x4096xf32>
    %mul3A_930 = arith.mulf %concatenate3A_928, %mul3A_929 : vector<256x4096xf32>
    %add3A_931 = arith.addf %add3A_924, %mul3A_930 : vector<256x4096xf32>
    %broadcast_in_dim3A_932 = arith.constant 0.000000e+00 : f32
    %broadcast_in_dim3A_933 = vector.broadcast %broadcast_in_dim3A_932 : f32 to vector<256x2xf32>
    %slice3A_934 = vector.extract_strided_slice %add3A_910 {offsets = [0, 2], sizes = [256, 4094], strides = [1, 1]} : vector<256x4096xf32> to vector<256x4094xf32>
    %concatenate3A_935 = tpu.concatenate %slice3A_934, %broadcast_in_dim3A_933 in 1 : vector<256x4094xf32>, vector<256x2xf32> -> vector<256x4096xf32>
    %mul3A_936 = vector.broadcast %convert_element_type3A_133 : vector<1x4096xf32> to vector<256x4096xf32>
    %mul3A_937 = arith.mulf %concatenate3A_935, %mul3A_936 : vector<256x4096xf32>
    %add3A_938 = arith.addf %add3A_931, %mul3A_937 : vector<256x4096xf32>
    %sub3A_939 = arith.subf %add3A_938, %mul3A_890 : vector<256x4096xf32>
    %mul3A_940 = arith.constant 4.000000e-02 : f32
    %mul3A_941 = vector.broadcast %mul3A_940 : f32 to vector<256x4096xf32>
    %mul3A_942 = arith.mulf %sub3A_939, %mul3A_941 : vector<256x4096xf32>
    %mul3A_943 = arith.mulf %get3A_1, %mul3A_942 : vector<256x4096xf32>
    %reduce_sum3A_944 = arith.constant dense<0.000000e+00> : vector<4096xf32>
    %reduce_sum3A_945 = vector.multi_reduction <add>, %mul3A_943, %reduce_sum3A_944 [0] : vector<256x4096xf32> to vector<4096xf32>
    %broadcast_in_dim3A_946 = vector.shape_cast %reduce_sum3A_945 : vector<4096xf32> to vector<1x4096xf32>
    %mul3A_947 = arith.mulf %mul3A_942, %mul3A_942 : vector<256x4096xf32>
    %reduce_sum3A_948 = arith.constant dense<0.000000e+00> : vector<4096xf32>
    %reduce_sum3A_949 = vector.multi_reduction <add>, %mul3A_947, %reduce_sum3A_948 [0] : vector<256x4096xf32> to vector<4096xf32>
    %broadcast_in_dim3A_950 = vector.shape_cast %reduce_sum3A_949 : vector<4096xf32> to vector<1x4096xf32>
    %sqrt3A_951 = math.sqrt %broadcast_in_dim3A_950 : vector<1x4096xf32>
    %mul3A_952 = arith.mulf %convert_element_type3A_155, %sqrt3A : vector<1x4096xf32>
    %add3A_953 = arith.constant 9.99999993E-9 : f32
    %add3A_954 = vector.broadcast %add3A_953 : f32 to vector<1x4096xf32>
    %add3A_955 = arith.addf %mul3A_952, %add3A_954 : vector<1x4096xf32>
    %mul3A_956 = arith.mulf %convert_element_type3A_155, %broadcast_in_dim3A_946 : vector<1x4096xf32>
    %add3A_957 = arith.constant 9.99999993E-9 : f32
    %add3A_958 = vector.broadcast %add3A_957 : f32 to vector<1x4096xf32>
    %add3A_959 = arith.addf %sqrt3A_951, %add3A_958 : vector<1x4096xf32>
    %mul3A_960 = arith.mulf %add3A_955, %add3A_959 : vector<1x4096xf32>
    %div3A_961 = arith.divf %mul3A_956, %mul3A_960 : vector<1x4096xf32>
    %mul3A_962 = arith.constant 1.000000e+01 : f32
    %mul3A_963 = vector.broadcast %mul3A_962 : f32 to vector<1x4096xf32>
    %mul3A_964 = arith.mulf %div3A_961, %mul3A_963 : vector<1x4096xf32>
    %mul3A_965 = arith.constant 2.000000e+01 : f32
    %mul3A_966 = vector.broadcast %mul3A_965 : f32 to vector<1x4096xf32>
    %mul3A_967 = arith.mulf %convert_element_type3A_155, %mul3A_966 : vector<1x4096xf32>
    %div3A_968 = arith.divf %mul3A_967, %add3A_955 : vector<1x4096xf32>
    %mul3A_969 = arith.mulf %div3A_968, %mul3A_279 : vector<1x4096xf32>
    %mul3A_970 = arith.mulf %mul3A_969, %mul3A_350 : vector<1x4096xf32>
    %max3A_971 = arith.maximumf %mul3A_964, %mul3A_970 : vector<1x4096xf32>
    %mul3A_972 = arith.mulf %div3A_968, %mul3A_284 : vector<1x4096xf32>
    %mul3A_973 = arith.mulf %mul3A_972, %mul3A_360 : vector<1x4096xf32>
    %max3A_974 = arith.maximumf %max3A_971, %mul3A_973 : vector<1x4096xf32>
    %mul3A_975 = arith.mulf %div3A_968, %mul3A_289 : vector<1x4096xf32>
    %mul3A_976 = arith.mulf %mul3A_975, %mul3A_370 : vector<1x4096xf32>
    %max3A_977 = arith.maximumf %max3A_974, %mul3A_976 : vector<1x4096xf32>
    %mul3A_978 = arith.mulf %div3A_968, %mul3A_294 : vector<1x4096xf32>
    %mul3A_979 = arith.mulf %mul3A_978, %mul3A_380 : vector<1x4096xf32>
    %max3A_980 = arith.maximumf %max3A_977, %mul3A_979 : vector<1x4096xf32>
    %mul3A_981 = arith.mulf %div3A_968, %mul3A_299 : vector<1x4096xf32>
    %mul3A_982 = arith.mulf %mul3A_981, %mul3A_390 : vector<1x4096xf32>
    %max3A_983 = arith.maximumf %max3A_980, %mul3A_982 : vector<1x4096xf32>
    %mul3A_984 = arith.mulf %div3A_968, %mul3A_304 : vector<1x4096xf32>
    %mul3A_985 = arith.mulf %mul3A_984, %mul3A_400 : vector<1x4096xf32>
    %max3A_986 = arith.maximumf %max3A_983, %mul3A_985 : vector<1x4096xf32>
    %mul3A_987 = arith.mulf %div3A_968, %mul3A_309 : vector<1x4096xf32>
    %mul3A_988 = arith.mulf %mul3A_987, %mul3A_410 : vector<1x4096xf32>
    %max3A_989 = arith.maximumf %max3A_986, %mul3A_988 : vector<1x4096xf32>
    %mul3A_990 = arith.mulf %div3A_968, %mul3A_314 : vector<1x4096xf32>
    %mul3A_991 = arith.mulf %mul3A_990, %mul3A_420 : vector<1x4096xf32>
    %max3A_992 = arith.maximumf %max3A_989, %mul3A_991 : vector<1x4096xf32>
    %mul3A_993 = arith.mulf %div3A_968, %mul3A_319 : vector<1x4096xf32>
    %mul3A_994 = arith.mulf %mul3A_993, %mul3A_430 : vector<1x4096xf32>
    %max3A_995 = arith.maximumf %max3A_992, %mul3A_994 : vector<1x4096xf32>
    %mul3A_996 = arith.mulf %div3A_968, %mul3A_324 : vector<1x4096xf32>
    %mul3A_997 = arith.mulf %mul3A_996, %mul3A_440 : vector<1x4096xf32>
    %max3A_998 = arith.maximumf %max3A_995, %mul3A_997 : vector<1x4096xf32>
    %mul3A_999 = arith.mulf %div3A_968, %mul3A_329 : vector<1x4096xf32>
    %mul3A_1000 = arith.mulf %mul3A_999, %mul3A_450 : vector<1x4096xf32>
    %max3A_1001 = arith.maximumf %max3A_998, %mul3A_1000 : vector<1x4096xf32>
    %mul3A_1002 = arith.mulf %div3A_968, %mul3A_334 : vector<1x4096xf32>
    %mul3A_1003 = arith.mulf %mul3A_1002, %mul3A_460 : vector<1x4096xf32>
    %max3A_1004 = arith.maximumf %max3A_1001, %mul3A_1003 : vector<1x4096xf32>
    %mul3A_1005 = arith.mulf %div3A_968, %broadcast_in_dim3A : vector<1x4096xf32>
    %mul3A_1006 = arith.mulf %mul3A_1005, %mul3A_466 : vector<1x4096xf32>
    %max3A_1007 = arith.maximumf %max3A_1004, %mul3A_1006 : vector<1x4096xf32>
    %mul3A_1008 = arith.mulf %div3A_968, %broadcast_in_dim3A_164 : vector<1x4096xf32>
    %mul3A_1009 = arith.mulf %mul3A_1008, %mul3A_472 : vector<1x4096xf32>
    %max3A_1010 = arith.maximumf %max3A_1007, %mul3A_1009 : vector<1x4096xf32>
    %mul3A_1011 = arith.mulf %div3A_968, %broadcast_in_dim3A_174 : vector<1x4096xf32>
    %mul3A_1012 = arith.mulf %mul3A_1011, %mul3A_482 : vector<1x4096xf32>
    %max3A_1013 = arith.maximumf %max3A_1010, %mul3A_1012 : vector<1x4096xf32>
    %mul3A_1014 = arith.mulf %div3A_968, %broadcast_in_dim3A_184 : vector<1x4096xf32>
    %mul3A_1015 = arith.mulf %mul3A_1014, %mul3A_492 : vector<1x4096xf32>
    %max3A_1016 = arith.maximumf %max3A_1013, %mul3A_1015 : vector<1x4096xf32>
    %mul3A_1017 = arith.mulf %div3A_968, %broadcast_in_dim3A_194 : vector<1x4096xf32>
    %mul3A_1018 = arith.mulf %mul3A_1017, %mul3A_502 : vector<1x4096xf32>
    %max3A_1019 = arith.maximumf %max3A_1016, %mul3A_1018 : vector<1x4096xf32>
    %mul3A_1020 = arith.mulf %div3A_968, %broadcast_in_dim3A_204 : vector<1x4096xf32>
    %mul3A_1021 = arith.mulf %mul3A_1020, %mul3A_512 : vector<1x4096xf32>
    %max3A_1022 = arith.maximumf %max3A_1019, %mul3A_1021 : vector<1x4096xf32>
    %mul3A_1023 = arith.mulf %div3A_968, %broadcast_in_dim3A_214 : vector<1x4096xf32>
    %mul3A_1024 = arith.mulf %mul3A_1023, %mul3A_522 : vector<1x4096xf32>
    %max3A_1025 = arith.maximumf %max3A_1022, %mul3A_1024 : vector<1x4096xf32>
    %mul3A_1026 = arith.mulf %div3A_968, %broadcast_in_dim3A_224 : vector<1x4096xf32>
    %mul3A_1027 = arith.mulf %mul3A_1026, %mul3A_532 : vector<1x4096xf32>
    %max3A_1028 = arith.maximumf %max3A_1025, %mul3A_1027 : vector<1x4096xf32>
    %mul3A_1029 = arith.mulf %div3A_968, %broadcast_in_dim3A_234 : vector<1x4096xf32>
    %mul3A_1030 = arith.mulf %mul3A_1029, %mul3A_542 : vector<1x4096xf32>
    %max3A_1031 = arith.maximumf %max3A_1028, %mul3A_1030 : vector<1x4096xf32>
    %mul3A_1032 = arith.mulf %div3A_968, %broadcast_in_dim3A_244 : vector<1x4096xf32>
    %mul3A_1033 = arith.mulf %mul3A_1032, %mul3A_552 : vector<1x4096xf32>
    %max3A_1034 = arith.maximumf %max3A_1031, %mul3A_1033 : vector<1x4096xf32>
    %mul3A_1035 = arith.mulf %div3A_968, %broadcast_in_dim3A_254 : vector<1x4096xf32>
    %mul3A_1036 = arith.mulf %mul3A_1035, %mul3A_562 : vector<1x4096xf32>
    %max3A_1037 = arith.maximumf %max3A_1034, %mul3A_1036 : vector<1x4096xf32>
    %mul3A_1038 = arith.mulf %div3A_968, %broadcast_in_dim3A_264 : vector<1x4096xf32>
    %mul3A_1039 = arith.mulf %mul3A_1038, %mul3A_572 : vector<1x4096xf32>
    %max3A_1040 = arith.maximumf %max3A_1037, %mul3A_1039 : vector<1x4096xf32>
    %mul3A_1041 = arith.mulf %div3A_968, %broadcast_in_dim3A_274 : vector<1x4096xf32>
    %mul3A_1042 = arith.mulf %mul3A_1041, %mul3A_582 : vector<1x4096xf32>
    %max3A_1043 = arith.maximumf %max3A_1040, %mul3A_1042 : vector<1x4096xf32>
    %sub3A_1044 = arith.subf %mul3A_964, %max3A_1043 : vector<1x4096xf32>
    %exp3A_1045 = math.exp %sub3A_1044 : vector<1x4096xf32>
    %sub3A_1046 = arith.subf %mul3A_970, %max3A_1043 : vector<1x4096xf32>
    %exp3A_1047 = math.exp %sub3A_1046 : vector<1x4096xf32>
    %add3A_1048 = arith.addf %exp3A_1045, %exp3A_1047 : vector<1x4096xf32>
    %sub3A_1049 = arith.subf %mul3A_973, %max3A_1043 : vector<1x4096xf32>
    %exp3A_1050 = math.exp %sub3A_1049 : vector<1x4096xf32>
    %add3A_1051 = arith.addf %add3A_1048, %exp3A_1050 : vector<1x4096xf32>
    %sub3A_1052 = arith.subf %mul3A_976, %max3A_1043 : vector<1x4096xf32>
    %exp3A_1053 = math.exp %sub3A_1052 : vector<1x4096xf32>
    %add3A_1054 = arith.addf %add3A_1051, %exp3A_1053 : vector<1x4096xf32>
    %sub3A_1055 = arith.subf %mul3A_979, %max3A_1043 : vector<1x4096xf32>
    %exp3A_1056 = math.exp %sub3A_1055 : vector<1x4096xf32>
    %add3A_1057 = arith.addf %add3A_1054, %exp3A_1056 : vector<1x4096xf32>
    %sub3A_1058 = arith.subf %mul3A_982, %max3A_1043 : vector<1x4096xf32>
    %exp3A_1059 = math.exp %sub3A_1058 : vector<1x4096xf32>
    %add3A_1060 = arith.addf %add3A_1057, %exp3A_1059 : vector<1x4096xf32>
    %sub3A_1061 = arith.subf %mul3A_985, %max3A_1043 : vector<1x4096xf32>
    %exp3A_1062 = math.exp %sub3A_1061 : vector<1x4096xf32>
    %add3A_1063 = arith.addf %add3A_1060, %exp3A_1062 : vector<1x4096xf32>
    %sub3A_1064 = arith.subf %mul3A_988, %max3A_1043 : vector<1x4096xf32>
    %exp3A_1065 = math.exp %sub3A_1064 : vector<1x4096xf32>
    %add3A_1066 = arith.addf %add3A_1063, %exp3A_1065 : vector<1x4096xf32>
    %sub3A_1067 = arith.subf %mul3A_991, %max3A_1043 : vector<1x4096xf32>
    %exp3A_1068 = math.exp %sub3A_1067 : vector<1x4096xf32>
    %add3A_1069 = arith.addf %add3A_1066, %exp3A_1068 : vector<1x4096xf32>
    %sub3A_1070 = arith.subf %mul3A_994, %max3A_1043 : vector<1x4096xf32>
    %exp3A_1071 = math.exp %sub3A_1070 : vector<1x4096xf32>
    %add3A_1072 = arith.addf %add3A_1069, %exp3A_1071 : vector<1x4096xf32>
    %sub3A_1073 = arith.subf %mul3A_997, %max3A_1043 : vector<1x4096xf32>
    %exp3A_1074 = math.exp %sub3A_1073 : vector<1x4096xf32>
    %add3A_1075 = arith.addf %add3A_1072, %exp3A_1074 : vector<1x4096xf32>
    %sub3A_1076 = arith.subf %mul3A_1000, %max3A_1043 : vector<1x4096xf32>
    %exp3A_1077 = math.exp %sub3A_1076 : vector<1x4096xf32>
    %add3A_1078 = arith.addf %add3A_1075, %exp3A_1077 : vector<1x4096xf32>
    %sub3A_1079 = arith.subf %mul3A_1003, %max3A_1043 : vector<1x4096xf32>
    %exp3A_1080 = math.exp %sub3A_1079 : vector<1x4096xf32>
    %add3A_1081 = arith.addf %add3A_1078, %exp3A_1080 : vector<1x4096xf32>
    %sub3A_1082 = arith.subf %mul3A_1006, %max3A_1043 : vector<1x4096xf32>
    %exp3A_1083 = math.exp %sub3A_1082 : vector<1x4096xf32>
    %add3A_1084 = arith.addf %add3A_1081, %exp3A_1083 : vector<1x4096xf32>
    %sub3A_1085 = arith.subf %mul3A_1009, %max3A_1043 : vector<1x4096xf32>
    %exp3A_1086 = math.exp %sub3A_1085 : vector<1x4096xf32>
    %add3A_1087 = arith.addf %add3A_1084, %exp3A_1086 : vector<1x4096xf32>
    %sub3A_1088 = arith.subf %mul3A_1012, %max3A_1043 : vector<1x4096xf32>
    %exp3A_1089 = math.exp %sub3A_1088 : vector<1x4096xf32>
    %add3A_1090 = arith.addf %add3A_1087, %exp3A_1089 : vector<1x4096xf32>
    %sub3A_1091 = arith.subf %mul3A_1015, %max3A_1043 : vector<1x4096xf32>
    %exp3A_1092 = math.exp %sub3A_1091 : vector<1x4096xf32>
    %add3A_1093 = arith.addf %add3A_1090, %exp3A_1092 : vector<1x4096xf32>
    %sub3A_1094 = arith.subf %mul3A_1018, %max3A_1043 : vector<1x4096xf32>
    %exp3A_1095 = math.exp %sub3A_1094 : vector<1x4096xf32>
    %add3A_1096 = arith.addf %add3A_1093, %exp3A_1095 : vector<1x4096xf32>
    %sub3A_1097 = arith.subf %mul3A_1021, %max3A_1043 : vector<1x4096xf32>
    %exp3A_1098 = math.exp %sub3A_1097 : vector<1x4096xf32>
    %add3A_1099 = arith.addf %add3A_1096, %exp3A_1098 : vector<1x4096xf32>
    %sub3A_1100 = arith.subf %mul3A_1024, %max3A_1043 : vector<1x4096xf32>
    %exp3A_1101 = math.exp %sub3A_1100 : vector<1x4096xf32>
    %add3A_1102 = arith.addf %add3A_1099, %exp3A_1101 : vector<1x4096xf32>
    %sub3A_1103 = arith.subf %mul3A_1027, %max3A_1043 : vector<1x4096xf32>
    %exp3A_1104 = math.exp %sub3A_1103 : vector<1x4096xf32>
    %add3A_1105 = arith.addf %add3A_1102, %exp3A_1104 : vector<1x4096xf32>
    %sub3A_1106 = arith.subf %mul3A_1030, %max3A_1043 : vector<1x4096xf32>
    %exp3A_1107 = math.exp %sub3A_1106 : vector<1x4096xf32>
    %add3A_1108 = arith.addf %add3A_1105, %exp3A_1107 : vector<1x4096xf32>
    %sub3A_1109 = arith.subf %mul3A_1033, %max3A_1043 : vector<1x4096xf32>
    %exp3A_1110 = math.exp %sub3A_1109 : vector<1x4096xf32>
    %add3A_1111 = arith.addf %add3A_1108, %exp3A_1110 : vector<1x4096xf32>
    %sub3A_1112 = arith.subf %mul3A_1036, %max3A_1043 : vector<1x4096xf32>
    %exp3A_1113 = math.exp %sub3A_1112 : vector<1x4096xf32>
    %add3A_1114 = arith.addf %add3A_1111, %exp3A_1113 : vector<1x4096xf32>
    %sub3A_1115 = arith.subf %mul3A_1039, %max3A_1043 : vector<1x4096xf32>
    %exp3A_1116 = math.exp %sub3A_1115 : vector<1x4096xf32>
    %add3A_1117 = arith.addf %add3A_1114, %exp3A_1116 : vector<1x4096xf32>
    %sub3A_1118 = arith.subf %mul3A_1042, %max3A_1043 : vector<1x4096xf32>
    %exp3A_1119 = math.exp %sub3A_1118 : vector<1x4096xf32>
    %add3A_1120 = arith.addf %add3A_1117, %exp3A_1119 : vector<1x4096xf32>
    %log3A_1121 = math.log %add3A_1120 : vector<1x4096xf32>
    %add3A_1122 = arith.addf %max3A_1043, %log3A_1121 : vector<1x4096xf32>
    %sub3A_1123 = arith.subf %add3A_1122, %mul3A_964 : vector<1x4096xf32>
    %eq3A_1124 = arith.constant 1 : i32
    %eq3A_1125 = vector.broadcast %eq3A_1124 : i32 to vector<1x4096xi32>
    %eq3A_1126 = arith.cmpi eq, %get3A_4, %eq3A_1125 : vector<1x4096xi32>
    %convert_element_type3A_1127 = arith.extui %eq3A_1126 : vector<1x4096xi1> to vector<1x4096xi32>
    %convert_element_type3A_1128 = arith.sitofp %convert_element_type3A_1127 : vector<1x4096xi32> to vector<1x4096xf32>
    %broadcast_in_dim3A_1129 = arith.constant 0.000000e+00 : f32
    %broadcast_in_dim3A_1130 = vector.broadcast %broadcast_in_dim3A_1129 : f32 to vector<1x128xf32>
    %slice3A_1131 = vector.extract_strided_slice %convert_element_type3A_1128 {offsets = [0, 0], sizes = [1, 3968], strides = [1, 1]} : vector<1x4096xf32> to vector<1x3968xf32>
    %concatenate3A_1132 = tpu.concatenate %broadcast_in_dim3A_1130, %slice3A_1131 in 1 : vector<1x128xf32>, vector<1x3968xf32> -> vector<1x4096xf32>
    %add3A_1133 = arith.addf %convert_element_type3A_1128, %concatenate3A_1132 : vector<1x4096xf32>
    %broadcast_in_dim3A_1134 = arith.constant 0.000000e+00 : f32
    %broadcast_in_dim3A_1135 = vector.broadcast %broadcast_in_dim3A_1134 : f32 to vector<1x64xf32>
    %slice3A_1136 = vector.extract_strided_slice %convert_element_type3A_1128 {offsets = [0, 0], sizes = [1, 4032], strides = [1, 1]} : vector<1x4096xf32> to vector<1x4032xf32>
    %concatenate3A_1137 = tpu.concatenate %broadcast_in_dim3A_1135, %slice3A_1136 in 1 : vector<1x64xf32>, vector<1x4032xf32> -> vector<1x4096xf32>
    %add3A_1138 = arith.addf %add3A_1133, %concatenate3A_1137 : vector<1x4096xf32>
    %broadcast_in_dim3A_1139 = arith.constant 0.000000e+00 : f32
    %broadcast_in_dim3A_1140 = vector.broadcast %broadcast_in_dim3A_1139 : f32 to vector<1x64xf32>
    %slice3A_1141 = vector.extract_strided_slice %convert_element_type3A_1128 {offsets = [0, 64], sizes = [1, 4032], strides = [1, 1]} : vector<1x4096xf32> to vector<1x4032xf32>
    %concatenate3A_1142 = tpu.concatenate %slice3A_1141, %broadcast_in_dim3A_1140 in 1 : vector<1x4032xf32>, vector<1x64xf32> -> vector<1x4096xf32>
    %add3A_1143 = arith.addf %add3A_1138, %concatenate3A_1142 : vector<1x4096xf32>
    %broadcast_in_dim3A_1144 = arith.constant 0.000000e+00 : f32
    %broadcast_in_dim3A_1145 = vector.broadcast %broadcast_in_dim3A_1144 : f32 to vector<1x128xf32>
    %slice3A_1146 = vector.extract_strided_slice %convert_element_type3A_1128 {offsets = [0, 128], sizes = [1, 3968], strides = [1, 1]} : vector<1x4096xf32> to vector<1x3968xf32>
    %concatenate3A_1147 = tpu.concatenate %slice3A_1146, %broadcast_in_dim3A_1145 in 1 : vector<1x3968xf32>, vector<1x128xf32> -> vector<1x4096xf32>
    %add3A_1148 = arith.addf %add3A_1143, %concatenate3A_1147 : vector<1x4096xf32>
    %broadcast_in_dim3A_1149 = arith.constant 0.000000e+00 : f32
    %broadcast_in_dim3A_1150 = vector.broadcast %broadcast_in_dim3A_1149 : f32 to vector<1x2xf32>
    %slice3A_1151 = vector.extract_strided_slice %add3A_1148 {offsets = [0, 0], sizes = [1, 4094], strides = [1, 1]} : vector<1x4096xf32> to vector<1x4094xf32>
    %concatenate3A_1152 = tpu.concatenate %broadcast_in_dim3A_1150, %slice3A_1151 in 1 : vector<1x2xf32>, vector<1x4094xf32> -> vector<1x4096xf32>
    %mul3A_1153 = arith.mulf %concatenate3A_1152, %convert_element_type3A_73 : vector<1x4096xf32>
    %add3A_1154 = arith.addf %add3A_1148, %mul3A_1153 : vector<1x4096xf32>
    %broadcast_in_dim3A_1155 = arith.constant 0.000000e+00 : f32
    %broadcast_in_dim3A_1156 = vector.broadcast %broadcast_in_dim3A_1155 : f32 to vector<1x1xf32>
    %slice3A_1157 = vector.extract_strided_slice %add3A_1148 {offsets = [0, 0], sizes = [1, 4095], strides = [1, 1]} : vector<1x4096xf32> to vector<1x4095xf32>
    %concatenate3A_1158 = tpu.concatenate %broadcast_in_dim3A_1156, %slice3A_1157 in 1 : vector<1x1xf32>, vector<1x4095xf32> -> vector<1x4096xf32>
    %mul3A_1159 = arith.mulf %concatenate3A_1158, %convert_element_type3A_88 : vector<1x4096xf32>
    %add3A_1160 = arith.addf %add3A_1154, %mul3A_1159 : vector<1x4096xf32>
    %broadcast_in_dim3A_1161 = arith.constant 0.000000e+00 : f32
    %broadcast_in_dim3A_1162 = vector.broadcast %broadcast_in_dim3A_1161 : f32 to vector<1x1xf32>
    %slice3A_1163 = vector.extract_strided_slice %add3A_1148 {offsets = [0, 1], sizes = [1, 4095], strides = [1, 1]} : vector<1x4096xf32> to vector<1x4095xf32>
    %concatenate3A_1164 = tpu.concatenate %slice3A_1163, %broadcast_in_dim3A_1162 in 1 : vector<1x4095xf32>, vector<1x1xf32> -> vector<1x4096xf32>
    %mul3A_1165 = arith.mulf %concatenate3A_1164, %convert_element_type3A_118 : vector<1x4096xf32>
    %add3A_1166 = arith.addf %add3A_1160, %mul3A_1165 : vector<1x4096xf32>
    %broadcast_in_dim3A_1167 = arith.constant 0.000000e+00 : f32
    %broadcast_in_dim3A_1168 = vector.broadcast %broadcast_in_dim3A_1167 : f32 to vector<1x2xf32>
    %slice3A_1169 = vector.extract_strided_slice %add3A_1148 {offsets = [0, 2], sizes = [1, 4094], strides = [1, 1]} : vector<1x4096xf32> to vector<1x4094xf32>
    %concatenate3A_1170 = tpu.concatenate %slice3A_1169, %broadcast_in_dim3A_1168 in 1 : vector<1x4094xf32>, vector<1x2xf32> -> vector<1x4096xf32>
    %mul3A_1171 = arith.mulf %concatenate3A_1170, %convert_element_type3A_133 : vector<1x4096xf32>
    %add3A_1172 = arith.addf %add3A_1166, %mul3A_1171 : vector<1x4096xf32>
    %sub3A_1173 = arith.subf %add3A_1172, %convert_element_type3A_1128 : vector<1x4096xf32>
    %ge3A_1174 = arith.constant 1.000000e+00 : f32
    %ge3A_1175 = vector.broadcast %ge3A_1174 : f32 to vector<1x4096xf32>
    %ge3A_1176 = arith.cmpf oge, %sub3A_1173, %ge3A_1175 : vector<1x4096xf32>
    %convert_element_type3A_1177 = arith.extui %ge3A_1176 : vector<1x4096xi1> to vector<1x4096xi32>
    %convert_element_type3A_1178 = arith.sitofp %convert_element_type3A_1177 : vector<1x4096xi32> to vector<1x4096xf32>
    %mul3A_1179 = arith.mulf %convert_element_type3A_1178, %convert_element_type3A_142 : vector<1x4096xf32>
    %mul3A_1180 = arith.mulf %mul3A_1179, %convert_element_type3A_1128 : vector<1x4096xf32>
    %mul3A_1181 = arith.mulf %mul3A_1180, %convert_element_type3A_58 : vector<1x4096xf32>
    %mul3A_1182 = arith.mulf %sub3A_1123, %mul3A_1181 : vector<1x4096xf32>
    %reduce_sum3A_1183 = vector.shape_cast %mul3A_1182 : vector<1x4096xf32> to vector<1x1x4096xf32>
    %reduce_sum3A_1184 = arith.constant dense<0.000000e+00> : vector<1xf32>
    %reduce_sum3A_1185 = vector.multi_reduction <add>, %reduce_sum3A_1183, %reduce_sum3A_1184 [1, 2] : vector<1x1x4096xf32> to vector<1xf32>
    %reduce_sum3A_1186 = vector.shape_cast %reduce_sum3A_1185 : vector<1xf32> to vector<1x1x1xf32>
    %reduce_sum3A_1187 = vector.extract %reduce_sum3A_1186[0, 0, 0] : f32 from vector<1x1x1xf32>
    %reduce_sum3A_1188 = vector.shape_cast %mul3A_1181 : vector<1x4096xf32> to vector<1x1x4096xf32>
    %reduce_sum3A_1189 = arith.constant dense<0.000000e+00> : vector<1xf32>
    %reduce_sum3A_1190 = vector.multi_reduction <add>, %reduce_sum3A_1188, %reduce_sum3A_1189 [1, 2] : vector<1x1x4096xf32> to vector<1xf32>
    %reduce_sum3A_1191 = vector.shape_cast %reduce_sum3A_1190 : vector<1xf32> to vector<1x1x1xf32>
    %reduce_sum3A_1192 = vector.extract %reduce_sum3A_1191[0, 0, 0] : f32 from vector<1x1x1xf32>
    %broadcast_in_dim3A_1193 = vector.broadcast %reduce_sum3A_883 : f32 to vector<1x1xf32>
    %broadcast_in_dim3A_1194 = vector.broadcast %reduce_sum3A_888 : f32 to vector<1x1xf32>
    %broadcast_in_dim3A_1195 = vector.broadcast %reduce_sum3A_1187 : f32 to vector<1x1xf32>
    %broadcast_in_dim3A_1196 = vector.broadcast %reduce_sum3A_1192 : f32 to vector<1x1xf32>
    %broadcast_in_dim3A_1197 = arith.constant 0.000000e+00 : f32
    %broadcast_in_dim3A_1198 = vector.broadcast %broadcast_in_dim3A_1197 : f32 to vector<1x4xf32>
    %concatenate3A_1199 = tpu.concatenate %broadcast_in_dim3A_1193, %broadcast_in_dim3A_1194, %broadcast_in_dim3A_1195, %broadcast_in_dim3A_1196, %broadcast_in_dim3A_1198 in 1 : vector<1x1xf32>, vector<1x1xf32>, vector<1x1xf32>, vector<1x1xf32>, vector<1x4xf32> -> vector<1x8xf32>
    %swap3A = arith.constant 0 : index
    %swap3A_1200 = arith.constant 0 : index
    %swap3A_1201 = vector.load %arg4[%swap3A, %swap3A_1200] : memref<1x8xf32, #tpu.memory_space<vmem>>, vector<1x8xf32>
    tpu.vector_store %arg4[%swap3A, %swap3A_1200], %concatenate3A_1199 {strides = array<i32>} : memref<1x8xf32, #tpu.memory_space<vmem>>, vector<1x8xf32>,
    return
  }
}

module attributes {stable_mosaic.version = 14 : i64} {
  func.func @_combine_kernel(%arg0: memref<32x64xf32, #tpu.memory_space<vmem>>, %arg1: memref<1x8xf32, #tpu.memory_space<vmem>>, %arg2: memref<1x1xf32, #tpu.memory_space<vmem>>) attributes {dimension_semantics = [], scalar_prefetch = 0 : i64, scratch_operands = 0 : i64, tpu.core_type = #tpu.core_type<tc>} {
    %get3A = arith.constant 0 : index
    %get3A_0 = arith.constant 0 : index
    %get3A_1 = vector.load %arg0[%get3A, %get3A_0] : memref<32x64xf32, #tpu.memory_space<vmem>>, vector<32x64xf32>
    %get3A_2 = arith.constant 0 : index
    %get3A_3 = arith.constant 0 : index
    %get3A_4 = vector.load %arg1[%get3A_2, %get3A_3] : memref<1x8xf32, #tpu.memory_space<vmem>>, vector<1x8xf32>
    %slice3A = vector.extract_strided_slice %get3A_1 {offsets = [0, 0], sizes = [32, 16], strides = [1, 1]} : vector<32x64xf32> to vector<32x16xf32>
    %reduce_sum3A = vector.shape_cast %slice3A : vector<32x16xf32> to vector<1x32x16xf32>
    %reduce_sum3A_5 = arith.constant dense<0.000000e+00> : vector<1xf32>
    %reduce_sum3A_6 = vector.multi_reduction <add>, %reduce_sum3A, %reduce_sum3A_5 [1, 2] : vector<1x32x16xf32> to vector<1xf32>
    %reduce_sum3A_7 = vector.shape_cast %reduce_sum3A_6 : vector<1xf32> to vector<1x1x1xf32>
    %reduce_sum3A_8 = vector.extract %reduce_sum3A_7[0, 0, 0] : f32 from vector<1x1x1xf32>
    %slice3A_9 = vector.extract_strided_slice %get3A_4 {offsets = [0, 0], sizes = [1, 1], strides = [1, 1]} : vector<1x8xf32> to vector<1x1xf32>
    %squeeze3A = vector.extract %slice3A_9[0, 0] : f32 from vector<1x1xf32>
    %add3A = arith.addf %reduce_sum3A_8, %squeeze3A : f32
    %slice3A_10 = vector.extract_strided_slice %get3A_1 {offsets = [0, 16], sizes = [32, 16], strides = [1, 1]} : vector<32x64xf32> to vector<32x16xf32>
    %reduce_sum3A_11 = vector.shape_cast %slice3A_10 : vector<32x16xf32> to vector<1x32x16xf32>
    %reduce_sum3A_12 = arith.constant dense<0.000000e+00> : vector<1xf32>
    %reduce_sum3A_13 = vector.multi_reduction <add>, %reduce_sum3A_11, %reduce_sum3A_12 [1, 2] : vector<1x32x16xf32> to vector<1xf32>
    %reduce_sum3A_14 = vector.shape_cast %reduce_sum3A_13 : vector<1xf32> to vector<1x1x1xf32>
    %reduce_sum3A_15 = vector.extract %reduce_sum3A_14[0, 0, 0] : f32 from vector<1x1x1xf32>
    %slice3A_16 = vector.extract_strided_slice %get3A_4 {offsets = [0, 1], sizes = [1, 1], strides = [1, 1]} : vector<1x8xf32> to vector<1x1xf32>
    %squeeze3A_17 = vector.extract %slice3A_16[0, 0] : f32 from vector<1x1xf32>
    %add3A_18 = arith.addf %reduce_sum3A_15, %squeeze3A_17 : f32
    %slice3A_19 = vector.extract_strided_slice %get3A_1 {offsets = [0, 32], sizes = [32, 16], strides = [1, 1]} : vector<32x64xf32> to vector<32x16xf32>
    %reduce_sum3A_20 = vector.shape_cast %slice3A_19 : vector<32x16xf32> to vector<1x32x16xf32>
    %reduce_sum3A_21 = arith.constant dense<0.000000e+00> : vector<1xf32>
    %reduce_sum3A_22 = vector.multi_reduction <add>, %reduce_sum3A_20, %reduce_sum3A_21 [1, 2] : vector<1x32x16xf32> to vector<1xf32>
    %reduce_sum3A_23 = vector.shape_cast %reduce_sum3A_22 : vector<1xf32> to vector<1x1x1xf32>
    %reduce_sum3A_24 = vector.extract %reduce_sum3A_23[0, 0, 0] : f32 from vector<1x1x1xf32>
    %slice3A_25 = vector.extract_strided_slice %get3A_4 {offsets = [0, 2], sizes = [1, 1], strides = [1, 1]} : vector<1x8xf32> to vector<1x1xf32>
    %squeeze3A_26 = vector.extract %slice3A_25[0, 0] : f32 from vector<1x1xf32>
    %add3A_27 = arith.addf %reduce_sum3A_24, %squeeze3A_26 : f32
    %slice3A_28 = vector.extract_strided_slice %get3A_1 {offsets = [0, 48], sizes = [32, 16], strides = [1, 1]} : vector<32x64xf32> to vector<32x16xf32>
    %reduce_sum3A_29 = vector.shape_cast %slice3A_28 : vector<32x16xf32> to vector<1x32x16xf32>
    %reduce_sum3A_30 = arith.constant dense<0.000000e+00> : vector<1xf32>
    %reduce_sum3A_31 = vector.multi_reduction <add>, %reduce_sum3A_29, %reduce_sum3A_30 [1, 2] : vector<1x32x16xf32> to vector<1xf32>
    %reduce_sum3A_32 = vector.shape_cast %reduce_sum3A_31 : vector<1xf32> to vector<1x1x1xf32>
    %reduce_sum3A_33 = vector.extract %reduce_sum3A_32[0, 0, 0] : f32 from vector<1x1x1xf32>
    %slice3A_34 = vector.extract_strided_slice %get3A_4 {offsets = [0, 3], sizes = [1, 1], strides = [1, 1]} : vector<1x8xf32> to vector<1x1xf32>
    %squeeze3A_35 = vector.extract %slice3A_34[0, 0] : f32 from vector<1x1xf32>
    %add3A_36 = arith.addf %reduce_sum3A_33, %squeeze3A_35 : f32
    %max3A = arith.constant 1.000000e+00 : f32
    %max3A_37 = arith.maximumf %add3A_18, %max3A : f32
    %div3A = arith.divf %add3A, %max3A_37 : f32
    %max3A_38 = arith.constant 1.000000e+00 : f32
    %max3A_39 = arith.maximumf %add3A_36, %max3A_38 : f32
    %div3A_40 = arith.divf %add3A_27, %max3A_39 : f32
    %add3A_41 = arith.addf %div3A, %div3A_40 : f32
    %broadcast_in_dim3A = vector.broadcast %add3A_41 : f32 to vector<1x1xf32>
    %swap3A = arith.constant 0 : index
    %swap3A_42 = arith.constant 0 : index
    %swap3A_43 = vector.load %arg2[%swap3A, %swap3A_42] : memref<1x1xf32, #tpu.memory_space<vmem>>, vector<1x1xf32>
    tpu.vector_store %arg2[%swap3A, %swap3A_42], %broadcast_in_dim3A {strides = array<i32>} : memref<1x1xf32, #tpu.memory_space<vmem>>, vector<1x1xf32>,
    return
  }
}

</mosaic_0001>

<sc_bundles>
// kernel: kernel.5.cloned.1.call-start
scs
__scs_entry_jumppad:
0x0: {  	(pc) =	sbr.rel $0x88, $3  }
0x1: {  	(tag) =	ssettag $0x0;
	lr =	simm.s32 $0x1  }
0x2: {  	[smem:$0x3F9D] =	sst lr;
	_ =	strace $0xD0000000  }
0x3: {  	_ = 	snop  }
0x4: {  	_ = 	snop  }
0x5: {  	_ = 	snop  }
0x6: {  	_ = 	snop  }
0x7: {  	_ = 	snop  }
__scs_overlays_trampoline_lowered:
0x8: {  	[smem:$0x3FAC] =	sst s0  }
0x9: {  	[smem:$0x3FAD] =	sst s1  }
0xa: {  	[smem:$0x3FAE] =	sst s2  }
0xb: {  	[smem:$0x3FAF] =	sst s3  }
0xc: {  	[smem:$0x3FB0] =	sst s4  }
0xd: {  	[smem:$0x3FB1] =	sst s5  }
0xe: {  	[smem:$0x3FB2] =	sst s6  }
0xf: {  	[smem:$0x3FB3] =	sst s7  }
0x10: {  	[smem:$0x3FB4] =	sst s8  }
0x11: {  	[smem:$0x3FB5] =	sst s9;
	s0 =	simm.s32 @!p0 $0x0  }
0x12: {  	s1 =	sld [smem:$0x3F9B];
	s0 =	simm.s32 @p0 $0x1  }
0x13: {  	[smem:$0x3FB6] =	sst s0;
	s0 =	simm.s32 @!p1 $0x0  }
0x14: {  	s2 =	sld [smem:$0x3F9A];
	s0 =	simm.s32 @p1 $0x1  }
0x15: {  	[smem:$0x3FB7] =	sst s0;
	s0 =	simm.s32 @!p2 $0x0  }
0x16: {  	s3 =	sld [smem:$0x3FDB];
	s0 =	simm.s32 @p2 $0x1  }
0x17: {  	s4 =	simm.s32 $0x1BF5;
	[smem:$0x3FB9] =	sst s0  }
0x18: {  	s0 =	sld [smem:$0x3F9C];
	_ =	swait.ge [sflag:s4], $0x0  }
0x19: {  	s7 =	sld [smem:$0x3F9D]  }
0x1a: {  	s8 =	sadd.s32 $0xFFFFE003, lr  }
0x1b: {  	s9 =	sadd.s32 $0xFFFFFEF7, lr;
	s5 =	simm.s32 $0xFFFFFFFF;
	p2 =	slt.u32 s8, $0xFFFFF086  }
0x1c: {  	p1 =	slt.u32 s9, $0xF7A;
	s5 =	simm.s32 @!p2 $0x0  }
0x1d: {  	s5 =	simm.s32 @p1 $0x1;
	p0 =	seq.s32 s7, s2  }
0x1e: {  	s7 =	smul.u32 @!p0 $0xF7A, s2;
	p2 =	seq.s32 @!p0 s5, $0x0  }
0x1f: {  	s9 =	smul.u32 $0xF7A, s1;
	s8 =	simm.s32 @!p0 $0x1BF5;
	p2 =	por !p2, p0  }
0x20: {  	[sflag:s8] =	ssyncset.s32 @!p0 $0xFFFFF086;
	s6 =	sadd.s32 @!p0 s3, s7;
	s7 =	simm.s32 @!p0 $0x108  }
0x21: {  	s3 =	sadd.s32 s3, s9;
	s6 =	sadd.s32 @!p0 $0x88, s6;
	s7 =	simm.s32 @p2 $0x1082  }
0x22: {  	[simem:s7], [sflag:s8] =	dma.local @!p0 [hbm:s6], $0xF7A  }
0x23: {  	s9 =	sor.u32 $0xD0000000, s2;
	s6 =	simm.s32 $0x108;
	_ =	swait.ge @!p0 [sflag:s8], $0x0  }
0x24: {  	s3 =	sadd.s32 $0x88, s3;
	s6 =	simm.s32 @!p1 $0x1082;
	[sflag:s4] =	ssyncset.s32 $0xFFFFF086  }
0x25: {  	[simem:s6], [sflag:s4] =	dma.local [hbm:s3], $0xF7A  }
0x26: {  	[smem:$0x3F9D] =	sst s1;
	(tag) =	ssettag s2;
	_ =	strace s9  }
0x27: {  	s1 =	sld [smem:$0x3FAD]  }
0x28: {  	s2 =	sld [smem:$0x3FAE]  }
0x29: {  	s4 =	sld [smem:$0x3FB0]  }
0x2a: {  	p0 =	seq.s32 s5, $0x0;
	s5 =	sld [smem:$0x3FB1]  }
0x2b: {  	s6 =	sld [smem:$0x3FB2]  }
0x2c: {  	s7 =	sld [smem:$0x3FB3]  }
0x2d: {  	s3 =	simm.s32 $0x108;
	s8 =	sld [smem:$0x3FB4]  }
0x2e: {  	s3 =	simm.s32 @!p0 $0x1082;
	s9 =	sld [smem:$0x3FB5]  }
0x2f: {  	lr =	sadd.s32 s0, s3;
	s0 =	sld [smem:$0x3FAC]  }
0x30: {  	s3 =	sld [smem:$0x3FAF]  }
0x31: {  	[smem:$0x3FB8] =	sst s10  }
0x32: {  	s10 =	sld [smem:$0x3FB6];
	_ =	sdelay $0x3  }
0x33: {  	p0 =	seq.s32 s10, $0x1;
	s10 =	sld [smem:$0x3FB8];
	_ =	sdelay $0x3  }
0x34: {  	[smem:$0x3FB8] =	sst s10  }
0x35: {  	s10 =	sld [smem:$0x3FB7];
	_ =	sdelay $0x3  }
0x36: {  	p1 =	seq.s32 s10, $0x1;
	s10 =	sld [smem:$0x3FB8];
	_ =	sdelay $0x3  }
0x37: {  	[smem:$0x3FB8] =	sst s10  }
0x38: {  	s10 =	sld [smem:$0x3FB9]  }
0x39: {  	_ = 	snop;
	(pc) =	sbr.ind lr, $3  }
0x3a: {  	_ = 	snop  }
0x3b: {  	_ = 	snop  }
0x3c: {  	p2 =	seq.s32 s10, $0x1;
	s10 =	sld [smem:$0x3FB8]  }
0x3d: {  	_ =	shalt  }
0x3e: {  	_ =	shalt  }
0x3f: {  	_ =	shalt  }
0x40: {  	_ =	shalt  }
0x41: {  	_ =	shalt  }
0x42: {  	_ =	shalt  }
0x43: {  	_ =	shalt  }
0x44: {  	_ =	shalt  }
0x45: {  	_ =	shalt  }
0x46: {  	_ =	shalt  }
0x47: {  	_ =	shalt  }
0x48: {  	_ =	shalt  }
0x49: {  	_ =	shalt  }
0x4a: {  	_ =	shalt  }
0x4b: {  	_ =	shalt  }
0x4c: {  	_ =	shalt  }
0x4d: {  	_ =	shalt  }
0x4e: {  	_ =	shalt  }
0x4f: {  	_ =	shalt  }
0x50: {  	_ =	shalt  }
0x51: {  	_ =	shalt  }
0x52: {  	_ =	shalt  }
0x53: {  	_ =	shalt  }
0x54: {  	_ =	shalt  }
0x55: {  	_ =	shalt  }
0x56: {  	_ =	shalt  }
0x57: {  	_ =	shalt  }
0x58: {  	_ =	shalt  }
0x59: {  	_ =	shalt  }
0x5a: {  	_ =	shalt  }
0x5b: {  	_ =	shalt  }
0x5c: {  	_ =	shalt  }
0x5d: {  	_ =	shalt  }
0x5e: {  	_ =	shalt  }
0x5f: {  	_ =	shalt  }
0x60: {  	_ =	shalt  }
0x61: {  	_ =	shalt  }
0x62: {  	_ =	shalt  }
0x63: {  	_ =	shalt  }
0x64: {  	_ =	shalt  }
0x65: {  	_ =	shalt  }
0x66: {  	_ =	shalt  }
0x67: {  	_ =	shalt  }
0x68: {  	_ =	shalt  }
0x69: {  	_ =	shalt  }
0x6a: {  	_ =	shalt  }
0x6b: {  	_ =	shalt  }
0x6c: {  	_ =	shalt  }
0x6d: {  	_ =	shalt  }
0x6e: {  	_ =	shalt  }
0x6f: {  	_ =	shalt  }
0x70: {  	_ =	shalt  }
0x71: {  	_ =	shalt  }
0x72: {  	_ =	shalt  }
0x73: {  	_ =	shalt  }
0x74: {  	_ =	shalt  }
0x75: {  	_ =	shalt  }
0x76: {  	_ =	shalt  }
0x77: {  	_ =	shalt  }
0x78: {  	_ =	shalt  }
0x79: {  	_ =	shalt  }
0x7a: {  	_ =	shalt  }
0x7b: {  	_ =	shalt  }
0x7c: {  	_ =	shalt  }
0x7d: {  	_ =	shalt  }
0x7e: {  	_ =	shalt  }
0x7f: {  	_ =	shalt  }
0x80: {  	_ =	shalt  }
0x81: {  	_ =	shalt  }
0x82: {  	_ =	shalt  }
0x83: {  	_ =	shalt  }
0x84: {  	_ =	shalt  }
0x85: {  	_ =	shalt  }
0x86: {  	_ =	shalt  }
0x87: {  	_ =	shalt  }
.Lfunc_end0:
.L_simem_size_0:
called_computation_lowered:
.L_overlay_start_0:
0x88: {  	s2 =	sld [smem:$0x3FD9]  }
0x89: {  	s3 =	sld [smem:$0x3FFE];
	_ =	sdelay $0x1  }
0x8a: {  	s1 =	srdreg.scid  }
0x8b: {  	s0 =	sand.u32 $0x1, s1  }
0x8c: {  	s16 =	sshll.u32 s0, $0xA;
	s2 =	sadd.s32 s3, s2  }
0x8d: {  	s2 =	sadd.s32 s2, s16  }
0x8e: {  	[smem:$0x3FC4] =	sst s2  }
0x8f: {  	_ = 	snop  }
0x90: {  	(tm) =	ssettm $0x1  }
0x91: {  	s17 =	sld [smem:$0x3FFB];
	_ =	sdelay $0x3  }
0x92: {  	_ =	strace s17  }
0x93: {  	s2 =	sld [smem:$0x3FFC];
	_ =	sdelay $0x3  }
0x94: {  	_ =	strace s2  }
0x95: {  	s2 =	sld [smem:$0x3FFD];
	_ =	sdelay $0x3  }
0x96: {  	_ =	strace s2  }
0x97: {  	_ =	strace $0x8FFFFFFF  }
0x98: {  	s18 =	sld [smem:$0x3FDB];
	_ =	sdelay $0x1  }
0x99: {  	s19 =	simm.s32 $_scs_section_size  }
0x9a: {  	s4 =	simm.s32 $_size__tile_overlayer_lowered;
	s5 =	simm.s32 $_tile_overlayer_lowered  }
0x9b: {  	s22 =	simm.s32 $0x1BFF;
	s21 =	sshll.u32 s5, $0x1;
	s2 =	sadd.s32 s19, s18  }
0x9c: {  	s6 =	simm.s32 $0x0;
	s20 =	sshll.u32 s4, $0x1;
	s4 =	sadd.s32 s21, s2  }
0x9d: {  	[timem:s6], [sflag:s22] =	dma.local [hbm:s4], s20  }
0x9e: {  	_ =	swait.ge [sflag:s22], s20  }
0x9f: {  	s3 =	ssub.s32 $0x0, s20;
	[sflag:s22] =	ssyncset.done $0x0  }
0xa0: {  	[sflag:s22] =	ssyncadd.s32 s3;
	_ =	sdelay $0x1  }
0xa1: {  	s23 =	simm.s32 $0x1B8B  }
0xa2: {  	_ =	swait.ge [sflag:s23], $0x1  }
0xa3: {  	[sflag:s23] =	ssyncset.done $0x0  }
0xa4: {  	s25 =	simm.s32 $0x1B8E;
	s24 =	sld [smem:$0x3FFE];
	[sflag:s23] =	ssyncadd.s32 $0xFFFFFFFF  }
0xa5: {  	s26 =	simm.s32 $execute0_lowered;
	[smem:$0x3FD2] =	sst s25  }
0xa6: {  	s4 =	sshll.u32 s26, $0x1;
	_ =	strace $0x80000046;
	[dreg:$0x1] =	wrdreg $0xFFFFFFFF  }
0xa7: {  	s28 =	simm.s32 $_size_execute0_lowered;
	s2 =	sadd.s32 s2, s4;
	[dreg:$0x0] =	wrdreg $0x0  }
0xa8: {  	s4 =	sshll.u32 s28, $0x1;
	[dreg:$0x2] =	wrdreg s2  }
0xa9: {  	[dreg:$0x3] =	wrdreg s4  }
0xaa: {  	[dreg:$0x4] =	wrdreg $0xC0  }
0xab: {  	_ =	task [dreg:s6], $0x5FFFF  }
0xac: {  	[dreg:$0x1] =	wrdreg $0xFFFFFFFF  }
0xad: {  	[dreg:$0x0] =	wrdreg $0x60  }
0xae: {  	[dreg:$0x2] =	wrdreg s24  }
0xaf: {  	[dreg:$0x3] =	wrdreg $0x9  }
0xb0: {  	_ =	task.clear_ibuf [dreg:s6], $0x4FFFF;
	_ =	strace $0x90000046  }
0xb1: {  	s29 =	simm.s32 $0x9;
	_ =	strace $0x80000048  }
0xb2: {  	_ =	swait.ge [sflag:s29], $0x1  }
0xb3: {  	[sflag:s29] =	ssyncadd.s32 $0xFFFFFFFF  }
0xb4: {  	_ =	strace $0x90000048  }
0xb5: {  	_ =	sfence  }
0xb6: {  	s30 =	sld [smem:$0x0];
	_ =	sdelay $0x2  }
0xb7: {  	s31 =	sshll.u32 s1, $0xD;
	s1 =	sshrl.u32 s1, $0x2  }
0xb8: {  	s3 =	sand.u32 $0x4000, s31;
	s1 =	sadd.s32 s1, s30  }
0xb9: {  	s0 =	sor.u32 s3, s0;
	s1 =	sshll.u32 s1, $0x11  }
0xba: {  	s0 =	sor.u32 s1, s0  }
0xbb: {  	s0 =	sadd.s32 $0x8F2B, s0  }
0xbc: {  	[sflag:s0] =	ssyncadd.remote.s32 $0x1  }
0xbd: {  	_ =	sfence.sel $0xFFFF  }
0xbe: {  	[dreg:$0x0] =	wrdreg $0xFFFFFFFF;
	(pc) =	sbr.abs _section_cstart, $3  }
0xbf: {  	[dreg:$0x1] =	wrdreg $0xFFFFFFFF  }
0xc0: {  	_ =	task.clear_ibuf [dreg:s6], $0x2FFFF;
	_ =	strace $0x9FFFFFFF  }
0xc1: {  	(tm) =	ssettm $0x7FFFFFFF  }
tec
execute0_lowered:
.L_overlay_start_1:
0x0: {  	(tag) =	ssettag $0x1  }
0x1: {  	s1 =	srdreg.scid  }
0x2: {  	s0 =	stileid.u32;
	s5 =	rddreg [dreg:$0x0]  }
0x3: {  	s2 =	simm.s32 $0x0;
	s3 =	sand.u32 $0x1, s1;
	s29 =	sshll.u32 s0, $0x1  }
0x4: {  	s14 =	simm.s32 $0x14200;
	s15 =	simm.s32 $0x14500;
	s4 =	sor.u32 s3, s29  }
0x5: {  	s16 =	simm.s32 $0x17400;
	[smem:$0x7FF] =	sst s2;
	s6 =	smul.u32 $0x2802, s4  }
0x6: {  	s1 =	rddreg [dreg:$0x1];
	_ =	strace $0x80000047;
	s7 =	smul.u32 $0x2A, s4  }
0x7: {  	s3 =	ssub.s32 $0x2, s3;
	s8 =	smul.u32 $0x54, s4;
	s9 =	sshll.u32 s4, $0x1  }
0x8: {  	s10 =	sshll.u32 s4, $0x4;
	s11 =	sand.u32 $0x3, s4;
	s30 =	sshrl.u32 s3, $0x1  }
0x9: {  	s9 =	sadd.s32 s9, s5;
	s10 =	sadd.s32 s10, s5;
	s12 =	smul.u32 $0x140, s11  }
0xa: {  	s13 =	ssub.s32 s3, s30;
	s6 =	sadd.s32 s6, s5;
	s7 =	sadd.s32 s7, s5  }
0xb: {  	s8 =	sadd.s32 s8, s5;
	s10 =	sadd.s32 $0x51C00, s10;
	s3 =	sadd.s32 $0x600, s6  }
0xc: {  	s4 =	sadd.s32 $0x50800, s7;
	s5 =	sadd.s32 $0x50E00, s8;
	s6 =	sshll.u32 s11, $0x4  }
0xd: {  	vm0 =	vcmask $0x700;
	s31 =	sshrl.u32 s12, $0x2;
	s7 =	sadd.s32 $0x51A00, s9;
	s11 =	smax.u32 s13, $0x1  }
0xe: {  	v0 =	vimm.f32 $1.000000000e+00;
	vm1 =	vcmask $0x300;
	vm2 =	vcmask $0x3B00;
	s12 =	simm.s32 $0x1;
	s13 =	simm.s32 $0x14080;
	s17 =	sor.u32 $0x14D00, s31  }
0xf: {  	v1 =	vimm.f32 $0.0e+00;
	vm3 =	vcmask $0x3700;
	s8 =	sor.u32 $0x88, s6;
	s9 =	sor.u32 $0x6, s6;
	v2 =	vmov s17;
	s17 =	simm.s32 $0x0  }
.LBB2_1:
0x10: {  	[tilespmem:s2], [sflag:$0x1] =	stream.linear.gather [hbm4b:s3+s2], $0x14010, $0x38;
	[tilespmem:$0x17480] =	vst v63  }
0x11: {  	_ =	swait.ge [sflag:s12], $0x14010  }
0x12: {  	[sflag:s12] =	ssyncset.done $0x0  }
0x13: {  	[sflag:s12] =	ssyncadd.s32 $0xFFFEBFF0  }
0x14: {  	[tilespmem:s13], [sflag:$0x1] =	stream.linear.gather [hbm4b:s4+s2], $0x150, $0x38;
	[tilespmem:$0x17480] =	vst v63  }
0x15: {  	_ =	swait.ge [sflag:s12], $0x150  }
0x16: {  	[sflag:s12] =	ssyncset.done $0x0  }
0x17: {  	[sflag:s12] =	ssyncadd.s32 $0xFFFFFEB0  }
0x18: {  	[tilespmem:s14], [sflag:$0x1] =	stream.linear.gather [hbm4b:s5+s2], $0x2A0, $0x38;
	[tilespmem:$0x17480] =	vst v63  }
0x19: {  	_ =	swait.ge [sflag:s12], $0x2A0  }
0x1a: {  	[sflag:s12] =	ssyncset.done $0x0  }
0x1b: {  	[sflag:s12] =	ssyncadd.s32 $0xFFFFFD60  }
0x1c: {  	[tilespmem:s15], [sflag:$0x1] =	stream.linear.gather [hbm4b:s7+s2], $0x10, $0x38;
	[tilespmem:$0x17480] =	vst v63  }
0x1d: {  	_ =	swait.ge [sflag:s12], $0x10  }
0x1e: {  	[sflag:s12] =	ssyncset.done $0x0  }
0x1f: {  	[sflag:s12] =	ssyncadd.s32 $0xFFFFFFF0  }
0x20: {  	v3 =	vld [tilespmem:$0x14200]  }
0x21: {  	v4 =	vld [tilespmem:$0x14350];
	_ =	sdelay $0x1  }
0x22: {  	v5 =	vld [tilespmem:$0x14080]  }
0x23: {  	v6 =	vld [tilespmem:$0x14210]  }
0x24: {  	v7 =	vld [tilespmem:$0x14360]  }
0x25: {  	vm4 =	vgt.f32 v4, v3  }
0x26: {  	v4 =	vld [tilespmem:$0x14090];
	v3 =	vsel vm4, $0x3F800000, v1  }
0x27: {  	v9 =	vld [tilespmem:$0x14220];
	vm4 =	veq.s32 v5, $0x0;
	v8 =	vsub.f32 $1.000000000e+00, v3  }
0x28: {  	v10 =	vsel vm4, $0x3F800000, v1;
	vm4 =	veq.s32 v5, $0x1;
	v5 =	vld [tilespmem:$0x14370]  }
0x29: {  	v11 =	vsel vm4, $0x3F800000, v1;
	[tilespmem:$0x14880] =	vst v10;
	vm4 =	vgt.f32 v7, v6;
	v8 =	vmul.f32 v8, v10  }
0x2a: {  	v7 =	vld [tilespmem:$0x140A0];
	[tilespmem:$0x14A00] =	vst v11;
	v3 =	vmul.f32 v3, v11;
	v6 =	vsel vm4, $0x3F800000, v1  }
0x2b: {  	v16 =	vld [tilespmem:$0x14230];
	vm4 =	veq.s32 v4, $0x0;
	v15 =	vsub.f32 $1.000000000e+00, v6;
	[tilespmem:$0x14580] =	vst v8  }
0x2c: {  	[tilespmem:$0x14700] =	vst v3;
	v3 =	vsel vm4, $0x3F800000, v1;
	vm4 =	veq.s32 v4, $0x1;
	v4 =	vld [tilespmem:$0x14380]  }
0x2d: {  	v17 =	vsel vm4, $0x3F800000, v1;
	[tilespmem:$0x14890] =	vst v3;
	v3 =	vmul.f32 v15, v3;
	vm4 =	vgt.f32 v5, v9  }
0x2e: {  	v18 =	vld [tilespmem:$0x140B0];
	[tilespmem:$0x14A10] =	vst v17;
	v5 =	vmul.f32 v6, v17;
	v6 =	vsel vm4, $0x3F800000, v1  }
0x2f: {  	v19 =	vld [tilespmem:$0x14240];
	vm4 =	veq.s32 v7, $0x0;
	[tilespmem:$0x14590] =	vst v3;
	v3 =	vsub.f32 $1.000000000e+00, v6  }
0x30: {  	[tilespmem:$0x14710] =	vst v5;
	v5 =	vsel vm4, $0x3F800000, v1;
	vm4 =	veq.s32 v7, $0x1;
	v7 =	vld [tilespmem:$0x14390]  }
0x31: {  	v20 =	vsel vm4, $0x3F800000, v1;
	[tilespmem:$0x148A0] =	vst v5;
	v3 =	vmul.f32 v3, v5;
	vm4 =	vgt.f32 v4, v16  }
0x32: {  	[tilespmem:$0x14A20] =	vst v20;
	v4 =	vmul.f32 v6, v20;
	v5 =	vsel vm4, $0x3F800000, v1;
	v6 =	vld [tilespmem:$0x140C0]  }
0x33: {  	v21 =	vld [tilespmem:$0x14250];
	vm4 =	veq.s32 v18, $0x0;
	[tilespmem:$0x145A0] =	vst v3;
	v3 =	vsub.f32 $1.000000000e+00, v5  }
0x34: {  	v22 =	vld [tilespmem:$0x143A0];
	[tilespmem:$0x14720] =	vst v4;
	v4 =	vsel vm4, $0x3F800000, v1;
	vm4 =	veq.s32 v18, $0x1  }
0x35: {  	v23 =	vsel vm4, $0x3F800000, v1;
	[tilespmem:$0x148B0] =	vst v4;
	v3 =	vmul.f32 v3, v4;
	vm4 =	vgt.f32 v7, v19  }
0x36: {  	v7 =	vld [tilespmem:$0x140D0];
	[tilespmem:$0x14A30] =	vst v23;
	v4 =	vmul.f32 v5, v23;
	v5 =	vsel vm4, $0x3F800000, v1  }
0x37: {  	v24 =	vld [tilespmem:$0x14260];
	[tilespmem:$0x145B0] =	vst v3;
	vm4 =	veq.s32 v6, $0x0;
	v3 =	vsub.f32 $1.000000000e+00, v5  }
0x38: {  	[tilespmem:$0x14730] =	vst v4;
	v4 =	vsel vm4, $0x3F800000, v1;
	vm4 =	veq.s32 v6, $0x1;
	v6 =	vld [tilespmem:$0x143B0]  }
0x39: {  	v25 =	vsel vm4, $0x3F800000, v1;
	[tilespmem:$0x148C0] =	vst v4;
	v3 =	vmul.f32 v3, v4;
	vm4 =	vgt.f32 v22, v21  }
0x3a: {  	v26 =	vld [tilespmem:$0x140E0];
	[tilespmem:$0x14A40] =	vst v25;
	v4 =	vmul.f32 v5, v25;
	v5 =	vsel vm4, $0x3F800000, v1  }
0x3b: {  	v27 =	vld [tilespmem:$0x14270];
	vm4 =	veq.s32 v7, $0x0;
	[tilespmem:$0x145C0] =	vst v3;
	v3 =	vsub.f32 $1.000000000e+00, v5  }
0x3c: {  	[tilespmem:$0x14740] =	vst v4;
	v4 =	vsel vm4, $0x3F800000, v1;
	vm4 =	veq.s32 v7, $0x1;
	v7 =	vld [tilespmem:$0x143C0]  }
0x3d: {  	v28 =	vsel vm4, $0x3F800000, v1;
	[tilespmem:$0x148D0] =	vst v4;
	v3 =	vmul.f32 v3, v4;
	vm4 =	vgt.f32 v6, v24  }
0x3e: {  	v6 =	vld [tilespmem:$0x140F0];
	[tilespmem:$0x14A50] =	vst v28;
	v4 =	vmul.f32 v5, v28;
	v5 =	vsel vm4, $0x3F800000, v1  }
0x3f: {  	v29 =	vld [tilespmem:$0x14280];
	vm4 =	veq.s32 v26, $0x0;
	[tilespmem:$0x145D0] =	vst v3;
	v3 =	vsub.f32 $1.000000000e+00, v5  }
0x40: {  	v30 =	vld [tilespmem:$0x143D0];
	[tilespmem:$0x14750] =	vst v4;
	v4 =	vsel vm4, $0x3F800000, v1;
	vm4 =	veq.s32 v26, $0x1  }
0x41: {  	v31 =	vsel vm4, $0x3F800000, v1;
	[tilespmem:$0x148E0] =	vst v4;
	v3 =	vmul.f32 v3, v4;
	vm4 =	vgt.f32 v7, v27  }
0x42: {  	v7 =	vld [tilespmem:$0x14100];
	[tilespmem:$0x14A60] =	vst v31;
	v4 =	vmul.f32 v5, v31;
	v5 =	vsel vm4, $0x3F800000, v1  }
0x43: {  	v32 =	vld [tilespmem:$0x14290];
	vm4 =	veq.s32 v6, $0x0;
	[tilespmem:$0x145E0] =	vst v3;
	v3 =	vsub.f32 $1.000000000e+00, v5  }
0x44: {  	[tilespmem:$0x14760] =	vst v4;
	v4 =	vsel vm4, $0x3F800000, v1;
	vm4 =	veq.s32 v6, $0x1;
	v6 =	vld [tilespmem:$0x143E0]  }
0x45: {  	v33 =	vsel vm4, $0x3F800000, v1;
	[tilespmem:$0x148F0] =	vst v4;
	v3 =	vmul.f32 v3, v4;
	vm4 =	vgt.f32 v30, v29  }
0x46: {  	v34 =	vld [tilespmem:$0x14110];
	[tilespmem:$0x14A70] =	vst v33;
	v4 =	vmul.f32 v5, v33;
	v5 =	vsel vm4, $0x3F800000, v1  }
0x47: {  	v35 =	vld [tilespmem:$0x142A0];
	vm4 =	veq.s32 v7, $0x0;
	[tilespmem:$0x145F0] =	vst v3;
	v3 =	vsub.f32 $1.000000000e+00, v5  }
0x48: {  	[tilespmem:$0x14770] =	vst v4;
	v4 =	vsel vm4, $0x3F800000, v1;
	vm4 =	veq.s32 v7, $0x1;
	v7 =	vld [tilespmem:$0x143F0]  }
0x49: {  	v36 =	vsel vm4, $0x3F800000, v1;
	[tilespmem:$0x14900] =	vst v4;
	v3 =	vmul.f32 v3, v4;
	vm4 =	vgt.f32 v6, v32  }
0x4a: {  	v6 =	vld [tilespmem:$0x14120];
	[tilespmem:$0x14A80] =	vst v36;
	v4 =	vmul.f32 v5, v36;
	v5 =	vsel vm4, $0x3F800000, v1  }
0x4b: {  	v37 =	vld [tilespmem:$0x142B0];
	vm4 =	veq.s32 v34, $0x0;
	[tilespmem:$0x14600] =	vst v3;
	v3 =	vsub.f32 $1.000000000e+00, v5  }
0x4c: {  	v38 =	vld [tilespmem:$0x14400];
	[tilespmem:$0x14780] =	vst v4;
	v4 =	vsel vm4, $0x3F800000, v1;
	vm4 =	veq.s32 v34, $0x1  }
0x4d: {  	v39 =	vsel vm4, $0x3F800000, v1;
	[tilespmem:$0x14910] =	vst v4;
	v3 =	vmul.f32 v3, v4;
	vm4 =	vgt.f32 v7, v35  }
0x4e: {  	v7 =	vld [tilespmem:$0x14130];
	[tilespmem:$0x14A90] =	vst v39;
	v4 =	vmul.f32 v5, v39;
	v5 =	vsel vm4, $0x3F800000, v1  }
0x4f: {  	v40 =	vld [tilespmem:$0x142C0];
	vm4 =	veq.s32 v6, $0x0;
	[tilespmem:$0x14610] =	vst v3;
	v3 =	vsub.f32 $1.000000000e+00, v5  }
0x50: {  	[tilespmem:$0x14790] =	vst v4;
	v4 =	vsel vm4, $0x3F800000, v1;
	vm4 =	veq.s32 v6, $0x1;
	v6 =	vld [tilespmem:$0x14410]  }
0x51: {  	v41 =	vsel vm4, $0x3F800000, v1;
	[tilespmem:$0x14920] =	vst v4;
	v3 =	vmul.f32 v3, v4;
	vm4 =	vgt.f32 v38, v37  }
0x52: {  	v42 =	vld [tilespmem:$0x14140];
	[tilespmem:$0x14AA0] =	vst v41;
	v4 =	vmul.f32 v5, v41;
	v5 =	vsel vm4, $0x3F800000, v1  }
0x53: {  	v43 =	vld [tilespmem:$0x142D0];
	vm4 =	veq.s32 v7, $0x0;
	[tilespmem:$0x14620] =	vst v3;
	v3 =	vsub.f32 $1.000000000e+00, v5  }
0x54: {  	[tilespmem:$0x147A0] =	vst v4;
	v4 =	vsel vm4, $0x3F800000, v1;
	vm4 =	veq.s32 v7, $0x1;
	v7 =	vld [tilespmem:$0x14420]  }
0x55: {  	v44 =	vsel vm4, $0x3F800000, v1;
	[tilespmem:$0x14930] =	vst v4;
	v3 =	vmul.f32 v3, v4;
	vm4 =	vgt.f32 v6, v40  }
0x56: {  	v6 =	vld [tilespmem:$0x14150];
	[tilespmem:$0x14AB0] =	vst v44;
	v4 =	vmul.f32 v5, v44;
	v5 =	vsel vm4, $0x3F800000, v1  }
0x57: {  	v45 =	vld [tilespmem:$0x142E0];
	vm4 =	veq.s32 v42, $0x0;
	[tilespmem:$0x14630] =	vst v3;
	v3 =	vsub.f32 $1.000000000e+00, v5  }
0x58: {  	v46 =	vld [tilespmem:$0x14430];
	[tilespmem:$0x147B0] =	vst v4;
	v4 =	vsel vm4, $0x3F800000, v1;
	vm4 =	veq.s32 v42, $0x1  }
0x59: {  	v47 =	vsel vm4, $0x3F800000, v1;
	[tilespmem:$0x14940] =	vst v4;
	v3 =	vmul.f32 v3, v4;
	vm4 =	vgt.f32 v7, v43  }
0x5a: {  	v7 =	vld [tilespmem:$0x14160];
	[tilespmem:$0x14AC0] =	vst v47;
	v4 =	vmul.f32 v5, v47;
	v5 =	vsel vm4, $0x3F800000, v1  }
0x5b: {  	v48 =	vld [tilespmem:$0x142F0];
	vm4 =	veq.s32 v6, $0x0;
	[tilespmem:$0x14640] =	vst v3;
	v3 =	vsub.f32 $1.000000000e+00, v5  }
0x5c: {  	[tilespmem:$0x147C0] =	vst v4;
	v4 =	vsel vm4, $0x3F800000, v1;
	vm4 =	veq.s32 v6, $0x1;
	v6 =	vld [tilespmem:$0x14440]  }
0x5d: {  	v49 =	vsel vm4, $0x3F800000, v1;
	[tilespmem:$0x14950] =	vst v4;
	v3 =	vmul.f32 v3, v4;
	vm4 =	vgt.f32 v46, v45  }
0x5e: {  	v50 =	vld [tilespmem:$0x14170];
	[tilespmem:$0x14AD0] =	vst v49;
	v4 =	vmul.f32 v5, v49;
	v5 =	vsel vm4, $0x3F800000, v1  }
0x5f: {  	v51 =	vld [tilespmem:$0x14300];
	vm4 =	veq.s32 v7, $0x0;
	[tilespmem:$0x14650] =	vst v3;
	v3 =	vsub.f32 $1.000000000e+00, v5  }
0x60: {  	[tilespmem:$0x147D0] =	vst v4;
	v4 =	vsel vm4, $0x3F800000, v1;
	vm4 =	veq.s32 v7, $0x1;
	v7 =	vld [tilespmem:$0x14450]  }
0x61: {  	v52 =	vsel vm4, $0x3F800000, v1;
	[tilespmem:$0x14960] =	vst v4;
	v3 =	vmul.f32 v3, v4;
	vm4 =	vgt.f32 v6, v48  }
0x62: {  	v6 =	vld [tilespmem:$0x14180];
	[tilespmem:$0x14AE0] =	vst v52;
	v4 =	vmul.f32 v5, v52;
	v5 =	vsel vm4, $0x3F800000, v1  }
0x63: {  	v53 =	vld [tilespmem:$0x14310];
	vm4 =	veq.s32 v50, $0x0;
	[tilespmem:$0x14660] =	vst v3;
	v3 =	vsub.f32 $1.000000000e+00, v5  }
0x64: {  	v54 =	vld [tilespmem:$0x14460];
	[tilespmem:$0x147E0] =	vst v4;
	v4 =	vsel vm4, $0x3F800000, v1;
	vm4 =	veq.s32 v50, $0x1  }
0x65: {  	v55 =	vsel vm4, $0x3F800000, v1;
	[tilespmem:$0x14970] =	vst v4;
	v3 =	vmul.f32 v3, v4;
	vm4 =	vgt.f32 v7, v51  }
0x66: {  	v7 =	vld [tilespmem:$0x14190];
	[tilespmem:$0x14AF0] =	vst v55;
	v4 =	vmul.f32 v5, v55;
	v5 =	vsel vm4, $0x3F800000, v1  }
0x67: {  	v56 =	vld [tilespmem:$0x14320];
	vm4 =	veq.s32 v6, $0x0;
	[tilespmem:$0x14670] =	vst v3;
	v3 =	vsub.f32 $1.000000000e+00, v5  }
0x68: {  	[tilespmem:$0x147F0] =	vst v4;
	v4 =	vsel vm4, $0x3F800000, v1;
	vm4 =	veq.s32 v6, $0x1;
	v6 =	vld [tilespmem:$0x14470]  }
0x69: {  	v57 =	vsel vm4, $0x3F800000, v1;
	[tilespmem:$0x14980] =	vst v4;
	v3 =	vmul.f32 v3, v4;
	vm4 =	vgt.f32 v54, v53  }
0x6a: {  	v58 =	vld [tilespmem:$0x141A0];
	[tilespmem:$0x14B00] =	vst v57;
	v4 =	vmul.f32 v5, v57;
	v5 =	vsel vm4, $0x3F800000, v1  }
0x6b: {  	v59 =	vld [tilespmem:$0x14330];
	vm4 =	veq.s32 v7, $0x0;
	[tilespmem:$0x14680] =	vst v3;
	v3 =	vsub.f32 $1.000000000e+00, v5  }
0x6c: {  	[tilespmem:$0x14800] =	vst v4;
	v4 =	vsel vm4, $0x3F800000, v1;
	vm4 =	veq.s32 v7, $0x1;
	v7 =	vld [tilespmem:$0x14480]  }
0x6d: {  	v60 =	vsel vm4, $0x3F800000, v1;
	[tilespmem:$0x14990] =	vst v4;
	v3 =	vmul.f32 v3, v4;
	vm4 =	vgt.f32 v6, v56  }
0x6e: {  	v6 =	vld [tilespmem:$0x141B0];
	[tilespmem:$0x14B10] =	vst v60;
	v4 =	vmul.f32 v5, v60;
	v5 =	vsel vm4, $0x3F800000, v1  }
0x6f: {  	v61 =	vld [tilespmem:$0x14340];
	vm4 =	veq.s32 v58, $0x0;
	[tilespmem:$0x14690] =	vst v3;
	v3 =	vsub.f32 $1.000000000e+00, v5  }
0x70: {  	v62 =	vld [tilespmem:$0x14490];
	[tilespmem:$0x14810] =	vst v4;
	v4 =	vsel vm4, $0x3F800000, v1;
	vm4 =	veq.s32 v58, $0x1  }
0x71: {  	v63 =	vsel vm4, $0x3F800000, v1;
	vm4 =	vgt.f32 v7, v59;
	[tilespmem:$0x149A0] =	vst v4;
	v3 =	vmul.f32 v3, v4  }
0x72: {  	v7 =	vld [tilespmem:$0x141C0];
	[tilespmem:$0x14B20] =	vst v63;
	v4 =	vmul.f32 v5, v63;
	v5 =	vsel vm4, $0x3F800000, v1  }
0x73: {  	vm4 =	veq.s32 v6, $0x0;
	[tilespmem:$0x146A0] =	vst v3;
	v3 =	vsub.f32 $1.000000000e+00, v5  }
0x74: {  	[tilespmem:$0x14820] =	vst v4;
	v4 =	vsel vm4, $0x3F800000, v1;
	vm4 =	veq.s32 v6, $0x1  }
0x75: {  	v6 =	vsel vm4, $0x3F800000, v1;
	vm4 =	vgt.f32 v62, v61;
	[tilespmem:$0x149B0] =	vst v4;
	v3 =	vmul.f32 v3, v4  }
0x76: {  	[tilespmem:$0x14B30] =	vst v6;
	v4 =	vmul.f32 v5, v6;
	v5 =	vsel vm4, $0x3F800000, v1  }
0x77: {  	vm4 =	veq.s32 v7, $0x0;
	[tilespmem:$0x146B0] =	vst v3;
	v3 =	vsub.f32 $1.000000000e+00, v5  }
0x78: {  	[tilespmem:$0x14830] =	vst v4;
	v4 =	vsel vm4, $0x3F800000, v1;
	vm4 =	veq.s32 v7, $0x1  }
0x79: {  	v6 =	vsel vm4, $0x3F800000, v1;
	[tilespmem:$0x149C0] =	vst v4;
	v3 =	vmul.f32 v3, v4  }
0x7a: {  	[tilespmem:$0x14B40] =	vst v6;
	v4 =	vmul.f32 v5, v6  }
0x7b: {  	[tilespmem:$0x146C0] =	vst v3  }
0x7c: {  	s19 =	simm.s32 $0x0;
	[tilespmem:$0x14840] =	vst v4  }
0x7d: {  	v4 =	vld [tilespmem:s19+$0x0]  }
0x7e: {  	s18 =	simm.s32 $0x500;
	v3 =	vimm.f32 $0.0e+00  }
.LBB2_2:
0x7f: {  	p0 =	sne.s32 s18, $0x4FB00  }
.Ltmp0:
0x80: {  	_ = 	snop;
	(pc) =	sbr.rel @p0 .LBB2_2-.Ltmp0, $4  }
0x81: {  	_ = 	snop  }
0x82: {  	s19 =	sshra.s32 s18, $0x2;
	s18 =	sadd.s32 $0x500, s18;
	v5 =	vmul.f32 v4, v4  }
0x83: {  	v4 =	vld [tilespmem:s19+$0x0]  }
0x84: {  	v3 =	vadd.f32 v5, v3  }
0x85: {  	_ =	sdelay $0x2  }
0x86: {  	v4 =	vmul.f32 v4, v4;
	_ =	sdelay $0x1  }
0x87: {  	v3 =	vadd.f32 v4, v3;
	_ =	sdelay $0x1  }
0x88: {  	v4 =	vshra.s32 v3, $0x1;
	v5 =	vmul.f32 $5.000000000e-01, v3  }
0x89: {  	v4 =	vsub.s32 $0x5F3759DF, v4  }
0x8a: {  	v6 =	vmul.f32 v4, v5;
	_ =	sdelay $0x1  }
0x8b: {  	v6 =	vmul.f32 v4, v6;
	_ =	sdelay $0x1  }
0x8c: {  	v6 =	vsub.f32 $1.500000000e+00, v6;
	_ =	sdelay $0x1  }
0x8d: {  	v4 =	vmul.f32 v4, v6;
	_ =	sdelay $0x1  }
0x8e: {  	v6 =	vmul.f32 v4, v5;
	_ =	sdelay $0x1  }
0x8f: {  	v6 =	vmul.f32 v6, v4;
	_ =	sdelay $0x1  }
0x90: {  	v6 =	vsub.f32 $1.500000000e+00, v6;
	_ =	sdelay $0x1  }
0x91: {  	v4 =	vmul.f32 v6, v4;
	_ =	sdelay $0x1  }
0x92: {  	v5 =	vmul.f32 v4, v5;
	_ =	sdelay $0x1  }
0x93: {  	v5 =	vmul.f32 v5, v4;
	_ =	sdelay $0x1  }
0x94: {  	v5 =	vsub.f32 $1.500000000e+00, v5;
	_ =	sdelay $0x1  }
0x95: {  	v4 =	vmul.f32 v5, v4;
	_ =	sdelay $0x1  }
0x96: {  	v3 =	vmul.f32 v4, v3;
	_ =	sdelay $0x1  }
0x97: {  	s19 =	simm.s32 $0x10;
	[tilespmem:$0x14B80] =	vst v3  }
0x98: {  	v4 =	vld [tilespmem:s19+$0x0]  }
0x99: {  	s18 =	simm.s32 $0x540;
	v3 =	vimm.f32 $0.0e+00  }
.LBB2_4:
0x9a: {  	p0 =	sne.s32 s18, $0x4FB40  }
.Ltmp1:
0x9b: {  	_ = 	snop;
	(pc) =	sbr.rel @p0 .LBB2_4-.Ltmp1, $4  }
0x9c: {  	_ = 	snop  }
0x9d: {  	s19 =	sshra.s32 s18, $0x2;
	s18 =	sadd.s32 $0x500, s18;
	v5 =	vmul.f32 v4, v4  }
0x9e: {  	v4 =	vld [tilespmem:s19+$0x0]  }
0x9f: {  	v3 =	vadd.f32 v5, v3  }
0xa0: {  	_ =	sdelay $0x2  }
0xa1: {  	v4 =	vmul.f32 v4, v4;
	_ =	sdelay $0x1  }
0xa2: {  	v3 =	vadd.f32 v4, v3;
	_ =	sdelay $0x1  }
0xa3: {  	v4 =	vshra.s32 v3, $0x1;
	v5 =	vmul.f32 $5.000000000e-01, v3  }
0xa4: {  	v4 =	vsub.s32 $0x5F3759DF, v4  }
0xa5: {  	v6 =	vmul.f32 v4, v5;
	_ =	sdelay $0x1  }
0xa6: {  	v6 =	vmul.f32 v4, v6;
	_ =	sdelay $0x1  }
0xa7: {  	v6 =	vsub.f32 $1.500000000e+00, v6;
	_ =	sdelay $0x1  }
0xa8: {  	v4 =	vmul.f32 v4, v6;
	_ =	sdelay $0x1  }
0xa9: {  	v6 =	vmul.f32 v4, v5;
	_ =	sdelay $0x1  }
0xaa: {  	v6 =	vmul.f32 v6, v4;
	_ =	sdelay $0x1  }
0xab: {  	v6 =	vsub.f32 $1.500000000e+00, v6;
	_ =	sdelay $0x1  }
0xac: {  	v4 =	vmul.f32 v6, v4;
	_ =	sdelay $0x1  }
0xad: {  	v5 =	vmul.f32 v4, v5;
	_ =	sdelay $0x1  }
0xae: {  	v5 =	vmul.f32 v5, v4;
	_ =	sdelay $0x1  }
0xaf: {  	v5 =	vsub.f32 $1.500000000e+00, v5;
	_ =	sdelay $0x1  }
0xb0: {  	v4 =	vmul.f32 v5, v4;
	_ =	sdelay $0x1  }
0xb1: {  	v3 =	vmul.f32 v4, v3;
	_ =	sdelay $0x1  }
0xb2: {  	s19 =	simm.s32 $0x20;
	[tilespmem:$0x14B90] =	vst v3  }
0xb3: {  	v4 =	vld [tilespmem:s19+$0x0]  }
0xb4: {  	s18 =	simm.s32 $0x580;
	v3 =	vimm.f32 $0.0e+00  }
.LBB2_6:
0xb5: {  	p0 =	sne.s32 s18, $0x4FB80  }
.Ltmp2:
0xb6: {  	_ = 	snop;
	(pc) =	sbr.rel @p0 .LBB2_6-.Ltmp2, $4  }
0xb7: {  	_ = 	snop  }
0xb8: {  	s19 =	sshra.s32 s18, $0x2;
	s18 =	sadd.s32 $0x500, s18;
	v5 =	vmul.f32 v4, v4  }
0xb9: {  	v4 =	vld [tilespmem:s19+$0x0]  }
0xba: {  	v3 =	vadd.f32 v5, v3  }
0xbb: {  	_ =	sdelay $0x2  }
0xbc: {  	v4 =	vmul.f32 v4, v4;
	_ =	sdelay $0x1  }
0xbd: {  	v3 =	vadd.f32 v4, v3;
	_ =	sdelay $0x1  }
0xbe: {  	v4 =	vshra.s32 v3, $0x1;
	v5 =	vmul.f32 $5.000000000e-01, v3  }
0xbf: {  	v4 =	vsub.s32 $0x5F3759DF, v4  }
0xc0: {  	v6 =	vmul.f32 v4, v5;
	_ =	sdelay $0x1  }
0xc1: {  	v6 =	vmul.f32 v4, v6;
	_ =	sdelay $0x1  }
0xc2: {  	v6 =	vsub.f32 $1.500000000e+00, v6;
	_ =	sdelay $0x1  }
0xc3: {  	v4 =	vmul.f32 v4, v6;
	_ =	sdelay $0x1  }
0xc4: {  	v6 =	vmul.f32 v4, v5;
	_ =	sdelay $0x1  }
0xc5: {  	v6 =	vmul.f32 v6, v4;
	_ =	sdelay $0x1  }
0xc6: {  	v6 =	vsub.f32 $1.500000000e+00, v6;
	_ =	sdelay $0x1  }
0xc7: {  	v4 =	vmul.f32 v6, v4;
	_ =	sdelay $0x1  }
0xc8: {  	v5 =	vmul.f32 v4, v5;
	_ =	sdelay $0x1  }
0xc9: {  	v5 =	vmul.f32 v5, v4;
	_ =	sdelay $0x1  }
0xca: {  	v5 =	vsub.f32 $1.500000000e+00, v5;
	_ =	sdelay $0x1  }
0xcb: {  	v4 =	vmul.f32 v5, v4;
	_ =	sdelay $0x1  }
0xcc: {  	v3 =	vmul.f32 v4, v3;
	_ =	sdelay $0x1  }
0xcd: {  	s19 =	simm.s32 $0x30;
	[tilespmem:$0x14BA0] =	vst v3  }
0xce: {  	v4 =	vld [tilespmem:s19+$0x0]  }
0xcf: {  	s18 =	simm.s32 $0x5C0;
	v3 =	vimm.f32 $0.0e+00  }
.LBB2_8:
0xd0: {  	p0 =	sne.s32 s18, $0x4FBC0  }
.Ltmp3:
0xd1: {  	_ = 	snop;
	(pc) =	sbr.rel @p0 .LBB2_8-.Ltmp3, $4  }
0xd2: {  	_ = 	snop  }
0xd3: {  	s19 =	sshra.s32 s18, $0x2;
	s18 =	sadd.s32 $0x500, s18;
	v5 =	vmul.f32 v4, v4  }
0xd4: {  	v4 =	vld [tilespmem:s19+$0x0]  }
0xd5: {  	v3 =	vadd.f32 v5, v3  }
0xd6: {  	_ =	sdelay $0x2  }
0xd7: {  	v4 =	vmul.f32 v4, v4;
	_ =	sdelay $0x1  }
0xd8: {  	v3 =	vadd.f32 v4, v3;
	_ =	sdelay $0x1  }
0xd9: {  	v4 =	vshra.s32 v3, $0x1;
	v5 =	vmul.f32 $5.000000000e-01, v3  }
0xda: {  	v4 =	vsub.s32 $0x5F3759DF, v4  }
0xdb: {  	v6 =	vmul.f32 v4, v5;
	_ =	sdelay $0x1  }
0xdc: {  	v6 =	vmul.f32 v4, v6;
	_ =	sdelay $0x1  }
0xdd: {  	v6 =	vsub.f32 $1.500000000e+00, v6;
	_ =	sdelay $0x1  }
0xde: {  	v4 =	vmul.f32 v4, v6;
	_ =	sdelay $0x1  }
0xdf: {  	v6 =	vmul.f32 v4, v5;
	_ =	sdelay $0x1  }
0xe0: {  	v6 =	vmul.f32 v6, v4;
	_ =	sdelay $0x1  }
0xe1: {  	v6 =	vsub.f32 $1.500000000e+00, v6;
	_ =	sdelay $0x1  }
0xe2: {  	v4 =	vmul.f32 v6, v4;
	_ =	sdelay $0x1  }
0xe3: {  	v5 =	vmul.f32 v4, v5;
	_ =	sdelay $0x1  }
0xe4: {  	v5 =	vmul.f32 v5, v4;
	_ =	sdelay $0x1  }
0xe5: {  	v5 =	vsub.f32 $1.500000000e+00, v5;
	_ =	sdelay $0x1  }
0xe6: {  	v4 =	vmul.f32 v5, v4;
	_ =	sdelay $0x1  }
0xe7: {  	v3 =	vmul.f32 v4, v3;
	_ =	sdelay $0x1  }
0xe8: {  	s19 =	simm.s32 $0x40;
	[tilespmem:$0x14BB0] =	vst v3  }
0xe9: {  	v4 =	vld [tilespmem:s19+$0x0]  }
0xea: {  	s18 =	simm.s32 $0x600;
	v3 =	vimm.f32 $0.0e+00  }
.LBB2_10:
0xeb: {  	p0 =	sne.s32 s18, $0x4FC00  }
.Ltmp4:
0xec: {  	_ = 	snop;
	(pc) =	sbr.rel @p0 .LBB2_10-.Ltmp4, $4  }
0xed: {  	_ = 	snop  }
0xee: {  	s19 =	sshra.s32 s18, $0x2;
	s18 =	sadd.s32 $0x500, s18;
	v5 =	vmul.f32 v4, v4  }
0xef: {  	v4 =	vld [tilespmem:s19+$0x0]  }
0xf0: {  	v3 =	vadd.f32 v5, v3  }
0xf1: {  	_ =	sdelay $0x2  }
0xf2: {  	v4 =	vmul.f32 v4, v4;
	_ =	sdelay $0x1  }
0xf3: {  	v3 =	vadd.f32 v4, v3;
	_ =	sdelay $0x1  }
0xf4: {  	v4 =	vshra.s32 v3, $0x1;
	v5 =	vmul.f32 $5.000000000e-01, v3  }
0xf5: {  	v4 =	vsub.s32 $0x5F3759DF, v4  }
0xf6: {  	v6 =	vmul.f32 v4, v5;
	_ =	sdelay $0x1  }
0xf7: {  	v6 =	vmul.f32 v4, v6;
	_ =	sdelay $0x1  }
0xf8: {  	v6 =	vsub.f32 $1.500000000e+00, v6;
	_ =	sdelay $0x1  }
0xf9: {  	v4 =	vmul.f32 v4, v6;
	_ =	sdelay $0x1  }
0xfa: {  	v6 =	vmul.f32 v4, v5;
	_ =	sdelay $0x1  }
0xfb: {  	v6 =	vmul.f32 v6, v4;
	_ =	sdelay $0x1  }
0xfc: {  	v6 =	vsub.f32 $1.500000000e+00, v6;
	_ =	sdelay $0x1  }
0xfd: {  	v4 =	vmul.f32 v6, v4;
	_ =	sdelay $0x1  }
0xfe: {  	v5 =	vmul.f32 v4, v5;
	_ =	sdelay $0x1  }
0xff: {  	v5 =	vmul.f32 v5, v4;
	_ =	sdelay $0x1  }
0x100: {  	v5 =	vsub.f32 $1.500000000e+00, v5;
	_ =	sdelay $0x1  }
0x101: {  	v4 =	vmul.f32 v5, v4;
	_ =	sdelay $0x1  }
0x102: {  	v3 =	vmul.f32 v4, v3;
	_ =	sdelay $0x1  }
0x103: {  	s19 =	simm.s32 $0x50;
	[tilespmem:$0x14BC0] =	vst v3  }
0x104: {  	v4 =	vld [tilespmem:s19+$0x0]  }
0x105: {  	s18 =	simm.s32 $0x640;
	v3 =	vimm.f32 $0.0e+00  }
.LBB2_12:
0x106: {  	p0 =	sne.s32 s18, $0x4FC40  }
.Ltmp5:
0x107: {  	_ = 	snop;
	(pc) =	sbr.rel @p0 .LBB2_12-.Ltmp5, $4  }
0x108: {  	_ = 	snop  }
0x109: {  	s19 =	sshra.s32 s18, $0x2;
	s18 =	sadd.s32 $0x500, s18;
	v5 =	vmul.f32 v4, v4  }
0x10a: {  	v4 =	vld [tilespmem:s19+$0x0]  }
0x10b: {  	v3 =	vadd.f32 v5, v3  }
0x10c: {  	_ =	sdelay $0x2  }
0x10d: {  	v4 =	vmul.f32 v4, v4;
	_ =	sdelay $0x1  }
0x10e: {  	v3 =	vadd.f32 v4, v3;
	_ =	sdelay $0x1  }
0x10f: {  	v4 =	vshra.s32 v3, $0x1;
	v5 =	vmul.f32 $5.000000000e-01, v3  }
0x110: {  	v4 =	vsub.s32 $0x5F3759DF, v4  }
0x111: {  	v6 =	vmul.f32 v4, v5;
	_ =	sdelay $0x1  }
0x112: {  	v6 =	vmul.f32 v4, v6;
	_ =	sdelay $0x1  }
0x113: {  	v6 =	vsub.f32 $1.500000000e+00, v6;
	_ =	sdelay $0x1  }
0x114: {  	v4 =	vmul.f32 v4, v6;
	_ =	sdelay $0x1  }
0x115: {  	v6 =	vmul.f32 v4, v5;
	_ =	sdelay $0x1  }
0x116: {  	v6 =	vmul.f32 v6, v4;
	_ =	sdelay $0x1  }
0x117: {  	v6 =	vsub.f32 $1.500000000e+00, v6;
	_ =	sdelay $0x1  }
0x118: {  	v4 =	vmul.f32 v6, v4;
	_ =	sdelay $0x1  }
0x119: {  	v5 =	vmul.f32 v4, v5;
	_ =	sdelay $0x1  }
0x11a: {  	v5 =	vmul.f32 v5, v4;
	_ =	sdelay $0x1  }
0x11b: {  	v5 =	vsub.f32 $1.500000000e+00, v5;
	_ =	sdelay $0x1  }
0x11c: {  	v4 =	vmul.f32 v5, v4;
	_ =	sdelay $0x1  }
0x11d: {  	v3 =	vmul.f32 v4, v3;
	_ =	sdelay $0x1  }
0x11e: {  	s19 =	simm.s32 $0x60;
	[tilespmem:$0x14BD0] =	vst v3  }
0x11f: {  	v4 =	vld [tilespmem:s19+$0x0]  }
0x120: {  	s18 =	simm.s32 $0x680;
	v3 =	vimm.f32 $0.0e+00  }
.LBB2_14:
0x121: {  	p0 =	sne.s32 s18, $0x4FC80  }
.Ltmp6:
0x122: {  	_ = 	snop;
	(pc) =	sbr.rel @p0 .LBB2_14-.Ltmp6, $4  }
0x123: {  	_ = 	snop  }
0x124: {  	s19 =	sshra.s32 s18, $0x2;
	s18 =	sadd.s32 $0x500, s18;
	v5 =	vmul.f32 v4, v4  }
0x125: {  	v4 =	vld [tilespmem:s19+$0x0]  }
0x126: {  	v3 =	vadd.f32 v5, v3  }
0x127: {  	_ =	sdelay $0x2  }
0x128: {  	v4 =	vmul.f32 v4, v4;
	_ =	sdelay $0x1  }
0x129: {  	v3 =	vadd.f32 v4, v3;
	_ =	sdelay $0x1  }
0x12a: {  	v4 =	vshra.s32 v3, $0x1;
	v5 =	vmul.f32 $5.000000000e-01, v3  }
0x12b: {  	v4 =	vsub.s32 $0x5F3759DF, v4  }
0x12c: {  	v6 =	vmul.f32 v4, v5;
	_ =	sdelay $0x1  }
0x12d: {  	v6 =	vmul.f32 v4, v6;
	_ =	sdelay $0x1  }
0x12e: {  	v6 =	vsub.f32 $1.500000000e+00, v6;
	_ =	sdelay $0x1  }
0x12f: {  	v4 =	vmul.f32 v4, v6;
	_ =	sdelay $0x1  }
0x130: {  	v6 =	vmul.f32 v4, v5;
	_ =	sdelay $0x1  }
0x131: {  	v6 =	vmul.f32 v6, v4;
	_ =	sdelay $0x1  }
0x132: {  	v6 =	vsub.f32 $1.500000000e+00, v6;
	_ =	sdelay $0x1  }
0x133: {  	v4 =	vmul.f32 v6, v4;
	_ =	sdelay $0x1  }
0x134: {  	v5 =	vmul.f32 v4, v5;
	_ =	sdelay $0x1  }
0x135: {  	v5 =	vmul.f32 v5, v4;
	_ =	sdelay $0x1  }
0x136: {  	v5 =	vsub.f32 $1.500000000e+00, v5;
	_ =	sdelay $0x1  }
0x137: {  	v4 =	vmul.f32 v5, v4;
	_ =	sdelay $0x1  }
0x138: {  	v3 =	vmul.f32 v4, v3;
	_ =	sdelay $0x1  }
0x139: {  	s19 =	simm.s32 $0x70;
	[tilespmem:$0x14BE0] =	vst v3  }
0x13a: {  	v4 =	vld [tilespmem:s19+$0x0]  }
0x13b: {  	s18 =	simm.s32 $0x6C0;
	v3 =	vimm.f32 $0.0e+00  }
.LBB2_16:
0x13c: {  	p0 =	sne.s32 s18, $0x4FCC0  }
.Ltmp7:
0x13d: {  	_ = 	snop;
	(pc) =	sbr.rel @p0 .LBB2_16-.Ltmp7, $4  }
0x13e: {  	_ = 	snop  }
0x13f: {  	s19 =	sshra.s32 s18, $0x2;
	s18 =	sadd.s32 $0x500, s18;
	v5 =	vmul.f32 v4, v4  }
0x140: {  	v4 =	vld [tilespmem:s19+$0x0]  }
0x141: {  	v3 =	vadd.f32 v5, v3  }
0x142: {  	_ =	sdelay $0x2  }
0x143: {  	v4 =	vmul.f32 v4, v4;
	_ =	sdelay $0x1  }
0x144: {  	v3 =	vadd.f32 v4, v3;
	_ =	sdelay $0x1  }
0x145: {  	v4 =	vshra.s32 v3, $0x1;
	v5 =	vmul.f32 $5.000000000e-01, v3  }
0x146: {  	v4 =	vsub.s32 $0x5F3759DF, v4  }
0x147: {  	v6 =	vmul.f32 v4, v5;
	_ =	sdelay $0x1  }
0x148: {  	v6 =	vmul.f32 v4, v6;
	_ =	sdelay $0x1  }
0x149: {  	v6 =	vsub.f32 $1.500000000e+00, v6;
	_ =	sdelay $0x1  }
0x14a: {  	v4 =	vmul.f32 v4, v6;
	_ =	sdelay $0x1  }
0x14b: {  	v6 =	vmul.f32 v4, v5;
	_ =	sdelay $0x1  }
0x14c: {  	v6 =	vmul.f32 v6, v4;
	_ =	sdelay $0x1  }
0x14d: {  	v6 =	vsub.f32 $1.500000000e+00, v6;
	_ =	sdelay $0x1  }
0x14e: {  	v4 =	vmul.f32 v6, v4;
	_ =	sdelay $0x1  }
0x14f: {  	v5 =	vmul.f32 v4, v5;
	_ =	sdelay $0x1  }
0x150: {  	v5 =	vmul.f32 v5, v4;
	_ =	sdelay $0x1  }
0x151: {  	v5 =	vsub.f32 $1.500000000e+00, v5;
	_ =	sdelay $0x1  }
0x152: {  	v4 =	vmul.f32 v5, v4;
	_ =	sdelay $0x1  }
0x153: {  	v3 =	vmul.f32 v4, v3  }
0x154: {  	s18 =	simm.s32 $0x0  }
0x155: {  	s19 =	sand.u32 $0x1FFC0, s18;
	[tilespmem:$0x14BF0] =	vst v3  }
0x156: {  	v4 =	vld [tilespmem:s19+$0x80]  }
0x157: {  	s18 =	simm.s32 $0x140;
	v3 =	vimm.f32 $0.0e+00  }
.LBB2_18:
0x158: {  	p0 =	sne.s32 s18, $0x13EC0  }
.Ltmp8:
0x159: {  	_ = 	snop;
	(pc) =	sbr.rel @p0 .LBB2_18-.Ltmp8, $4  }
0x15a: {  	_ = 	snop  }
0x15b: {  	s19 =	sand.u32 $0x1FFC0, s18;
	s18 =	sadd.s32 $0x140, s18;
	v5 =	vmul.f32 v4, v4  }
0x15c: {  	v4 =	vld [tilespmem:s19+$0x80]  }
0x15d: {  	v3 =	vadd.f32 v5, v3  }
0x15e: {  	_ =	sdelay $0x2  }
0x15f: {  	v4 =	vmul.f32 v4, v4;
	_ =	sdelay $0x1  }
0x160: {  	v3 =	vadd.f32 v4, v3;
	_ =	sdelay $0x1  }
0x161: {  	v4 =	vshra.s32 v3, $0x1;
	v5 =	vmul.f32 $5.000000000e-01, v3  }
0x162: {  	v4 =	vsub.s32 $0x5F3759DF, v4  }
0x163: {  	v6 =	vmul.f32 v4, v5;
	_ =	sdelay $0x1  }
0x164: {  	v6 =	vmul.f32 v4, v6;
	_ =	sdelay $0x1  }
0x165: {  	v6 =	vsub.f32 $1.500000000e+00, v6;
	_ =	sdelay $0x1  }
0x166: {  	v4 =	vmul.f32 v4, v6;
	_ =	sdelay $0x1  }
0x167: {  	v6 =	vmul.f32 v4, v5;
	_ =	sdelay $0x1  }
0x168: {  	v6 =	vmul.f32 v6, v4;
	_ =	sdelay $0x1  }
0x169: {  	v6 =	vsub.f32 $1.500000000e+00, v6;
	_ =	sdelay $0x1  }
0x16a: {  	v4 =	vmul.f32 v6, v4;
	_ =	sdelay $0x1  }
0x16b: {  	v5 =	vmul.f32 v4, v5;
	_ =	sdelay $0x1  }
0x16c: {  	v5 =	vmul.f32 v5, v4;
	_ =	sdelay $0x1  }
0x16d: {  	v5 =	vsub.f32 $1.500000000e+00, v5;
	_ =	sdelay $0x1  }
0x16e: {  	v4 =	vmul.f32 v5, v4;
	_ =	sdelay $0x1  }
0x16f: {  	v3 =	vmul.f32 v4, v3;
	_ =	sdelay $0x1  }
0x170: {  	s19 =	simm.s32 $0x90;
	[tilespmem:$0x14C00] =	vst v3  }
0x171: {  	v4 =	vld [tilespmem:s19+$0x0]  }
0x172: {  	s18 =	simm.s32 $0x740;
	v3 =	vimm.f32 $0.0e+00  }
.LBB2_20:
0x173: {  	p0 =	sne.s32 s18, $0x4FD40  }
.Ltmp9:
0x174: {  	_ = 	snop;
	(pc) =	sbr.rel @p0 .LBB2_20-.Ltmp9, $4  }
0x175: {  	_ = 	snop  }
0x176: {  	s19 =	sshra.s32 s18, $0x2;
	s18 =	sadd.s32 $0x500, s18;
	v5 =	vmul.f32 v4, v4  }
0x177: {  	v4 =	vld [tilespmem:s19+$0x0]  }
0x178: {  	v3 =	vadd.f32 v5, v3  }
0x179: {  	_ =	sdelay $0x2  }
0x17a: {  	v4 =	vmul.f32 v4, v4;
	_ =	sdelay $0x1  }
0x17b: {  	v3 =	vadd.f32 v4, v3;
	_ =	sdelay $0x1  }
0x17c: {  	v4 =	vshra.s32 v3, $0x1;
	v5 =	vmul.f32 $5.000000000e-01, v3  }
0x17d: {  	v4 =	vsub.s32 $0x5F3759DF, v4  }
0x17e: {  	v6 =	vmul.f32 v4, v5;
	_ =	sdelay $0x1  }
0x17f: {  	v6 =	vmul.f32 v4, v6;
	_ =	sdelay $0x1  }
0x180: {  	v6 =	vsub.f32 $1.500000000e+00, v6;
	_ =	sdelay $0x1  }
0x181: {  	v4 =	vmul.f32 v4, v6;
	_ =	sdelay $0x1  }
0x182: {  	v6 =	vmul.f32 v4, v5;
	_ =	sdelay $0x1  }
0x183: {  	v6 =	vmul.f32 v6, v4;
	_ =	sdelay $0x1  }
0x184: {  	v6 =	vsub.f32 $1.500000000e+00, v6;
	_ =	sdelay $0x1  }
0x185: {  	v4 =	vmul.f32 v6, v4;
	_ =	sdelay $0x1  }
0x186: {  	v5 =	vmul.f32 v4, v5;
	_ =	sdelay $0x1  }
0x187: {  	v5 =	vmul.f32 v5, v4;
	_ =	sdelay $0x1  }
0x188: {  	v5 =	vsub.f32 $1.500000000e+00, v5;
	_ =	sdelay $0x1  }
0x189: {  	v4 =	vmul.f32 v5, v4;
	_ =	sdelay $0x1  }
0x18a: {  	v3 =	vmul.f32 v4, v3;
	_ =	sdelay $0x1  }
0x18b: {  	s19 =	simm.s32 $0xA0;
	[tilespmem:$0x14C10] =	vst v3  }
0x18c: {  	v4 =	vld [tilespmem:s19+$0x0]  }
0x18d: {  	s18 =	simm.s32 $0x780;
	v3 =	vimm.f32 $0.0e+00  }
.LBB2_22:
0x18e: {  	p0 =	sne.s32 s18, $0x4FD80  }
.Ltmp10:
0x18f: {  	_ = 	snop;
	(pc) =	sbr.rel @p0 .LBB2_22-.Ltmp10, $4  }
0x190: {  	_ = 	snop  }
0x191: {  	s19 =	sshra.s32 s18, $0x2;
	s18 =	sadd.s32 $0x500, s18;
	v5 =	vmul.f32 v4, v4  }
0x192: {  	v4 =	vld [tilespmem:s19+$0x0]  }
0x193: {  	v3 =	vadd.f32 v5, v3  }
0x194: {  	_ =	sdelay $0x2  }
0x195: {  	v4 =	vmul.f32 v4, v4;
	_ =	sdelay $0x1  }
0x196: {  	v3 =	vadd.f32 v4, v3;
	_ =	sdelay $0x1  }
0x197: {  	v4 =	vshra.s32 v3, $0x1;
	v5 =	vmul.f32 $5.000000000e-01, v3  }
0x198: {  	v4 =	vsub.s32 $0x5F3759DF, v4  }
0x199: {  	v6 =	vmul.f32 v4, v5;
	_ =	sdelay $0x1  }
0x19a: {  	v6 =	vmul.f32 v4, v6;
	_ =	sdelay $0x1  }
0x19b: {  	v6 =	vsub.f32 $1.500000000e+00, v6;
	_ =	sdelay $0x1  }
0x19c: {  	v4 =	vmul.f32 v4, v6;
	_ =	sdelay $0x1  }
0x19d: {  	v6 =	vmul.f32 v4, v5;
	_ =	sdelay $0x1  }
0x19e: {  	v6 =	vmul.f32 v6, v4;
	_ =	sdelay $0x1  }
0x19f: {  	v6 =	vsub.f32 $1.500000000e+00, v6;
	_ =	sdelay $0x1  }
0x1a0: {  	v4 =	vmul.f32 v6, v4;
	_ =	sdelay $0x1  }
0x1a1: {  	v5 =	vmul.f32 v4, v5;
	_ =	sdelay $0x1  }
0x1a2: {  	v5 =	vmul.f32 v5, v4;
	_ =	sdelay $0x1  }
0x1a3: {  	v5 =	vsub.f32 $1.500000000e+00, v5;
	_ =	sdelay $0x1  }
0x1a4: {  	v4 =	vmul.f32 v5, v4;
	_ =	sdelay $0x1  }
0x1a5: {  	v3 =	vmul.f32 v4, v3;
	_ =	sdelay $0x1  }
0x1a6: {  	s19 =	simm.s32 $0xB0;
	[tilespmem:$0x14C20] =	vst v3  }
0x1a7: {  	v4 =	vld [tilespmem:s19+$0x0]  }
0x1a8: {  	s18 =	simm.s32 $0x7C0;
	v3 =	vimm.f32 $0.0e+00  }
.LBB2_24:
0x1a9: {  	p0 =	sne.s32 s18, $0x4FDC0  }
.Ltmp11:
0x1aa: {  	_ = 	snop;
	(pc) =	sbr.rel @p0 .LBB2_24-.Ltmp11, $4  }
0x1ab: {  	_ = 	snop  }
0x1ac: {  	s19 =	sshra.s32 s18, $0x2;
	s18 =	sadd.s32 $0x500, s18;
	v5 =	vmul.f32 v4, v4  }
0x1ad: {  	v4 =	vld [tilespmem:s19+$0x0]  }
0x1ae: {  	v3 =	vadd.f32 v5, v3  }
0x1af: {  	_ =	sdelay $0x2  }
0x1b0: {  	v4 =	vmul.f32 v4, v4;
	_ =	sdelay $0x1  }
0x1b1: {  	v3 =	vadd.f32 v4, v3;
	_ =	sdelay $0x1  }
0x1b2: {  	v4 =	vshra.s32 v3, $0x1;
	v5 =	vmul.f32 $5.000000000e-01, v3  }
0x1b3: {  	v4 =	vsub.s32 $0x5F3759DF, v4  }
0x1b4: {  	v6 =	vmul.f32 v4, v5;
	_ =	sdelay $0x1  }
0x1b5: {  	v6 =	vmul.f32 v4, v6;
	_ =	sdelay $0x1  }
0x1b6: {  	v6 =	vsub.f32 $1.500000000e+00, v6;
	_ =	sdelay $0x1  }
0x1b7: {  	v4 =	vmul.f32 v4, v6;
	_ =	sdelay $0x1  }
0x1b8: {  	v6 =	vmul.f32 v4, v5;
	_ =	sdelay $0x1  }
0x1b9: {  	v6 =	vmul.f32 v6, v4;
	_ =	sdelay $0x1  }
0x1ba: {  	v6 =	vsub.f32 $1.500000000e+00, v6;
	_ =	sdelay $0x1  }
0x1bb: {  	v4 =	vmul.f32 v6, v4;
	_ =	sdelay $0x1  }
0x1bc: {  	v5 =	vmul.f32 v4, v5;
	_ =	sdelay $0x1  }
0x1bd: {  	v5 =	vmul.f32 v5, v4;
	_ =	sdelay $0x1  }
0x1be: {  	v5 =	vsub.f32 $1.500000000e+00, v5;
	_ =	sdelay $0x1  }
0x1bf: {  	v4 =	vmul.f32 v5, v4;
	_ =	sdelay $0x1  }
0x1c0: {  	v3 =	vmul.f32 v4, v3;
	_ =	sdelay $0x1  }
0x1c1: {  	s19 =	simm.s32 $0xC0;
	[tilespmem:$0x14C30] =	vst v3  }
0x1c2: {  	v4 =	vld [tilespmem:s19+$0x0]  }
0x1c3: {  	s18 =	simm.s32 $0x800;
	v3 =	vimm.f32 $0.0e+00  }
.LBB2_26:
0x1c4: {  	p0 =	sne.s32 s18, $0x4FE00  }
.Ltmp12:
0x1c5: {  	_ = 	snop;
	(pc) =	sbr.rel @p0 .LBB2_26-.Ltmp12, $4  }
0x1c6: {  	_ = 	snop  }
0x1c7: {  	s19 =	sshra.s32 s18, $0x2;
	s18 =	sadd.s32 $0x500, s18;
	v5 =	vmul.f32 v4, v4  }
0x1c8: {  	v4 =	vld [tilespmem:s19+$0x0]  }
0x1c9: {  	v3 =	vadd.f32 v5, v3  }
0x1ca: {  	_ =	sdelay $0x2  }
0x1cb: {  	v4 =	vmul.f32 v4, v4;
	_ =	sdelay $0x1  }
0x1cc: {  	v3 =	vadd.f32 v4, v3;
	_ =	sdelay $0x1  }
0x1cd: {  	v4 =	vshra.s32 v3, $0x1;
	v5 =	vmul.f32 $5.000000000e-01, v3  }
0x1ce: {  	v4 =	vsub.s32 $0x5F3759DF, v4  }
0x1cf: {  	v6 =	vmul.f32 v4, v5;
	_ =	sdelay $0x1  }
0x1d0: {  	v6 =	vmul.f32 v4, v6;
	_ =	sdelay $0x1  }
0x1d1: {  	v6 =	vsub.f32 $1.500000000e+00, v6;
	_ =	sdelay $0x1  }
0x1d2: {  	v4 =	vmul.f32 v4, v6;
	_ =	sdelay $0x1  }
0x1d3: {  	v6 =	vmul.f32 v4, v5;
	_ =	sdelay $0x1  }
0x1d4: {  	v6 =	vmul.f32 v6, v4;
	_ =	sdelay $0x1  }
0x1d5: {  	v6 =	vsub.f32 $1.500000000e+00, v6;
	_ =	sdelay $0x1  }
0x1d6: {  	v4 =	vmul.f32 v6, v4;
	_ =	sdelay $0x1  }
0x1d7: {  	v5 =	vmul.f32 v4, v5;
	_ =	sdelay $0x1  }
0x1d8: {  	v5 =	vmul.f32 v5, v4;
	_ =	sdelay $0x1  }
0x1d9: {  	v5 =	vsub.f32 $1.500000000e+00, v5;
	_ =	sdelay $0x1  }
0x1da: {  	v4 =	vmul.f32 v5, v4;
	_ =	sdelay $0x1  }
0x1db: {  	v3 =	vmul.f32 v4, v3;
	_ =	sdelay $0x1  }
0x1dc: {  	s19 =	simm.s32 $0xD0;
	[tilespmem:$0x14C40] =	vst v3  }
0x1dd: {  	v4 =	vld [tilespmem:s19+$0x0]  }
0x1de: {  	s18 =	simm.s32 $0x840;
	v3 =	vimm.f32 $0.0e+00  }
.LBB2_28:
0x1df: {  	p0 =	sne.s32 s18, $0x4FE40  }
.Ltmp13:
0x1e0: {  	_ = 	snop;
	(pc) =	sbr.rel @p0 .LBB2_28-.Ltmp13, $4  }
0x1e1: {  	_ = 	snop  }
0x1e2: {  	s19 =	sshra.s32 s18, $0x2;
	s18 =	sadd.s32 $0x500, s18;
	v5 =	vmul.f32 v4, v4  }
0x1e3: {  	v4 =	vld [tilespmem:s19+$0x0]  }
0x1e4: {  	v3 =	vadd.f32 v5, v3  }
0x1e5: {  	_ =	sdelay $0x2  }
0x1e6: {  	v4 =	vmul.f32 v4, v4;
	_ =	sdelay $0x1  }
0x1e7: {  	v3 =	vadd.f32 v4, v3;
	_ =	sdelay $0x1  }
0x1e8: {  	v4 =	vshra.s32 v3, $0x1;
	v5 =	vmul.f32 $5.000000000e-01, v3  }
0x1e9: {  	v4 =	vsub.s32 $0x5F3759DF, v4  }
0x1ea: {  	v6 =	vmul.f32 v4, v5;
	_ =	sdelay $0x1  }
0x1eb: {  	v6 =	vmul.f32 v4, v6;
	_ =	sdelay $0x1  }
0x1ec: {  	v6 =	vsub.f32 $1.500000000e+00, v6;
	_ =	sdelay $0x1  }
0x1ed: {  	v4 =	vmul.f32 v4, v6;
	_ =	sdelay $0x1  }
0x1ee: {  	v6 =	vmul.f32 v4, v5;
	_ =	sdelay $0x1  }
0x1ef: {  	v6 =	vmul.f32 v6, v4;
	_ =	sdelay $0x1  }
0x1f0: {  	v6 =	vsub.f32 $1.500000000e+00, v6;
	_ =	sdelay $0x1  }
0x1f1: {  	v4 =	vmul.f32 v6, v4;
	_ =	sdelay $0x1  }
0x1f2: {  	v5 =	vmul.f32 v4, v5;
	_ =	sdelay $0x1  }
0x1f3: {  	v5 =	vmul.f32 v5, v4;
	_ =	sdelay $0x1  }
0x1f4: {  	v5 =	vsub.f32 $1.500000000e+00, v5;
	_ =	sdelay $0x1  }
0x1f5: {  	v4 =	vmul.f32 v5, v4;
	_ =	sdelay $0x1  }
0x1f6: {  	v3 =	vmul.f32 v4, v3;
	_ =	sdelay $0x1  }
0x1f7: {  	s19 =	simm.s32 $0xE0;
	[tilespmem:$0x14C50] =	vst v3  }
0x1f8: {  	v4 =	vld [tilespmem:s19+$0x0]  }
0x1f9: {  	s18 =	simm.s32 $0x880;
	v3 =	vimm.f32 $0.0e+00  }
.LBB2_30:
0x1fa: {  	p0 =	sne.s32 s18, $0x4FE80  }
.Ltmp14:
0x1fb: {  	_ = 	snop;
	(pc) =	sbr.rel @p0 .LBB2_30-.Ltmp14, $4  }
0x1fc: {  	_ = 	snop  }
0x1fd: {  	s19 =	sshra.s32 s18, $0x2;
	s18 =	sadd.s32 $0x500, s18;
	v5 =	vmul.f32 v4, v4  }
0x1fe: {  	v4 =	vld [tilespmem:s19+$0x0]  }
0x1ff: {  	v3 =	vadd.f32 v5, v3  }
0x200: {  	_ =	sdelay $0x2  }
0x201: {  	v4 =	vmul.f32 v4, v4;
	_ =	sdelay $0x1  }
0x202: {  	v3 =	vadd.f32 v4, v3;
	_ =	sdelay $0x1  }
0x203: {  	v4 =	vshra.s32 v3, $0x1;
	v5 =	vmul.f32 $5.000000000e-01, v3  }
0x204: {  	v4 =	vsub.s32 $0x5F3759DF, v4  }
0x205: {  	v6 =	vmul.f32 v4, v5;
	_ =	sdelay $0x1  }
0x206: {  	v6 =	vmul.f32 v4, v6;
	_ =	sdelay $0x1  }
0x207: {  	v6 =	vsub.f32 $1.500000000e+00, v6;
	_ =	sdelay $0x1  }
0x208: {  	v4 =	vmul.f32 v4, v6;
	_ =	sdelay $0x1  }
0x209: {  	v6 =	vmul.f32 v4, v5;
	_ =	sdelay $0x1  }
0x20a: {  	v6 =	vmul.f32 v6, v4;
	_ =	sdelay $0x1  }
0x20b: {  	v6 =	vsub.f32 $1.500000000e+00, v6;
	_ =	sdelay $0x1  }
0x20c: {  	v4 =	vmul.f32 v6, v4;
	_ =	sdelay $0x1  }
0x20d: {  	v5 =	vmul.f32 v4, v5;
	_ =	sdelay $0x1  }
0x20e: {  	v5 =	vmul.f32 v5, v4;
	_ =	sdelay $0x1  }
0x20f: {  	v5 =	vsub.f32 $1.500000000e+00, v5;
	_ =	sdelay $0x1  }
0x210: {  	v4 =	vmul.f32 v5, v4;
	_ =	sdelay $0x1  }
0x211: {  	v3 =	vmul.f32 v4, v3;
	_ =	sdelay $0x1  }
0x212: {  	s19 =	simm.s32 $0xF0;
	[tilespmem:$0x14C60] =	vst v3  }
0x213: {  	v4 =	vld [tilespmem:s19+$0x0]  }
0x214: {  	s18 =	simm.s32 $0x8C0;
	v3 =	vimm.f32 $0.0e+00  }
.LBB2_32:
0x215: {  	p0 =	sne.s32 s18, $0x4FEC0  }
.Ltmp15:
0x216: {  	_ = 	snop;
	(pc) =	sbr.rel @p0 .LBB2_32-.Ltmp15, $4  }
0x217: {  	_ = 	snop  }
0x218: {  	s19 =	sshra.s32 s18, $0x2;
	s18 =	sadd.s32 $0x500, s18;
	v5 =	vmul.f32 v4, v4  }
0x219: {  	v4 =	vld [tilespmem:s19+$0x0]  }
0x21a: {  	v3 =	vadd.f32 v5, v3  }
0x21b: {  	_ =	sdelay $0x2  }
0x21c: {  	v4 =	vmul.f32 v4, v4;
	_ =	sdelay $0x1  }
0x21d: {  	v3 =	vadd.f32 v4, v3;
	_ =	sdelay $0x1  }
0x21e: {  	v4 =	vshra.s32 v3, $0x1;
	v5 =	vmul.f32 $5.000000000e-01, v3  }
0x21f: {  	v4 =	vsub.s32 $0x5F3759DF, v4  }
0x220: {  	v6 =	vmul.f32 v4, v5;
	_ =	sdelay $0x1  }
0x221: {  	v6 =	vmul.f32 v4, v6;
	_ =	sdelay $0x1  }
0x222: {  	v6 =	vsub.f32 $1.500000000e+00, v6;
	_ =	sdelay $0x1  }
0x223: {  	v4 =	vmul.f32 v4, v6;
	_ =	sdelay $0x1  }
0x224: {  	v6 =	vmul.f32 v4, v5;
	_ =	sdelay $0x1  }
0x225: {  	v6 =	vmul.f32 v6, v4;
	_ =	sdelay $0x1  }
0x226: {  	v6 =	vsub.f32 $1.500000000e+00, v6;
	_ =	sdelay $0x1  }
0x227: {  	v4 =	vmul.f32 v6, v4;
	_ =	sdelay $0x1  }
0x228: {  	v5 =	vmul.f32 v4, v5;
	_ =	sdelay $0x1  }
0x229: {  	v5 =	vmul.f32 v5, v4;
	_ =	sdelay $0x1  }
0x22a: {  	v5 =	vsub.f32 $1.500000000e+00, v5;
	_ =	sdelay $0x1  }
0x22b: {  	v4 =	vmul.f32 v5, v4;
	_ =	sdelay $0x1  }
0x22c: {  	v3 =	vmul.f32 v4, v3  }
0x22d: {  	s18 =	simm.s32 $0x0  }
0x22e: {  	s19 =	sand.u32 $0x1FFC0, s18;
	[tilespmem:$0x14C70] =	vst v3  }
0x22f: {  	v4 =	vld [tilespmem:s19+$0x100]  }
0x230: {  	s18 =	simm.s32 $0x140;
	v3 =	vimm.f32 $0.0e+00  }
.LBB2_34:
0x231: {  	p0 =	sne.s32 s18, $0x13EC0  }
.Ltmp16:
0x232: {  	_ = 	snop;
	(pc) =	sbr.rel @p0 .LBB2_34-.Ltmp16, $4  }
0x233: {  	_ = 	snop  }
0x234: {  	s19 =	sand.u32 $0x1FFC0, s18;
	s18 =	sadd.s32 $0x140, s18;
	v5 =	vmul.f32 v4, v4  }
0x235: {  	v4 =	vld [tilespmem:s19+$0x100]  }
0x236: {  	v3 =	vadd.f32 v5, v3  }
0x237: {  	_ =	sdelay $0x2  }
0x238: {  	v4 =	vmul.f32 v4, v4;
	_ =	sdelay $0x1  }
0x239: {  	v3 =	vadd.f32 v4, v3;
	_ =	sdelay $0x1  }
0x23a: {  	v4 =	vshra.s32 v3, $0x1;
	v5 =	vmul.f32 $5.000000000e-01, v3  }
0x23b: {  	v4 =	vsub.s32 $0x5F3759DF, v4  }
0x23c: {  	v6 =	vmul.f32 v4, v5;
	_ =	sdelay $0x1  }
0x23d: {  	v6 =	vmul.f32 v4, v6;
	_ =	sdelay $0x1  }
0x23e: {  	v6 =	vsub.f32 $1.500000000e+00, v6;
	_ =	sdelay $0x1  }
0x23f: {  	v4 =	vmul.f32 v4, v6;
	_ =	sdelay $0x1  }
0x240: {  	v6 =	vmul.f32 v4, v5;
	_ =	sdelay $0x1  }
0x241: {  	v6 =	vmul.f32 v6, v4;
	_ =	sdelay $0x1  }
0x242: {  	v6 =	vsub.f32 $1.500000000e+00, v6;
	_ =	sdelay $0x1  }
0x243: {  	v4 =	vmul.f32 v6, v4;
	_ =	sdelay $0x1  }
0x244: {  	v5 =	vmul.f32 v4, v5;
	_ =	sdelay $0x1  }
0x245: {  	v5 =	vmul.f32 v5, v4;
	_ =	sdelay $0x1  }
0x246: {  	v5 =	vsub.f32 $1.500000000e+00, v5;
	_ =	sdelay $0x1  }
0x247: {  	v4 =	vmul.f32 v5, v4;
	_ =	sdelay $0x1  }
0x248: {  	v3 =	vmul.f32 v4, v3;
	_ =	sdelay $0x1  }
0x249: {  	s19 =	simm.s32 $0x110;
	[tilespmem:$0x14C80] =	vst v3  }
0x24a: {  	v4 =	vld [tilespmem:s19+$0x0]  }
0x24b: {  	s18 =	simm.s32 $0x940;
	v3 =	vimm.f32 $0.0e+00  }
.LBB2_36:
0x24c: {  	p0 =	sne.s32 s18, $0x4FF40  }
.Ltmp17:
0x24d: {  	_ = 	snop;
	(pc) =	sbr.rel @p0 .LBB2_36-.Ltmp17, $4  }
0x24e: {  	_ = 	snop  }
0x24f: {  	s19 =	sshra.s32 s18, $0x2;
	s18 =	sadd.s32 $0x500, s18;
	v5 =	vmul.f32 v4, v4  }
0x250: {  	v4 =	vld [tilespmem:s19+$0x0]  }
0x251: {  	v3 =	vadd.f32 v5, v3  }
0x252: {  	_ =	sdelay $0x2  }
0x253: {  	v4 =	vmul.f32 v4, v4;
	_ =	sdelay $0x1  }
0x254: {  	v3 =	vadd.f32 v4, v3;
	_ =	sdelay $0x1  }
0x255: {  	v4 =	vshra.s32 v3, $0x1;
	v5 =	vmul.f32 $5.000000000e-01, v3  }
0x256: {  	v4 =	vsub.s32 $0x5F3759DF, v4  }
0x257: {  	v6 =	vmul.f32 v4, v5;
	_ =	sdelay $0x1  }
0x258: {  	v6 =	vmul.f32 v4, v6;
	_ =	sdelay $0x1  }
0x259: {  	v6 =	vsub.f32 $1.500000000e+00, v6;
	_ =	sdelay $0x1  }
0x25a: {  	v4 =	vmul.f32 v4, v6;
	_ =	sdelay $0x1  }
0x25b: {  	v6 =	vmul.f32 v4, v5;
	_ =	sdelay $0x1  }
0x25c: {  	v6 =	vmul.f32 v6, v4;
	_ =	sdelay $0x1  }
0x25d: {  	v6 =	vsub.f32 $1.500000000e+00, v6;
	_ =	sdelay $0x1  }
0x25e: {  	v4 =	vmul.f32 v6, v4;
	_ =	sdelay $0x1  }
0x25f: {  	v5 =	vmul.f32 v4, v5;
	_ =	sdelay $0x1  }
0x260: {  	v5 =	vmul.f32 v5, v4;
	_ =	sdelay $0x1  }
0x261: {  	v5 =	vsub.f32 $1.500000000e+00, v5;
	_ =	sdelay $0x1  }
0x262: {  	v4 =	vmul.f32 v5, v4;
	_ =	sdelay $0x1  }
0x263: {  	v3 =	vmul.f32 v4, v3;
	_ =	sdelay $0x1  }
0x264: {  	s19 =	simm.s32 $0x120;
	[tilespmem:$0x14C90] =	vst v3  }
0x265: {  	v4 =	vld [tilespmem:s19+$0x0]  }
0x266: {  	s18 =	simm.s32 $0x980;
	v3 =	vimm.f32 $0.0e+00  }
.LBB2_38:
0x267: {  	p0 =	sne.s32 s18, $0x4FF80  }
.Ltmp18:
0x268: {  	_ = 	snop;
	(pc) =	sbr.rel @p0 .LBB2_38-.Ltmp18, $4  }
0x269: {  	_ = 	snop  }
0x26a: {  	s19 =	sshra.s32 s18, $0x2;
	s18 =	sadd.s32 $0x500, s18;
	v5 =	vmul.f32 v4, v4  }
0x26b: {  	v4 =	vld [tilespmem:s19+$0x0]  }
0x26c: {  	v3 =	vadd.f32 v5, v3  }
0x26d: {  	_ =	sdelay $0x2  }
0x26e: {  	v4 =	vmul.f32 v4, v4;
	_ =	sdelay $0x1  }
0x26f: {  	v3 =	vadd.f32 v4, v3;
	_ =	sdelay $0x1  }
0x270: {  	v4 =	vshra.s32 v3, $0x1;
	v5 =	vmul.f32 $5.000000000e-01, v3  }
0x271: {  	v4 =	vsub.s32 $0x5F3759DF, v4  }
0x272: {  	v6 =	vmul.f32 v4, v5;
	_ =	sdelay $0x1  }
0x273: {  	v6 =	vmul.f32 v4, v6;
	_ =	sdelay $0x1  }
0x274: {  	v6 =	vsub.f32 $1.500000000e+00, v6;
	_ =	sdelay $0x1  }
0x275: {  	v4 =	vmul.f32 v4, v6;
	_ =	sdelay $0x1  }
0x276: {  	v6 =	vmul.f32 v4, v5;
	_ =	sdelay $0x1  }
0x277: {  	v6 =	vmul.f32 v6, v4;
	_ =	sdelay $0x1  }
0x278: {  	v6 =	vsub.f32 $1.500000000e+00, v6;
	_ =	sdelay $0x1  }
0x279: {  	v4 =	vmul.f32 v6, v4;
	_ =	sdelay $0x1  }
0x27a: {  	v5 =	vmul.f32 v4, v5;
	_ =	sdelay $0x1  }
0x27b: {  	v5 =	vmul.f32 v5, v4;
	_ =	sdelay $0x1  }
0x27c: {  	v5 =	vsub.f32 $1.500000000e+00, v5;
	_ =	sdelay $0x1  }
0x27d: {  	v4 =	vmul.f32 v5, v4;
	_ =	sdelay $0x1  }
0x27e: {  	v3 =	vmul.f32 v4, v3;
	_ =	sdelay $0x1  }
0x27f: {  	s19 =	simm.s32 $0x130;
	[tilespmem:$0x14CA0] =	vst v3  }
0x280: {  	v4 =	vld [tilespmem:s19+$0x0]  }
0x281: {  	s18 =	simm.s32 $0x9C0;
	v3 =	vimm.f32 $0.0e+00  }
.LBB2_40:
0x282: {  	p0 =	sne.s32 s18, $0x4FFC0  }
.Ltmp19:
0x283: {  	_ = 	snop;
	(pc) =	sbr.rel @p0 .LBB2_40-.Ltmp19, $4  }
0x284: {  	_ = 	snop  }
0x285: {  	s19 =	sshra.s32 s18, $0x2;
	s18 =	sadd.s32 $0x500, s18;
	v5 =	vmul.f32 v4, v4  }
0x286: {  	v4 =	vld [tilespmem:s19+$0x0]  }
0x287: {  	v3 =	vadd.f32 v5, v3  }
0x288: {  	_ =	sdelay $0x2  }
0x289: {  	v4 =	vmul.f32 v4, v4;
	_ =	sdelay $0x1  }
0x28a: {  	v3 =	vadd.f32 v4, v3;
	_ =	sdelay $0x1  }
0x28b: {  	v4 =	vshra.s32 v3, $0x1;
	v5 =	vmul.f32 $5.000000000e-01, v3  }
0x28c: {  	v4 =	vsub.s32 $0x5F3759DF, v4  }
0x28d: {  	v6 =	vmul.f32 v4, v5;
	_ =	sdelay $0x1  }
0x28e: {  	v6 =	vmul.f32 v4, v6;
	_ =	sdelay $0x1  }
0x28f: {  	v6 =	vsub.f32 $1.500000000e+00, v6;
	_ =	sdelay $0x1  }
0x290: {  	v4 =	vmul.f32 v4, v6;
	_ =	sdelay $0x1  }
0x291: {  	v6 =	vmul.f32 v4, v5;
	_ =	sdelay $0x1  }
0x292: {  	v6 =	vmul.f32 v6, v4;
	_ =	sdelay $0x1  }
0x293: {  	v6 =	vsub.f32 $1.500000000e+00, v6;
	_ =	sdelay $0x1  }
0x294: {  	v4 =	vmul.f32 v6, v4;
	_ =	sdelay $0x1  }
0x295: {  	v5 =	vmul.f32 v4, v5;
	_ =	sdelay $0x1  }
0x296: {  	v5 =	vmul.f32 v5, v4;
	_ =	sdelay $0x1  }
0x297: {  	v5 =	vsub.f32 $1.500000000e+00, v5;
	_ =	sdelay $0x1  }
0x298: {  	v4 =	vmul.f32 v5, v4;
	_ =	sdelay $0x1  }
0x299: {  	v3 =	vmul.f32 v4, v3;
	_ =	sdelay $0x1  }
0x29a: {  	s19 =	simm.s32 $0x140;
	[tilespmem:$0x14CB0] =	vst v3  }
0x29b: {  	v4 =	vld [tilespmem:s19+$0x0]  }
0x29c: {  	s18 =	simm.s32 $0xA00;
	v3 =	vimm.f32 $0.0e+00  }
.LBB2_42:
0x29d: {  	p0 =	sne.s32 s18, $0x50000  }
.Ltmp20:
0x29e: {  	_ = 	snop;
	(pc) =	sbr.rel @p0 .LBB2_42-.Ltmp20, $4  }
0x29f: {  	_ = 	snop  }
0x2a0: {  	s19 =	sshra.s32 s18, $0x2;
	s18 =	sadd.s32 $0x500, s18;
	v5 =	vmul.f32 v4, v4  }
0x2a1: {  	v4 =	vld [tilespmem:s19+$0x0]  }
0x2a2: {  	v3 =	vadd.f32 v5, v3  }
0x2a3: {  	_ =	sdelay $0x2  }
0x2a4: {  	v4 =	vmul.f32 v4, v4;
	_ =	sdelay $0x1  }
0x2a5: {  	v3 =	vadd.f32 v4, v3;
	_ =	sdelay $0x1  }
0x2a6: {  	v4 =	vshra.s32 v3, $0x1;
	v5 =	vmul.f32 $5.000000000e-01, v3  }
0x2a7: {  	v4 =	vsub.s32 $0x5F3759DF, v4  }
0x2a8: {  	v6 =	vmul.f32 v4, v5;
	_ =	sdelay $0x1  }
0x2a9: {  	v6 =	vmul.f32 v4, v6;
	_ =	sdelay $0x1  }
0x2aa: {  	v6 =	vsub.f32 $1.500000000e+00, v6;
	_ =	sdelay $0x1  }
0x2ab: {  	v4 =	vmul.f32 v4, v6;
	_ =	sdelay $0x1  }
0x2ac: {  	v6 =	vmul.f32 v4, v5;
	_ =	sdelay $0x1  }
0x2ad: {  	[tilespmem:$0x14D20] =	vst v0;
	v6 =	vmul.f32 v6, v4  }
0x2ae: {  	[tilespmem:$0x14D30] =	vst v0  }
0x2af: {  	[tilespmem:$0x14D40] =	vst v0;
	v6 =	vsub.f32 $1.500000000e+00, v6  }
0x2b0: {  	[tilespmem:$0x14D50] =	vst v0  }
0x2b1: {  	[tilespmem:$0x14D60] =	vst v0;
	v4 =	vmul.f32 v6, v4  }
0x2b2: {  	[tilespmem:$0x14D70] =	vst v0  }
0x2b3: {  	[tilespmem:$0x14D80] =	vst v0;
	v5 =	vmul.f32 v4, v5  }
0x2b4: {  	[tilespmem:$0x14D90] =	vst v0  }
0x2b5: {  	[tilespmem:$0x14DA0] =	vst v0;
	v5 =	vmul.f32 v5, v4  }
0x2b6: {  	[tilespmem:$0x14DB0] =	vst v0  }
0x2b7: {  	[tilespmem:$0x14DC0] =	vst v0;
	v5 =	vsub.f32 $1.500000000e+00, v5  }
0x2b8: {  	[tilespmem:$0x14DD0] =	vst v0  }
0x2b9: {  	[tilespmem:$0x14DE0] =	vst v0;
	v4 =	vmul.f32 v5, v4  }
0x2ba: {  	[tilespmem:$0x14DF0] =	vst v0  }
0x2bb: {  	[tilespmem:$0x14E00] =	vst v0;
	v3 =	vmul.f32 v4, v3  }
0x2bc: {  	[tilespmem:$0x14E10] =	vst v0  }
0x2bd: {  	[tilespmem:$0x14CC0] =	vst v3;
	v3 =	vsel vm0, $0x0, v0  }
0x2be: {  	[tilespmem:$0x14D00] =	vst v3;
	v3 =	vsel vm1, $0x0, v0  }
0x2bf: {  	[tilespmem:$0x14D10] =	vst v3;
	v3 =	vsel vm2, $0x3F800000, v1  }
0x2c0: {  	[tilespmem:$0x14E20] =	vst v3;
	v3 =	vsel vm3, $0x3F800000, v1  }
0x2c1: {  	[tilespmem:$0x14E30] =	vst v3  }
0x2c2: {  	v5 =	vld [tilespmem:s8+$0x14580];
	_ =	sdelay $0x1  }
0x2c3: {  	v6 =	vld [tilespmem:s8+$0x14700]  }
0x2c4: {  	v4 =	vld [tilespmem:s8+$0x14880]  }
0x2c5: {  	s18 =	simm.s32 $0x0;
	s19 =	simm.s32 $0x14E80;
	s20 =	simm.s32 $0x0;
	v3 =	vld [tilespmem:s8+$0x14A00]  }
.LBB2_44:
0x2c6: {  	p0 =	sne.s32 s20, $0xFF0  }
.Ltmp21:
0x2c7: {  	_ = 	snop;
	(pc) =	sbr.rel @p0 .LBB2_44-.Ltmp21, $3  }
0x2c8: {  	_ =	sdelay $0x1  }
0x2c9: {  	[tilespmem:s19+$0x0] =	vst v1;
	s21 =	sand.u32 $0xFF0, s20  }
0x2ca: {  	s19 =	sadd.s32 $0x10, s19;
	s20 =	sadd.s32 $0x10, s20;
	[tilespmem:s21+$0x15E80] =	vst v1  }
0x2cb: {  	s19 =	simm.s32 $0x18  }
.LBB2_46:
0x2cc: {  	s20 =	smulhi.u32 $0xCCCCCCCD, s18  }
0x2cd: {  	s21 =	smul.u32 $0xCD, s18;
	_ =	sdelay $0x1  }
0x2ce: {  	s20 =	sshrl.u32 s20, $0x2;
	s22 =	sshrl.u32 s21, $0xA  }
0x2cf: {  	s20 =	smul.u32 $0xEC, s20;
	s22 =	sand.u32 $0x3F, s22  }
0x2d0: {  	s22 =	smul.u32 $0x5, s22  }
0x2d1: {  	s20 =	sadd.s32 s20, s19  }
0x2d2: {  	s21 =	sshrl.u32 s21, $0x4;
	s22 =	ssub.s32 s18, s22;
	s20 =	sshra.s32 s20, $0x2  }
0x2d3: {  	s21 =	sand.u32 $0xFC0, s21;
	s22 =	sand.u32 $0xFF, s22;
	v7 =	vmov s20  }
0x2d4: {  	s29 =	sor.u32 s22, s21;
	s30 =	sshll.u32 s22, $0x4  }
0x2d5: {  	s20 =	sor.u32 s6, s29;
	v8 =	vld.idx.msk [tilespmem:v2+s30+$0x0 ss:$0x1], $0xffff  }
0x2d6: {  	v9 =	vld [tilespmem:s20+$0x14586]  }
0x2d7: {  	v11 =	vld [tilespmem:s20+$0x14706]  }
0x2d8: {  	v10 =	vld.idx.msk [tilespmem:v7+s6+$0x0 ss:$0x1], $0xffff;
	_ =	sdelay $0x2  }
0x2d9: {  	v9 =	vmul.f32 v9, v8  }
0x2da: {  	v8 =	vmul.f32 v11, v8  }
0x2db: {  	v12 =	vld [tilespmem:s6+$0x88];
	v11 =	vmul.f32 v10, v9  }
0x2dc: {  	s31 =	simm.s32 $0x0;
	s20 =	simm.s32 $0x14E80;
	v13 =	vmul.f32 v10, v8  }
0x2dd: {  	s21 =	sand.u32 $0xFF0, s31;
	[tilespmem:s20+$0x0] =	vst.add.f32.msk $0xffff, v11  }
0x2de: {  	s22 =	sadd.s32 $0x140, s6;
	[tilespmem:s21+$0x15E80] =	vst.add.f32.msk $0xffff, v13  }
0x2df: {  	s23 =	simm.s32 $0x20;
	v11 =	vimm.f32 $0.0e+00;
	s21 =	simm.s32 $0x10;
	v13 =	vld.idx.msk [tilespmem:v7+s22+$0x0 ss:$0x1], $0xffff  }
.LBB2_47:
0x2e0: {  	p0 =	sne.s32 s23, $0xFF0;
	v10 =	vmul.f32 v10, v12;
	_ =	sdelay $0x1  }
0x2e1: {  	v11 =	vadd.f32 v10, v11;
	_ =	sdelay $0x1  }
0x2e2: {  	v14 =	vmul.f32 v13, v9;
	v10 =	vmov v13  }
.Ltmp22:
0x2e3: {  	s20 =	sadd.s32 $0x10, s20;
	v12 =	vld [tilespmem:s22+$0x88];
	v13 =	vmul.f32 v10, v8;
	(pc) =	sbr.rel @p0 .LBB2_47-.Ltmp22, $4  }
0x2e4: {  	s24 =	sand.u32 $0xFF0, s21;
	s21 =	smov.u32 s23;
	[tilespmem:s20+$0x0] =	vst.add.f32.msk $0xffff, v14  }
0x2e5: {  	s22 =	sadd.s32 $0x140, s22;
	[tilespmem:s24+$0x15E80] =	vst.add.f32.msk $0xffff, v13  }
0x2e6: {  	v13 =	vld.idx.msk [tilespmem:v7+s22+$0x0 ss:$0x1], $0xffff  }
0x2e7: {  	s23 =	sadd.s32 $0x10, s23  }
0x2e8: {  	v7 =	vld [tilespmem:s22+$0x88];
	_ =	sdelay $0x2  }
0x2e9: {  	v10 =	vmul.f32 v10, v12;
	s29 =	sshll.u32 s18, $0x4;
	s18 =	sadd.s32 $0x1, s18  }
0x2ea: {  	p0 =	sne.s32 s18, $0x19  }
.Ltmp23:
0x2eb: {  	v10 =	vadd.f32 v10, v11;
	v9 =	vmul.f32 v13, v9;
	v7 =	vmul.f32 v13, v7;
	(pc) =	sbr.rel @p0 .LBB2_46-.Ltmp23, $4  }
0x2ec: {  	s20 =	sadd.s32 $0x10, s20;
	v8 =	vmul.f32 v13, v8  }
0x2ed: {  	s30 =	sand.u32 $0xFF0, s21;
	[tilespmem:s20+$0x0] =	vst.add.f32.msk $0xffff, v9;
	v7 =	vadd.f32 v7, v10  }
0x2ee: {  	s31 =	sand.u32 $0x3FFFFFF0, s29;
	[tilespmem:s30+$0x15E80] =	vst.add.f32.msk $0xffff, v8  }
0x2ef: {  	s19 =	sadd.s32 $0x4, s19;
	[tilespmem:s31+$0x16E80] =	vst v7  }
0x2f0: {  	v12 =	vld [tilespmem:s8+$0x0]  }
0x2f1: {  	s18 =	simm.s32 $0x0;
	s19 =	simm.s32 $0x14E80  }
0x2f2: {  	s18 =	sand.u32 $0xFF0, s18;
	v8 =	vld [tilespmem:s19+$0x0]  }
0x2f3: {  	v7 =	vld [tilespmem:s18+$0x15E80];
	_ =	sdelay $0x1  }
0x2f4: {  	s20 =	sadd.s32 $0x140, s8;
	v10 =	vmul.f32 v12, v5  }
0x2f5: {  	v13 =	vld [tilespmem:s20+$0x0];
	v9 =	vmul.f32 v12, v6  }
0x2f6: {  	s31 =	simm.s32 $0x10;
	v8 =	vsub.f32 v8, v10  }
0x2f7: {  	s18 =	sand.u32 $0xFF0, s31;
	v7 =	vsub.f32 v7, v9  }
0x2f8: {  	v17 =	vmul.f32 $3.999999910e-02, v8;
	v8 =	vld [tilespmem:s18+$0x15E80];
	s18 =	simm.s32 $0x14E90  }
0x2f9: {  	v14 =	vmul.f32 $3.999999910e-02, v7;
	v10 =	vld [tilespmem:s18+$0x0]  }
0x2fa: {  	v16 =	vimm.f32 $0.0e+00;
	v15 =	vimm.f32 $0.0e+00;
	v18 =	vmul.f32 v13, v6  }
0x2fb: {  	s19 =	simm.s32 $0x20;
	s20 =	sadd.s32 $0x140, s20;
	v9 =	vimm.f32 $0.0e+00;
	v7 =	vimm.f32 $0.0e+00;
	v11 =	vmul.f32 v14, v14  }
.LBB2_50:
0x2fc: {  	v19 =	vld [tilespmem:s20+$0x0];
	p0 =	sne.s32 s19, $0xFF0;
	v20 =	vmul.f32 v13, v5;
	v21 =	vmul.f32 v17, v12;
	s21 =	smov.u32 s19;
	s19 =	sadd.s32 $0x10, s19  }
.Ltmp24:
0x2fd: {  	v17 =	vmul.f32 v17, v17;
	s21 =	sand.u32 $0xFF0, s21;
	v18 =	vsub.f32 v8, v18;
	v7 =	vadd.f32 v11, v7;
	(pc) =	sbr.rel @p0 .LBB2_50-.Ltmp24, $4  }
0x2fe: {  	s18 =	sadd.s32 $0x10, s18;
	v8 =	vld [tilespmem:s21+$0x15E80];
	v11 =	vsub.f32 v10, v20;
	v16 =	vadd.f32 v21, v16;
	v20 =	vmul.f32 v14, v12;
	v12 =	vmovc v13  }
0x2ff: {  	v9 =	vadd.f32 v17, v9;
	v10 =	vld [tilespmem:s18+$0x0];
	v14 =	vmul.f32 $3.999999910e-02, v18  }
0x300: {  	v17 =	vmul.f32 $3.999999910e-02, v11;
	v15 =	vadd.f32 v20, v15  }
0x301: {  	s20 =	sadd.s32 $0x140, s20;
	v18 =	vmul.f32 v19, v6;
	v11 =	vmul.f32 v14, v14;
	v13 =	vmov v19  }
0x302: {  	v19 =	vmul.f32 v13, v5;
	_ =	sdelay $0x1  }
0x303: {  	v10 =	vsub.f32 v10, v19  }
0x304: {  	v8 =	vsub.f32 v8, v18  }
0x305: {  	v18 =	vmul.f32 v17, v17;
	v19 =	vmul.f32 $3.999999910e-02, v10  }
0x306: {  	v20 =	vmul.f32 $3.999999910e-02, v8  }
0x307: {  	v8 =	vadd.f32 v18, v9;
	v9 =	vmul.f32 v19, v19  }
0x308: {  	v7 =	vadd.f32 v11, v7;
	v10 =	vmul.f32 v20, v20  }
0x309: {  	v8 =	vadd.f32 v9, v8  }
0x30a: {  	v9 =	vadd.f32 v10, v7  }
0x30b: {  	v7 =	vshra.s32 v8, $0x1  }
0x30c: {  	v10 =	vmul.f32 $5.000000000e-01, v8;
	v11 =	vshra.s32 v9, $0x1;
	v18 =	vmul.f32 $5.000000000e-01, v9  }
0x30d: {  	v7 =	vsub.s32 $0x5F3759DF, v7;
	v11 =	vsub.s32 $0x5F3759DF, v11  }
0x30e: {  	v21 =	vmul.f32 v7, v10;
	v22 =	vmul.f32 v11, v18;
	_ =	sdelay $0x1  }
0x30f: {  	v21 =	vmul.f32 v7, v21;
	v22 =	vmul.f32 v11, v22;
	_ =	sdelay $0x1  }
0x310: {  	v21 =	vsub.f32 $1.500000000e+00, v21;
	v22 =	vsub.f32 $1.500000000e+00, v22;
	_ =	sdelay $0x1  }
0x311: {  	s18 =	simm.s32 $0x0;
	v7 =	vmul.f32 v7, v21;
	v11 =	vmul.f32 v11, v22  }
0x312: {  	s18 =	smul.u32 $0xCD, s18  }
0x313: {  	v21 =	vmul.f32 v7, v10;
	v22 =	vmul.f32 v11, v18  }
0x314: {  	s19 =	sshrl.u32 s18, $0xA  }
0x315: {  	s19 =	sand.u32 $0x3F, s19;
	v21 =	vmul.f32 v21, v7;
	v22 =	vmul.f32 v22, v11  }
0x316: {  	s19 =	smul.u32 $0x5, s19  }
0x317: {  	v21 =	vsub.f32 $1.500000000e+00, v21;
	v22 =	vsub.f32 $1.500000000e+00, v22  }
0x318: {  	s19 =	ssub.s32 $0x0, s19  }
0x319: {  	s18 =	sshrl.u32 s18, $0x4;
	s19 =	sand.u32 $0xFF, s19;
	v21 =	vmul.f32 v21, v7;
	v11 =	vmul.f32 v22, v11  }
0x31a: {  	s18 =	sand.u32 $0xFC0, s18;
	s20 =	sshll.u32 s19, $0x4;
	s19 =	sadd.s32 s19, s9  }
0x31b: {  	s30 =	sor.u32 s18, s19;
	v7 =	vmul.f32 v21, v10;
	v10 =	vmul.f32 v11, v18  }
0x31c: {  	v23 =	vld [tilespmem:s30+$0x14B80]  }
0x31d: {  	v24 =	vld [tilespmem:s30+$0x14580];
	v22 =	vmul.f32 v7, v21;
	v10 =	vmul.f32 v10, v11  }
0x31e: {  	v18 =	vld [tilespmem:s8+$0x14B80]  }
0x31f: {  	v7 =	vld.idx.msk [tilespmem:v2+s20+$0x0 ss:$0x1], $0xffff;
	v22 =	vsub.f32 $1.500000000e+00, v22;
	v10 =	vsub.f32 $1.500000000e+00, v10  }
0x320: {  	v25 =	vld [tilespmem:s30+$0x14700]  }
0x321: {  	v21 =	vmul.f32 v22, v21;
	v10 =	vmul.f32 v10, v11;
	_ =	sdelay $0x1  }
0x322: {  	v11 =	vmul.f32 v21, v8;
	v10 =	vmul.f32 v10, v9  }
0x323: {  	v22 =	vadd.f32 v23, v23;
	v8 =	vmul.f32 v18, v5;
	v21 =	vmul.f32 v24, v7  }
0x324: {  	v9 =	vmul.f32 v18, v6;
	v18 =	vmul.f32 v25, v7  }
0x325: {  	v8 =	vadd.f32 $9.999999930e-09, v8;
	v11 =	vadd.f32 $9.999999930e-09, v11;
	v23 =	vmul.f32 v22, v21  }
0x326: {  	v9 =	vadd.f32 $9.999999930e-09, v9;
	v10 =	vadd.f32 $9.999999930e-09, v10;
	v22 =	vmul.f32 v22, v18  }
0x327: {  	v11 =	vmul.f32 v8, v11;
	v23 =	vadd.f32 $9.999999930e-09, v23  }
0x328: {  	v10 =	vmul.f32 v9, v10;
	v22 =	vadd.f32 $9.999999930e-09, v22  }
0x329: {  	(erf) = vrcp.f32 v11;
	v11 =	vmul.f32 v23, v9  }
0x32a: {  	(erf) = vrcp.f32 v10;
	v10 =	vmul.f32 v22, v8  }
0x32b: {  	s18 =	simm.s32 $0x16E80;
	(erf) = vrcp.f32 v11  }
0x32c: {  	v22 =	vld [tilespmem:s18+$0x0];
	(erf) = vrcp.f32 v10;
	_ =	sdelay $0x2  }
0x32d: {  	v11 =	vadd.f32 v6, v6  }
0x32e: {  	v10 =	vadd.f32 v5, v5  }
0x32f: {  	v23 =	vmul.f32 v22, v11  }
0x330: {  	v17 =	vmul.f32 v17, v12;
	v22 =	vmul.f32 v22, v10;
	v62 =	vpop (erf)  }
0x331: {  	s31 =	simm.s32 $0x1;
	v12 =	vmul.f32 v14, v12;
	v14 =	vmul.f32 v21, v23;
	v63 =	vpop (erf)  }
0x332: {  	s21 =	smul.u32 $0xCD, s31;
	v16 =	vadd.f32 v17, v16;
	v17 =	vmul.f32 v19, v13;
	v18 =	vmul.f32 v18, v22;
	v19 =	vpop (erf)  }
0x333: {  	v12 =	vadd.f32 v12, v15;
	v13 =	vmul.f32 v20, v13;
	v14 =	vmul.f32 v19, v14;
	v15 =	vpop (erf)  }
0x334: {  	s19 =	sshrl.u32 s21, $0xA;
	v15 =	vmul.f32 v15, v18  }
0x335: {  	v16 =	vadd.f32 v17, v16;
	v12 =	vadd.f32 v13, v12;
	s22 =	sand.u32 $0x3F, s19;
	v13 =	vmul.f32 $1.000000000e+01, v14  }
0x336: {  	s19 =	simm.s32 $0x17210;
	s22 =	smul.u32 $0x5, s22;
	v15 =	vmul.f32 $1.000000000e+01, v15  }
0x337: {  	v6 =	vmul.f32 v12, v6;
	v5 =	vmul.f32 v16, v5;
	[tilespmem:s19+$0x0] =	vst v13  }
0x338: {  	s22 =	ssub.s32 $0x1, s22;
	[tilespmem:s19+$0xFFFFFE70] =	vst v15  }
0x339: {  	s21 =	sshrl.u32 s21, $0x4;
	s22 =	sand.u32 $0xFF, s22;
	v5 =	vmul.f32 v62, v5;
	v12 =	vmul.f32 v63, v6;
	v17 =	vld [tilespmem:s30+$0x14880]  }
0x33a: {  	s21 =	sand.u32 $0xFC0, s21;
	s23 =	sshll.u32 s22, $0x4;
	s22 =	sadd.s32 s22, s9;
	v18 =	vld [tilespmem:s30+$0x14A00]  }
0x33b: {  	s20 =	sor.u32 s21, s22;
	v6 =	vmul.f32 $1.000000000e+01, v5;
	v5 =	vmul.f32 $1.000000000e+01, v12;
	v16 =	vld.idx.msk [tilespmem:v2+s23+$0x0 ss:$0x1], $0xffff  }
0x33c: {  	v12 =	vimm.f32 $0.0e+00;
	v19 =	vld [tilespmem:s20+$0x14B80]  }
0x33d: {  	v14 =	vmax.f32 v5, v13;
	v13 =	vimm.f32 $0.0e+00;
	v15 =	vmax.f32 v6, v15;
	s23 =	simm.s32 $0x2;
	v20 =	vld [tilespmem:s20+$0x14580]  }
.LBB2_52:
0x33e: {  	s18 =	sadd.s32 $0x10, s18  }
0x33f: {  	v21 =	vld [tilespmem:s20+$0x14700];
	v17 =	vmul.f32 v17, v7;
	s19 =	sadd.s32 $0x10, s19;
	s22 =	smov.u32 s23;
	s21 =	sadd.s32 $0x1, s23  }
0x340: {  	p0 =	sne.s32 s23, $0x18;
	v18 =	vmul.f32 v18, v7  }
0x341: {  	v12 =	vadd.f32 v17, v12  }
0x342: {  	v7 =	vmov v16;
	v13 =	vadd.f32 v18, v13  }
0x343: {  	v17 =	vadd.f32 v19, v19;
	v16 =	vmul.f32 v20, v7  }
0x344: {  	v18 =	vmul.f32 v21, v7  }
0x345: {  	v19 =	vmul.f32 v17, v16  }
0x346: {  	v17 =	vmul.f32 v17, v18  }
0x347: {  	v19 =	vadd.f32 $9.999999930e-09, v19  }
0x348: {  	v17 =	vadd.f32 $9.999999930e-09, v17  }
0x349: {  	v19 =	vmul.f32 v19, v9  }
0x34a: {  	v17 =	vmul.f32 v17, v8  }
0x34b: {  	(erf) = vrcp.f32 v19  }
0x34c: {  	v19 =	vld [tilespmem:s18+$0x0];
	(erf) = vrcp.f32 v17;
	_ =	sdelay $0x4  }
0x34d: {  	v17 =	vmul.f32 v19, v11  }
0x34e: {  	v19 =	vmul.f32 v19, v10  }
0x34f: {  	v16 =	vmul.f32 v16, v17  }
0x350: {  	s23 =	smul.u32 $0xCD, s22;
	v17 =	vmul.f32 v18, v19;
	v18 =	vpop (erf)  }
0x351: {  	v16 =	vmul.f32 v18, v16;
	v18 =	vpop (erf)  }
0x352: {  	s24 =	sshrl.u32 s23, $0xA;
	s23 =	sshrl.u32 s23, $0x4;
	v17 =	vmul.f32 v18, v17  }
0x353: {  	s24 =	sand.u32 $0x3F, s24;
	v16 =	vmul.f32 $1.000000000e+01, v16  }
0x354: {  	s24 =	smul.u32 $0x5, s24;
	v17 =	vmul.f32 $1.000000000e+01, v17  }
0x355: {  	[tilespmem:s19+$0x0] =	vst v16;
	v14 =	vmax.f32 v14, v16  }
0x356: {  	s22 =	ssub.s32 s22, s24;
	[tilespmem:s19+$0xFFFFFE70] =	vst v17;
	v15 =	vmax.f32 v15, v17  }
.Ltmp25:
0x357: {  	s22 =	sand.u32 $0xFF, s22;
	v17 =	vld [tilespmem:s20+$0x14880];
	(pc) =	sbr.rel @p0 .LBB2_52-.Ltmp25, $4  }
0x358: {  	s23 =	sand.u32 $0xFC0, s23;
	s24 =	sshll.u32 s22, $0x4;
	s22 =	sadd.s32 s22, s9;
	v18 =	vld [tilespmem:s20+$0x14A00]  }
0x359: {  	s20 =	sor.u32 s23, s22;
	v16 =	vld.idx.msk [tilespmem:v2+s24+$0x0 ss:$0x1], $0xffff  }
0x35a: {  	v19 =	vld [tilespmem:s20+$0x14B80]  }
0x35b: {  	s23 =	smov.u32 s21;
	v20 =	vld [tilespmem:s20+$0x14580]  }
0x35c: {  	v21 =	vld [tilespmem:s20+$0x14700];
	_ =	sdelay $0x3  }
0x35d: {  	v19 =	vadd.f32 v19, v19;
	v20 =	vmul.f32 v20, v16  }
0x35e: {  	v21 =	vmul.f32 v21, v16  }
0x35f: {  	v22 =	vmul.f32 v19, v20  }
0x360: {  	v19 =	vmul.f32 v19, v21  }
0x361: {  	v22 =	vadd.f32 $9.999999930e-09, v22  }
0x362: {  	v19 =	vadd.f32 $9.999999930e-09, v19  }
0x363: {  	v9 =	vmul.f32 v22, v9  }
0x364: {  	v8 =	vmul.f32 v19, v8  }
0x365: {  	s18 =	sadd.s32 $0x10, s18;
	(erf) = vrcp.f32 v9  }
0x366: {  	v9 =	vld [tilespmem:s18+$0x0];
	(erf) = vrcp.f32 v8;
	_ =	sdelay $0x4  }
0x367: {  	v8 =	vmul.f32 v9, v11  }
0x368: {  	v9 =	vmul.f32 v9, v10  }
0x369: {  	v8 =	vmul.f32 v20, v8  }
0x36a: {  	v9 =	vmul.f32 v21, v9;
	v10 =	vpop (erf)  }
0x36b: {  	v8 =	vmul.f32 v10, v8;
	v10 =	vpop (erf)  }
0x36c: {  	v9 =	vmul.f32 v10, v9;
	_ =	sdelay $0x1  }
0x36d: {  	v9 =	vmul.f32 $1.000000000e+01, v9  }
0x36e: {  	s28 =	sadd.s32 $0x10, s19;
	v8 =	vmul.f32 $1.000000000e+01, v8  }
0x36f: {  	[tilespmem:s28+$0xFFFFFE70] =	vst v9;
	v9 =	vmax.f32 v15, v9  }
0x370: {  	s29 =	simm.s32 $0x0;
	[tilespmem:s28+$0x0] =	vst v8;
	v8 =	vmax.f32 v14, v8;
	v11 =	vsub.f32 v6, v9  }
0x371: {  	v15 =	vsub.f32 v5, v8;
	v59 =	vld [tilespmem:s29+$0x17210]  }
0x372: {  	v60 =	vld [tilespmem:s29+$0x17080];
	v11 =	vmul.f32 $1.442695020e+00, v11  }
0x373: {  	s30 =	simm.s32 $0x10;
	v10 =	vld [tilespmem:s20+$0x14880];
	v15 =	vmul.f32 $1.442695020e+00, v15  }
0x374: {  	(erf) = vpow2.f32 v11;
	v11 =	vld [tilespmem:s30+$0x17210]  }
0x375: {  	(erf) = vpow2.f32 v15;
	v15 =	vld [tilespmem:s30+$0x17080]  }
0x376: {  	v19 =	vsub.f32 v59, v8  }
0x377: {  	v17 =	vmul.f32 v17, v7;
	v14 =	vld [tilespmem:s20+$0x14A00];
	v61 =	vsub.f32 v60, v9  }
0x378: {  	v7 =	vmul.f32 v18, v7;
	v19 =	vmul.f32 $1.442695020e+00, v19  }
0x379: {  	v12 =	vadd.f32 v17, v12;
	v62 =	vmul.f32 $1.442695020e+00, v61;
	v11 =	vsub.f32 v11, v8  }
0x37a: {  	v10 =	vmul.f32 v10, v16;
	(erf) = vpow2.f32 v19;
	v15 =	vsub.f32 v15, v9  }
0x37b: {  	(erf) = vpow2.f32 v62;
	v63 =	vmul.f32 $1.442695020e+00, v11  }
0x37c: {  	s31 =	simm.s32 $0x20;
	v7 =	vadd.f32 v7, v13;
	v14 =	vmul.f32 v14, v16;
	v15 =	vmul.f32 $1.442695020e+00, v15  }
0x37d: {  	v13 =	vld [tilespmem:s31+$0x17210];
	v11 =	vpop (erf);
	(erf) = vpow2.f32 v63  }
0x37e: {  	v10 =	vadd.f32 v10, v12;
	v7 =	vadd.f32 v14, v7;
	v14 =	vld [tilespmem:s31+$0x17080];
	v12 =	vpop (erf);
	(erf) = vpow2.f32 v15;
	_ =	sdelay $0x2  }
0x37f: {  	s18 =	simm.s32 $0xC0  }
.LBB2_54:
0x380: {  	s19 =	sshra.s32 s18, $0x2;
	p0 =	sne.s32 s18, $0x600;
	s18 =	sadd.s32 $0x40, s18;
	v15 =	vsub.f32 v13, v8  }
.Ltmp26:
0x381: {  	v13 =	vld [tilespmem:s19+$0x17210];
	v16 =	vsub.f32 v14, v9;
	v17 =	vpop (erf);
	(pc) =	sbr.rel @p0 .LBB2_54-.Ltmp26, $4  }
0x382: {  	v14 =	vld [tilespmem:s19+$0x17080];
	v15 =	vmul.f32 $1.442695020e+00, v15;
	v12 =	vadd.f32 v17, v12;
	v17 =	vpop (erf)  }
0x383: {  	v16 =	vmul.f32 $1.442695020e+00, v16;
	v11 =	vadd.f32 v17, v11  }
0x384: {  	(erf) = vpow2.f32 v15  }
0x385: {  	(erf) = vpow2.f32 v16  }
0x386: {  	v13 =	vsub.f32 v13, v8  }
0x387: {  	v14 =	vsub.f32 v14, v9  }
0x388: {  	v13 =	vmul.f32 $1.442695020e+00, v13  }
0x389: {  	v14 =	vmul.f32 $1.442695020e+00, v14  }
0x38a: {  	(erf) = vpow2.f32 v13  }
0x38b: {  	(erf) = vpow2.f32 v14;
	_ =	sdelay $0x3  }
0x38c: {  	v49 =	vpop (erf)  }
0x38d: {  	v50 =	vpop (erf);
	v12 =	vadd.f32 v49, v12  }
0x38e: {  	v11 =	vadd.f32 v50, v11;
	v51 =	vpop (erf)  }
0x38f: {  	v52 =	vpop (erf);
	v12 =	vadd.f32 v51, v12  }
0x390: {  	v11 =	vadd.f32 v52, v11;
	v53 =	vpop (erf)  }
0x391: {  	v54 =	vpop (erf);
	v12 =	vadd.f32 v53, v12  }
0x392: {  	v11 =	vadd.f32 v54, v11  }
0x393: {  	v56 =	vand.u32 $0x7FFFFF, v12  }
0x394: {  	v55 =	vand.u32 $0x7FFFFF, v11;
	v14 =	vor.u32 $0x3F800000, v56  }
0x395: {  	v13 =	vor.u32 $0x3F800000, v55;
	v16 =	vmul.f32 $1.720806020e-02, v14  }
0x396: {  	v15 =	vmul.f32 $1.720806020e-02, v13  }
0x397: {  	v16 =	vsub.f32 $1.849751770e-01, v16  }
0x398: {  	v15 =	vsub.f32 $1.849751770e-01, v15  }
0x399: {  	v16 =	vmul.f32 v14, v16  }
0x39a: {  	v15 =	vmul.f32 v13, v15  }
0x39b: {  	v16 =	vadd.f32 $-8.555376530e-01, v16  }
0x39c: {  	v15 =	vadd.f32 $-8.555376530e-01, v15  }
0x39d: {  	v16 =	vmul.f32 v14, v16  }
0x39e: {  	v15 =	vmul.f32 v13, v15  }
0x39f: {  	v16 =	vadd.f32 $2.231150630e+00, v16  }
0x3a0: {  	v15 =	vadd.f32 $2.231150630e+00, v15  }
0x3a1: {  	v16 =	vmul.f32 v14, v16  }
0x3a2: {  	v15 =	vmul.f32 v13, v15  }
0x3a3: {  	v16 =	vadd.f32 $-3.648834470e+00, v16  }
0x3a4: {  	v15 =	vadd.f32 $-3.648834470e+00, v15  }
0x3a5: {  	v16 =	vmul.f32 v14, v16  }
0x3a6: {  	v57 =	vld [tilespmem:$0x14500];
	v15 =	vmul.f32 v13, v15  }
0x3a7: {  	v12 =	vshra.s32 v12, $0x17;
	v16 =	vadd.f32 $4.204533100e+00, v16  }
0x3a8: {  	v11 =	vshra.s32 v11, $0x17;
	v12 =	vadd.s32 $0xFFFFFF81, v12;
	v15 =	vadd.f32 $4.204533100e+00, v15  }
0x3a9: {  	v11 =	vadd.s32 $0xFFFFFF81, v11;
	v12 =	vcvt.s32.f32 v12;
	v14 =	vmul.f32 v14, v16  }
0x3aa: {  	v11 =	vcvt.s32.f32 v11;
	v13 =	vmul.f32 v13, v15  }
0x3ab: {  	vm4 =	veq.s32 v57, $0x0;
	v12 =	vmul.f32 $6.931471820e-01, v12;
	v58 =	vadd.f32 $-2.099074840e+00, v14  }
0x3ac: {  	vm5 =	veq.s32 v57, $0xFF;
	v11 =	vmul.f32 $6.931471820e-01, v11;
	v13 =	vadd.f32 $-2.099074840e+00, v13  }
0x3ad: {  	vm4 =	vmor vm4, vm5;
	v60 =	vadd.f32 v58, v12  }
0x3ae: {  	v10 =	vsub.f32 v10, v4;
	v61 =	vsel vm4, $0x0, v0;
	v11 =	vadd.f32 v13, v11  }
0x3af: {  	v7 =	vsub.f32 v7, v3;
	v62 =	vmul.f32 v61, v4;
	v63 =	vadd.f32 v60, v8  }
0x3b0: {  	vm4 =	vge.f32 v10, $1.000000000e+00;
	v3 =	vmul.f32 v61, v3;
	v59 =	vadd.f32 v11, v9  }
0x3b1: {  	v4 =	vnsel vm4, $0x0, v62;
	vm4 =	vge.f32 v7, $1.000000000e+00;
	v5 =	vsub.f32 v63, v5  }
0x3b2: {  	v3 =	vnsel vm4, $0x0, v3;
	v6 =	vsub.f32 v59, v6  }
0x3b3: {  	[tilespmem:$0x17410] =	vst v4;
	v5 =	vmul.f32 v3, v5  }
0x3b4: {  	s17 =	sadd.s32 $0x1, s17;
	[tilespmem:$0x17430] =	vst v3;
	v6 =	vmul.f32 v4, v6  }
0x3b5: {  	p0 =	sne.s32 s17, s11;
	[tilespmem:$0x17420] =	vst v5  }
.Ltmp27:
0x3b6: {  	[tilespmem:$0x17400] =	vst v6;
	(pc) =	sbr.rel @p0 .LBB2_1-.Ltmp27, $4  }
0x3b7: {  	[hbm4b:s10+s2] =	stream.linear.scatter [tilespmem:s16], [sflag:$0x1], $0x80, $0x38;
	[tilespmem:$0x17480] =	vst v63  }
0x3b8: {  	_ =	swait.ge [sflag:s12], $0x80  }
0x3b9: {  	[sflag:s12] =	ssyncset.done $0x0  }
0x3ba: {  	[sflag:s12] =	ssyncadd.s32 $0xFFFFFF80  }
0x3bb: {  	_ =	sfence.sel $0x180000  }
0x3bc: {  	[bflag:$0x0] =	sbarrier.arrive $0xFFFF  }
0x3bd: {  	p0 =	sne.s32 s0, $0x0;
	_ =	strace $0x90000047  }
0x3be: {  	s0 =	sadd.s32 @!p0 $0x100000, s1;
	[bflag:$0x2] =	sbarrier.arrive $0xFFFF  }
0x3bf: {  	[sflag:s0] =	ssyncadd.tile.s32 @!p0 $0x1;
	_ =	shalt  }
.Lfunc_end2:
_tile_overlayer_lowered:
.L_overlay_start_2:
0x3c0: {  	(tag) =	ssettag $0x2  }
0x3c1: {  	s0 =	rddreg [dreg:$0x0];
	s2 =	stileid.u32  }
0x3c2: {  	s1 =	rddreg [dreg:$0x1];
	p0 =	sne.s32 s2, $0x0  }
0x3c3: {  	s3 =	rddreg [dreg:$0x2];
	[bflag:$0x3] =	sbarrier.arrive $0xFFFF;
	s2 =	simm.s32 @!p0 $0x1C01  }
0x3c4: {  	[timem:s3], [sflag:s2] =	dma.local @!p0 [hbm:s0], s1  }
0x3c5: {  	s0 =	simm.s32 @!p0 $0x1  }
0x3c6: {  	_ =	swait.ge @!p0 [sflag:s0], s1  }
0x3c7: {  	s1 =	ssub.s32 @!p0 $0x0, s1;
	[sflag:s0] =	ssyncset.done @!p0 $0x0  }
0x3c8: {  	[sflag:s0] =	ssyncadd.s32 @!p0 s1  }
0x3c9: {  	[bflag:$0x3] =	sbarrier.arrive $0xFFFF  }
0x3ca: {  	_ =	shalt  }

</sc_bundles>
